<compile_context>
chip_gen: v7x
topology: tpu7x:2x2x1
jax: 0.10.2.dev20260603
libtpu: 0.0.44.dev20260713+nightly
codegen_flags: <defaults>
</compile_context>

<pallas_src>
import jax
import jax.numpy as jnp
from jax import lax
from jax.experimental import pallas as pl
from jax.experimental.pallas import tpu as pltpu
from jax.experimental.pallas import tpu_sc as plsc

_T = 2048
_D = 768
_F = 1536
_E = 64
_K = 2
_CAP = 80
_S = _E * _CAP
_TBL = _S + 16
_NC, _NS = 2, 16
_NW = _NC * _NS
_TPT = _T // _NW


def _router_body(x_ref, gw_ref, idx_pair_ref, comb_pair_ref, w_pair_ref):
    x = x_ref[...]
    gw = gw_ref[...]
    logits = lax.dot_general(x, gw, (((1,), (1,)), ((), ())),
                             preferred_element_type=jnp.float32)
    m = jnp.max(logits, axis=1, keepdims=True)
    ex = jnp.exp(logits - m)
    p = ex / jnp.sum(ex, axis=1, keepdims=True)
    lane = lax.broadcasted_iota(jnp.int32, (_T, _E), 1)
    m1 = jnp.max(p, axis=1, keepdims=True)
    i1 = jnp.min(jnp.where(p == m1, lane, _E), axis=1, keepdims=True)
    p2 = jnp.where(lane == i1, -1.0, p)
    m2 = jnp.max(p2, axis=1, keepdims=True)
    i2 = jnp.min(jnp.where(p2 == m2, lane, _E), axis=1, keepdims=True)
    oh1 = (lane == i1).astype(jnp.float32)
    oh2 = (lane == i2).astype(jnp.float32)
    oh = oh1 + oh2
    tri = (lax.broadcasted_iota(jnp.int32, (128, 128), 0)
           >= lax.broadcasted_iota(jnp.int32, (128, 128), 1)).astype(jnp.float32)
    run = jnp.zeros((1, _E), jnp.float32)
    parts = []
    for b in range(_T // 128):
        blk = oh[b * 128:(b + 1) * 128, :]
        w_ = jnp.dot(tri, blk, preferred_element_type=jnp.float32)
        parts.append(w_ + run)
        run = run + w_[127:128, :]
    s_all = jnp.concatenate(parts, axis=0)
    pos1 = jnp.sum(oh1 * s_all, axis=1, keepdims=True).astype(jnp.int32) - 1
    pos2 = jnp.sum(oh2 * s_all, axis=1, keepdims=True).astype(jnp.int32) - 1
    v1 = pos1 < _CAP
    v2 = pos2 < _CAP
    slot1 = i1 * _CAP + pos1
    slot2 = i2 * _CAP + pos2
    ti = lax.broadcasted_iota(jnp.int32, (_T, 1), 0)
    d1 = jnp.where(v1, slot1, _S + ((_K * ti) & 15))
    d2 = jnp.where(v2, slot2, _S + ((_K * ti + 1) & 15))
    wsum = m1 + m2
    wn1 = jnp.where(v1, m1 / wsum, 0.0)
    wn2 = jnp.where(v2, m2 / wsum, 0.0)
    idx_pair_ref[...] = jnp.concatenate([d1, d2], axis=1)
    comb_pair_ref[...] = jnp.concatenate([jnp.where(v1, slot1, 0),
                                          jnp.where(v2, slot2, 0)], axis=1)
    w_pair_ref[...] = jnp.concatenate([wn1, wn2], axis=1)


def _make_router(interpret=False):
    return pl.pallas_call(
        _router_body,
        out_shape=(
            jax.ShapeDtypeStruct((_T, _K), jnp.int32),
            jax.ShapeDtypeStruct((_T, _K), jnp.int32),
            jax.ShapeDtypeStruct((_T, _K), jnp.float32),
        ),
        interpret=interpret,
    )


def _expert_body(disp_ref, wg_ref, wu_ref, wo_ref, out_ref):
    d = disp_ref[...]
    a = jnp.where(jnp.abs(d) < 1e30, d, 0.0).astype(jnp.bfloat16)
    g = lax.dot_general(a, wg_ref[0].astype(jnp.bfloat16),
                        (((1,), (1,)), ((), ())),
                        preferred_element_type=jnp.float32)
    u = lax.dot_general(a, wu_ref[0].astype(jnp.bfloat16),
                        (((1,), (1,)), ((), ())),
                        preferred_element_type=jnp.float32)
    h = (g * jax.nn.sigmoid(g)) * u
    o = lax.dot_general(h.astype(jnp.bfloat16), wo_ref[0].astype(jnp.bfloat16),
                        (((1,), (1,)), ((), ())),
                        preferred_element_type=jnp.float32)
    out_ref[0] = o


def _make_gemm(interpret=False):
    return pl.pallas_call(
        _expert_body,
        grid=(_E,),
        in_specs=[
            pl.BlockSpec((_CAP, _D), lambda e: (e, 0)),
            pl.BlockSpec((1, _F, _D), lambda e: (e, 0, 0)),
            pl.BlockSpec((1, _F, _D), lambda e: (e, 0, 0)),
            pl.BlockSpec((1, _D, _F), lambda e: (e, 0, 0)),
        ],
        out_specs=pl.BlockSpec((1, _CAP, _D), lambda e: (e, 0, 0)),
        out_shape=jax.ShapeDtypeStruct((_E, _CAP, _D), jnp.float32),
        interpret=interpret,
    )


def _dispatch_body(pair_hbm, x_hbm, out_hbm, pair, i0, i1, rows, sem0, sem1):
    c = lax.axis_index("c")
    s = lax.axis_index("s")
    wid = c * _NS + s
    base = wid * _TPT
    pltpu.sync_copy(pair_hbm.at[pl.ds(base, _TPT)], pair)
    zero = jnp.zeros((16,), jnp.int32)
    for k in range(_TPT // 16):
        rows16 = lax.iota(jnp.int32, 16) + 16 * k
        i0[pl.ds(16 * k, 16)] = plsc.load_gather(pair, [rows16, zero])
        i1[pl.ds(16 * k, 16)] = plsc.load_gather(pair, [rows16, zero + 1])
    pltpu.sync_copy(x_hbm.at[pl.ds(base, _TPT)], rows)
    cp0 = pltpu.async_copy(rows, out_hbm.at[i0], sem0)
    cp1 = pltpu.async_copy(rows, out_hbm.at[i1], sem1)
    cp0.wait()
    cp1.wait()


def _make_dispatch(interpret=False):
    mesh = plsc.VectorSubcoreMesh(core_axis_name="c", subcore_axis_name="s",
                                  num_cores=_NC, num_subcores=_NS)
    return pl.kernel(
        _dispatch_body,
        out_type=jax.ShapeDtypeStruct((_TBL, _D), jnp.float32),
        mesh=mesh,
        scratch_types=[
            pltpu.VMEM((_TPT, _K), jnp.int32),
            pltpu.VMEM((_TPT,), jnp.int32),
            pltpu.VMEM((_TPT,), jnp.int32),
            pltpu.VMEM((_TPT, _D), jnp.float32),
            pltpu.SemaphoreType.DMA,
            pltpu.SemaphoreType.DMA,
        ],
        compiler_params=pltpu.CompilerParams(needs_layout_passes=False),
        interpret=interpret,
    )


_HT = _TPT // 2


def _combine_body(cpair_hbm, wpair_hbm, eo_hbm, y_hbm,
                  cpair, wpair, i0a, i1a, i0b, i1b, wv0, wv1,
                  r0a, r1a, r0b, r1b, sa0, sa1, sb0, sb1, sy):
    c = lax.axis_index("c")
    s = lax.axis_index("s")
    wid = c * _NS + s
    base = wid * _TPT
    pltpu.sync_copy(cpair_hbm.at[pl.ds(base, _TPT)], cpair)
    pltpu.sync_copy(wpair_hbm.at[pl.ds(base, _TPT)], wpair)
    zero = jnp.zeros((16,), jnp.int32)
    for k in range(_TPT // 16):
        rows16 = lax.iota(jnp.int32, 16) + 16 * k
        sl = pl.ds((16 * k) % _HT, 16)
        di0, di1 = (i0a, i1a) if k < _HT // 16 else (i0b, i1b)
        di0[sl] = plsc.load_gather(cpair, [rows16, zero])
        di1[sl] = plsc.load_gather(cpair, [rows16, zero + 1])
        wv0[pl.ds(16 * k, 16)] = plsc.load_gather(wpair, [rows16, zero])
        wv1[pl.ds(16 * k, 16)] = plsc.load_gather(wpair, [rows16, zero + 1])
    ca0 = pltpu.async_copy(eo_hbm.at[i0a], r0a, sa0)
    ca1 = pltpu.async_copy(eo_hbm.at[i1a], r1a, sa1)
    cb0 = pltpu.async_copy(eo_hbm.at[i0b], r0b, sb0)
    cb1 = pltpu.async_copy(eo_hbm.at[i1b], r1b, sb1)
    ca0.wait()
    ca1.wait()

    @plsc.parallel_loop(0, _HT, 1, unroll=2)
    def _tok_a(t):
        w0s = plsc.load_gather(wv0, [jnp.full((16,), t, jnp.int32)])
        w1s = plsc.load_gather(wv1, [jnp.full((16,), t, jnp.int32)])
        for cc in range(_D // 16):
            sl = pl.ds(cc * 16, 16)
            r0a[t, sl] = r0a[t, sl] * w0s + r1a[t, sl] * w1s
    cya = pltpu.async_copy(r0a, y_hbm.at[pl.ds(base, _HT)], sy)
    cb0.wait()
    cb1.wait()

    @plsc.parallel_loop(0, _HT, 1, unroll=2)
    def _tok_b(t):
        w0s = plsc.load_gather(wv0, [jnp.full((16,), t + _HT, jnp.int32)])
        w1s = plsc.load_gather(wv1, [jnp.full((16,), t + _HT, jnp.int32)])
        for cc in range(_D // 16):
            sl = pl.ds(cc * 16, 16)
            r0b[t, sl] = r0b[t, sl] * w0s + r1b[t, sl] * w1s
    pltpu.sync_copy(r0b, y_hbm.at[pl.ds(base + _HT, _HT)])
    cya.wait()


def _make_combine(interpret=False):
    mesh = plsc.VectorSubcoreMesh(core_axis_name="c", subcore_axis_name="s",
                                  num_cores=_NC, num_subcores=_NS)
    return pl.kernel(
        _combine_body,
        out_type=jax.ShapeDtypeStruct((_T, _D), jnp.float32),
        mesh=mesh,
        scratch_types=[
            pltpu.VMEM((_TPT, _K), jnp.int32),
            pltpu.VMEM((_TPT, _K), jnp.float32),
            pltpu.VMEM((_HT,), jnp.int32),
            pltpu.VMEM((_HT,), jnp.int32),
            pltpu.VMEM((_HT,), jnp.int32),
            pltpu.VMEM((_HT,), jnp.int32),
            pltpu.VMEM((_TPT,), jnp.float32),
            pltpu.VMEM((_TPT,), jnp.float32),
            pltpu.VMEM((_HT, _D), jnp.float32),
            pltpu.VMEM((_HT, _D), jnp.float32),
            pltpu.VMEM((_HT, _D), jnp.float32),
            pltpu.VMEM((_HT, _D), jnp.float32),
            pltpu.SemaphoreType.DMA,
            pltpu.SemaphoreType.DMA,
            pltpu.SemaphoreType.DMA,
            pltpu.SemaphoreType.DMA,
            pltpu.SemaphoreType.DMA,
        ],
        compiler_params=pltpu.CompilerParams(needs_layout_passes=False),
        interpret=interpret,
    )


def kernel(x, gate_w, wi_gate, wi_up, wo):
    idx_pair, comb_pair, w_pair = _make_router()(x, gate_w)
    dispatched = _make_dispatch()(idx_pair, x)
    eo = _make_gemm()(dispatched, wi_gate, wi_up, wo)
    y = _make_combine()(comb_pair, w_pair, eo.reshape(_S, _D))
    return y

# --- scband reference (transcript-rebuilt; emitter-appended) ---
"""Pipeline reference for scband-mo-e-13572096655871 (READ-ONLY COPY).

The authoritative reference and input builder live on the scoring server;
editing this copy changes nothing except your own understanding.
"""

import jax, jax.numpy as jnp
import numpy as np

E = 64
TOPK = 2
CAP_FACTOR = 1.25


def setup_inputs(seed: int = 0) -> dict:
    key = jax.random.key(seed)
    ks = jax.random.split(key, 5)
    T, D, F = 2048, 768, 1536
    x = jax.random.normal(ks[0], (T, D), dtype=jnp.float32)
    gate_w = jax.random.normal(ks[1], (E, D), dtype=jnp.float32) * 0.02
    wi_gate = jax.random.normal(ks[2], (E, F, D), dtype=jnp.float32) * 0.02
    wi_up = jax.random.normal(ks[3], (E, F, D), dtype=jnp.float32) * 0.02
    wo = jax.random.normal(ks[4], (E, D, F), dtype=jnp.float32) * 0.02
    return {"x": x, "gate_w": gate_w, "wi_gate": wi_gate, "wi_up": wi_up, "wo": wo}


def reference(x, gate_w, wi_gate, wi_up, wo):
    T, D = x.shape
    num_experts = gate_w.shape[0]
    k = TOPK
    cap = max(int(T * k / num_experts * CAP_FACTOR), 1)
    # Router
    logits = x @ gate_w.T
    probs = jax.nn.softmax(logits, axis=-1)
    top_w, top_ids = jax.lax.top_k(probs, k)
    top_w = top_w / jnp.sum(top_w, axis=-1, keepdims=True)
    flat_ids = top_ids.reshape(-1)                  # [T*k] int
    flat_w = top_w.reshape(-1)                      # [T*k]
    flat_x = jnp.repeat(x, k, axis=0)               # [T*k, D]
    # Position-in-expert (atomic-add counter emulation, deterministic order)
    one_hot = (flat_ids[:, None] == jnp.arange(num_experts)[None, :]).astype(jnp.int32)
    pos_all = jnp.cumsum(one_hot, axis=0) - 1
    pos = jnp.take_along_axis(pos_all, flat_ids[:, None], axis=1)[:, 0]
    valid = pos < cap
    safe_pos = jnp.where(valid, pos, 0)
    mask = valid.astype(x.dtype)
    # Dispatch (scatter into [E, cap, D] buffer, dropping overflow tokens)
    dispatched = jnp.zeros((num_experts, cap, D), x.dtype).at[flat_ids, safe_pos].add(flat_x * mask[:, None])
    # GeGLU experts via grouped (batched) GEMM
    gate = jax.nn.silu(jnp.einsum('ecd,efd->ecf', dispatched, wi_gate))
    up = jnp.einsum('ecd,efd->ecf', dispatched, wi_up)
    hidden = gate * up
    expert_out = jnp.einsum('ecf,edf->ecd', hidden, wo)
    # Combine: gather per-slot outputs, weight, scatter-add back to tokens
    gathered = expert_out[flat_ids, safe_pos] * (flat_w * mask)[:, None]
    tok_ids = jnp.arange(T * k) // k
    y = jnp.zeros((T, D), x.dtype).at[tok_ids].add(gathered)
    return y

if __name__ == "__main__":
    import jax
    _d = setup_inputs()
    print(jax.jit(kernel)(*tuple(_d.values())))

</pallas_src>

<mosaic_0001>
#map = affine_map<(d0, d1) -> (0, 0)>
module attributes {stable_mosaic.version = 14 : i64} {
  func.func @_dispatch_body(%arg0: i32, %arg1: i32, %arg2: memref<2048x2xi32, #tpu.memory_space<hbm>>, %arg3: memref<2048x768xf32, #tpu.memory_space<hbm>>, %arg4: memref<5136x768xf32, #tpu.memory_space<hbm>>, %arg5: memref<64x2xi32, #tpu.memory_space<vmem>>, %arg6: memref<64xi32, #tpu.memory_space<vmem>>, %arg7: memref<64xi32, #tpu.memory_space<vmem>>, %arg8: memref<64x768xf32, #tpu.memory_space<vmem>>, %arg9: memref<!tpu.dma_semaphore, #tpu.memory_space<semaphore_mem>>, %arg10: memref<!tpu.dma_semaphore, #tpu.memory_space<semaphore_mem>>) attributes {dimension_semantics = [#tpu.dimension_semantics<core_parallel>, #tpu.dimension_semantics<subcore_parallel>], iteration_bounds = array<i64: 2, 16>, scalar_prefetch = 0 : i64, scratch_operands = 6 : i64, tpu.core_type = #tpu.core_type<sc_vector_subcore>, window_params = [{transform_indices = #map}, {transform_indices = #map}, {transform_indices = #map}]} {
    %mul3A = arith.constant 16 : i32
    %mul3A_0 = arith.muli %arg0, %mul3A : i32
    %add3A = arith.addi %mul3A_0, %arg1 : i32
    %mul3A_1 = arith.constant 64 : i32
    %mul3A_2 = arith.muli %add3A, %mul3A_1 : i32
    "tpu.region"() ({
      %run_scoped3A = tpu.sem_alloc : memref<!tpu.dma_semaphore, #tpu.memory_space<semaphore_mem>>
      %dma_start3A_63 = arith.constant 0 : i32
      %dma_start3A_64 = tpu.memref_slice %arg2[%mul3A_2, %dma_start3A_63] : memref<2048x2xi32, #tpu.memory_space<hbm>> -> memref<64x2xi32, #tpu.memory_space<hbm>>
      %dma_start3A_65 = arith.constant 0 : i32
      %dma_start3A_66 = tpu.memref_slice %arg2[%mul3A_2, %dma_start3A_65] : memref<2048x2xi32, #tpu.memory_space<hbm>> -> memref<64x2xi32, #tpu.memory_space<hbm>>
      tpu.enqueue_dma source(%dma_start3A_66 : memref<64x2xi32, #tpu.memory_space<hbm>>) target(%arg5 : memref<64x2xi32, #tpu.memory_space<vmem>>) target_semaphore(%run_scoped3A : memref<!tpu.dma_semaphore, #tpu.memory_space<semaphore_mem>>)
      %dma_wait3A_67 = arith.constant 0 : i32
      %dma_wait3A_68 = tpu.memref_slice %arg2[%mul3A_2, %dma_wait3A_67] : memref<2048x2xi32, #tpu.memory_space<hbm>> -> memref<64x2xi32, #tpu.memory_space<hbm>>
      %dma_wait3A_69 = arith.constant 0 : i32
      %dma_wait3A_70 = tpu.memref_slice %arg2[%mul3A_2, %dma_wait3A_69] : memref<2048x2xi32, #tpu.memory_space<hbm>> -> memref<64x2xi32, #tpu.memory_space<hbm>>
      tpu.wait_dma2 semaphore(%run_scoped3A : memref<!tpu.dma_semaphore, #tpu.memory_space<semaphore_mem>>) src(%dma_wait3A_70 : memref<64x2xi32, #tpu.memory_space<hbm>>) dst(%arg5 : memref<64x2xi32, #tpu.memory_space<vmem>>)
      tpu.yield
    }) : () -> ()
    %broadcast_in_dim3A = arith.constant 0 : i32
    %broadcast_in_dim3A_3 = vector.broadcast %broadcast_in_dim3A : i32 to vector<16xi32>
    %iota3A = tpu.iota {dimensions = array<i32: 0>} : vector<16xi32>
    %add3A_4 = arith.constant 0 : i32
    %add3A_5 = vector.broadcast %add3A_4 : i32 to vector<16xi32>
    %add3A_6 = arith.addi %iota3A, %add3A_5 : vector<16xi32>
    %gather3A = tpu.vector_load_idx %arg5[%add3A_6, %broadcast_in_dim3A_3] : memref<64x2xi32, #tpu.memory_space<vmem>>[vector<16xi32>, vector<16xi32>], vector<16xi32>,
    %swap3A = arith.constant 0 : index
    %swap3A_7 = tpu.vector_load %arg6[%swap3A] {strides = array<i32>} : memref<64xi32, #tpu.memory_space<vmem>>, vector<16xi32>,
    tpu.vector_store %arg6[%swap3A], %gather3A {strides = array<i32>} : memref<64xi32, #tpu.memory_space<vmem>>, vector<16xi32>,
    %add3A_8 = arith.constant 1 : i32
    %add3A_9 = vector.broadcast %add3A_8 : i32 to vector<16xi32>
    %add3A_10 = arith.addi %broadcast_in_dim3A_3, %add3A_9 : vector<16xi32>
    %gather3A_11 = tpu.vector_load_idx %arg5[%add3A_6, %add3A_10] : memref<64x2xi32, #tpu.memory_space<vmem>>[vector<16xi32>, vector<16xi32>], vector<16xi32>,
    %swap3A_12 = arith.constant 0 : index
    %swap3A_13 = tpu.vector_load %arg7[%swap3A_12] {strides = array<i32>} : memref<64xi32, #tpu.memory_space<vmem>>, vector<16xi32>,
    tpu.vector_store %arg7[%swap3A_12], %gather3A_11 {strides = array<i32>} : memref<64xi32, #tpu.memory_space<vmem>>, vector<16xi32>,
    %iota3A_14 = tpu.iota {dimensions = array<i32: 0>} : vector<16xi32>
    %add3A_15 = arith.constant 16 : i32
    %add3A_16 = vector.broadcast %add3A_15 : i32 to vector<16xi32>
    %add3A_17 = arith.addi %iota3A_14, %add3A_16 : vector<16xi32>
    %gather3A_18 = tpu.vector_load_idx %arg5[%add3A_17, %broadcast_in_dim3A_3] : memref<64x2xi32, #tpu.memory_space<vmem>>[vector<16xi32>, vector<16xi32>], vector<16xi32>,
    %swap3A_19 = arith.constant 16 : index
    %swap3A_20 = tpu.vector_load %arg6[%swap3A_19] {strides = array<i32>} : memref<64xi32, #tpu.memory_space<vmem>>, vector<16xi32>,
    tpu.vector_store %arg6[%swap3A_19], %gather3A_18 {strides = array<i32>} : memref<64xi32, #tpu.memory_space<vmem>>, vector<16xi32>,
    %add3A_21 = arith.constant 1 : i32
    %add3A_22 = vector.broadcast %add3A_21 : i32 to vector<16xi32>
    %add3A_23 = arith.addi %broadcast_in_dim3A_3, %add3A_22 : vector<16xi32>
    %gather3A_24 = tpu.vector_load_idx %arg5[%add3A_17, %add3A_23] : memref<64x2xi32, #tpu.memory_space<vmem>>[vector<16xi32>, vector<16xi32>], vector<16xi32>,
    %swap3A_25 = arith.constant 16 : index
    %swap3A_26 = tpu.vector_load %arg7[%swap3A_25] {strides = array<i32>} : memref<64xi32, #tpu.memory_space<vmem>>, vector<16xi32>,
    tpu.vector_store %arg7[%swap3A_25], %gather3A_24 {strides = array<i32>} : memref<64xi32, #tpu.memory_space<vmem>>, vector<16xi32>,
    %iota3A_27 = tpu.iota {dimensions = array<i32: 0>} : vector<16xi32>
    %add3A_28 = arith.constant 32 : i32
    %add3A_29 = vector.broadcast %add3A_28 : i32 to vector<16xi32>
    %add3A_30 = arith.addi %iota3A_27, %add3A_29 : vector<16xi32>
    %gather3A_31 = tpu.vector_load_idx %arg5[%add3A_30, %broadcast_in_dim3A_3] : memref<64x2xi32, #tpu.memory_space<vmem>>[vector<16xi32>, vector<16xi32>], vector<16xi32>,
    %swap3A_32 = arith.constant 32 : index
    %swap3A_33 = tpu.vector_load %arg6[%swap3A_32] {strides = array<i32>} : memref<64xi32, #tpu.memory_space<vmem>>, vector<16xi32>,
    tpu.vector_store %arg6[%swap3A_32], %gather3A_31 {strides = array<i32>} : memref<64xi32, #tpu.memory_space<vmem>>, vector<16xi32>,
    %add3A_34 = arith.constant 1 : i32
    %add3A_35 = vector.broadcast %add3A_34 : i32 to vector<16xi32>
    %add3A_36 = arith.addi %broadcast_in_dim3A_3, %add3A_35 : vector<16xi32>
    %gather3A_37 = tpu.vector_load_idx %arg5[%add3A_30, %add3A_36] : memref<64x2xi32, #tpu.memory_space<vmem>>[vector<16xi32>, vector<16xi32>], vector<16xi32>,
    %swap3A_38 = arith.constant 32 : index
    %swap3A_39 = tpu.vector_load %arg7[%swap3A_38] {strides = array<i32>} : memref<64xi32, #tpu.memory_space<vmem>>, vector<16xi32>,
    tpu.vector_store %arg7[%swap3A_38], %gather3A_37 {strides = array<i32>} : memref<64xi32, #tpu.memory_space<vmem>>, vector<16xi32>,
    %iota3A_40 = tpu.iota {dimensions = array<i32: 0>} : vector<16xi32>
    %add3A_41 = arith.constant 48 : i32
    %add3A_42 = vector.broadcast %add3A_41 : i32 to vector<16xi32>
    %add3A_43 = arith.addi %iota3A_40, %add3A_42 : vector<16xi32>
    %gather3A_44 = tpu.vector_load_idx %arg5[%add3A_43, %broadcast_in_dim3A_3] : memref<64x2xi32, #tpu.memory_space<vmem>>[vector<16xi32>, vector<16xi32>], vector<16xi32>,
    %swap3A_45 = arith.constant 48 : index
    %swap3A_46 = tpu.vector_load %arg6[%swap3A_45] {strides = array<i32>} : memref<64xi32, #tpu.memory_space<vmem>>, vector<16xi32>,
    tpu.vector_store %arg6[%swap3A_45], %gather3A_44 {strides = array<i32>} : memref<64xi32, #tpu.memory_space<vmem>>, vector<16xi32>,
    %add3A_47 = arith.constant 1 : i32
    %add3A_48 = vector.broadcast %add3A_47 : i32 to vector<16xi32>
    %add3A_49 = arith.addi %broadcast_in_dim3A_3, %add3A_48 : vector<16xi32>
    %gather3A_50 = tpu.vector_load_idx %arg5[%add3A_43, %add3A_49] : memref<64x2xi32, #tpu.memory_space<vmem>>[vector<16xi32>, vector<16xi32>], vector<16xi32>,
    %swap3A_51 = arith.constant 48 : index
    %swap3A_52 = tpu.vector_load %arg7[%swap3A_51] {strides = array<i32>} : memref<64xi32, #tpu.memory_space<vmem>>, vector<16xi32>,
    tpu.vector_store %arg7[%swap3A_51], %gather3A_50 {strides = array<i32>} : memref<64xi32, #tpu.memory_space<vmem>>, vector<16xi32>,
    "tpu.region"() ({
      %run_scoped3A = tpu.sem_alloc : memref<!tpu.dma_semaphore, #tpu.memory_space<semaphore_mem>>
      %dma_start3A_63 = arith.constant 0 : i32
      %dma_start3A_64 = tpu.memref_slice %arg3[%mul3A_2, %dma_start3A_63] : memref<2048x768xf32, #tpu.memory_space<hbm>> -> memref<64x768xf32, #tpu.memory_space<hbm>>
      %dma_start3A_65 = arith.constant 0 : i32
      %dma_start3A_66 = tpu.memref_slice %arg3[%mul3A_2, %dma_start3A_65] : memref<2048x768xf32, #tpu.memory_space<hbm>> -> memref<64x768xf32, #tpu.memory_space<hbm>>
      tpu.enqueue_dma source(%dma_start3A_66 : memref<64x768xf32, #tpu.memory_space<hbm>>) target(%arg8 : memref<64x768xf32, #tpu.memory_space<vmem>>) target_semaphore(%run_scoped3A : memref<!tpu.dma_semaphore, #tpu.memory_space<semaphore_mem>>)
      %dma_wait3A_67 = arith.constant 0 : i32
      %dma_wait3A_68 = tpu.memref_slice %arg3[%mul3A_2, %dma_wait3A_67] : memref<2048x768xf32, #tpu.memory_space<hbm>> -> memref<64x768xf32, #tpu.memory_space<hbm>>
      %dma_wait3A_69 = arith.constant 0 : i32
      %dma_wait3A_70 = tpu.memref_slice %arg3[%mul3A_2, %dma_wait3A_69] : memref<2048x768xf32, #tpu.memory_space<hbm>> -> memref<64x768xf32, #tpu.memory_space<hbm>>
      tpu.wait_dma2 semaphore(%run_scoped3A : memref<!tpu.dma_semaphore, #tpu.memory_space<semaphore_mem>>) src(%dma_wait3A_70 : memref<64x768xf32, #tpu.memory_space<hbm>>) dst(%arg8 : memref<64x768xf32, #tpu.memory_space<vmem>>)
      tpu.yield
    }) : () -> ()
    %dma_start3A = arith.constant 0 : i32
    %dma_start3A_53 = arith.constant 0 : i32
    %dma_start3A_54 = tpu.memref_slice %arg4[%dma_start3A, %dma_start3A_53] : memref<5136x768xf32, #tpu.memory_space<hbm>> -> memref<5136x768xf32, #tpu.memory_space<hbm>>
    tpu.enqueue_indirect_dma source(%arg8 : memref<64x768xf32, #tpu.memory_space<vmem>>) target(%dma_start3A_54 : memref<5136x768xf32, #tpu.memory_space<hbm>>) offsets(%arg6 : memref<64xi32, #tpu.memory_space<vmem>>) semaphore(%arg9 : memref<!tpu.dma_semaphore, #tpu.memory_space<semaphore_mem>>)
    %dma_start3A_55 = arith.constant 0 : i32
    %dma_start3A_56 = arith.constant 0 : i32
    %dma_start3A_57 = tpu.memref_slice %arg4[%dma_start3A_55, %dma_start3A_56] : memref<5136x768xf32, #tpu.memory_space<hbm>> -> memref<5136x768xf32, #tpu.memory_space<hbm>>
    tpu.enqueue_indirect_dma source(%arg8 : memref<64x768xf32, #tpu.memory_space<vmem>>) target(%dma_start3A_57 : memref<5136x768xf32, #tpu.memory_space<hbm>>) offsets(%arg7 : memref<64xi32, #tpu.memory_space<vmem>>) semaphore(%arg10 : memref<!tpu.dma_semaphore, #tpu.memory_space<semaphore_mem>>)
    %dma_wait3A = arith.constant 0 : i32
    %dma_wait3A_58 = arith.constant 0 : i32
    %dma_wait3A_59 = tpu.memref_slice %arg4[%dma_wait3A, %dma_wait3A_58] : memref<5136x768xf32, #tpu.memory_space<hbm>> -> memref<5136x768xf32, #tpu.memory_space<hbm>>
    tpu.wait_indirect_dma semaphore(%arg9 : memref<!tpu.dma_semaphore, #tpu.memory_space<semaphore_mem>>) src(%arg8 : memref<64x768xf32, #tpu.memory_space<vmem>>) dst(%dma_wait3A_59 : memref<5136x768xf32, #tpu.memory_space<hbm>>)
    %dma_wait3A_60 = arith.constant 0 : i32
    %dma_wait3A_61 = arith.constant 0 : i32
    %dma_wait3A_62 = tpu.memref_slice %arg4[%dma_wait3A_60, %dma_wait3A_61] : memref<5136x768xf32, #tpu.memory_space<hbm>> -> memref<5136x768xf32, #tpu.memory_space<hbm>>
    tpu.wait_indirect_dma semaphore(%arg10 : memref<!tpu.dma_semaphore, #tpu.memory_space<semaphore_mem>>) src(%arg8 : memref<64x768xf32, #tpu.memory_space<vmem>>) dst(%dma_wait3A_62 : memref<5136x768xf32, #tpu.memory_space<hbm>>)
    return
  }
}

#map = affine_map<(d0, d1) -> (0, 0)>
module attributes {stable_mosaic.version = 14 : i64} {
  func.func @_combine_body(%arg0: i32, %arg1: i32, %arg2: memref<2048x2xi32, #tpu.memory_space<hbm>>, %arg3: memref<2048x2xf32, #tpu.memory_space<hbm>>, %arg4: memref<5120x768xf32, #tpu.memory_space<hbm>>, %arg5: memref<2048x768xf32, #tpu.memory_space<hbm>>, %arg6: memref<64x2xi32, #tpu.memory_space<vmem>>, %arg7: memref<64x2xf32, #tpu.memory_space<vmem>>, %arg8: memref<32xi32, #tpu.memory_space<vmem>>, %arg9: memref<32xi32, #tpu.memory_space<vmem>>, %arg10: memref<32xi32, #tpu.memory_space<vmem>>, %arg11: memref<32xi32, #tpu.memory_space<vmem>>, %arg12: memref<64xf32, #tpu.memory_space<vmem>>, %arg13: memref<64xf32, #tpu.memory_space<vmem>>, %arg14: memref<32x768xf32, #tpu.memory_space<vmem>>, %arg15: memref<32x768xf32, #tpu.memory_space<vmem>>, %arg16: memref<32x768xf32, #tpu.memory_space<vmem>>, %arg17: memref<32x768xf32, #tpu.memory_space<vmem>>, %arg18: memref<!tpu.dma_semaphore, #tpu.memory_space<semaphore_mem>>, %arg19: memref<!tpu.dma_semaphore, #tpu.memory_space<semaphore_mem>>, %arg20: memref<!tpu.dma_semaphore, #tpu.memory_space<semaphore_mem>>, %arg21: memref<!tpu.dma_semaphore, #tpu.memory_space<semaphore_mem>>, %arg22: memref<!tpu.dma_semaphore, #tpu.memory_space<semaphore_mem>>) attributes {dimension_semantics = [#tpu.dimension_semantics<core_parallel>, #tpu.dimension_semantics<subcore_parallel>], iteration_bounds = array<i64: 2, 16>, scalar_prefetch = 0 : i64, scratch_operands = 17 : i64, tpu.core_type = #tpu.core_type<sc_vector_subcore>, window_params = [{transform_indices = #map}, {transform_indices = #map}, {transform_indices = #map}, {transform_indices = #map}]} {
    %mul3A = arith.constant 16 : i32
    %mul3A_0 = arith.muli %arg0, %mul3A : i32
    %add3A = arith.addi %mul3A_0, %arg1 : i32
    %mul3A_1 = arith.constant 64 : i32
    %mul3A_2 = arith.muli %add3A, %mul3A_1 : i32
    "tpu.region"() ({
      %run_scoped3A = tpu.sem_alloc : memref<!tpu.dma_semaphore, #tpu.memory_space<semaphore_mem>>
      %dma_start3A_126 = arith.constant 0 : i32
      %dma_start3A_127 = tpu.memref_slice %arg2[%mul3A_2, %dma_start3A_126] : memref<2048x2xi32, #tpu.memory_space<hbm>> -> memref<64x2xi32, #tpu.memory_space<hbm>>
      %dma_start3A_128 = arith.constant 0 : i32
      %dma_start3A_129 = tpu.memref_slice %arg2[%mul3A_2, %dma_start3A_128] : memref<2048x2xi32, #tpu.memory_space<hbm>> -> memref<64x2xi32, #tpu.memory_space<hbm>>
      tpu.enqueue_dma source(%dma_start3A_129 : memref<64x2xi32, #tpu.memory_space<hbm>>) target(%arg6 : memref<64x2xi32, #tpu.memory_space<vmem>>) target_semaphore(%run_scoped3A : memref<!tpu.dma_semaphore, #tpu.memory_space<semaphore_mem>>)
      %dma_wait3A_130 = arith.constant 0 : i32
      %dma_wait3A_131 = tpu.memref_slice %arg2[%mul3A_2, %dma_wait3A_130] : memref<2048x2xi32, #tpu.memory_space<hbm>> -> memref<64x2xi32, #tpu.memory_space<hbm>>
      %dma_wait3A_132 = arith.constant 0 : i32
      %dma_wait3A_133 = tpu.memref_slice %arg2[%mul3A_2, %dma_wait3A_132] : memref<2048x2xi32, #tpu.memory_space<hbm>> -> memref<64x2xi32, #tpu.memory_space<hbm>>
      tpu.wait_dma2 semaphore(%run_scoped3A : memref<!tpu.dma_semaphore, #tpu.memory_space<semaphore_mem>>) src(%dma_wait3A_133 : memref<64x2xi32, #tpu.memory_space<hbm>>) dst(%arg6 : memref<64x2xi32, #tpu.memory_space<vmem>>)
      tpu.yield
    }) : () -> ()
    "tpu.region"() ({
      %run_scoped3A = tpu.sem_alloc : memref<!tpu.dma_semaphore, #tpu.memory_space<semaphore_mem>>
      %dma_start3A_126 = arith.constant 0 : i32
      %dma_start3A_127 = tpu.memref_slice %arg3[%mul3A_2, %dma_start3A_126] : memref<2048x2xf32, #tpu.memory_space<hbm>> -> memref<64x2xf32, #tpu.memory_space<hbm>>
      %dma_start3A_128 = arith.constant 0 : i32
      %dma_start3A_129 = tpu.memref_slice %arg3[%mul3A_2, %dma_start3A_128] : memref<2048x2xf32, #tpu.memory_space<hbm>> -> memref<64x2xf32, #tpu.memory_space<hbm>>
      tpu.enqueue_dma source(%dma_start3A_129 : memref<64x2xf32, #tpu.memory_space<hbm>>) target(%arg7 : memref<64x2xf32, #tpu.memory_space<vmem>>) target_semaphore(%run_scoped3A : memref<!tpu.dma_semaphore, #tpu.memory_space<semaphore_mem>>)
      %dma_wait3A_130 = arith.constant 0 : i32
      %dma_wait3A_131 = tpu.memref_slice %arg3[%mul3A_2, %dma_wait3A_130] : memref<2048x2xf32, #tpu.memory_space<hbm>> -> memref<64x2xf32, #tpu.memory_space<hbm>>
      %dma_wait3A_132 = arith.constant 0 : i32
      %dma_wait3A_133 = tpu.memref_slice %arg3[%mul3A_2, %dma_wait3A_132] : memref<2048x2xf32, #tpu.memory_space<hbm>> -> memref<64x2xf32, #tpu.memory_space<hbm>>
      tpu.wait_dma2 semaphore(%run_scoped3A : memref<!tpu.dma_semaphore, #tpu.memory_space<semaphore_mem>>) src(%dma_wait3A_133 : memref<64x2xf32, #tpu.memory_space<hbm>>) dst(%arg7 : memref<64x2xf32, #tpu.memory_space<vmem>>)
      tpu.yield
    }) : () -> ()
    %broadcast_in_dim3A = arith.constant 0 : i32
    %broadcast_in_dim3A_3 = vector.broadcast %broadcast_in_dim3A : i32 to vector<16xi32>
    %iota3A = tpu.iota {dimensions = array<i32: 0>} : vector<16xi32>
    %add3A_4 = arith.constant 0 : i32
    %add3A_5 = vector.broadcast %add3A_4 : i32 to vector<16xi32>
    %add3A_6 = arith.addi %iota3A, %add3A_5 : vector<16xi32>
    %gather3A = tpu.vector_load_idx %arg6[%add3A_6, %broadcast_in_dim3A_3] : memref<64x2xi32, #tpu.memory_space<vmem>>[vector<16xi32>, vector<16xi32>], vector<16xi32>,
    %swap3A = arith.constant 0 : index
    %swap3A_7 = tpu.vector_load %arg8[%swap3A] {strides = array<i32>} : memref<32xi32, #tpu.memory_space<vmem>>, vector<16xi32>,
    tpu.vector_store %arg8[%swap3A], %gather3A {strides = array<i32>} : memref<32xi32, #tpu.memory_space<vmem>>, vector<16xi32>,
    %add3A_8 = arith.constant 1 : i32
    %add3A_9 = vector.broadcast %add3A_8 : i32 to vector<16xi32>
    %add3A_10 = arith.addi %broadcast_in_dim3A_3, %add3A_9 : vector<16xi32>
    %gather3A_11 = tpu.vector_load_idx %arg6[%add3A_6, %add3A_10] : memref<64x2xi32, #tpu.memory_space<vmem>>[vector<16xi32>, vector<16xi32>], vector<16xi32>,
    %swap3A_12 = arith.constant 0 : index
    %swap3A_13 = tpu.vector_load %arg9[%swap3A_12] {strides = array<i32>} : memref<32xi32, #tpu.memory_space<vmem>>, vector<16xi32>,
    tpu.vector_store %arg9[%swap3A_12], %gather3A_11 {strides = array<i32>} : memref<32xi32, #tpu.memory_space<vmem>>, vector<16xi32>,
    %gather3A_14 = tpu.vector_load_idx %arg7[%add3A_6, %broadcast_in_dim3A_3] : memref<64x2xf32, #tpu.memory_space<vmem>>[vector<16xi32>, vector<16xi32>], vector<16xf32>,
    %swap3A_15 = arith.constant 0 : index
    %swap3A_16 = tpu.vector_load %arg12[%swap3A_15] {strides = array<i32>} : memref<64xf32, #tpu.memory_space<vmem>>, vector<16xf32>,
    tpu.vector_store %arg12[%swap3A_15], %gather3A_14 {strides = array<i32>} : memref<64xf32, #tpu.memory_space<vmem>>, vector<16xf32>,
    %add3A_17 = arith.constant 1 : i32
    %add3A_18 = vector.broadcast %add3A_17 : i32 to vector<16xi32>
    %add3A_19 = arith.addi %broadcast_in_dim3A_3, %add3A_18 : vector<16xi32>
    %gather3A_20 = tpu.vector_load_idx %arg7[%add3A_6, %add3A_19] : memref<64x2xf32, #tpu.memory_space<vmem>>[vector<16xi32>, vector<16xi32>], vector<16xf32>,
    %swap3A_21 = arith.constant 0 : index
    %swap3A_22 = tpu.vector_load %arg13[%swap3A_21] {strides = array<i32>} : memref<64xf32, #tpu.memory_space<vmem>>, vector<16xf32>,
    tpu.vector_store %arg13[%swap3A_21], %gather3A_20 {strides = array<i32>} : memref<64xf32, #tpu.memory_space<vmem>>, vector<16xf32>,
    %iota3A_23 = tpu.iota {dimensions = array<i32: 0>} : vector<16xi32>
    %add3A_24 = arith.constant 16 : i32
    %add3A_25 = vector.broadcast %add3A_24 : i32 to vector<16xi32>
    %add3A_26 = arith.addi %iota3A_23, %add3A_25 : vector<16xi32>
    %gather3A_27 = tpu.vector_load_idx %arg6[%add3A_26, %broadcast_in_dim3A_3] : memref<64x2xi32, #tpu.memory_space<vmem>>[vector<16xi32>, vector<16xi32>], vector<16xi32>,
    %swap3A_28 = arith.constant 16 : index
    %swap3A_29 = tpu.vector_load %arg8[%swap3A_28] {strides = array<i32>} : memref<32xi32, #tpu.memory_space<vmem>>, vector<16xi32>,
    tpu.vector_store %arg8[%swap3A_28], %gather3A_27 {strides = array<i32>} : memref<32xi32, #tpu.memory_space<vmem>>, vector<16xi32>,
    %add3A_30 = arith.constant 1 : i32
    %add3A_31 = vector.broadcast %add3A_30 : i32 to vector<16xi32>
    %add3A_32 = arith.addi %broadcast_in_dim3A_3, %add3A_31 : vector<16xi32>
    %gather3A_33 = tpu.vector_load_idx %arg6[%add3A_26, %add3A_32] : memref<64x2xi32, #tpu.memory_space<vmem>>[vector<16xi32>, vector<16xi32>], vector<16xi32>,
    %swap3A_34 = arith.constant 16 : index
    %swap3A_35 = tpu.vector_load %arg9[%swap3A_34] {strides = array<i32>} : memref<32xi32, #tpu.memory_space<vmem>>, vector<16xi32>,
    tpu.vector_store %arg9[%swap3A_34], %gather3A_33 {strides = array<i32>} : memref<32xi32, #tpu.memory_space<vmem>>, vector<16xi32>,
    %gather3A_36 = tpu.vector_load_idx %arg7[%add3A_26, %broadcast_in_dim3A_3] : memref<64x2xf32, #tpu.memory_space<vmem>>[vector<16xi32>, vector<16xi32>], vector<16xf32>,
    %swap3A_37 = arith.constant 16 : index
    %swap3A_38 = tpu.vector_load %arg12[%swap3A_37] {strides = array<i32>} : memref<64xf32, #tpu.memory_space<vmem>>, vector<16xf32>,
    tpu.vector_store %arg12[%swap3A_37], %gather3A_36 {strides = array<i32>} : memref<64xf32, #tpu.memory_space<vmem>>, vector<16xf32>,
    %add3A_39 = arith.constant 1 : i32
    %add3A_40 = vector.broadcast %add3A_39 : i32 to vector<16xi32>
    %add3A_41 = arith.addi %broadcast_in_dim3A_3, %add3A_40 : vector<16xi32>
    %gather3A_42 = tpu.vector_load_idx %arg7[%add3A_26, %add3A_41] : memref<64x2xf32, #tpu.memory_space<vmem>>[vector<16xi32>, vector<16xi32>], vector<16xf32>,
    %swap3A_43 = arith.constant 16 : index
    %swap3A_44 = tpu.vector_load %arg13[%swap3A_43] {strides = array<i32>} : memref<64xf32, #tpu.memory_space<vmem>>, vector<16xf32>,
    tpu.vector_store %arg13[%swap3A_43], %gather3A_42 {strides = array<i32>} : memref<64xf32, #tpu.memory_space<vmem>>, vector<16xf32>,
    %iota3A_45 = tpu.iota {dimensions = array<i32: 0>} : vector<16xi32>
    %add3A_46 = arith.constant 32 : i32
    %add3A_47 = vector.broadcast %add3A_46 : i32 to vector<16xi32>
    %add3A_48 = arith.addi %iota3A_45, %add3A_47 : vector<16xi32>
    %gather3A_49 = tpu.vector_load_idx %arg6[%add3A_48, %broadcast_in_dim3A_3] : memref<64x2xi32, #tpu.memory_space<vmem>>[vector<16xi32>, vector<16xi32>], vector<16xi32>,
    %swap3A_50 = arith.constant 0 : index
    %swap3A_51 = tpu.vector_load %arg10[%swap3A_50] {strides = array<i32>} : memref<32xi32, #tpu.memory_space<vmem>>, vector<16xi32>,
    tpu.vector_store %arg10[%swap3A_50], %gather3A_49 {strides = array<i32>} : memref<32xi32, #tpu.memory_space<vmem>>, vector<16xi32>,
    %add3A_52 = arith.constant 1 : i32
    %add3A_53 = vector.broadcast %add3A_52 : i32 to vector<16xi32>
    %add3A_54 = arith.addi %broadcast_in_dim3A_3, %add3A_53 : vector<16xi32>
    %gather3A_55 = tpu.vector_load_idx %arg6[%add3A_48, %add3A_54] : memref<64x2xi32, #tpu.memory_space<vmem>>[vector<16xi32>, vector<16xi32>], vector<16xi32>,
    %swap3A_56 = arith.constant 0 : index
    %swap3A_57 = tpu.vector_load %arg11[%swap3A_56] {strides = array<i32>} : memref<32xi32, #tpu.memory_space<vmem>>, vector<16xi32>,
    tpu.vector_store %arg11[%swap3A_56], %gather3A_55 {strides = array<i32>} : memref<32xi32, #tpu.memory_space<vmem>>, vector<16xi32>,
    %gather3A_58 = tpu.vector_load_idx %arg7[%add3A_48, %broadcast_in_dim3A_3] : memref<64x2xf32, #tpu.memory_space<vmem>>[vector<16xi32>, vector<16xi32>], vector<16xf32>,
    %swap3A_59 = arith.constant 32 : index
    %swap3A_60 = tpu.vector_load %arg12[%swap3A_59] {strides = array<i32>} : memref<64xf32, #tpu.memory_space<vmem>>, vector<16xf32>,
    tpu.vector_store %arg12[%swap3A_59], %gather3A_58 {strides = array<i32>} : memref<64xf32, #tpu.memory_space<vmem>>, vector<16xf32>,
    %add3A_61 = arith.constant 1 : i32
    %add3A_62 = vector.broadcast %add3A_61 : i32 to vector<16xi32>
    %add3A_63 = arith.addi %broadcast_in_dim3A_3, %add3A_62 : vector<16xi32>
    %gather3A_64 = tpu.vector_load_idx %arg7[%add3A_48, %add3A_63] : memref<64x2xf32, #tpu.memory_space<vmem>>[vector<16xi32>, vector<16xi32>], vector<16xf32>,
    %swap3A_65 = arith.constant 32 : index
    %swap3A_66 = tpu.vector_load %arg13[%swap3A_65] {strides = array<i32>} : memref<64xf32, #tpu.memory_space<vmem>>, vector<16xf32>,
    tpu.vector_store %arg13[%swap3A_65], %gather3A_64 {strides = array<i32>} : memref<64xf32, #tpu.memory_space<vmem>>, vector<16xf32>,
    %iota3A_67 = tpu.iota {dimensions = array<i32: 0>} : vector<16xi32>
    %add3A_68 = arith.constant 48 : i32
    %add3A_69 = vector.broadcast %add3A_68 : i32 to vector<16xi32>
    %add3A_70 = arith.addi %iota3A_67, %add3A_69 : vector<16xi32>
    %gather3A_71 = tpu.vector_load_idx %arg6[%add3A_70, %broadcast_in_dim3A_3] : memref<64x2xi32, #tpu.memory_space<vmem>>[vector<16xi32>, vector<16xi32>], vector<16xi32>,
    %swap3A_72 = arith.constant 16 : index
    %swap3A_73 = tpu.vector_load %arg10[%swap3A_72] {strides = array<i32>} : memref<32xi32, #tpu.memory_space<vmem>>, vector<16xi32>,
    tpu.vector_store %arg10[%swap3A_72], %gather3A_71 {strides = array<i32>} : memref<32xi32, #tpu.memory_space<vmem>>, vector<16xi32>,
    %add3A_74 = arith.constant 1 : i32
    %add3A_75 = vector.broadcast %add3A_74 : i32 to vector<16xi32>
    %add3A_76 = arith.addi %broadcast_in_dim3A_3, %add3A_75 : vector<16xi32>
    %gather3A_77 = tpu.vector_load_idx %arg6[%add3A_70, %add3A_76] : memref<64x2xi32, #tpu.memory_space<vmem>>[vector<16xi32>, vector<16xi32>], vector<16xi32>,
    %swap3A_78 = arith.constant 16 : index
    %swap3A_79 = tpu.vector_load %arg11[%swap3A_78] {strides = array<i32>} : memref<32xi32, #tpu.memory_space<vmem>>, vector<16xi32>,
    tpu.vector_store %arg11[%swap3A_78], %gather3A_77 {strides = array<i32>} : memref<32xi32, #tpu.memory_space<vmem>>, vector<16xi32>,
    %gather3A_80 = tpu.vector_load_idx %arg7[%add3A_70, %broadcast_in_dim3A_3] : memref<64x2xf32, #tpu.memory_space<vmem>>[vector<16xi32>, vector<16xi32>], vector<16xf32>,
    %swap3A_81 = arith.constant 48 : index
    %swap3A_82 = tpu.vector_load %arg12[%swap3A_81] {strides = array<i32>} : memref<64xf32, #tpu.memory_space<vmem>>, vector<16xf32>,
    tpu.vector_store %arg12[%swap3A_81], %gather3A_80 {strides = array<i32>} : memref<64xf32, #tpu.memory_space<vmem>>, vector<16xf32>,
    %add3A_83 = arith.constant 1 : i32
    %add3A_84 = vector.broadcast %add3A_83 : i32 to vector<16xi32>
    %add3A_85 = arith.addi %broadcast_in_dim3A_3, %add3A_84 : vector<16xi32>
    %gather3A_86 = tpu.vector_load_idx %arg7[%add3A_70, %add3A_85] : memref<64x2xf32, #tpu.memory_space<vmem>>[vector<16xi32>, vector<16xi32>], vector<16xf32>,
    %swap3A_87 = arith.constant 48 : index
    %swap3A_88 = tpu.vector_load %arg13[%swap3A_87] {strides = array<i32>} : memref<64xf32, #tpu.memory_space<vmem>>, vector<16xf32>,
    tpu.vector_store %arg13[%swap3A_87], %gather3A_86 {strides = array<i32>} : memref<64xf32, #tpu.memory_space<vmem>>, vector<16xf32>,
    %dma_start3A = arith.constant 0 : i32
    %dma_start3A_89 = arith.constant 0 : i32
    %dma_start3A_90 = tpu.memref_slice %arg4[%dma_start3A, %dma_start3A_89] : memref<5120x768xf32, #tpu.memory_space<hbm>> -> memref<5120x768xf32, #tpu.memory_space<hbm>>
    tpu.enqueue_indirect_dma source(%dma_start3A_90 : memref<5120x768xf32, #tpu.memory_space<hbm>>) target(%arg14 : memref<32x768xf32, #tpu.memory_space<vmem>>) offsets(%arg8 : memref<32xi32, #tpu.memory_space<vmem>>) semaphore(%arg18 : memref<!tpu.dma_semaphore, #tpu.memory_space<semaphore_mem>>)
    %dma_start3A_91 = arith.constant 0 : i32
    %dma_start3A_92 = arith.constant 0 : i32
    %dma_start3A_93 = tpu.memref_slice %arg4[%dma_start3A_91, %dma_start3A_92] : memref<5120x768xf32, #tpu.memory_space<hbm>> -> memref<5120x768xf32, #tpu.memory_space<hbm>>
    tpu.enqueue_indirect_dma source(%dma_start3A_93 : memref<5120x768xf32, #tpu.memory_space<hbm>>) target(%arg15 : memref<32x768xf32, #tpu.memory_space<vmem>>) offsets(%arg9 : memref<32xi32, #tpu.memory_space<vmem>>) semaphore(%arg19 : memref<!tpu.dma_semaphore, #tpu.memory_space<semaphore_mem>>)
    %dma_start3A_94 = arith.constant 0 : i32
    %dma_start3A_95 = arith.constant 0 : i32
    %dma_start3A_96 = tpu.memref_slice %arg4[%dma_start3A_94, %dma_start3A_95] : memref<5120x768xf32, #tpu.memory_space<hbm>> -> memref<5120x768xf32, #tpu.memory_space<hbm>>
    tpu.enqueue_indirect_dma source(%dma_start3A_96 : memref<5120x768xf32, #tpu.memory_space<hbm>>) target(%arg16 : memref<32x768xf32, #tpu.memory_space<vmem>>) offsets(%arg10 : memref<32xi32, #tpu.memory_space<vmem>>) semaphore(%arg20 : memref<!tpu.dma_semaphore, #tpu.memory_space<semaphore_mem>>)
    %dma_start3A_97 = arith.constant 0 : i32
    %dma_start3A_98 = arith.constant 0 : i32
    %dma_start3A_99 = tpu.memref_slice %arg4[%dma_start3A_97, %dma_start3A_98] : memref<5120x768xf32, #tpu.memory_space<hbm>> -> memref<5120x768xf32, #tpu.memory_space<hbm>>
    tpu.enqueue_indirect_dma source(%dma_start3A_99 : memref<5120x768xf32, #tpu.memory_space<hbm>>) target(%arg17 : memref<32x768xf32, #tpu.memory_space<vmem>>) offsets(%arg11 : memref<32xi32, #tpu.memory_space<vmem>>) semaphore(%arg21 : memref<!tpu.dma_semaphore, #tpu.memory_space<semaphore_mem>>)
    %dma_wait3A = arith.constant 0 : i32
    %dma_wait3A_100 = arith.constant 0 : i32
    %dma_wait3A_101 = tpu.memref_slice %arg4[%dma_wait3A, %dma_wait3A_100] : memref<5120x768xf32, #tpu.memory_space<hbm>> -> memref<5120x768xf32, #tpu.memory_space<hbm>>
    tpu.wait_indirect_dma semaphore(%arg18 : memref<!tpu.dma_semaphore, #tpu.memory_space<semaphore_mem>>) src(%dma_wait3A_101 : memref<5120x768xf32, #tpu.memory_space<hbm>>) dst(%arg14 : memref<32x768xf32, #tpu.memory_space<vmem>>)
    %dma_wait3A_102 = arith.constant 0 : i32
    %dma_wait3A_103 = arith.constant 0 : i32
    %dma_wait3A_104 = tpu.memref_slice %arg4[%dma_wait3A_102, %dma_wait3A_103] : memref<5120x768xf32, #tpu.memory_space<hbm>> -> memref<5120x768xf32, #tpu.memory_space<hbm>>
    tpu.wait_indirect_dma semaphore(%arg19 : memref<!tpu.dma_semaphore, #tpu.memory_space<semaphore_mem>>) src(%dma_wait3A_104 : memref<5120x768xf32, #tpu.memory_space<hbm>>) dst(%arg15 : memref<32x768xf32, #tpu.memory_space<vmem>>)
    %parallel_loop3A = arith.constant 0 : i32
    %parallel_loop3A_105 = arith.constant 32 : i32
    %parallel_loop3A_106 = arith.constant 1 : i32
    scf.for %parallel_loop3A_126 = %parallel_loop3A to %parallel_loop3A_105 step %parallel_loop3A_106  : i32 {
      %parallel_loop3A_127 = vector.broadcast %parallel_loop3A_126 : i32 to vector<16xi32>
      %parallel_loop3A_128 = tpu.vector_load_idx %arg12[%parallel_loop3A_127] : memref<64xf32, #tpu.memory_space<vmem>>[vector<16xi32>], vector<16xf32>,
      %parallel_loop3A_129 = vector.broadcast %parallel_loop3A_126 : i32 to vector<16xi32>
      %parallel_loop3A_130 = tpu.vector_load_idx %arg13[%parallel_loop3A_129] : memref<64xf32, #tpu.memory_space<vmem>>[vector<16xi32>], vector<16xf32>,
      %parallel_loop3A_131 = arith.index_cast %parallel_loop3A_126 : i32 to index
      %parallel_loop3A_132 = arith.constant 0 : index
      %parallel_loop3A_133 = tpu.vector_load %arg14[%parallel_loop3A_131, %parallel_loop3A_132] {strides = array<i32>} : memref<32x768xf32, #tpu.memory_space<vmem>>, vector<16xf32>,
      %parallel_loop3A_134 = arith.mulf %parallel_loop3A_133, %parallel_loop3A_128 : vector<16xf32>
      %parallel_loop3A_135 = arith.index_cast %parallel_loop3A_126 : i32 to index
      %parallel_loop3A_136 = arith.constant 0 : index
      %parallel_loop3A_137 = tpu.vector_load %arg15[%parallel_loop3A_135, %parallel_loop3A_136] {strides = array<i32>} : memref<32x768xf32, #tpu.memory_space<vmem>>, vector<16xf32>,
      %parallel_loop3A_138 = arith.mulf %parallel_loop3A_137, %parallel_loop3A_130 : vector<16xf32>
      %parallel_loop3A_139 = arith.addf %parallel_loop3A_134, %parallel_loop3A_138 : vector<16xf32>
      %parallel_loop3A_140 = arith.index_cast %parallel_loop3A_126 : i32 to index
      %parallel_loop3A_141 = arith.constant 0 : index
      %parallel_loop3A_142 = tpu.vector_load %arg14[%parallel_loop3A_140, %parallel_loop3A_141] {strides = array<i32>} : memref<32x768xf32, #tpu.memory_space<vmem>>, vector<16xf32>,
      tpu.vector_store %arg14[%parallel_loop3A_140, %parallel_loop3A_141], %parallel_loop3A_139 {strides = array<i32>} : memref<32x768xf32, #tpu.memory_space<vmem>>, vector<16xf32>,
      %parallel_loop3A_143 = arith.index_cast %parallel_loop3A_126 : i32 to index
      %parallel_loop3A_144 = arith.constant 16 : index
      %parallel_loop3A_145 = tpu.vector_load %arg14[%parallel_loop3A_143, %parallel_loop3A_144] {strides = array<i32>} : memref<32x768xf32, #tpu.memory_space<vmem>>, vector<16xf32>,
      %parallel_loop3A_146 = arith.mulf %parallel_loop3A_145, %parallel_loop3A_128 : vector<16xf32>
      %parallel_loop3A_147 = arith.index_cast %parallel_loop3A_126 : i32 to index
      %parallel_loop3A_148 = arith.constant 16 : index
      %parallel_loop3A_149 = tpu.vector_load %arg15[%parallel_loop3A_147, %parallel_loop3A_148] {strides = array<i32>} : memref<32x768xf32, #tpu.memory_space<vmem>>, vector<16xf32>,
      %parallel_loop3A_150 = arith.mulf %parallel_loop3A_149, %parallel_loop3A_130 : vector<16xf32>
      %parallel_loop3A_151 = arith.addf %parallel_loop3A_146, %parallel_loop3A_150 : vector<16xf32>
      %parallel_loop3A_152 = arith.index_cast %parallel_loop3A_126 : i32 to index
      %parallel_loop3A_153 = arith.constant 16 : index
      %parallel_loop3A_154 = tpu.vector_load %arg14[%parallel_loop3A_152, %parallel_loop3A_153] {strides = array<i32>} : memref<32x768xf32, #tpu.memory_space<vmem>>, vector<16xf32>,
      tpu.vector_store %arg14[%parallel_loop3A_152, %parallel_loop3A_153], %parallel_loop3A_151 {strides = array<i32>} : memref<32x768xf32, #tpu.memory_space<vmem>>, vector<16xf32>,
      %parallel_loop3A_155 = arith.index_cast %parallel_loop3A_126 : i32 to index
      %parallel_loop3A_156 = arith.constant 32 : index
      %parallel_loop3A_157 = tpu.vector_load %arg14[%parallel_loop3A_155, %parallel_loop3A_156] {strides = array<i32>} : memref<32x768xf32, #tpu.memory_space<vmem>>, vector<16xf32>,
      %parallel_loop3A_158 = arith.mulf %parallel_loop3A_157, %parallel_loop3A_128 : vector<16xf32>
      %parallel_loop3A_159 = arith.index_cast %parallel_loop3A_126 : i32 to index
      %parallel_loop3A_160 = arith.constant 32 : index
      %parallel_loop3A_161 = tpu.vector_load %arg15[%parallel_loop3A_159, %parallel_loop3A_160] {strides = array<i32>} : memref<32x768xf32, #tpu.memory_space<vmem>>, vector<16xf32>,
      %parallel_loop3A_162 = arith.mulf %parallel_loop3A_161, %parallel_loop3A_130 : vector<16xf32>
      %parallel_loop3A_163 = arith.addf %parallel_loop3A_158, %parallel_loop3A_162 : vector<16xf32>
      %parallel_loop3A_164 = arith.index_cast %parallel_loop3A_126 : i32 to index
      %parallel_loop3A_165 = arith.constant 32 : index
      %parallel_loop3A_166 = tpu.vector_load %arg14[%parallel_loop3A_164, %parallel_loop3A_165] {strides = array<i32>} : memref<32x768xf32, #tpu.memory_space<vmem>>, vector<16xf32>,
      tpu.vector_store %arg14[%parallel_loop3A_164, %parallel_loop3A_165], %parallel_loop3A_163 {strides = array<i32>} : memref<32x768xf32, #tpu.memory_space<vmem>>, vector<16xf32>,
      %parallel_loop3A_167 = arith.index_cast %parallel_loop3A_126 : i32 to index
      %parallel_loop3A_168 = arith.constant 48 : index
      %parallel_loop3A_169 = tpu.vector_load %arg14[%parallel_loop3A_167, %parallel_loop3A_168] {strides = array<i32>} : memref<32x768xf32, #tpu.memory_space<vmem>>, vector<16xf32>,
      %parallel_loop3A_170 = arith.mulf %parallel_loop3A_169, %parallel_loop3A_128 : vector<16xf32>
      %parallel_loop3A_171 = arith.index_cast %parallel_loop3A_126 : i32 to index
      %parallel_loop3A_172 = arith.constant 48 : index
      %parallel_loop3A_173 = tpu.vector_load %arg15[%parallel_loop3A_171, %parallel_loop3A_172] {strides = array<i32>} : memref<32x768xf32, #tpu.memory_space<vmem>>, vector<16xf32>,
      %parallel_loop3A_174 = arith.mulf %parallel_loop3A_173, %parallel_loop3A_130 : vector<16xf32>
      %parallel_loop3A_175 = arith.addf %parallel_loop3A_170, %parallel_loop3A_174 : vector<16xf32>
      %parallel_loop3A_176 = arith.index_cast %parallel_loop3A_126 : i32 to index
      %parallel_loop3A_177 = arith.constant 48 : index
      %parallel_loop3A_178 = tpu.vector_load %arg14[%parallel_loop3A_176, %parallel_loop3A_177] {strides = array<i32>} : memref<32x768xf32, #tpu.memory_space<vmem>>, vector<16xf32>,
      tpu.vector_store %arg14[%parallel_loop3A_176, %parallel_loop3A_177], %parallel_loop3A_175 {strides = array<i32>} : memref<32x768xf32, #tpu.memory_space<vmem>>, vector<16xf32>,
      %parallel_loop3A_179 = arith.index_cast %parallel_loop3A_126 : i32 to index
      %parallel_loop3A_180 = arith.constant 64 : index
      %parallel_loop3A_181 = tpu.vector_load %arg14[%parallel_loop3A_179, %parallel_loop3A_180] {strides = array<i32>} : memref<32x768xf32, #tpu.memory_space<vmem>>, vector<16xf32>,
      %parallel_loop3A_182 = arith.mulf %parallel_loop3A_181, %parallel_loop3A_128 : vector<16xf32>
      %parallel_loop3A_183 = arith.index_cast %parallel_loop3A_126 : i32 to index
      %parallel_loop3A_184 = arith.constant 64 : index
      %parallel_loop3A_185 = tpu.vector_load %arg15[%parallel_loop3A_183, %parallel_loop3A_184] {strides = array<i32>} : memref<32x768xf32, #tpu.memory_space<vmem>>, vector<16xf32>,
      %parallel_loop3A_186 = arith.mulf %parallel_loop3A_185, %parallel_loop3A_130 : vector<16xf32>
      %parallel_loop3A_187 = arith.addf %parallel_loop3A_182, %parallel_loop3A_186 : vector<16xf32>
      %parallel_loop3A_188 = arith.index_cast %parallel_loop3A_126 : i32 to index
      %parallel_loop3A_189 = arith.constant 64 : index
      %parallel_loop3A_190 = tpu.vector_load %arg14[%parallel_loop3A_188, %parallel_loop3A_189] {strides = array<i32>} : memref<32x768xf32, #tpu.memory_space<vmem>>, vector<16xf32>,
      tpu.vector_store %arg14[%parallel_loop3A_188, %parallel_loop3A_189], %parallel_loop3A_187 {strides = array<i32>} : memref<32x768xf32, #tpu.memory_space<vmem>>, vector<16xf32>,
      %parallel_loop3A_191 = arith.index_cast %parallel_loop3A_126 : i32 to index
      %parallel_loop3A_192 = arith.constant 80 : index
      %parallel_loop3A_193 = tpu.vector_load %arg14[%parallel_loop3A_191, %parallel_loop3A_192] {strides = array<i32>} : memref<32x768xf32, #tpu.memory_space<vmem>>, vector<16xf32>,
      %parallel_loop3A_194 = arith.mulf %parallel_loop3A_193, %parallel_loop3A_128 : vector<16xf32>
      %parallel_loop3A_195 = arith.index_cast %parallel_loop3A_126 : i32 to index
      %parallel_loop3A_196 = arith.constant 80 : index
      %parallel_loop3A_197 = tpu.vector_load %arg15[%parallel_loop3A_195, %parallel_loop3A_196] {strides = array<i32>} : memref<32x768xf32, #tpu.memory_space<vmem>>, vector<16xf32>,
      %parallel_loop3A_198 = arith.mulf %parallel_loop3A_197, %parallel_loop3A_130 : vector<16xf32>
      %parallel_loop3A_199 = arith.addf %parallel_loop3A_194, %parallel_loop3A_198 : vector<16xf32>
      %parallel_loop3A_200 = arith.index_cast %parallel_loop3A_126 : i32 to index
      %parallel_loop3A_201 = arith.constant 80 : index
      %parallel_loop3A_202 = tpu.vector_load %arg14[%parallel_loop3A_200, %parallel_loop3A_201] {strides = array<i32>} : memref<32x768xf32, #tpu.memory_space<vmem>>, vector<16xf32>,
      tpu.vector_store %arg14[%parallel_loop3A_200, %parallel_loop3A_201], %parallel_loop3A_199 {strides = array<i32>} : memref<32x768xf32, #tpu.memory_space<vmem>>, vector<16xf32>,
      %parallel_loop3A_203 = arith.index_cast %parallel_loop3A_126 : i32 to index
      %parallel_loop3A_204 = arith.constant 96 : index
      %parallel_loop3A_205 = tpu.vector_load %arg14[%parallel_loop3A_203, %parallel_loop3A_204] {strides = array<i32>} : memref<32x768xf32, #tpu.memory_space<vmem>>, vector<16xf32>,
      %parallel_loop3A_206 = arith.mulf %parallel_loop3A_205, %parallel_loop3A_128 : vector<16xf32>
      %parallel_loop3A_207 = arith.index_cast %parallel_loop3A_126 : i32 to index
      %parallel_loop3A_208 = arith.constant 96 : index
      %parallel_loop3A_209 = tpu.vector_load %arg15[%parallel_loop3A_207, %parallel_loop3A_208] {strides = array<i32>} : memref<32x768xf32, #tpu.memory_space<vmem>>, vector<16xf32>,
      %parallel_loop3A_210 = arith.mulf %parallel_loop3A_209, %parallel_loop3A_130 : vector<16xf32>
      %parallel_loop3A_211 = arith.addf %parallel_loop3A_206, %parallel_loop3A_210 : vector<16xf32>
      %parallel_loop3A_212 = arith.index_cast %parallel_loop3A_126 : i32 to index
      %parallel_loop3A_213 = arith.constant 96 : index
      %parallel_loop3A_214 = tpu.vector_load %arg14[%parallel_loop3A_212, %parallel_loop3A_213] {strides = array<i32>} : memref<32x768xf32, #tpu.memory_space<vmem>>, vector<16xf32>,
      tpu.vector_store %arg14[%parallel_loop3A_212, %parallel_loop3A_213], %parallel_loop3A_211 {strides = array<i32>} : memref<32x768xf32, #tpu.memory_space<vmem>>, vector<16xf32>,
      %parallel_loop3A_215 = arith.index_cast %parallel_loop3A_126 : i32 to index
      %parallel_loop3A_216 = arith.constant 112 : index
      %parallel_loop3A_217 = tpu.vector_load %arg14[%parallel_loop3A_215, %parallel_loop3A_216] {strides = array<i32>} : memref<32x768xf32, #tpu.memory_space<vmem>>, vector<16xf32>,
      %parallel_loop3A_218 = arith.mulf %parallel_loop3A_217, %parallel_loop3A_128 : vector<16xf32>
      %parallel_loop3A_219 = arith.index_cast %parallel_loop3A_126 : i32 to index
      %parallel_loop3A_220 = arith.constant 112 : index
      %parallel_loop3A_221 = tpu.vector_load %arg15[%parallel_loop3A_219, %parallel_loop3A_220] {strides = array<i32>} : memref<32x768xf32, #tpu.memory_space<vmem>>, vector<16xf32>,
      %parallel_loop3A_222 = arith.mulf %parallel_loop3A_221, %parallel_loop3A_130 : vector<16xf32>
      %parallel_loop3A_223 = arith.addf %parallel_loop3A_218, %parallel_loop3A_222 : vector<16xf32>
      %parallel_loop3A_224 = arith.index_cast %parallel_loop3A_126 : i32 to index
      %parallel_loop3A_225 = arith.constant 112 : index
      %parallel_loop3A_226 = tpu.vector_load %arg14[%parallel_loop3A_224, %parallel_loop3A_225] {strides = array<i32>} : memref<32x768xf32, #tpu.memory_space<vmem>>, vector<16xf32>,
      tpu.vector_store %arg14[%parallel_loop3A_224, %parallel_loop3A_225], %parallel_loop3A_223 {strides = array<i32>} : memref<32x768xf32, #tpu.memory_space<vmem>>, vector<16xf32>,
      %parallel_loop3A_227 = arith.index_cast %parallel_loop3A_126 : i32 to index
      %parallel_loop3A_228 = arith.constant 128 : index
      %parallel_loop3A_229 = tpu.vector_load %arg14[%parallel_loop3A_227, %parallel_loop3A_228] {strides = array<i32>} : memref<32x768xf32, #tpu.memory_space<vmem>>, vector<16xf32>,
      %parallel_loop3A_230 = arith.mulf %parallel_loop3A_229, %parallel_loop3A_128 : vector<16xf32>
      %parallel_loop3A_231 = arith.index_cast %parallel_loop3A_126 : i32 to index
      %parallel_loop3A_232 = arith.constant 128 : index
      %parallel_loop3A_233 = tpu.vector_load %arg15[%parallel_loop3A_231, %parallel_loop3A_232] {strides = array<i32>} : memref<32x768xf32, #tpu.memory_space<vmem>>, vector<16xf32>,
      %parallel_loop3A_234 = arith.mulf %parallel_loop3A_233, %parallel_loop3A_130 : vector<16xf32>
      %parallel_loop3A_235 = arith.addf %parallel_loop3A_230, %parallel_loop3A_234 : vector<16xf32>
      %parallel_loop3A_236 = arith.index_cast %parallel_loop3A_126 : i32 to index
      %parallel_loop3A_237 = arith.constant 128 : index
      %parallel_loop3A_238 = tpu.vector_load %arg14[%parallel_loop3A_236, %parallel_loop3A_237] {strides = array<i32>} : memref<32x768xf32, #tpu.memory_space<vmem>>, vector<16xf32>,
      tpu.vector_store %arg14[%parallel_loop3A_236, %parallel_loop3A_237], %parallel_loop3A_235 {strides = array<i32>} : memref<32x768xf32, #tpu.memory_space<vmem>>, vector<16xf32>,
      %parallel_loop3A_239 = arith.index_cast %parallel_loop3A_126 : i32 to index
      %parallel_loop3A_240 = arith.constant 144 : index
      %parallel_loop3A_241 = tpu.vector_load %arg14[%parallel_loop3A_239, %parallel_loop3A_240] {strides = array<i32>} : memref<32x768xf32, #tpu.memory_space<vmem>>, vector<16xf32>,
      %parallel_loop3A_242 = arith.mulf %parallel_loop3A_241, %parallel_loop3A_128 : vector<16xf32>
      %parallel_loop3A_243 = arith.index_cast %parallel_loop3A_126 : i32 to index
      %parallel_loop3A_244 = arith.constant 144 : index
      %parallel_loop3A_245 = tpu.vector_load %arg15[%parallel_loop3A_243, %parallel_loop3A_244] {strides = array<i32>} : memref<32x768xf32, #tpu.memory_space<vmem>>, vector<16xf32>,
      %parallel_loop3A_246 = arith.mulf %parallel_loop3A_245, %parallel_loop3A_130 : vector<16xf32>
      %parallel_loop3A_247 = arith.addf %parallel_loop3A_242, %parallel_loop3A_246 : vector<16xf32>
      %parallel_loop3A_248 = arith.index_cast %parallel_loop3A_126 : i32 to index
      %parallel_loop3A_249 = arith.constant 144 : index
      %parallel_loop3A_250 = tpu.vector_load %arg14[%parallel_loop3A_248, %parallel_loop3A_249] {strides = array<i32>} : memref<32x768xf32, #tpu.memory_space<vmem>>, vector<16xf32>,
      tpu.vector_store %arg14[%parallel_loop3A_248, %parallel_loop3A_249], %parallel_loop3A_247 {strides = array<i32>} : memref<32x768xf32, #tpu.memory_space<vmem>>, vector<16xf32>,
      %parallel_loop3A_251 = arith.index_cast %parallel_loop3A_126 : i32 to index
      %parallel_loop3A_252 = arith.constant 160 : index
      %parallel_loop3A_253 = tpu.vector_load %arg14[%parallel_loop3A_251, %parallel_loop3A_252] {strides = array<i32>} : memref<32x768xf32, #tpu.memory_space<vmem>>, vector<16xf32>,
      %parallel_loop3A_254 = arith.mulf %parallel_loop3A_253, %parallel_loop3A_128 : vector<16xf32>
      %parallel_loop3A_255 = arith.index_cast %parallel_loop3A_126 : i32 to index
      %parallel_loop3A_256 = arith.constant 160 : index
      %parallel_loop3A_257 = tpu.vector_load %arg15[%parallel_loop3A_255, %parallel_loop3A_256] {strides = array<i32>} : memref<32x768xf32, #tpu.memory_space<vmem>>, vector<16xf32>,
      %parallel_loop3A_258 = arith.mulf %parallel_loop3A_257, %parallel_loop3A_130 : vector<16xf32>
      %parallel_loop3A_259 = arith.addf %parallel_loop3A_254, %parallel_loop3A_258 : vector<16xf32>
      %parallel_loop3A_260 = arith.index_cast %parallel_loop3A_126 : i32 to index
      %parallel_loop3A_261 = arith.constant 160 : index
      %parallel_loop3A_262 = tpu.vector_load %arg14[%parallel_loop3A_260, %parallel_loop3A_261] {strides = array<i32>} : memref<32x768xf32, #tpu.memory_space<vmem>>, vector<16xf32>,
      tpu.vector_store %arg14[%parallel_loop3A_260, %parallel_loop3A_261], %parallel_loop3A_259 {strides = array<i32>} : memref<32x768xf32, #tpu.memory_space<vmem>>, vector<16xf32>,
      %parallel_loop3A_263 = arith.index_cast %parallel_loop3A_126 : i32 to index
      %parallel_loop3A_264 = arith.constant 176 : index
      %parallel_loop3A_265 = tpu.vector_load %arg14[%parallel_loop3A_263, %parallel_loop3A_264] {strides = array<i32>} : memref<32x768xf32, #tpu.memory_space<vmem>>, vector<16xf32>,
      %parallel_loop3A_266 = arith.mulf %parallel_loop3A_265, %parallel_loop3A_128 : vector<16xf32>
      %parallel_loop3A_267 = arith.index_cast %parallel_loop3A_126 : i32 to index
      %parallel_loop3A_268 = arith.constant 176 : index
      %parallel_loop3A_269 = tpu.vector_load %arg15[%parallel_loop3A_267, %parallel_loop3A_268] {strides = array<i32>} : memref<32x768xf32, #tpu.memory_space<vmem>>, vector<16xf32>,
      %parallel_loop3A_270 = arith.mulf %parallel_loop3A_269, %parallel_loop3A_130 : vector<16xf32>
      %parallel_loop3A_271 = arith.addf %parallel_loop3A_266, %parallel_loop3A_270 : vector<16xf32>
      %parallel_loop3A_272 = arith.index_cast %parallel_loop3A_126 : i32 to index
      %parallel_loop3A_273 = arith.constant 176 : index
      %parallel_loop3A_274 = tpu.vector_load %arg14[%parallel_loop3A_272, %parallel_loop3A_273] {strides = array<i32>} : memref<32x768xf32, #tpu.memory_space<vmem>>, vector<16xf32>,
      tpu.vector_store %arg14[%parallel_loop3A_272, %parallel_loop3A_273], %parallel_loop3A_271 {strides = array<i32>} : memref<32x768xf32, #tpu.memory_space<vmem>>, vector<16xf32>,
      %parallel_loop3A_275 = arith.index_cast %parallel_loop3A_126 : i32 to index
      %parallel_loop3A_276 = arith.constant 192 : index
      %parallel_loop3A_277 = tpu.vector_load %arg14[%parallel_loop3A_275, %parallel_loop3A_276] {strides = array<i32>} : memref<32x768xf32, #tpu.memory_space<vmem>>, vector<16xf32>,
      %parallel_loop3A_278 = arith.mulf %parallel_loop3A_277, %parallel_loop3A_128 : vector<16xf32>
      %parallel_loop3A_279 = arith.index_cast %parallel_loop3A_126 : i32 to index
      %parallel_loop3A_280 = arith.constant 192 : index
      %parallel_loop3A_281 = tpu.vector_load %arg15[%parallel_loop3A_279, %parallel_loop3A_280] {strides = array<i32>} : memref<32x768xf32, #tpu.memory_space<vmem>>, vector<16xf32>,
      %parallel_loop3A_282 = arith.mulf %parallel_loop3A_281, %parallel_loop3A_130 : vector<16xf32>
      %parallel_loop3A_283 = arith.addf %parallel_loop3A_278, %parallel_loop3A_282 : vector<16xf32>
      %parallel_loop3A_284 = arith.index_cast %parallel_loop3A_126 : i32 to index
      %parallel_loop3A_285 = arith.constant 192 : index
      %parallel_loop3A_286 = tpu.vector_load %arg14[%parallel_loop3A_284, %parallel_loop3A_285] {strides = array<i32>} : memref<32x768xf32, #tpu.memory_space<vmem>>, vector<16xf32>,
      tpu.vector_store %arg14[%parallel_loop3A_284, %parallel_loop3A_285], %parallel_loop3A_283 {strides = array<i32>} : memref<32x768xf32, #tpu.memory_space<vmem>>, vector<16xf32>,
      %parallel_loop3A_287 = arith.index_cast %parallel_loop3A_126 : i32 to index
      %parallel_loop3A_288 = arith.constant 208 : index
      %parallel_loop3A_289 = tpu.vector_load %arg14[%parallel_loop3A_287, %parallel_loop3A_288] {strides = array<i32>} : memref<32x768xf32, #tpu.memory_space<vmem>>, vector<16xf32>,
      %parallel_loop3A_290 = arith.mulf %parallel_loop3A_289, %parallel_loop3A_128 : vector<16xf32>
      %parallel_loop3A_291 = arith.index_cast %parallel_loop3A_126 : i32 to index
      %parallel_loop3A_292 = arith.constant 208 : index
      %parallel_loop3A_293 = tpu.vector_load %arg15[%parallel_loop3A_291, %parallel_loop3A_292] {strides = array<i32>} : memref<32x768xf32, #tpu.memory_space<vmem>>, vector<16xf32>,
      %parallel_loop3A_294 = arith.mulf %parallel_loop3A_293, %parallel_loop3A_130 : vector<16xf32>
      %parallel_loop3A_295 = arith.addf %parallel_loop3A_290, %parallel_loop3A_294 : vector<16xf32>
      %parallel_loop3A_296 = arith.index_cast %parallel_loop3A_126 : i32 to index
      %parallel_loop3A_297 = arith.constant 208 : index
      %parallel_loop3A_298 = tpu.vector_load %arg14[%parallel_loop3A_296, %parallel_loop3A_297] {strides = array<i32>} : memref<32x768xf32, #tpu.memory_space<vmem>>, vector<16xf32>,
      tpu.vector_store %arg14[%parallel_loop3A_296, %parallel_loop3A_297], %parallel_loop3A_295 {strides = array<i32>} : memref<32x768xf32, #tpu.memory_space<vmem>>, vector<16xf32>,
      %parallel_loop3A_299 = arith.index_cast %parallel_loop3A_126 : i32 to index
      %parallel_loop3A_300 = arith.constant 224 : index
      %parallel_loop3A_301 = tpu.vector_load %arg14[%parallel_loop3A_299, %parallel_loop3A_300] {strides = array<i32>} : memref<32x768xf32, #tpu.memory_space<vmem>>, vector<16xf32>,
      %parallel_loop3A_302 = arith.mulf %parallel_loop3A_301, %parallel_loop3A_128 : vector<16xf32>
      %parallel_loop3A_303 = arith.index_cast %parallel_loop3A_126 : i32 to index
      %parallel_loop3A_304 = arith.constant 224 : index
      %parallel_loop3A_305 = tpu.vector_load %arg15[%parallel_loop3A_303, %parallel_loop3A_304] {strides = array<i32>} : memref<32x768xf32, #tpu.memory_space<vmem>>, vector<16xf32>,
      %parallel_loop3A_306 = arith.mulf %parallel_loop3A_305, %parallel_loop3A_130 : vector<16xf32>
      %parallel_loop3A_307 = arith.addf %parallel_loop3A_302, %parallel_loop3A_306 : vector<16xf32>
      %parallel_loop3A_308 = arith.index_cast %parallel_loop3A_126 : i32 to index
      %parallel_loop3A_309 = arith.constant 224 : index
      %parallel_loop3A_310 = tpu.vector_load %arg14[%parallel_loop3A_308, %parallel_loop3A_309] {strides = array<i32>} : memref<32x768xf32, #tpu.memory_space<vmem>>, vector<16xf32>,
      tpu.vector_store %arg14[%parallel_loop3A_308, %parallel_loop3A_309], %parallel_loop3A_307 {strides = array<i32>} : memref<32x768xf32, #tpu.memory_space<vmem>>, vector<16xf32>,
      %parallel_loop3A_311 = arith.index_cast %parallel_loop3A_126 : i32 to index
      %parallel_loop3A_312 = arith.constant 240 : index
      %parallel_loop3A_313 = tpu.vector_load %arg14[%parallel_loop3A_311, %parallel_loop3A_312] {strides = array<i32>} : memref<32x768xf32, #tpu.memory_space<vmem>>, vector<16xf32>,
      %parallel_loop3A_314 = arith.mulf %parallel_loop3A_313, %parallel_loop3A_128 : vector<16xf32>
      %parallel_loop3A_315 = arith.index_cast %parallel_loop3A_126 : i32 to index
      %parallel_loop3A_316 = arith.constant 240 : index
      %parallel_loop3A_317 = tpu.vector_load %arg15[%parallel_loop3A_315, %parallel_loop3A_316] {strides = array<i32>} : memref<32x768xf32, #tpu.memory_space<vmem>>, vector<16xf32>,
      %parallel_loop3A_318 = arith.mulf %parallel_loop3A_317, %parallel_loop3A_130 : vector<16xf32>
      %parallel_loop3A_319 = arith.addf %parallel_loop3A_314, %parallel_loop3A_318 : vector<16xf32>
      %parallel_loop3A_320 = arith.index_cast %parallel_loop3A_126 : i32 to index
      %parallel_loop3A_321 = arith.constant 240 : index
      %parallel_loop3A_322 = tpu.vector_load %arg14[%parallel_loop3A_320, %parallel_loop3A_321] {strides = array<i32>} : memref<32x768xf32, #tpu.memory_space<vmem>>, vector<16xf32>,
      tpu.vector_store %arg14[%parallel_loop3A_320, %parallel_loop3A_321], %parallel_loop3A_319 {strides = array<i32>} : memref<32x768xf32, #tpu.memory_space<vmem>>, vector<16xf32>,
      %parallel_loop3A_323 = arith.index_cast %parallel_loop3A_126 : i32 to index
      %parallel_loop3A_324 = arith.constant 256 : index
      %parallel_loop3A_325 = tpu.vector_load %arg14[%parallel_loop3A_323, %parallel_loop3A_324] {strides = array<i32>} : memref<32x768xf32, #tpu.memory_space<vmem>>, vector<16xf32>,
      %parallel_loop3A_326 = arith.mulf %parallel_loop3A_325, %parallel_loop3A_128 : vector<16xf32>
      %parallel_loop3A_327 = arith.index_cast %parallel_loop3A_126 : i32 to index
      %parallel_loop3A_328 = arith.constant 256 : index
      %parallel_loop3A_329 = tpu.vector_load %arg15[%parallel_loop3A_327, %parallel_loop3A_328] {strides = array<i32>} : memref<32x768xf32, #tpu.memory_space<vmem>>, vector<16xf32>,
      %parallel_loop3A_330 = arith.mulf %parallel_loop3A_329, %parallel_loop3A_130 : vector<16xf32>
      %parallel_loop3A_331 = arith.addf %parallel_loop3A_326, %parallel_loop3A_330 : vector<16xf32>
      %parallel_loop3A_332 = arith.index_cast %parallel_loop3A_126 : i32 to index
      %parallel_loop3A_333 = arith.constant 256 : index
      %parallel_loop3A_334 = tpu.vector_load %arg14[%parallel_loop3A_332, %parallel_loop3A_333] {strides = array<i32>} : memref<32x768xf32, #tpu.memory_space<vmem>>, vector<16xf32>,
      tpu.vector_store %arg14[%parallel_loop3A_332, %parallel_loop3A_333], %parallel_loop3A_331 {strides = array<i32>} : memref<32x768xf32, #tpu.memory_space<vmem>>, vector<16xf32>,
      %parallel_loop3A_335 = arith.index_cast %parallel_loop3A_126 : i32 to index
      %parallel_loop3A_336 = arith.constant 272 : index
      %parallel_loop3A_337 = tpu.vector_load %arg14[%parallel_loop3A_335, %parallel_loop3A_336] {strides = array<i32>} : memref<32x768xf32, #tpu.memory_space<vmem>>, vector<16xf32>,
      %parallel_loop3A_338 = arith.mulf %parallel_loop3A_337, %parallel_loop3A_128 : vector<16xf32>
      %parallel_loop3A_339 = arith.index_cast %parallel_loop3A_126 : i32 to index
      %parallel_loop3A_340 = arith.constant 272 : index
      %parallel_loop3A_341 = tpu.vector_load %arg15[%parallel_loop3A_339, %parallel_loop3A_340] {strides = array<i32>} : memref<32x768xf32, #tpu.memory_space<vmem>>, vector<16xf32>,
      %parallel_loop3A_342 = arith.mulf %parallel_loop3A_341, %parallel_loop3A_130 : vector<16xf32>
      %parallel_loop3A_343 = arith.addf %parallel_loop3A_338, %parallel_loop3A_342 : vector<16xf32>
      %parallel_loop3A_344 = arith.index_cast %parallel_loop3A_126 : i32 to index
      %parallel_loop3A_345 = arith.constant 272 : index
      %parallel_loop3A_346 = tpu.vector_load %arg14[%parallel_loop3A_344, %parallel_loop3A_345] {strides = array<i32>} : memref<32x768xf32, #tpu.memory_space<vmem>>, vector<16xf32>,
      tpu.vector_store %arg14[%parallel_loop3A_344, %parallel_loop3A_345], %parallel_loop3A_343 {strides = array<i32>} : memref<32x768xf32, #tpu.memory_space<vmem>>, vector<16xf32>,
      %parallel_loop3A_347 = arith.index_cast %parallel_loop3A_126 : i32 to index
      %parallel_loop3A_348 = arith.constant 288 : index
      %parallel_loop3A_349 = tpu.vector_load %arg14[%parallel_loop3A_347, %parallel_loop3A_348] {strides = array<i32>} : memref<32x768xf32, #tpu.memory_space<vmem>>, vector<16xf32>,
      %parallel_loop3A_350 = arith.mulf %parallel_loop3A_349, %parallel_loop3A_128 : vector<16xf32>
      %parallel_loop3A_351 = arith.index_cast %parallel_loop3A_126 : i32 to index
      %parallel_loop3A_352 = arith.constant 288 : index
      %parallel_loop3A_353 = tpu.vector_load %arg15[%parallel_loop3A_351, %parallel_loop3A_352] {strides = array<i32>} : memref<32x768xf32, #tpu.memory_space<vmem>>, vector<16xf32>,
      %parallel_loop3A_354 = arith.mulf %parallel_loop3A_353, %parallel_loop3A_130 : vector<16xf32>
      %parallel_loop3A_355 = arith.addf %parallel_loop3A_350, %parallel_loop3A_354 : vector<16xf32>
      %parallel_loop3A_356 = arith.index_cast %parallel_loop3A_126 : i32 to index
      %parallel_loop3A_357 = arith.constant 288 : index
      %parallel_loop3A_358 = tpu.vector_load %arg14[%parallel_loop3A_356, %parallel_loop3A_357] {strides = array<i32>} : memref<32x768xf32, #tpu.memory_space<vmem>>, vector<16xf32>,
      tpu.vector_store %arg14[%parallel_loop3A_356, %parallel_loop3A_357], %parallel_loop3A_355 {strides = array<i32>} : memref<32x768xf32, #tpu.memory_space<vmem>>, vector<16xf32>,
      %parallel_loop3A_359 = arith.index_cast %parallel_loop3A_126 : i32 to index
      %parallel_loop3A_360 = arith.constant 304 : index
      %parallel_loop3A_361 = tpu.vector_load %arg14[%parallel_loop3A_359, %parallel_loop3A_360] {strides = array<i32>} : memref<32x768xf32, #tpu.memory_space<vmem>>, vector<16xf32>,
      %parallel_loop3A_362 = arith.mulf %parallel_loop3A_361, %parallel_loop3A_128 : vector<16xf32>
      %parallel_loop3A_363 = arith.index_cast %parallel_loop3A_126 : i32 to index
      %parallel_loop3A_364 = arith.constant 304 : index
      %parallel_loop3A_365 = tpu.vector_load %arg15[%parallel_loop3A_363, %parallel_loop3A_364] {strides = array<i32>} : memref<32x768xf32, #tpu.memory_space<vmem>>, vector<16xf32>,
      %parallel_loop3A_366 = arith.mulf %parallel_loop3A_365, %parallel_loop3A_130 : vector<16xf32>
      %parallel_loop3A_367 = arith.addf %parallel_loop3A_362, %parallel_loop3A_366 : vector<16xf32>
      %parallel_loop3A_368 = arith.index_cast %parallel_loop3A_126 : i32 to index
      %parallel_loop3A_369 = arith.constant 304 : index
      %parallel_loop3A_370 = tpu.vector_load %arg14[%parallel_loop3A_368, %parallel_loop3A_369] {strides = array<i32>} : memref<32x768xf32, #tpu.memory_space<vmem>>, vector<16xf32>,
      tpu.vector_store %arg14[%parallel_loop3A_368, %parallel_loop3A_369], %parallel_loop3A_367 {strides = array<i32>} : memref<32x768xf32, #tpu.memory_space<vmem>>, vector<16xf32>,
      %parallel_loop3A_371 = arith.index_cast %parallel_loop3A_126 : i32 to index
      %parallel_loop3A_372 = arith.constant 320 : index
      %parallel_loop3A_373 = tpu.vector_load %arg14[%parallel_loop3A_371, %parallel_loop3A_372] {strides = array<i32>} : memref<32x768xf32, #tpu.memory_space<vmem>>, vector<16xf32>,
      %parallel_loop3A_374 = arith.mulf %parallel_loop3A_373, %parallel_loop3A_128 : vector<16xf32>
      %parallel_loop3A_375 = arith.index_cast %parallel_loop3A_126 : i32 to index
      %parallel_loop3A_376 = arith.constant 320 : index
      %parallel_loop3A_377 = tpu.vector_load %arg15[%parallel_loop3A_375, %parallel_loop3A_376] {strides = array<i32>} : memref<32x768xf32, #tpu.memory_space<vmem>>, vector<16xf32>,
      %parallel_loop3A_378 = arith.mulf %parallel_loop3A_377, %parallel_loop3A_130 : vector<16xf32>
      %parallel_loop3A_379 = arith.addf %parallel_loop3A_374, %parallel_loop3A_378 : vector<16xf32>
      %parallel_loop3A_380 = arith.index_cast %parallel_loop3A_126 : i32 to index
      %parallel_loop3A_381 = arith.constant 320 : index
      %parallel_loop3A_382 = tpu.vector_load %arg14[%parallel_loop3A_380, %parallel_loop3A_381] {strides = array<i32>} : memref<32x768xf32, #tpu.memory_space<vmem>>, vector<16xf32>,
      tpu.vector_store %arg14[%parallel_loop3A_380, %parallel_loop3A_381], %parallel_loop3A_379 {strides = array<i32>} : memref<32x768xf32, #tpu.memory_space<vmem>>, vector<16xf32>,
      %parallel_loop3A_383 = arith.index_cast %parallel_loop3A_126 : i32 to index
      %parallel_loop3A_384 = arith.constant 336 : index
      %parallel_loop3A_385 = tpu.vector_load %arg14[%parallel_loop3A_383, %parallel_loop3A_384] {strides = array<i32>} : memref<32x768xf32, #tpu.memory_space<vmem>>, vector<16xf32>,
      %parallel_loop3A_386 = arith.mulf %parallel_loop3A_385, %parallel_loop3A_128 : vector<16xf32>
      %parallel_loop3A_387 = arith.index_cast %parallel_loop3A_126 : i32 to index
      %parallel_loop3A_388 = arith.constant 336 : index
      %parallel_loop3A_389 = tpu.vector_load %arg15[%parallel_loop3A_387, %parallel_loop3A_388] {strides = array<i32>} : memref<32x768xf32, #tpu.memory_space<vmem>>, vector<16xf32>,
      %parallel_loop3A_390 = arith.mulf %parallel_loop3A_389, %parallel_loop3A_130 : vector<16xf32>
      %parallel_loop3A_391 = arith.addf %parallel_loop3A_386, %parallel_loop3A_390 : vector<16xf32>
      %parallel_loop3A_392 = arith.index_cast %parallel_loop3A_126 : i32 to index
      %parallel_loop3A_393 = arith.constant 336 : index
      %parallel_loop3A_394 = tpu.vector_load %arg14[%parallel_loop3A_392, %parallel_loop3A_393] {strides = array<i32>} : memref<32x768xf32, #tpu.memory_space<vmem>>, vector<16xf32>,
      tpu.vector_store %arg14[%parallel_loop3A_392, %parallel_loop3A_393], %parallel_loop3A_391 {strides = array<i32>} : memref<32x768xf32, #tpu.memory_space<vmem>>, vector<16xf32>,
      %parallel_loop3A_395 = arith.index_cast %parallel_loop3A_126 : i32 to index
      %parallel_loop3A_396 = arith.constant 352 : index
      %parallel_loop3A_397 = tpu.vector_load %arg14[%parallel_loop3A_395, %parallel_loop3A_396] {strides = array<i32>} : memref<32x768xf32, #tpu.memory_space<vmem>>, vector<16xf32>,
      %parallel_loop3A_398 = arith.mulf %parallel_loop3A_397, %parallel_loop3A_128 : vector<16xf32>
      %parallel_loop3A_399 = arith.index_cast %parallel_loop3A_126 : i32 to index
      %parallel_loop3A_400 = arith.constant 352 : index
      %parallel_loop3A_401 = tpu.vector_load %arg15[%parallel_loop3A_399, %parallel_loop3A_400] {strides = array<i32>} : memref<32x768xf32, #tpu.memory_space<vmem>>, vector<16xf32>,
      %parallel_loop3A_402 = arith.mulf %parallel_loop3A_401, %parallel_loop3A_130 : vector<16xf32>
      %parallel_loop3A_403 = arith.addf %parallel_loop3A_398, %parallel_loop3A_402 : vector<16xf32>
      %parallel_loop3A_404 = arith.index_cast %parallel_loop3A_126 : i32 to index
      %parallel_loop3A_405 = arith.constant 352 : index
      %parallel_loop3A_406 = tpu.vector_load %arg14[%parallel_loop3A_404, %parallel_loop3A_405] {strides = array<i32>} : memref<32x768xf32, #tpu.memory_space<vmem>>, vector<16xf32>,
      tpu.vector_store %arg14[%parallel_loop3A_404, %parallel_loop3A_405], %parallel_loop3A_403 {strides = array<i32>} : memref<32x768xf32, #tpu.memory_space<vmem>>, vector<16xf32>,
      %parallel_loop3A_407 = arith.index_cast %parallel_loop3A_126 : i32 to index
      %parallel_loop3A_408 = arith.constant 368 : index
      %parallel_loop3A_409 = tpu.vector_load %arg14[%parallel_loop3A_407, %parallel_loop3A_408] {strides = array<i32>} : memref<32x768xf32, #tpu.memory_space<vmem>>, vector<16xf32>,
      %parallel_loop3A_410 = arith.mulf %parallel_loop3A_409, %parallel_loop3A_128 : vector<16xf32>
      %parallel_loop3A_411 = arith.index_cast %parallel_loop3A_126 : i32 to index
      %parallel_loop3A_412 = arith.constant 368 : index
      %parallel_loop3A_413 = tpu.vector_load %arg15[%parallel_loop3A_411, %parallel_loop3A_412] {strides = array<i32>} : memref<32x768xf32, #tpu.memory_space<vmem>>, vector<16xf32>,
      %parallel_loop3A_414 = arith.mulf %parallel_loop3A_413, %parallel_loop3A_130 : vector<16xf32>
      %parallel_loop3A_415 = arith.addf %parallel_loop3A_410, %parallel_loop3A_414 : vector<16xf32>
      %parallel_loop3A_416 = arith.index_cast %parallel_loop3A_126 : i32 to index
      %parallel_loop3A_417 = arith.constant 368 : index
      %parallel_loop3A_418 = tpu.vector_load %arg14[%parallel_loop3A_416, %parallel_loop3A_417] {strides = array<i32>} : memref<32x768xf32, #tpu.memory_space<vmem>>, vector<16xf32>,
      tpu.vector_store %arg14[%parallel_loop3A_416, %parallel_loop3A_417], %parallel_loop3A_415 {strides = array<i32>} : memref<32x768xf32, #tpu.memory_space<vmem>>, vector<16xf32>,
      %parallel_loop3A_419 = arith.index_cast %parallel_loop3A_126 : i32 to index
      %parallel_loop3A_420 = arith.constant 384 : index
      %parallel_loop3A_421 = tpu.vector_load %arg14[%parallel_loop3A_419, %parallel_loop3A_420] {strides = array<i32>} : memref<32x768xf32, #tpu.memory_space<vmem>>, vector<16xf32>,
      %parallel_loop3A_422 = arith.mulf %parallel_loop3A_421, %parallel_loop3A_128 : vector<16xf32>
      %parallel_loop3A_423 = arith.index_cast %parallel_loop3A_126 : i32 to index
      %parallel_loop3A_424 = arith.constant 384 : index
      %parallel_loop3A_425 = tpu.vector_load %arg15[%parallel_loop3A_423, %parallel_loop3A_424] {strides = array<i32>} : memref<32x768xf32, #tpu.memory_space<vmem>>, vector<16xf32>,
      %parallel_loop3A_426 = arith.mulf %parallel_loop3A_425, %parallel_loop3A_130 : vector<16xf32>
      %parallel_loop3A_427 = arith.addf %parallel_loop3A_422, %parallel_loop3A_426 : vector<16xf32>
      %parallel_loop3A_428 = arith.index_cast %parallel_loop3A_126 : i32 to index
      %parallel_loop3A_429 = arith.constant 384 : index
      %parallel_loop3A_430 = tpu.vector_load %arg14[%parallel_loop3A_428, %parallel_loop3A_429] {strides = array<i32>} : memref<32x768xf32, #tpu.memory_space<vmem>>, vector<16xf32>,
      tpu.vector_store %arg14[%parallel_loop3A_428, %parallel_loop3A_429], %parallel_loop3A_427 {strides = array<i32>} : memref<32x768xf32, #tpu.memory_space<vmem>>, vector<16xf32>,
      %parallel_loop3A_431 = arith.index_cast %parallel_loop3A_126 : i32 to index
      %parallel_loop3A_432 = arith.constant 400 : index
      %parallel_loop3A_433 = tpu.vector_load %arg14[%parallel_loop3A_431, %parallel_loop3A_432] {strides = array<i32>} : memref<32x768xf32, #tpu.memory_space<vmem>>, vector<16xf32>,
      %parallel_loop3A_434 = arith.mulf %parallel_loop3A_433, %parallel_loop3A_128 : vector<16xf32>
      %parallel_loop3A_435 = arith.index_cast %parallel_loop3A_126 : i32 to index
      %parallel_loop3A_436 = arith.constant 400 : index
      %parallel_loop3A_437 = tpu.vector_load %arg15[%parallel_loop3A_435, %parallel_loop3A_436] {strides = array<i32>} : memref<32x768xf32, #tpu.memory_space<vmem>>, vector<16xf32>,
      %parallel_loop3A_438 = arith.mulf %parallel_loop3A_437, %parallel_loop3A_130 : vector<16xf32>
      %parallel_loop3A_439 = arith.addf %parallel_loop3A_434, %parallel_loop3A_438 : vector<16xf32>
      %parallel_loop3A_440 = arith.index_cast %parallel_loop3A_126 : i32 to index
      %parallel_loop3A_441 = arith.constant 400 : index
      %parallel_loop3A_442 = tpu.vector_load %arg14[%parallel_loop3A_440, %parallel_loop3A_441] {strides = array<i32>} : memref<32x768xf32, #tpu.memory_space<vmem>>, vector<16xf32>,
      tpu.vector_store %arg14[%parallel_loop3A_440, %parallel_loop3A_441], %parallel_loop3A_439 {strides = array<i32>} : memref<32x768xf32, #tpu.memory_space<vmem>>, vector<16xf32>,
      %parallel_loop3A_443 = arith.index_cast %parallel_loop3A_126 : i32 to index
      %parallel_loop3A_444 = arith.constant 416 : index
      %parallel_loop3A_445 = tpu.vector_load %arg14[%parallel_loop3A_443, %parallel_loop3A_444] {strides = array<i32>} : memref<32x768xf32, #tpu.memory_space<vmem>>, vector<16xf32>,
      %parallel_loop3A_446 = arith.mulf %parallel_loop3A_445, %parallel_loop3A_128 : vector<16xf32>
      %parallel_loop3A_447 = arith.index_cast %parallel_loop3A_126 : i32 to index
      %parallel_loop3A_448 = arith.constant 416 : index
      %parallel_loop3A_449 = tpu.vector_load %arg15[%parallel_loop3A_447, %parallel_loop3A_448] {strides = array<i32>} : memref<32x768xf32, #tpu.memory_space<vmem>>, vector<16xf32>,
      %parallel_loop3A_450 = arith.mulf %parallel_loop3A_449, %parallel_loop3A_130 : vector<16xf32>
      %parallel_loop3A_451 = arith.addf %parallel_loop3A_446, %parallel_loop3A_450 : vector<16xf32>
      %parallel_loop3A_452 = arith.index_cast %parallel_loop3A_126 : i32 to index
      %parallel_loop3A_453 = arith.constant 416 : index
      %parallel_loop3A_454 = tpu.vector_load %arg14[%parallel_loop3A_452, %parallel_loop3A_453] {strides = array<i32>} : memref<32x768xf32, #tpu.memory_space<vmem>>, vector<16xf32>,
      tpu.vector_store %arg14[%parallel_loop3A_452, %parallel_loop3A_453], %parallel_loop3A_451 {strides = array<i32>} : memref<32x768xf32, #tpu.memory_space<vmem>>, vector<16xf32>,
      %parallel_loop3A_455 = arith.index_cast %parallel_loop3A_126 : i32 to index
      %parallel_loop3A_456 = arith.constant 432 : index
      %parallel_loop3A_457 = tpu.vector_load %arg14[%parallel_loop3A_455, %parallel_loop3A_456] {strides = array<i32>} : memref<32x768xf32, #tpu.memory_space<vmem>>, vector<16xf32>,
      %parallel_loop3A_458 = arith.mulf %parallel_loop3A_457, %parallel_loop3A_128 : vector<16xf32>
      %parallel_loop3A_459 = arith.index_cast %parallel_loop3A_126 : i32 to index
      %parallel_loop3A_460 = arith.constant 432 : index
      %parallel_loop3A_461 = tpu.vector_load %arg15[%parallel_loop3A_459, %parallel_loop3A_460] {strides = array<i32>} : memref<32x768xf32, #tpu.memory_space<vmem>>, vector<16xf32>,
      %parallel_loop3A_462 = arith.mulf %parallel_loop3A_461, %parallel_loop3A_130 : vector<16xf32>
      %parallel_loop3A_463 = arith.addf %parallel_loop3A_458, %parallel_loop3A_462 : vector<16xf32>
      %parallel_loop3A_464 = arith.index_cast %parallel_loop3A_126 : i32 to index
      %parallel_loop3A_465 = arith.constant 432 : index
      %parallel_loop3A_466 = tpu.vector_load %arg14[%parallel_loop3A_464, %parallel_loop3A_465] {strides = array<i32>} : memref<32x768xf32, #tpu.memory_space<vmem>>, vector<16xf32>,
      tpu.vector_store %arg14[%parallel_loop3A_464, %parallel_loop3A_465], %parallel_loop3A_463 {strides = array<i32>} : memref<32x768xf32, #tpu.memory_space<vmem>>, vector<16xf32>,
      %parallel_loop3A_467 = arith.index_cast %parallel_loop3A_126 : i32 to index
      %parallel_loop3A_468 = arith.constant 448 : index
      %parallel_loop3A_469 = tpu.vector_load %arg14[%parallel_loop3A_467, %parallel_loop3A_468] {strides = array<i32>} : memref<32x768xf32, #tpu.memory_space<vmem>>, vector<16xf32>,
      %parallel_loop3A_470 = arith.mulf %parallel_loop3A_469, %parallel_loop3A_128 : vector<16xf32>
      %parallel_loop3A_471 = arith.index_cast %parallel_loop3A_126 : i32 to index
      %parallel_loop3A_472 = arith.constant 448 : index
      %parallel_loop3A_473 = tpu.vector_load %arg15[%parallel_loop3A_471, %parallel_loop3A_472] {strides = array<i32>} : memref<32x768xf32, #tpu.memory_space<vmem>>, vector<16xf32>,
      %parallel_loop3A_474 = arith.mulf %parallel_loop3A_473, %parallel_loop3A_130 : vector<16xf32>
      %parallel_loop3A_475 = arith.addf %parallel_loop3A_470, %parallel_loop3A_474 : vector<16xf32>
      %parallel_loop3A_476 = arith.index_cast %parallel_loop3A_126 : i32 to index
      %parallel_loop3A_477 = arith.constant 448 : index
      %parallel_loop3A_478 = tpu.vector_load %arg14[%parallel_loop3A_476, %parallel_loop3A_477] {strides = array<i32>} : memref<32x768xf32, #tpu.memory_space<vmem>>, vector<16xf32>,
      tpu.vector_store %arg14[%parallel_loop3A_476, %parallel_loop3A_477], %parallel_loop3A_475 {strides = array<i32>} : memref<32x768xf32, #tpu.memory_space<vmem>>, vector<16xf32>,
      %parallel_loop3A_479 = arith.index_cast %parallel_loop3A_126 : i32 to index
      %parallel_loop3A_480 = arith.constant 464 : index
      %parallel_loop3A_481 = tpu.vector_load %arg14[%parallel_loop3A_479, %parallel_loop3A_480] {strides = array<i32>} : memref<32x768xf32, #tpu.memory_space<vmem>>, vector<16xf32>,
      %parallel_loop3A_482 = arith.mulf %parallel_loop3A_481, %parallel_loop3A_128 : vector<16xf32>
      %parallel_loop3A_483 = arith.index_cast %parallel_loop3A_126 : i32 to index
      %parallel_loop3A_484 = arith.constant 464 : index
      %parallel_loop3A_485 = tpu.vector_load %arg15[%parallel_loop3A_483, %parallel_loop3A_484] {strides = array<i32>} : memref<32x768xf32, #tpu.memory_space<vmem>>, vector<16xf32>,
      %parallel_loop3A_486 = arith.mulf %parallel_loop3A_485, %parallel_loop3A_130 : vector<16xf32>
      %parallel_loop3A_487 = arith.addf %parallel_loop3A_482, %parallel_loop3A_486 : vector<16xf32>
      %parallel_loop3A_488 = arith.index_cast %parallel_loop3A_126 : i32 to index
      %parallel_loop3A_489 = arith.constant 464 : index
      %parallel_loop3A_490 = tpu.vector_load %arg14[%parallel_loop3A_488, %parallel_loop3A_489] {strides = array<i32>} : memref<32x768xf32, #tpu.memory_space<vmem>>, vector<16xf32>,
      tpu.vector_store %arg14[%parallel_loop3A_488, %parallel_loop3A_489], %parallel_loop3A_487 {strides = array<i32>} : memref<32x768xf32, #tpu.memory_space<vmem>>, vector<16xf32>,
      %parallel_loop3A_491 = arith.index_cast %parallel_loop3A_126 : i32 to index
      %parallel_loop3A_492 = arith.constant 480 : index
      %parallel_loop3A_493 = tpu.vector_load %arg14[%parallel_loop3A_491, %parallel_loop3A_492] {strides = array<i32>} : memref<32x768xf32, #tpu.memory_space<vmem>>, vector<16xf32>,
      %parallel_loop3A_494 = arith.mulf %parallel_loop3A_493, %parallel_loop3A_128 : vector<16xf32>
      %parallel_loop3A_495 = arith.index_cast %parallel_loop3A_126 : i32 to index
      %parallel_loop3A_496 = arith.constant 480 : index
      %parallel_loop3A_497 = tpu.vector_load %arg15[%parallel_loop3A_495, %parallel_loop3A_496] {strides = array<i32>} : memref<32x768xf32, #tpu.memory_space<vmem>>, vector<16xf32>,
      %parallel_loop3A_498 = arith.mulf %parallel_loop3A_497, %parallel_loop3A_130 : vector<16xf32>
      %parallel_loop3A_499 = arith.addf %parallel_loop3A_494, %parallel_loop3A_498 : vector<16xf32>
      %parallel_loop3A_500 = arith.index_cast %parallel_loop3A_126 : i32 to index
      %parallel_loop3A_501 = arith.constant 480 : index
      %parallel_loop3A_502 = tpu.vector_load %arg14[%parallel_loop3A_500, %parallel_loop3A_501] {strides = array<i32>} : memref<32x768xf32, #tpu.memory_space<vmem>>, vector<16xf32>,
      tpu.vector_store %arg14[%parallel_loop3A_500, %parallel_loop3A_501], %parallel_loop3A_499 {strides = array<i32>} : memref<32x768xf32, #tpu.memory_space<vmem>>, vector<16xf32>,
      %parallel_loop3A_503 = arith.index_cast %parallel_loop3A_126 : i32 to index
      %parallel_loop3A_504 = arith.constant 496 : index
      %parallel_loop3A_505 = tpu.vector_load %arg14[%parallel_loop3A_503, %parallel_loop3A_504] {strides = array<i32>} : memref<32x768xf32, #tpu.memory_space<vmem>>, vector<16xf32>,
      %parallel_loop3A_506 = arith.mulf %parallel_loop3A_505, %parallel_loop3A_128 : vector<16xf32>
      %parallel_loop3A_507 = arith.index_cast %parallel_loop3A_126 : i32 to index
      %parallel_loop3A_508 = arith.constant 496 : index
      %parallel_loop3A_509 = tpu.vector_load %arg15[%parallel_loop3A_507, %parallel_loop3A_508] {strides = array<i32>} : memref<32x768xf32, #tpu.memory_space<vmem>>, vector<16xf32>,
      %parallel_loop3A_510 = arith.mulf %parallel_loop3A_509, %parallel_loop3A_130 : vector<16xf32>
      %parallel_loop3A_511 = arith.addf %parallel_loop3A_506, %parallel_loop3A_510 : vector<16xf32>
      %parallel_loop3A_512 = arith.index_cast %parallel_loop3A_126 : i32 to index
      %parallel_loop3A_513 = arith.constant 496 : index
      %parallel_loop3A_514 = tpu.vector_load %arg14[%parallel_loop3A_512, %parallel_loop3A_513] {strides = array<i32>} : memref<32x768xf32, #tpu.memory_space<vmem>>, vector<16xf32>,
      tpu.vector_store %arg14[%parallel_loop3A_512, %parallel_loop3A_513], %parallel_loop3A_511 {strides = array<i32>} : memref<32x768xf32, #tpu.memory_space<vmem>>, vector<16xf32>,
      %parallel_loop3A_515 = arith.index_cast %parallel_loop3A_126 : i32 to index
      %parallel_loop3A_516 = arith.constant 512 : index
      %parallel_loop3A_517 = tpu.vector_load %arg14[%parallel_loop3A_515, %parallel_loop3A_516] {strides = array<i32>} : memref<32x768xf32, #tpu.memory_space<vmem>>, vector<16xf32>,
      %parallel_loop3A_518 = arith.mulf %parallel_loop3A_517, %parallel_loop3A_128 : vector<16xf32>
      %parallel_loop3A_519 = arith.index_cast %parallel_loop3A_126 : i32 to index
      %parallel_loop3A_520 = arith.constant 512 : index
      %parallel_loop3A_521 = tpu.vector_load %arg15[%parallel_loop3A_519, %parallel_loop3A_520] {strides = array<i32>} : memref<32x768xf32, #tpu.memory_space<vmem>>, vector<16xf32>,
      %parallel_loop3A_522 = arith.mulf %parallel_loop3A_521, %parallel_loop3A_130 : vector<16xf32>
      %parallel_loop3A_523 = arith.addf %parallel_loop3A_518, %parallel_loop3A_522 : vector<16xf32>
      %parallel_loop3A_524 = arith.index_cast %parallel_loop3A_126 : i32 to index
      %parallel_loop3A_525 = arith.constant 512 : index
      %parallel_loop3A_526 = tpu.vector_load %arg14[%parallel_loop3A_524, %parallel_loop3A_525] {strides = array<i32>} : memref<32x768xf32, #tpu.memory_space<vmem>>, vector<16xf32>,
      tpu.vector_store %arg14[%parallel_loop3A_524, %parallel_loop3A_525], %parallel_loop3A_523 {strides = array<i32>} : memref<32x768xf32, #tpu.memory_space<vmem>>, vector<16xf32>,
      %parallel_loop3A_527 = arith.index_cast %parallel_loop3A_126 : i32 to index
      %parallel_loop3A_528 = arith.constant 528 : index
      %parallel_loop3A_529 = tpu.vector_load %arg14[%parallel_loop3A_527, %parallel_loop3A_528] {strides = array<i32>} : memref<32x768xf32, #tpu.memory_space<vmem>>, vector<16xf32>,
      %parallel_loop3A_530 = arith.mulf %parallel_loop3A_529, %parallel_loop3A_128 : vector<16xf32>
      %parallel_loop3A_531 = arith.index_cast %parallel_loop3A_126 : i32 to index
      %parallel_loop3A_532 = arith.constant 528 : index
      %parallel_loop3A_533 = tpu.vector_load %arg15[%parallel_loop3A_531, %parallel_loop3A_532] {strides = array<i32>} : memref<32x768xf32, #tpu.memory_space<vmem>>, vector<16xf32>,
      %parallel_loop3A_534 = arith.mulf %parallel_loop3A_533, %parallel_loop3A_130 : vector<16xf32>
      %parallel_loop3A_535 = arith.addf %parallel_loop3A_530, %parallel_loop3A_534 : vector<16xf32>
      %parallel_loop3A_536 = arith.index_cast %parallel_loop3A_126 : i32 to index
      %parallel_loop3A_537 = arith.constant 528 : index
      %parallel_loop3A_538 = tpu.vector_load %arg14[%parallel_loop3A_536, %parallel_loop3A_537] {strides = array<i32>} : memref<32x768xf32, #tpu.memory_space<vmem>>, vector<16xf32>,
      tpu.vector_store %arg14[%parallel_loop3A_536, %parallel_loop3A_537], %parallel_loop3A_535 {strides = array<i32>} : memref<32x768xf32, #tpu.memory_space<vmem>>, vector<16xf32>,
      %parallel_loop3A_539 = arith.index_cast %parallel_loop3A_126 : i32 to index
      %parallel_loop3A_540 = arith.constant 544 : index
      %parallel_loop3A_541 = tpu.vector_load %arg14[%parallel_loop3A_539, %parallel_loop3A_540] {strides = array<i32>} : memref<32x768xf32, #tpu.memory_space<vmem>>, vector<16xf32>,
      %parallel_loop3A_542 = arith.mulf %parallel_loop3A_541, %parallel_loop3A_128 : vector<16xf32>
      %parallel_loop3A_543 = arith.index_cast %parallel_loop3A_126 : i32 to index
      %parallel_loop3A_544 = arith.constant 544 : index
      %parallel_loop3A_545 = tpu.vector_load %arg15[%parallel_loop3A_543, %parallel_loop3A_544] {strides = array<i32>} : memref<32x768xf32, #tpu.memory_space<vmem>>, vector<16xf32>,
      %parallel_loop3A_546 = arith.mulf %parallel_loop3A_545, %parallel_loop3A_130 : vector<16xf32>
      %parallel_loop3A_547 = arith.addf %parallel_loop3A_542, %parallel_loop3A_546 : vector<16xf32>
      %parallel_loop3A_548 = arith.index_cast %parallel_loop3A_126 : i32 to index
      %parallel_loop3A_549 = arith.constant 544 : index
      %parallel_loop3A_550 = tpu.vector_load %arg14[%parallel_loop3A_548, %parallel_loop3A_549] {strides = array<i32>} : memref<32x768xf32, #tpu.memory_space<vmem>>, vector<16xf32>,
      tpu.vector_store %arg14[%parallel_loop3A_548, %parallel_loop3A_549], %parallel_loop3A_547 {strides = array<i32>} : memref<32x768xf32, #tpu.memory_space<vmem>>, vector<16xf32>,
      %parallel_loop3A_551 = arith.index_cast %parallel_loop3A_126 : i32 to index
      %parallel_loop3A_552 = arith.constant 560 : index
      %parallel_loop3A_553 = tpu.vector_load %arg14[%parallel_loop3A_551, %parallel_loop3A_552] {strides = array<i32>} : memref<32x768xf32, #tpu.memory_space<vmem>>, vector<16xf32>,
      %parallel_loop3A_554 = arith.mulf %parallel_loop3A_553, %parallel_loop3A_128 : vector<16xf32>
      %parallel_loop3A_555 = arith.index_cast %parallel_loop3A_126 : i32 to index
      %parallel_loop3A_556 = arith.constant 560 : index
      %parallel_loop3A_557 = tpu.vector_load %arg15[%parallel_loop3A_555, %parallel_loop3A_556] {strides = array<i32>} : memref<32x768xf32, #tpu.memory_space<vmem>>, vector<16xf32>,
      %parallel_loop3A_558 = arith.mulf %parallel_loop3A_557, %parallel_loop3A_130 : vector<16xf32>
      %parallel_loop3A_559 = arith.addf %parallel_loop3A_554, %parallel_loop3A_558 : vector<16xf32>
      %parallel_loop3A_560 = arith.index_cast %parallel_loop3A_126 : i32 to index
      %parallel_loop3A_561 = arith.constant 560 : index
      %parallel_loop3A_562 = tpu.vector_load %arg14[%parallel_loop3A_560, %parallel_loop3A_561] {strides = array<i32>} : memref<32x768xf32, #tpu.memory_space<vmem>>, vector<16xf32>,
      tpu.vector_store %arg14[%parallel_loop3A_560, %parallel_loop3A_561], %parallel_loop3A_559 {strides = array<i32>} : memref<32x768xf32, #tpu.memory_space<vmem>>, vector<16xf32>,
      %parallel_loop3A_563 = arith.index_cast %parallel_loop3A_126 : i32 to index
      %parallel_loop3A_564 = arith.constant 576 : index
      %parallel_loop3A_565 = tpu.vector_load %arg14[%parallel_loop3A_563, %parallel_loop3A_564] {strides = array<i32>} : memref<32x768xf32, #tpu.memory_space<vmem>>, vector<16xf32>,
      %parallel_loop3A_566 = arith.mulf %parallel_loop3A_565, %parallel_loop3A_128 : vector<16xf32>
      %parallel_loop3A_567 = arith.index_cast %parallel_loop3A_126 : i32 to index
      %parallel_loop3A_568 = arith.constant 576 : index
      %parallel_loop3A_569 = tpu.vector_load %arg15[%parallel_loop3A_567, %parallel_loop3A_568] {strides = array<i32>} : memref<32x768xf32, #tpu.memory_space<vmem>>, vector<16xf32>,
      %parallel_loop3A_570 = arith.mulf %parallel_loop3A_569, %parallel_loop3A_130 : vector<16xf32>
      %parallel_loop3A_571 = arith.addf %parallel_loop3A_566, %parallel_loop3A_570 : vector<16xf32>
      %parallel_loop3A_572 = arith.index_cast %parallel_loop3A_126 : i32 to index
      %parallel_loop3A_573 = arith.constant 576 : index
      %parallel_loop3A_574 = tpu.vector_load %arg14[%parallel_loop3A_572, %parallel_loop3A_573] {strides = array<i32>} : memref<32x768xf32, #tpu.memory_space<vmem>>, vector<16xf32>,
      tpu.vector_store %arg14[%parallel_loop3A_572, %parallel_loop3A_573], %parallel_loop3A_571 {strides = array<i32>} : memref<32x768xf32, #tpu.memory_space<vmem>>, vector<16xf32>,
      %parallel_loop3A_575 = arith.index_cast %parallel_loop3A_126 : i32 to index
      %parallel_loop3A_576 = arith.constant 592 : index
      %parallel_loop3A_577 = tpu.vector_load %arg14[%parallel_loop3A_575, %parallel_loop3A_576] {strides = array<i32>} : memref<32x768xf32, #tpu.memory_space<vmem>>, vector<16xf32>,
      %parallel_loop3A_578 = arith.mulf %parallel_loop3A_577, %parallel_loop3A_128 : vector<16xf32>
      %parallel_loop3A_579 = arith.index_cast %parallel_loop3A_126 : i32 to index
      %parallel_loop3A_580 = arith.constant 592 : index
      %parallel_loop3A_581 = tpu.vector_load %arg15[%parallel_loop3A_579, %parallel_loop3A_580] {strides = array<i32>} : memref<32x768xf32, #tpu.memory_space<vmem>>, vector<16xf32>,
      %parallel_loop3A_582 = arith.mulf %parallel_loop3A_581, %parallel_loop3A_130 : vector<16xf32>
      %parallel_loop3A_583 = arith.addf %parallel_loop3A_578, %parallel_loop3A_582 : vector<16xf32>
      %parallel_loop3A_584 = arith.index_cast %parallel_loop3A_126 : i32 to index
      %parallel_loop3A_585 = arith.constant 592 : index
      %parallel_loop3A_586 = tpu.vector_load %arg14[%parallel_loop3A_584, %parallel_loop3A_585] {strides = array<i32>} : memref<32x768xf32, #tpu.memory_space<vmem>>, vector<16xf32>,
      tpu.vector_store %arg14[%parallel_loop3A_584, %parallel_loop3A_585], %parallel_loop3A_583 {strides = array<i32>} : memref<32x768xf32, #tpu.memory_space<vmem>>, vector<16xf32>,
      %parallel_loop3A_587 = arith.index_cast %parallel_loop3A_126 : i32 to index
      %parallel_loop3A_588 = arith.constant 608 : index
      %parallel_loop3A_589 = tpu.vector_load %arg14[%parallel_loop3A_587, %parallel_loop3A_588] {strides = array<i32>} : memref<32x768xf32, #tpu.memory_space<vmem>>, vector<16xf32>,
      %parallel_loop3A_590 = arith.mulf %parallel_loop3A_589, %parallel_loop3A_128 : vector<16xf32>
      %parallel_loop3A_591 = arith.index_cast %parallel_loop3A_126 : i32 to index
      %parallel_loop3A_592 = arith.constant 608 : index
      %parallel_loop3A_593 = tpu.vector_load %arg15[%parallel_loop3A_591, %parallel_loop3A_592] {strides = array<i32>} : memref<32x768xf32, #tpu.memory_space<vmem>>, vector<16xf32>,
      %parallel_loop3A_594 = arith.mulf %parallel_loop3A_593, %parallel_loop3A_130 : vector<16xf32>
      %parallel_loop3A_595 = arith.addf %parallel_loop3A_590, %parallel_loop3A_594 : vector<16xf32>
      %parallel_loop3A_596 = arith.index_cast %parallel_loop3A_126 : i32 to index
      %parallel_loop3A_597 = arith.constant 608 : index
      %parallel_loop3A_598 = tpu.vector_load %arg14[%parallel_loop3A_596, %parallel_loop3A_597] {strides = array<i32>} : memref<32x768xf32, #tpu.memory_space<vmem>>, vector<16xf32>,
      tpu.vector_store %arg14[%parallel_loop3A_596, %parallel_loop3A_597], %parallel_loop3A_595 {strides = array<i32>} : memref<32x768xf32, #tpu.memory_space<vmem>>, vector<16xf32>,
      %parallel_loop3A_599 = arith.index_cast %parallel_loop3A_126 : i32 to index
      %parallel_loop3A_600 = arith.constant 624 : index
      %parallel_loop3A_601 = tpu.vector_load %arg14[%parallel_loop3A_599, %parallel_loop3A_600] {strides = array<i32>} : memref<32x768xf32, #tpu.memory_space<vmem>>, vector<16xf32>,
      %parallel_loop3A_602 = arith.mulf %parallel_loop3A_601, %parallel_loop3A_128 : vector<16xf32>
      %parallel_loop3A_603 = arith.index_cast %parallel_loop3A_126 : i32 to index
      %parallel_loop3A_604 = arith.constant 624 : index
      %parallel_loop3A_605 = tpu.vector_load %arg15[%parallel_loop3A_603, %parallel_loop3A_604] {strides = array<i32>} : memref<32x768xf32, #tpu.memory_space<vmem>>, vector<16xf32>,
      %parallel_loop3A_606 = arith.mulf %parallel_loop3A_605, %parallel_loop3A_130 : vector<16xf32>
      %parallel_loop3A_607 = arith.addf %parallel_loop3A_602, %parallel_loop3A_606 : vector<16xf32>
      %parallel_loop3A_608 = arith.index_cast %parallel_loop3A_126 : i32 to index
      %parallel_loop3A_609 = arith.constant 624 : index
      %parallel_loop3A_610 = tpu.vector_load %arg14[%parallel_loop3A_608, %parallel_loop3A_609] {strides = array<i32>} : memref<32x768xf32, #tpu.memory_space<vmem>>, vector<16xf32>,
      tpu.vector_store %arg14[%parallel_loop3A_608, %parallel_loop3A_609], %parallel_loop3A_607 {strides = array<i32>} : memref<32x768xf32, #tpu.memory_space<vmem>>, vector<16xf32>,
      %parallel_loop3A_611 = arith.index_cast %parallel_loop3A_126 : i32 to index
      %parallel_loop3A_612 = arith.constant 640 : index
      %parallel_loop3A_613 = tpu.vector_load %arg14[%parallel_loop3A_611, %parallel_loop3A_612] {strides = array<i32>} : memref<32x768xf32, #tpu.memory_space<vmem>>, vector<16xf32>,
      %parallel_loop3A_614 = arith.mulf %parallel_loop3A_613, %parallel_loop3A_128 : vector<16xf32>
      %parallel_loop3A_615 = arith.index_cast %parallel_loop3A_126 : i32 to index
      %parallel_loop3A_616 = arith.constant 640 : index
      %parallel_loop3A_617 = tpu.vector_load %arg15[%parallel_loop3A_615, %parallel_loop3A_616] {strides = array<i32>} : memref<32x768xf32, #tpu.memory_space<vmem>>, vector<16xf32>,
      %parallel_loop3A_618 = arith.mulf %parallel_loop3A_617, %parallel_loop3A_130 : vector<16xf32>
      %parallel_loop3A_619 = arith.addf %parallel_loop3A_614, %parallel_loop3A_618 : vector<16xf32>
      %parallel_loop3A_620 = arith.index_cast %parallel_loop3A_126 : i32 to index
      %parallel_loop3A_621 = arith.constant 640 : index
      %parallel_loop3A_622 = tpu.vector_load %arg14[%parallel_loop3A_620, %parallel_loop3A_621] {strides = array<i32>} : memref<32x768xf32, #tpu.memory_space<vmem>>, vector<16xf32>,
      tpu.vector_store %arg14[%parallel_loop3A_620, %parallel_loop3A_621], %parallel_loop3A_619 {strides = array<i32>} : memref<32x768xf32, #tpu.memory_space<vmem>>, vector<16xf32>,
      %parallel_loop3A_623 = arith.index_cast %parallel_loop3A_126 : i32 to index
      %parallel_loop3A_624 = arith.constant 656 : index
      %parallel_loop3A_625 = tpu.vector_load %arg14[%parallel_loop3A_623, %parallel_loop3A_624] {strides = array<i32>} : memref<32x768xf32, #tpu.memory_space<vmem>>, vector<16xf32>,
      %parallel_loop3A_626 = arith.mulf %parallel_loop3A_625, %parallel_loop3A_128 : vector<16xf32>
      %parallel_loop3A_627 = arith.index_cast %parallel_loop3A_126 : i32 to index
      %parallel_loop3A_628 = arith.constant 656 : index
      %parallel_loop3A_629 = tpu.vector_load %arg15[%parallel_loop3A_627, %parallel_loop3A_628] {strides = array<i32>} : memref<32x768xf32, #tpu.memory_space<vmem>>, vector<16xf32>,
      %parallel_loop3A_630 = arith.mulf %parallel_loop3A_629, %parallel_loop3A_130 : vector<16xf32>
      %parallel_loop3A_631 = arith.addf %parallel_loop3A_626, %parallel_loop3A_630 : vector<16xf32>
      %parallel_loop3A_632 = arith.index_cast %parallel_loop3A_126 : i32 to index
      %parallel_loop3A_633 = arith.constant 656 : index
      %parallel_loop3A_634 = tpu.vector_load %arg14[%parallel_loop3A_632, %parallel_loop3A_633] {strides = array<i32>} : memref<32x768xf32, #tpu.memory_space<vmem>>, vector<16xf32>,
      tpu.vector_store %arg14[%parallel_loop3A_632, %parallel_loop3A_633], %parallel_loop3A_631 {strides = array<i32>} : memref<32x768xf32, #tpu.memory_space<vmem>>, vector<16xf32>,
      %parallel_loop3A_635 = arith.index_cast %parallel_loop3A_126 : i32 to index
      %parallel_loop3A_636 = arith.constant 672 : index
      %parallel_loop3A_637 = tpu.vector_load %arg14[%parallel_loop3A_635, %parallel_loop3A_636] {strides = array<i32>} : memref<32x768xf32, #tpu.memory_space<vmem>>, vector<16xf32>,
      %parallel_loop3A_638 = arith.mulf %parallel_loop3A_637, %parallel_loop3A_128 : vector<16xf32>
      %parallel_loop3A_639 = arith.index_cast %parallel_loop3A_126 : i32 to index
      %parallel_loop3A_640 = arith.constant 672 : index
      %parallel_loop3A_641 = tpu.vector_load %arg15[%parallel_loop3A_639, %parallel_loop3A_640] {strides = array<i32>} : memref<32x768xf32, #tpu.memory_space<vmem>>, vector<16xf32>,
      %parallel_loop3A_642 = arith.mulf %parallel_loop3A_641, %parallel_loop3A_130 : vector<16xf32>
      %parallel_loop3A_643 = arith.addf %parallel_loop3A_638, %parallel_loop3A_642 : vector<16xf32>
      %parallel_loop3A_644 = arith.index_cast %parallel_loop3A_126 : i32 to index
      %parallel_loop3A_645 = arith.constant 672 : index
      %parallel_loop3A_646 = tpu.vector_load %arg14[%parallel_loop3A_644, %parallel_loop3A_645] {strides = array<i32>} : memref<32x768xf32, #tpu.memory_space<vmem>>, vector<16xf32>,
      tpu.vector_store %arg14[%parallel_loop3A_644, %parallel_loop3A_645], %parallel_loop3A_643 {strides = array<i32>} : memref<32x768xf32, #tpu.memory_space<vmem>>, vector<16xf32>,
      %parallel_loop3A_647 = arith.index_cast %parallel_loop3A_126 : i32 to index
      %parallel_loop3A_648 = arith.constant 688 : index
      %parallel_loop3A_649 = tpu.vector_load %arg14[%parallel_loop3A_647, %parallel_loop3A_648] {strides = array<i32>} : memref<32x768xf32, #tpu.memory_space<vmem>>, vector<16xf32>,
      %parallel_loop3A_650 = arith.mulf %parallel_loop3A_649, %parallel_loop3A_128 : vector<16xf32>
      %parallel_loop3A_651 = arith.index_cast %parallel_loop3A_126 : i32 to index
      %parallel_loop3A_652 = arith.constant 688 : index
      %parallel_loop3A_653 = tpu.vector_load %arg15[%parallel_loop3A_651, %parallel_loop3A_652] {strides = array<i32>} : memref<32x768xf32, #tpu.memory_space<vmem>>, vector<16xf32>,
      %parallel_loop3A_654 = arith.mulf %parallel_loop3A_653, %parallel_loop3A_130 : vector<16xf32>
      %parallel_loop3A_655 = arith.addf %parallel_loop3A_650, %parallel_loop3A_654 : vector<16xf32>
      %parallel_loop3A_656 = arith.index_cast %parallel_loop3A_126 : i32 to index
      %parallel_loop3A_657 = arith.constant 688 : index
      %parallel_loop3A_658 = tpu.vector_load %arg14[%parallel_loop3A_656, %parallel_loop3A_657] {strides = array<i32>} : memref<32x768xf32, #tpu.memory_space<vmem>>, vector<16xf32>,
      tpu.vector_store %arg14[%parallel_loop3A_656, %parallel_loop3A_657], %parallel_loop3A_655 {strides = array<i32>} : memref<32x768xf32, #tpu.memory_space<vmem>>, vector<16xf32>,
      %parallel_loop3A_659 = arith.index_cast %parallel_loop3A_126 : i32 to index
      %parallel_loop3A_660 = arith.constant 704 : index
      %parallel_loop3A_661 = tpu.vector_load %arg14[%parallel_loop3A_659, %parallel_loop3A_660] {strides = array<i32>} : memref<32x768xf32, #tpu.memory_space<vmem>>, vector<16xf32>,
      %parallel_loop3A_662 = arith.mulf %parallel_loop3A_661, %parallel_loop3A_128 : vector<16xf32>
      %parallel_loop3A_663 = arith.index_cast %parallel_loop3A_126 : i32 to index
      %parallel_loop3A_664 = arith.constant 704 : index
      %parallel_loop3A_665 = tpu.vector_load %arg15[%parallel_loop3A_663, %parallel_loop3A_664] {strides = array<i32>} : memref<32x768xf32, #tpu.memory_space<vmem>>, vector<16xf32>,
      %parallel_loop3A_666 = arith.mulf %parallel_loop3A_665, %parallel_loop3A_130 : vector<16xf32>
      %parallel_loop3A_667 = arith.addf %parallel_loop3A_662, %parallel_loop3A_666 : vector<16xf32>
      %parallel_loop3A_668 = arith.index_cast %parallel_loop3A_126 : i32 to index
      %parallel_loop3A_669 = arith.constant 704 : index
      %parallel_loop3A_670 = tpu.vector_load %arg14[%parallel_loop3A_668, %parallel_loop3A_669] {strides = array<i32>} : memref<32x768xf32, #tpu.memory_space<vmem>>, vector<16xf32>,
      tpu.vector_store %arg14[%parallel_loop3A_668, %parallel_loop3A_669], %parallel_loop3A_667 {strides = array<i32>} : memref<32x768xf32, #tpu.memory_space<vmem>>, vector<16xf32>,
      %parallel_loop3A_671 = arith.index_cast %parallel_loop3A_126 : i32 to index
      %parallel_loop3A_672 = arith.constant 720 : index
      %parallel_loop3A_673 = tpu.vector_load %arg14[%parallel_loop3A_671, %parallel_loop3A_672] {strides = array<i32>} : memref<32x768xf32, #tpu.memory_space<vmem>>, vector<16xf32>,
      %parallel_loop3A_674 = arith.mulf %parallel_loop3A_673, %parallel_loop3A_128 : vector<16xf32>
      %parallel_loop3A_675 = arith.index_cast %parallel_loop3A_126 : i32 to index
      %parallel_loop3A_676 = arith.constant 720 : index
      %parallel_loop3A_677 = tpu.vector_load %arg15[%parallel_loop3A_675, %parallel_loop3A_676] {strides = array<i32>} : memref<32x768xf32, #tpu.memory_space<vmem>>, vector<16xf32>,
      %parallel_loop3A_678 = arith.mulf %parallel_loop3A_677, %parallel_loop3A_130 : vector<16xf32>
      %parallel_loop3A_679 = arith.addf %parallel_loop3A_674, %parallel_loop3A_678 : vector<16xf32>
      %parallel_loop3A_680 = arith.index_cast %parallel_loop3A_126 : i32 to index
      %parallel_loop3A_681 = arith.constant 720 : index
      %parallel_loop3A_682 = tpu.vector_load %arg14[%parallel_loop3A_680, %parallel_loop3A_681] {strides = array<i32>} : memref<32x768xf32, #tpu.memory_space<vmem>>, vector<16xf32>,
      tpu.vector_store %arg14[%parallel_loop3A_680, %parallel_loop3A_681], %parallel_loop3A_679 {strides = array<i32>} : memref<32x768xf32, #tpu.memory_space<vmem>>, vector<16xf32>,
      %parallel_loop3A_683 = arith.index_cast %parallel_loop3A_126 : i32 to index
      %parallel_loop3A_684 = arith.constant 736 : index
      %parallel_loop3A_685 = tpu.vector_load %arg14[%parallel_loop3A_683, %parallel_loop3A_684] {strides = array<i32>} : memref<32x768xf32, #tpu.memory_space<vmem>>, vector<16xf32>,
      %parallel_loop3A_686 = arith.mulf %parallel_loop3A_685, %parallel_loop3A_128 : vector<16xf32>
      %parallel_loop3A_687 = arith.index_cast %parallel_loop3A_126 : i32 to index
      %parallel_loop3A_688 = arith.constant 736 : index
      %parallel_loop3A_689 = tpu.vector_load %arg15[%parallel_loop3A_687, %parallel_loop3A_688] {strides = array<i32>} : memref<32x768xf32, #tpu.memory_space<vmem>>, vector<16xf32>,
      %parallel_loop3A_690 = arith.mulf %parallel_loop3A_689, %parallel_loop3A_130 : vector<16xf32>
      %parallel_loop3A_691 = arith.addf %parallel_loop3A_686, %parallel_loop3A_690 : vector<16xf32>
      %parallel_loop3A_692 = arith.index_cast %parallel_loop3A_126 : i32 to index
      %parallel_loop3A_693 = arith.constant 736 : index
      %parallel_loop3A_694 = tpu.vector_load %arg14[%parallel_loop3A_692, %parallel_loop3A_693] {strides = array<i32>} : memref<32x768xf32, #tpu.memory_space<vmem>>, vector<16xf32>,
      tpu.vector_store %arg14[%parallel_loop3A_692, %parallel_loop3A_693], %parallel_loop3A_691 {strides = array<i32>} : memref<32x768xf32, #tpu.memory_space<vmem>>, vector<16xf32>,
      %parallel_loop3A_695 = arith.index_cast %parallel_loop3A_126 : i32 to index
      %parallel_loop3A_696 = arith.constant 752 : index
      %parallel_loop3A_697 = tpu.vector_load %arg14[%parallel_loop3A_695, %parallel_loop3A_696] {strides = array<i32>} : memref<32x768xf32, #tpu.memory_space<vmem>>, vector<16xf32>,
      %parallel_loop3A_698 = arith.mulf %parallel_loop3A_697, %parallel_loop3A_128 : vector<16xf32>
      %parallel_loop3A_699 = arith.index_cast %parallel_loop3A_126 : i32 to index
      %parallel_loop3A_700 = arith.constant 752 : index
      %parallel_loop3A_701 = tpu.vector_load %arg15[%parallel_loop3A_699, %parallel_loop3A_700] {strides = array<i32>} : memref<32x768xf32, #tpu.memory_space<vmem>>, vector<16xf32>,
      %parallel_loop3A_702 = arith.mulf %parallel_loop3A_701, %parallel_loop3A_130 : vector<16xf32>
      %parallel_loop3A_703 = arith.addf %parallel_loop3A_698, %parallel_loop3A_702 : vector<16xf32>
      %parallel_loop3A_704 = arith.index_cast %parallel_loop3A_126 : i32 to index
      %parallel_loop3A_705 = arith.constant 752 : index
      %parallel_loop3A_706 = tpu.vector_load %arg14[%parallel_loop3A_704, %parallel_loop3A_705] {strides = array<i32>} : memref<32x768xf32, #tpu.memory_space<vmem>>, vector<16xf32>,
      tpu.vector_store %arg14[%parallel_loop3A_704, %parallel_loop3A_705], %parallel_loop3A_703 {strides = array<i32>} : memref<32x768xf32, #tpu.memory_space<vmem>>, vector<16xf32>,
    } {sc.loop_unroll_factor = 2 : i64, sc.parallel_access}
    %dma_start3A_107 = arith.constant 0 : i32
    %dma_start3A_108 = tpu.memref_slice %arg5[%mul3A_2, %dma_start3A_107] : memref<2048x768xf32, #tpu.memory_space<hbm>> -> memref<32x768xf32, #tpu.memory_space<hbm>>
    %dma_start3A_109 = arith.constant 0 : i32
    %dma_start3A_110 = tpu.memref_slice %arg5[%mul3A_2, %dma_start3A_109] : memref<2048x768xf32, #tpu.memory_space<hbm>> -> memref<32x768xf32, #tpu.memory_space<hbm>>
    tpu.enqueue_dma source(%arg14 : memref<32x768xf32, #tpu.memory_space<vmem>>) target(%dma_start3A_110 : memref<32x768xf32, #tpu.memory_space<hbm>>) target_semaphore(%arg22 : memref<!tpu.dma_semaphore, #tpu.memory_space<semaphore_mem>>)
    %dma_wait3A_111 = arith.constant 0 : i32
    %dma_wait3A_112 = arith.constant 0 : i32
    %dma_wait3A_113 = tpu.memref_slice %arg4[%dma_wait3A_111, %dma_wait3A_112] : memref<5120x768xf32, #tpu.memory_space<hbm>> -> memref<5120x768xf32, #tpu.memory_space<hbm>>
    tpu.wait_indirect_dma semaphore(%arg20 : memref<!tpu.dma_semaphore, #tpu.memory_space<semaphore_mem>>) src(%dma_wait3A_113 : memref<5120x768xf32, #tpu.memory_space<hbm>>) dst(%arg16 : memref<32x768xf32, #tpu.memory_space<vmem>>)
    %dma_wait3A_114 = arith.constant 0 : i32
    %dma_wait3A_115 = arith.constant 0 : i32
    %dma_wait3A_116 = tpu.memref_slice %arg4[%dma_wait3A_114, %dma_wait3A_115] : memref<5120x768xf32, #tpu.memory_space<hbm>> -> memref<5120x768xf32, #tpu.memory_space<hbm>>
    tpu.wait_indirect_dma semaphore(%arg21 : memref<!tpu.dma_semaphore, #tpu.memory_space<semaphore_mem>>) src(%dma_wait3A_116 : memref<5120x768xf32, #tpu.memory_space<hbm>>) dst(%arg17 : memref<32x768xf32, #tpu.memory_space<vmem>>)
    %parallel_loop3A_117 = arith.constant 0 : i32
    %parallel_loop3A_118 = arith.constant 32 : i32
    %parallel_loop3A_119 = arith.constant 1 : i32
    scf.for %parallel_loop3A_126 = %parallel_loop3A_117 to %parallel_loop3A_118 step %parallel_loop3A_119  : i32 {
      %parallel_loop3A_127 = arith.constant 32 : i32
      %parallel_loop3A_128 = arith.addi %parallel_loop3A_126, %parallel_loop3A_127 : i32
      %parallel_loop3A_129 = vector.broadcast %parallel_loop3A_128 : i32 to vector<16xi32>
      %parallel_loop3A_130 = tpu.vector_load_idx %arg12[%parallel_loop3A_129] : memref<64xf32, #tpu.memory_space<vmem>>[vector<16xi32>], vector<16xf32>,
      %parallel_loop3A_131 = arith.constant 32 : i32
      %parallel_loop3A_132 = arith.addi %parallel_loop3A_126, %parallel_loop3A_131 : i32
      %parallel_loop3A_133 = vector.broadcast %parallel_loop3A_132 : i32 to vector<16xi32>
      %parallel_loop3A_134 = tpu.vector_load_idx %arg13[%parallel_loop3A_133] : memref<64xf32, #tpu.memory_space<vmem>>[vector<16xi32>], vector<16xf32>,
      %parallel_loop3A_135 = arith.index_cast %parallel_loop3A_126 : i32 to index
      %parallel_loop3A_136 = arith.constant 0 : index
      %parallel_loop3A_137 = tpu.vector_load %arg16[%parallel_loop3A_135, %parallel_loop3A_136] {strides = array<i32>} : memref<32x768xf32, #tpu.memory_space<vmem>>, vector<16xf32>,
      %parallel_loop3A_138 = arith.mulf %parallel_loop3A_137, %parallel_loop3A_130 : vector<16xf32>
      %parallel_loop3A_139 = arith.index_cast %parallel_loop3A_126 : i32 to index
      %parallel_loop3A_140 = arith.constant 0 : index
      %parallel_loop3A_141 = tpu.vector_load %arg17[%parallel_loop3A_139, %parallel_loop3A_140] {strides = array<i32>} : memref<32x768xf32, #tpu.memory_space<vmem>>, vector<16xf32>,
      %parallel_loop3A_142 = arith.mulf %parallel_loop3A_141, %parallel_loop3A_134 : vector<16xf32>
      %parallel_loop3A_143 = arith.addf %parallel_loop3A_138, %parallel_loop3A_142 : vector<16xf32>
      %parallel_loop3A_144 = arith.index_cast %parallel_loop3A_126 : i32 to index
      %parallel_loop3A_145 = arith.constant 0 : index
      %parallel_loop3A_146 = tpu.vector_load %arg16[%parallel_loop3A_144, %parallel_loop3A_145] {strides = array<i32>} : memref<32x768xf32, #tpu.memory_space<vmem>>, vector<16xf32>,
      tpu.vector_store %arg16[%parallel_loop3A_144, %parallel_loop3A_145], %parallel_loop3A_143 {strides = array<i32>} : memref<32x768xf32, #tpu.memory_space<vmem>>, vector<16xf32>,
      %parallel_loop3A_147 = arith.index_cast %parallel_loop3A_126 : i32 to index
      %parallel_loop3A_148 = arith.constant 16 : index
      %parallel_loop3A_149 = tpu.vector_load %arg16[%parallel_loop3A_147, %parallel_loop3A_148] {strides = array<i32>} : memref<32x768xf32, #tpu.memory_space<vmem>>, vector<16xf32>,
      %parallel_loop3A_150 = arith.mulf %parallel_loop3A_149, %parallel_loop3A_130 : vector<16xf32>
      %parallel_loop3A_151 = arith.index_cast %parallel_loop3A_126 : i32 to index
      %parallel_loop3A_152 = arith.constant 16 : index
      %parallel_loop3A_153 = tpu.vector_load %arg17[%parallel_loop3A_151, %parallel_loop3A_152] {strides = array<i32>} : memref<32x768xf32, #tpu.memory_space<vmem>>, vector<16xf32>,
      %parallel_loop3A_154 = arith.mulf %parallel_loop3A_153, %parallel_loop3A_134 : vector<16xf32>
      %parallel_loop3A_155 = arith.addf %parallel_loop3A_150, %parallel_loop3A_154 : vector<16xf32>
      %parallel_loop3A_156 = arith.index_cast %parallel_loop3A_126 : i32 to index
      %parallel_loop3A_157 = arith.constant 16 : index
      %parallel_loop3A_158 = tpu.vector_load %arg16[%parallel_loop3A_156, %parallel_loop3A_157] {strides = array<i32>} : memref<32x768xf32, #tpu.memory_space<vmem>>, vector<16xf32>,
      tpu.vector_store %arg16[%parallel_loop3A_156, %parallel_loop3A_157], %parallel_loop3A_155 {strides = array<i32>} : memref<32x768xf32, #tpu.memory_space<vmem>>, vector<16xf32>,
      %parallel_loop3A_159 = arith.index_cast %parallel_loop3A_126 : i32 to index
      %parallel_loop3A_160 = arith.constant 32 : index
      %parallel_loop3A_161 = tpu.vector_load %arg16[%parallel_loop3A_159, %parallel_loop3A_160] {strides = array<i32>} : memref<32x768xf32, #tpu.memory_space<vmem>>, vector<16xf32>,
      %parallel_loop3A_162 = arith.mulf %parallel_loop3A_161, %parallel_loop3A_130 : vector<16xf32>
      %parallel_loop3A_163 = arith.index_cast %parallel_loop3A_126 : i32 to index
      %parallel_loop3A_164 = arith.constant 32 : index
      %parallel_loop3A_165 = tpu.vector_load %arg17[%parallel_loop3A_163, %parallel_loop3A_164] {strides = array<i32>} : memref<32x768xf32, #tpu.memory_space<vmem>>, vector<16xf32>,
      %parallel_loop3A_166 = arith.mulf %parallel_loop3A_165, %parallel_loop3A_134 : vector<16xf32>
      %parallel_loop3A_167 = arith.addf %parallel_loop3A_162, %parallel_loop3A_166 : vector<16xf32>
      %parallel_loop3A_168 = arith.index_cast %parallel_loop3A_126 : i32 to index
      %parallel_loop3A_169 = arith.constant 32 : index
      %parallel_loop3A_170 = tpu.vector_load %arg16[%parallel_loop3A_168, %parallel_loop3A_169] {strides = array<i32>} : memref<32x768xf32, #tpu.memory_space<vmem>>, vector<16xf32>,
      tpu.vector_store %arg16[%parallel_loop3A_168, %parallel_loop3A_169], %parallel_loop3A_167 {strides = array<i32>} : memref<32x768xf32, #tpu.memory_space<vmem>>, vector<16xf32>,
      %parallel_loop3A_171 = arith.index_cast %parallel_loop3A_126 : i32 to index
      %parallel_loop3A_172 = arith.constant 48 : index
      %parallel_loop3A_173 = tpu.vector_load %arg16[%parallel_loop3A_171, %parallel_loop3A_172] {strides = array<i32>} : memref<32x768xf32, #tpu.memory_space<vmem>>, vector<16xf32>,
      %parallel_loop3A_174 = arith.mulf %parallel_loop3A_173, %parallel_loop3A_130 : vector<16xf32>
      %parallel_loop3A_175 = arith.index_cast %parallel_loop3A_126 : i32 to index
      %parallel_loop3A_176 = arith.constant 48 : index
      %parallel_loop3A_177 = tpu.vector_load %arg17[%parallel_loop3A_175, %parallel_loop3A_176] {strides = array<i32>} : memref<32x768xf32, #tpu.memory_space<vmem>>, vector<16xf32>,
      %parallel_loop3A_178 = arith.mulf %parallel_loop3A_177, %parallel_loop3A_134 : vector<16xf32>
      %parallel_loop3A_179 = arith.addf %parallel_loop3A_174, %parallel_loop3A_178 : vector<16xf32>
      %parallel_loop3A_180 = arith.index_cast %parallel_loop3A_126 : i32 to index
      %parallel_loop3A_181 = arith.constant 48 : index
      %parallel_loop3A_182 = tpu.vector_load %arg16[%parallel_loop3A_180, %parallel_loop3A_181] {strides = array<i32>} : memref<32x768xf32, #tpu.memory_space<vmem>>, vector<16xf32>,
      tpu.vector_store %arg16[%parallel_loop3A_180, %parallel_loop3A_181], %parallel_loop3A_179 {strides = array<i32>} : memref<32x768xf32, #tpu.memory_space<vmem>>, vector<16xf32>,
      %parallel_loop3A_183 = arith.index_cast %parallel_loop3A_126 : i32 to index
      %parallel_loop3A_184 = arith.constant 64 : index
      %parallel_loop3A_185 = tpu.vector_load %arg16[%parallel_loop3A_183, %parallel_loop3A_184] {strides = array<i32>} : memref<32x768xf32, #tpu.memory_space<vmem>>, vector<16xf32>,
      %parallel_loop3A_186 = arith.mulf %parallel_loop3A_185, %parallel_loop3A_130 : vector<16xf32>
      %parallel_loop3A_187 = arith.index_cast %parallel_loop3A_126 : i32 to index
      %parallel_loop3A_188 = arith.constant 64 : index
      %parallel_loop3A_189 = tpu.vector_load %arg17[%parallel_loop3A_187, %parallel_loop3A_188] {strides = array<i32>} : memref<32x768xf32, #tpu.memory_space<vmem>>, vector<16xf32>,
      %parallel_loop3A_190 = arith.mulf %parallel_loop3A_189, %parallel_loop3A_134 : vector<16xf32>
      %parallel_loop3A_191 = arith.addf %parallel_loop3A_186, %parallel_loop3A_190 : vector<16xf32>
      %parallel_loop3A_192 = arith.index_cast %parallel_loop3A_126 : i32 to index
      %parallel_loop3A_193 = arith.constant 64 : index
      %parallel_loop3A_194 = tpu.vector_load %arg16[%parallel_loop3A_192, %parallel_loop3A_193] {strides = array<i32>} : memref<32x768xf32, #tpu.memory_space<vmem>>, vector<16xf32>,
      tpu.vector_store %arg16[%parallel_loop3A_192, %parallel_loop3A_193], %parallel_loop3A_191 {strides = array<i32>} : memref<32x768xf32, #tpu.memory_space<vmem>>, vector<16xf32>,
      %parallel_loop3A_195 = arith.index_cast %parallel_loop3A_126 : i32 to index
      %parallel_loop3A_196 = arith.constant 80 : index
      %parallel_loop3A_197 = tpu.vector_load %arg16[%parallel_loop3A_195, %parallel_loop3A_196] {strides = array<i32>} : memref<32x768xf32, #tpu.memory_space<vmem>>, vector<16xf32>,
      %parallel_loop3A_198 = arith.mulf %parallel_loop3A_197, %parallel_loop3A_130 : vector<16xf32>
      %parallel_loop3A_199 = arith.index_cast %parallel_loop3A_126 : i32 to index
      %parallel_loop3A_200 = arith.constant 80 : index
      %parallel_loop3A_201 = tpu.vector_load %arg17[%parallel_loop3A_199, %parallel_loop3A_200] {strides = array<i32>} : memref<32x768xf32, #tpu.memory_space<vmem>>, vector<16xf32>,
      %parallel_loop3A_202 = arith.mulf %parallel_loop3A_201, %parallel_loop3A_134 : vector<16xf32>
      %parallel_loop3A_203 = arith.addf %parallel_loop3A_198, %parallel_loop3A_202 : vector<16xf32>
      %parallel_loop3A_204 = arith.index_cast %parallel_loop3A_126 : i32 to index
      %parallel_loop3A_205 = arith.constant 80 : index
      %parallel_loop3A_206 = tpu.vector_load %arg16[%parallel_loop3A_204, %parallel_loop3A_205] {strides = array<i32>} : memref<32x768xf32, #tpu.memory_space<vmem>>, vector<16xf32>,
      tpu.vector_store %arg16[%parallel_loop3A_204, %parallel_loop3A_205], %parallel_loop3A_203 {strides = array<i32>} : memref<32x768xf32, #tpu.memory_space<vmem>>, vector<16xf32>,
      %parallel_loop3A_207 = arith.index_cast %parallel_loop3A_126 : i32 to index
      %parallel_loop3A_208 = arith.constant 96 : index
      %parallel_loop3A_209 = tpu.vector_load %arg16[%parallel_loop3A_207, %parallel_loop3A_208] {strides = array<i32>} : memref<32x768xf32, #tpu.memory_space<vmem>>, vector<16xf32>,
      %parallel_loop3A_210 = arith.mulf %parallel_loop3A_209, %parallel_loop3A_130 : vector<16xf32>
      %parallel_loop3A_211 = arith.index_cast %parallel_loop3A_126 : i32 to index
      %parallel_loop3A_212 = arith.constant 96 : index
      %parallel_loop3A_213 = tpu.vector_load %arg17[%parallel_loop3A_211, %parallel_loop3A_212] {strides = array<i32>} : memref<32x768xf32, #tpu.memory_space<vmem>>, vector<16xf32>,
      %parallel_loop3A_214 = arith.mulf %parallel_loop3A_213, %parallel_loop3A_134 : vector<16xf32>
      %parallel_loop3A_215 = arith.addf %parallel_loop3A_210, %parallel_loop3A_214 : vector<16xf32>
      %parallel_loop3A_216 = arith.index_cast %parallel_loop3A_126 : i32 to index
      %parallel_loop3A_217 = arith.constant 96 : index
      %parallel_loop3A_218 = tpu.vector_load %arg16[%parallel_loop3A_216, %parallel_loop3A_217] {strides = array<i32>} : memref<32x768xf32, #tpu.memory_space<vmem>>, vector<16xf32>,
      tpu.vector_store %arg16[%parallel_loop3A_216, %parallel_loop3A_217], %parallel_loop3A_215 {strides = array<i32>} : memref<32x768xf32, #tpu.memory_space<vmem>>, vector<16xf32>,
      %parallel_loop3A_219 = arith.index_cast %parallel_loop3A_126 : i32 to index
      %parallel_loop3A_220 = arith.constant 112 : index
      %parallel_loop3A_221 = tpu.vector_load %arg16[%parallel_loop3A_219, %parallel_loop3A_220] {strides = array<i32>} : memref<32x768xf32, #tpu.memory_space<vmem>>, vector<16xf32>,
      %parallel_loop3A_222 = arith.mulf %parallel_loop3A_221, %parallel_loop3A_130 : vector<16xf32>
      %parallel_loop3A_223 = arith.index_cast %parallel_loop3A_126 : i32 to index
      %parallel_loop3A_224 = arith.constant 112 : index
      %parallel_loop3A_225 = tpu.vector_load %arg17[%parallel_loop3A_223, %parallel_loop3A_224] {strides = array<i32>} : memref<32x768xf32, #tpu.memory_space<vmem>>, vector<16xf32>,
      %parallel_loop3A_226 = arith.mulf %parallel_loop3A_225, %parallel_loop3A_134 : vector<16xf32>
      %parallel_loop3A_227 = arith.addf %parallel_loop3A_222, %parallel_loop3A_226 : vector<16xf32>
      %parallel_loop3A_228 = arith.index_cast %parallel_loop3A_126 : i32 to index
      %parallel_loop3A_229 = arith.constant 112 : index
      %parallel_loop3A_230 = tpu.vector_load %arg16[%parallel_loop3A_228, %parallel_loop3A_229] {strides = array<i32>} : memref<32x768xf32, #tpu.memory_space<vmem>>, vector<16xf32>,
      tpu.vector_store %arg16[%parallel_loop3A_228, %parallel_loop3A_229], %parallel_loop3A_227 {strides = array<i32>} : memref<32x768xf32, #tpu.memory_space<vmem>>, vector<16xf32>,
      %parallel_loop3A_231 = arith.index_cast %parallel_loop3A_126 : i32 to index
      %parallel_loop3A_232 = arith.constant 128 : index
      %parallel_loop3A_233 = tpu.vector_load %arg16[%parallel_loop3A_231, %parallel_loop3A_232] {strides = array<i32>} : memref<32x768xf32, #tpu.memory_space<vmem>>, vector<16xf32>,
      %parallel_loop3A_234 = arith.mulf %parallel_loop3A_233, %parallel_loop3A_130 : vector<16xf32>
      %parallel_loop3A_235 = arith.index_cast %parallel_loop3A_126 : i32 to index
      %parallel_loop3A_236 = arith.constant 128 : index
      %parallel_loop3A_237 = tpu.vector_load %arg17[%parallel_loop3A_235, %parallel_loop3A_236] {strides = array<i32>} : memref<32x768xf32, #tpu.memory_space<vmem>>, vector<16xf32>,
      %parallel_loop3A_238 = arith.mulf %parallel_loop3A_237, %parallel_loop3A_134 : vector<16xf32>
      %parallel_loop3A_239 = arith.addf %parallel_loop3A_234, %parallel_loop3A_238 : vector<16xf32>
      %parallel_loop3A_240 = arith.index_cast %parallel_loop3A_126 : i32 to index
      %parallel_loop3A_241 = arith.constant 128 : index
      %parallel_loop3A_242 = tpu.vector_load %arg16[%parallel_loop3A_240, %parallel_loop3A_241] {strides = array<i32>} : memref<32x768xf32, #tpu.memory_space<vmem>>, vector<16xf32>,
      tpu.vector_store %arg16[%parallel_loop3A_240, %parallel_loop3A_241], %parallel_loop3A_239 {strides = array<i32>} : memref<32x768xf32, #tpu.memory_space<vmem>>, vector<16xf32>,
      %parallel_loop3A_243 = arith.index_cast %parallel_loop3A_126 : i32 to index
      %parallel_loop3A_244 = arith.constant 144 : index
      %parallel_loop3A_245 = tpu.vector_load %arg16[%parallel_loop3A_243, %parallel_loop3A_244] {strides = array<i32>} : memref<32x768xf32, #tpu.memory_space<vmem>>, vector<16xf32>,
      %parallel_loop3A_246 = arith.mulf %parallel_loop3A_245, %parallel_loop3A_130 : vector<16xf32>
      %parallel_loop3A_247 = arith.index_cast %parallel_loop3A_126 : i32 to index
      %parallel_loop3A_248 = arith.constant 144 : index
      %parallel_loop3A_249 = tpu.vector_load %arg17[%parallel_loop3A_247, %parallel_loop3A_248] {strides = array<i32>} : memref<32x768xf32, #tpu.memory_space<vmem>>, vector<16xf32>,
      %parallel_loop3A_250 = arith.mulf %parallel_loop3A_249, %parallel_loop3A_134 : vector<16xf32>
      %parallel_loop3A_251 = arith.addf %parallel_loop3A_246, %parallel_loop3A_250 : vector<16xf32>
      %parallel_loop3A_252 = arith.index_cast %parallel_loop3A_126 : i32 to index
      %parallel_loop3A_253 = arith.constant 144 : index
      %parallel_loop3A_254 = tpu.vector_load %arg16[%parallel_loop3A_252, %parallel_loop3A_253] {strides = array<i32>} : memref<32x768xf32, #tpu.memory_space<vmem>>, vector<16xf32>,
      tpu.vector_store %arg16[%parallel_loop3A_252, %parallel_loop3A_253], %parallel_loop3A_251 {strides = array<i32>} : memref<32x768xf32, #tpu.memory_space<vmem>>, vector<16xf32>,
      %parallel_loop3A_255 = arith.index_cast %parallel_loop3A_126 : i32 to index
      %parallel_loop3A_256 = arith.constant 160 : index
      %parallel_loop3A_257 = tpu.vector_load %arg16[%parallel_loop3A_255, %parallel_loop3A_256] {strides = array<i32>} : memref<32x768xf32, #tpu.memory_space<vmem>>, vector<16xf32>,
      %parallel_loop3A_258 = arith.mulf %parallel_loop3A_257, %parallel_loop3A_130 : vector<16xf32>
      %parallel_loop3A_259 = arith.index_cast %parallel_loop3A_126 : i32 to index
      %parallel_loop3A_260 = arith.constant 160 : index
      %parallel_loop3A_261 = tpu.vector_load %arg17[%parallel_loop3A_259, %parallel_loop3A_260] {strides = array<i32>} : memref<32x768xf32, #tpu.memory_space<vmem>>, vector<16xf32>,
      %parallel_loop3A_262 = arith.mulf %parallel_loop3A_261, %parallel_loop3A_134 : vector<16xf32>
      %parallel_loop3A_263 = arith.addf %parallel_loop3A_258, %parallel_loop3A_262 : vector<16xf32>
      %parallel_loop3A_264 = arith.index_cast %parallel_loop3A_126 : i32 to index
      %parallel_loop3A_265 = arith.constant 160 : index
      %parallel_loop3A_266 = tpu.vector_load %arg16[%parallel_loop3A_264, %parallel_loop3A_265] {strides = array<i32>} : memref<32x768xf32, #tpu.memory_space<vmem>>, vector<16xf32>,
      tpu.vector_store %arg16[%parallel_loop3A_264, %parallel_loop3A_265], %parallel_loop3A_263 {strides = array<i32>} : memref<32x768xf32, #tpu.memory_space<vmem>>, vector<16xf32>,
      %parallel_loop3A_267 = arith.index_cast %parallel_loop3A_126 : i32 to index
      %parallel_loop3A_268 = arith.constant 176 : index
      %parallel_loop3A_269 = tpu.vector_load %arg16[%parallel_loop3A_267, %parallel_loop3A_268] {strides = array<i32>} : memref<32x768xf32, #tpu.memory_space<vmem>>, vector<16xf32>,
      %parallel_loop3A_270 = arith.mulf %parallel_loop3A_269, %parallel_loop3A_130 : vector<16xf32>
      %parallel_loop3A_271 = arith.index_cast %parallel_loop3A_126 : i32 to index
      %parallel_loop3A_272 = arith.constant 176 : index
      %parallel_loop3A_273 = tpu.vector_load %arg17[%parallel_loop3A_271, %parallel_loop3A_272] {strides = array<i32>} : memref<32x768xf32, #tpu.memory_space<vmem>>, vector<16xf32>,
      %parallel_loop3A_274 = arith.mulf %parallel_loop3A_273, %parallel_loop3A_134 : vector<16xf32>
      %parallel_loop3A_275 = arith.addf %parallel_loop3A_270, %parallel_loop3A_274 : vector<16xf32>
      %parallel_loop3A_276 = arith.index_cast %parallel_loop3A_126 : i32 to index
      %parallel_loop3A_277 = arith.constant 176 : index
      %parallel_loop3A_278 = tpu.vector_load %arg16[%parallel_loop3A_276, %parallel_loop3A_277] {strides = array<i32>} : memref<32x768xf32, #tpu.memory_space<vmem>>, vector<16xf32>,
      tpu.vector_store %arg16[%parallel_loop3A_276, %parallel_loop3A_277], %parallel_loop3A_275 {strides = array<i32>} : memref<32x768xf32, #tpu.memory_space<vmem>>, vector<16xf32>,
      %parallel_loop3A_279 = arith.index_cast %parallel_loop3A_126 : i32 to index
      %parallel_loop3A_280 = arith.constant 192 : index
      %parallel_loop3A_281 = tpu.vector_load %arg16[%parallel_loop3A_279, %parallel_loop3A_280] {strides = array<i32>} : memref<32x768xf32, #tpu.memory_space<vmem>>, vector<16xf32>,
      %parallel_loop3A_282 = arith.mulf %parallel_loop3A_281, %parallel_loop3A_130 : vector<16xf32>
      %parallel_loop3A_283 = arith.index_cast %parallel_loop3A_126 : i32 to index
      %parallel_loop3A_284 = arith.constant 192 : index
      %parallel_loop3A_285 = tpu.vector_load %arg17[%parallel_loop3A_283, %parallel_loop3A_284] {strides = array<i32>} : memref<32x768xf32, #tpu.memory_space<vmem>>, vector<16xf32>,
      %parallel_loop3A_286 = arith.mulf %parallel_loop3A_285, %parallel_loop3A_134 : vector<16xf32>
      %parallel_loop3A_287 = arith.addf %parallel_loop3A_282, %parallel_loop3A_286 : vector<16xf32>
      %parallel_loop3A_288 = arith.index_cast %parallel_loop3A_126 : i32 to index
      %parallel_loop3A_289 = arith.constant 192 : index
      %parallel_loop3A_290 = tpu.vector_load %arg16[%parallel_loop3A_288, %parallel_loop3A_289] {strides = array<i32>} : memref<32x768xf32, #tpu.memory_space<vmem>>, vector<16xf32>,
      tpu.vector_store %arg16[%parallel_loop3A_288, %parallel_loop3A_289], %parallel_loop3A_287 {strides = array<i32>} : memref<32x768xf32, #tpu.memory_space<vmem>>, vector<16xf32>,
      %parallel_loop3A_291 = arith.index_cast %parallel_loop3A_126 : i32 to index
      %parallel_loop3A_292 = arith.constant 208 : index
      %parallel_loop3A_293 = tpu.vector_load %arg16[%parallel_loop3A_291, %parallel_loop3A_292] {strides = array<i32>} : memref<32x768xf32, #tpu.memory_space<vmem>>, vector<16xf32>,
      %parallel_loop3A_294 = arith.mulf %parallel_loop3A_293, %parallel_loop3A_130 : vector<16xf32>
      %parallel_loop3A_295 = arith.index_cast %parallel_loop3A_126 : i32 to index
      %parallel_loop3A_296 = arith.constant 208 : index
      %parallel_loop3A_297 = tpu.vector_load %arg17[%parallel_loop3A_295, %parallel_loop3A_296] {strides = array<i32>} : memref<32x768xf32, #tpu.memory_space<vmem>>, vector<16xf32>,
      %parallel_loop3A_298 = arith.mulf %parallel_loop3A_297, %parallel_loop3A_134 : vector<16xf32>
      %parallel_loop3A_299 = arith.addf %parallel_loop3A_294, %parallel_loop3A_298 : vector<16xf32>
      %parallel_loop3A_300 = arith.index_cast %parallel_loop3A_126 : i32 to index
      %parallel_loop3A_301 = arith.constant 208 : index
      %parallel_loop3A_302 = tpu.vector_load %arg16[%parallel_loop3A_300, %parallel_loop3A_301] {strides = array<i32>} : memref<32x768xf32, #tpu.memory_space<vmem>>, vector<16xf32>,
      tpu.vector_store %arg16[%parallel_loop3A_300, %parallel_loop3A_301], %parallel_loop3A_299 {strides = array<i32>} : memref<32x768xf32, #tpu.memory_space<vmem>>, vector<16xf32>,
      %parallel_loop3A_303 = arith.index_cast %parallel_loop3A_126 : i32 to index
      %parallel_loop3A_304 = arith.constant 224 : index
      %parallel_loop3A_305 = tpu.vector_load %arg16[%parallel_loop3A_303, %parallel_loop3A_304] {strides = array<i32>} : memref<32x768xf32, #tpu.memory_space<vmem>>, vector<16xf32>,
      %parallel_loop3A_306 = arith.mulf %parallel_loop3A_305, %parallel_loop3A_130 : vector<16xf32>
      %parallel_loop3A_307 = arith.index_cast %parallel_loop3A_126 : i32 to index
      %parallel_loop3A_308 = arith.constant 224 : index
      %parallel_loop3A_309 = tpu.vector_load %arg17[%parallel_loop3A_307, %parallel_loop3A_308] {strides = array<i32>} : memref<32x768xf32, #tpu.memory_space<vmem>>, vector<16xf32>,
      %parallel_loop3A_310 = arith.mulf %parallel_loop3A_309, %parallel_loop3A_134 : vector<16xf32>
      %parallel_loop3A_311 = arith.addf %parallel_loop3A_306, %parallel_loop3A_310 : vector<16xf32>
      %parallel_loop3A_312 = arith.index_cast %parallel_loop3A_126 : i32 to index
      %parallel_loop3A_313 = arith.constant 224 : index
      %parallel_loop3A_314 = tpu.vector_load %arg16[%parallel_loop3A_312, %parallel_loop3A_313] {strides = array<i32>} : memref<32x768xf32, #tpu.memory_space<vmem>>, vector<16xf32>,
      tpu.vector_store %arg16[%parallel_loop3A_312, %parallel_loop3A_313], %parallel_loop3A_311 {strides = array<i32>} : memref<32x768xf32, #tpu.memory_space<vmem>>, vector<16xf32>,
      %parallel_loop3A_315 = arith.index_cast %parallel_loop3A_126 : i32 to index
      %parallel_loop3A_316 = arith.constant 240 : index
      %parallel_loop3A_317 = tpu.vector_load %arg16[%parallel_loop3A_315, %parallel_loop3A_316] {strides = array<i32>} : memref<32x768xf32, #tpu.memory_space<vmem>>, vector<16xf32>,
      %parallel_loop3A_318 = arith.mulf %parallel_loop3A_317, %parallel_loop3A_130 : vector<16xf32>
      %parallel_loop3A_319 = arith.index_cast %parallel_loop3A_126 : i32 to index
      %parallel_loop3A_320 = arith.constant 240 : index
      %parallel_loop3A_321 = tpu.vector_load %arg17[%parallel_loop3A_319, %parallel_loop3A_320] {strides = array<i32>} : memref<32x768xf32, #tpu.memory_space<vmem>>, vector<16xf32>,
      %parallel_loop3A_322 = arith.mulf %parallel_loop3A_321, %parallel_loop3A_134 : vector<16xf32>
      %parallel_loop3A_323 = arith.addf %parallel_loop3A_318, %parallel_loop3A_322 : vector<16xf32>
      %parallel_loop3A_324 = arith.index_cast %parallel_loop3A_126 : i32 to index
      %parallel_loop3A_325 = arith.constant 240 : index
      %parallel_loop3A_326 = tpu.vector_load %arg16[%parallel_loop3A_324, %parallel_loop3A_325] {strides = array<i32>} : memref<32x768xf32, #tpu.memory_space<vmem>>, vector<16xf32>,
      tpu.vector_store %arg16[%parallel_loop3A_324, %parallel_loop3A_325], %parallel_loop3A_323 {strides = array<i32>} : memref<32x768xf32, #tpu.memory_space<vmem>>, vector<16xf32>,
      %parallel_loop3A_327 = arith.index_cast %parallel_loop3A_126 : i32 to index
      %parallel_loop3A_328 = arith.constant 256 : index
      %parallel_loop3A_329 = tpu.vector_load %arg16[%parallel_loop3A_327, %parallel_loop3A_328] {strides = array<i32>} : memref<32x768xf32, #tpu.memory_space<vmem>>, vector<16xf32>,
      %parallel_loop3A_330 = arith.mulf %parallel_loop3A_329, %parallel_loop3A_130 : vector<16xf32>
      %parallel_loop3A_331 = arith.index_cast %parallel_loop3A_126 : i32 to index
      %parallel_loop3A_332 = arith.constant 256 : index
      %parallel_loop3A_333 = tpu.vector_load %arg17[%parallel_loop3A_331, %parallel_loop3A_332] {strides = array<i32>} : memref<32x768xf32, #tpu.memory_space<vmem>>, vector<16xf32>,
      %parallel_loop3A_334 = arith.mulf %parallel_loop3A_333, %parallel_loop3A_134 : vector<16xf32>
      %parallel_loop3A_335 = arith.addf %parallel_loop3A_330, %parallel_loop3A_334 : vector<16xf32>
      %parallel_loop3A_336 = arith.index_cast %parallel_loop3A_126 : i32 to index
      %parallel_loop3A_337 = arith.constant 256 : index
      %parallel_loop3A_338 = tpu.vector_load %arg16[%parallel_loop3A_336, %parallel_loop3A_337] {strides = array<i32>} : memref<32x768xf32, #tpu.memory_space<vmem>>, vector<16xf32>,
      tpu.vector_store %arg16[%parallel_loop3A_336, %parallel_loop3A_337], %parallel_loop3A_335 {strides = array<i32>} : memref<32x768xf32, #tpu.memory_space<vmem>>, vector<16xf32>,
      %parallel_loop3A_339 = arith.index_cast %parallel_loop3A_126 : i32 to index
      %parallel_loop3A_340 = arith.constant 272 : index
      %parallel_loop3A_341 = tpu.vector_load %arg16[%parallel_loop3A_339, %parallel_loop3A_340] {strides = array<i32>} : memref<32x768xf32, #tpu.memory_space<vmem>>, vector<16xf32>,
      %parallel_loop3A_342 = arith.mulf %parallel_loop3A_341, %parallel_loop3A_130 : vector<16xf32>
      %parallel_loop3A_343 = arith.index_cast %parallel_loop3A_126 : i32 to index
      %parallel_loop3A_344 = arith.constant 272 : index
      %parallel_loop3A_345 = tpu.vector_load %arg17[%parallel_loop3A_343, %parallel_loop3A_344] {strides = array<i32>} : memref<32x768xf32, #tpu.memory_space<vmem>>, vector<16xf32>,
      %parallel_loop3A_346 = arith.mulf %parallel_loop3A_345, %parallel_loop3A_134 : vector<16xf32>
      %parallel_loop3A_347 = arith.addf %parallel_loop3A_342, %parallel_loop3A_346 : vector<16xf32>
      %parallel_loop3A_348 = arith.index_cast %parallel_loop3A_126 : i32 to index
      %parallel_loop3A_349 = arith.constant 272 : index
      %parallel_loop3A_350 = tpu.vector_load %arg16[%parallel_loop3A_348, %parallel_loop3A_349] {strides = array<i32>} : memref<32x768xf32, #tpu.memory_space<vmem>>, vector<16xf32>,
      tpu.vector_store %arg16[%parallel_loop3A_348, %parallel_loop3A_349], %parallel_loop3A_347 {strides = array<i32>} : memref<32x768xf32, #tpu.memory_space<vmem>>, vector<16xf32>,
      %parallel_loop3A_351 = arith.index_cast %parallel_loop3A_126 : i32 to index
      %parallel_loop3A_352 = arith.constant 288 : index
      %parallel_loop3A_353 = tpu.vector_load %arg16[%parallel_loop3A_351, %parallel_loop3A_352] {strides = array<i32>} : memref<32x768xf32, #tpu.memory_space<vmem>>, vector<16xf32>,
      %parallel_loop3A_354 = arith.mulf %parallel_loop3A_353, %parallel_loop3A_130 : vector<16xf32>
      %parallel_loop3A_355 = arith.index_cast %parallel_loop3A_126 : i32 to index
      %parallel_loop3A_356 = arith.constant 288 : index
      %parallel_loop3A_357 = tpu.vector_load %arg17[%parallel_loop3A_355, %parallel_loop3A_356] {strides = array<i32>} : memref<32x768xf32, #tpu.memory_space<vmem>>, vector<16xf32>,
      %parallel_loop3A_358 = arith.mulf %parallel_loop3A_357, %parallel_loop3A_134 : vector<16xf32>
      %parallel_loop3A_359 = arith.addf %parallel_loop3A_354, %parallel_loop3A_358 : vector<16xf32>
      %parallel_loop3A_360 = arith.index_cast %parallel_loop3A_126 : i32 to index
      %parallel_loop3A_361 = arith.constant 288 : index
      %parallel_loop3A_362 = tpu.vector_load %arg16[%parallel_loop3A_360, %parallel_loop3A_361] {strides = array<i32>} : memref<32x768xf32, #tpu.memory_space<vmem>>, vector<16xf32>,
      tpu.vector_store %arg16[%parallel_loop3A_360, %parallel_loop3A_361], %parallel_loop3A_359 {strides = array<i32>} : memref<32x768xf32, #tpu.memory_space<vmem>>, vector<16xf32>,
      %parallel_loop3A_363 = arith.index_cast %parallel_loop3A_126 : i32 to index
      %parallel_loop3A_364 = arith.constant 304 : index
      %parallel_loop3A_365 = tpu.vector_load %arg16[%parallel_loop3A_363, %parallel_loop3A_364] {strides = array<i32>} : memref<32x768xf32, #tpu.memory_space<vmem>>, vector<16xf32>,
      %parallel_loop3A_366 = arith.mulf %parallel_loop3A_365, %parallel_loop3A_130 : vector<16xf32>
      %parallel_loop3A_367 = arith.index_cast %parallel_loop3A_126 : i32 to index
      %parallel_loop3A_368 = arith.constant 304 : index
      %parallel_loop3A_369 = tpu.vector_load %arg17[%parallel_loop3A_367, %parallel_loop3A_368] {strides = array<i32>} : memref<32x768xf32, #tpu.memory_space<vmem>>, vector<16xf32>,
      %parallel_loop3A_370 = arith.mulf %parallel_loop3A_369, %parallel_loop3A_134 : vector<16xf32>
      %parallel_loop3A_371 = arith.addf %parallel_loop3A_366, %parallel_loop3A_370 : vector<16xf32>
      %parallel_loop3A_372 = arith.index_cast %parallel_loop3A_126 : i32 to index
      %parallel_loop3A_373 = arith.constant 304 : index
      %parallel_loop3A_374 = tpu.vector_load %arg16[%parallel_loop3A_372, %parallel_loop3A_373] {strides = array<i32>} : memref<32x768xf32, #tpu.memory_space<vmem>>, vector<16xf32>,
      tpu.vector_store %arg16[%parallel_loop3A_372, %parallel_loop3A_373], %parallel_loop3A_371 {strides = array<i32>} : memref<32x768xf32, #tpu.memory_space<vmem>>, vector<16xf32>,
      %parallel_loop3A_375 = arith.index_cast %parallel_loop3A_126 : i32 to index
      %parallel_loop3A_376 = arith.constant 320 : index
      %parallel_loop3A_377 = tpu.vector_load %arg16[%parallel_loop3A_375, %parallel_loop3A_376] {strides = array<i32>} : memref<32x768xf32, #tpu.memory_space<vmem>>, vector<16xf32>,
      %parallel_loop3A_378 = arith.mulf %parallel_loop3A_377, %parallel_loop3A_130 : vector<16xf32>
      %parallel_loop3A_379 = arith.index_cast %parallel_loop3A_126 : i32 to index
      %parallel_loop3A_380 = arith.constant 320 : index
      %parallel_loop3A_381 = tpu.vector_load %arg17[%parallel_loop3A_379, %parallel_loop3A_380] {strides = array<i32>} : memref<32x768xf32, #tpu.memory_space<vmem>>, vector<16xf32>,
      %parallel_loop3A_382 = arith.mulf %parallel_loop3A_381, %parallel_loop3A_134 : vector<16xf32>
      %parallel_loop3A_383 = arith.addf %parallel_loop3A_378, %parallel_loop3A_382 : vector<16xf32>
      %parallel_loop3A_384 = arith.index_cast %parallel_loop3A_126 : i32 to index
      %parallel_loop3A_385 = arith.constant 320 : index
      %parallel_loop3A_386 = tpu.vector_load %arg16[%parallel_loop3A_384, %parallel_loop3A_385] {strides = array<i32>} : memref<32x768xf32, #tpu.memory_space<vmem>>, vector<16xf32>,
      tpu.vector_store %arg16[%parallel_loop3A_384, %parallel_loop3A_385], %parallel_loop3A_383 {strides = array<i32>} : memref<32x768xf32, #tpu.memory_space<vmem>>, vector<16xf32>,
      %parallel_loop3A_387 = arith.index_cast %parallel_loop3A_126 : i32 to index
      %parallel_loop3A_388 = arith.constant 336 : index
      %parallel_loop3A_389 = tpu.vector_load %arg16[%parallel_loop3A_387, %parallel_loop3A_388] {strides = array<i32>} : memref<32x768xf32, #tpu.memory_space<vmem>>, vector<16xf32>,
      %parallel_loop3A_390 = arith.mulf %parallel_loop3A_389, %parallel_loop3A_130 : vector<16xf32>
      %parallel_loop3A_391 = arith.index_cast %parallel_loop3A_126 : i32 to index
      %parallel_loop3A_392 = arith.constant 336 : index
      %parallel_loop3A_393 = tpu.vector_load %arg17[%parallel_loop3A_391, %parallel_loop3A_392] {strides = array<i32>} : memref<32x768xf32, #tpu.memory_space<vmem>>, vector<16xf32>,
      %parallel_loop3A_394 = arith.mulf %parallel_loop3A_393, %parallel_loop3A_134 : vector<16xf32>
      %parallel_loop3A_395 = arith.addf %parallel_loop3A_390, %parallel_loop3A_394 : vector<16xf32>
      %parallel_loop3A_396 = arith.index_cast %parallel_loop3A_126 : i32 to index
      %parallel_loop3A_397 = arith.constant 336 : index
      %parallel_loop3A_398 = tpu.vector_load %arg16[%parallel_loop3A_396, %parallel_loop3A_397] {strides = array<i32>} : memref<32x768xf32, #tpu.memory_space<vmem>>, vector<16xf32>,
      tpu.vector_store %arg16[%parallel_loop3A_396, %parallel_loop3A_397], %parallel_loop3A_395 {strides = array<i32>} : memref<32x768xf32, #tpu.memory_space<vmem>>, vector<16xf32>,
      %parallel_loop3A_399 = arith.index_cast %parallel_loop3A_126 : i32 to index
      %parallel_loop3A_400 = arith.constant 352 : index
      %parallel_loop3A_401 = tpu.vector_load %arg16[%parallel_loop3A_399, %parallel_loop3A_400] {strides = array<i32>} : memref<32x768xf32, #tpu.memory_space<vmem>>, vector<16xf32>,
      %parallel_loop3A_402 = arith.mulf %parallel_loop3A_401, %parallel_loop3A_130 : vector<16xf32>
      %parallel_loop3A_403 = arith.index_cast %parallel_loop3A_126 : i32 to index
      %parallel_loop3A_404 = arith.constant 352 : index
      %parallel_loop3A_405 = tpu.vector_load %arg17[%parallel_loop3A_403, %parallel_loop3A_404] {strides = array<i32>} : memref<32x768xf32, #tpu.memory_space<vmem>>, vector<16xf32>,
      %parallel_loop3A_406 = arith.mulf %parallel_loop3A_405, %parallel_loop3A_134 : vector<16xf32>
      %parallel_loop3A_407 = arith.addf %parallel_loop3A_402, %parallel_loop3A_406 : vector<16xf32>
      %parallel_loop3A_408 = arith.index_cast %parallel_loop3A_126 : i32 to index
      %parallel_loop3A_409 = arith.constant 352 : index
      %parallel_loop3A_410 = tpu.vector_load %arg16[%parallel_loop3A_408, %parallel_loop3A_409] {strides = array<i32>} : memref<32x768xf32, #tpu.memory_space<vmem>>, vector<16xf32>,
      tpu.vector_store %arg16[%parallel_loop3A_408, %parallel_loop3A_409], %parallel_loop3A_407 {strides = array<i32>} : memref<32x768xf32, #tpu.memory_space<vmem>>, vector<16xf32>,
      %parallel_loop3A_411 = arith.index_cast %parallel_loop3A_126 : i32 to index
      %parallel_loop3A_412 = arith.constant 368 : index
      %parallel_loop3A_413 = tpu.vector_load %arg16[%parallel_loop3A_411, %parallel_loop3A_412] {strides = array<i32>} : memref<32x768xf32, #tpu.memory_space<vmem>>, vector<16xf32>,
      %parallel_loop3A_414 = arith.mulf %parallel_loop3A_413, %parallel_loop3A_130 : vector<16xf32>
      %parallel_loop3A_415 = arith.index_cast %parallel_loop3A_126 : i32 to index
      %parallel_loop3A_416 = arith.constant 368 : index
      %parallel_loop3A_417 = tpu.vector_load %arg17[%parallel_loop3A_415, %parallel_loop3A_416] {strides = array<i32>} : memref<32x768xf32, #tpu.memory_space<vmem>>, vector<16xf32>,
      %parallel_loop3A_418 = arith.mulf %parallel_loop3A_417, %parallel_loop3A_134 : vector<16xf32>
      %parallel_loop3A_419 = arith.addf %parallel_loop3A_414, %parallel_loop3A_418 : vector<16xf32>
      %parallel_loop3A_420 = arith.index_cast %parallel_loop3A_126 : i32 to index
      %parallel_loop3A_421 = arith.constant 368 : index
      %parallel_loop3A_422 = tpu.vector_load %arg16[%parallel_loop3A_420, %parallel_loop3A_421] {strides = array<i32>} : memref<32x768xf32, #tpu.memory_space<vmem>>, vector<16xf32>,
      tpu.vector_store %arg16[%parallel_loop3A_420, %parallel_loop3A_421], %parallel_loop3A_419 {strides = array<i32>} : memref<32x768xf32, #tpu.memory_space<vmem>>, vector<16xf32>,
      %parallel_loop3A_423 = arith.index_cast %parallel_loop3A_126 : i32 to index
      %parallel_loop3A_424 = arith.constant 384 : index
      %parallel_loop3A_425 = tpu.vector_load %arg16[%parallel_loop3A_423, %parallel_loop3A_424] {strides = array<i32>} : memref<32x768xf32, #tpu.memory_space<vmem>>, vector<16xf32>,
      %parallel_loop3A_426 = arith.mulf %parallel_loop3A_425, %parallel_loop3A_130 : vector<16xf32>
      %parallel_loop3A_427 = arith.index_cast %parallel_loop3A_126 : i32 to index
      %parallel_loop3A_428 = arith.constant 384 : index
      %parallel_loop3A_429 = tpu.vector_load %arg17[%parallel_loop3A_427, %parallel_loop3A_428] {strides = array<i32>} : memref<32x768xf32, #tpu.memory_space<vmem>>, vector<16xf32>,
      %parallel_loop3A_430 = arith.mulf %parallel_loop3A_429, %parallel_loop3A_134 : vector<16xf32>
      %parallel_loop3A_431 = arith.addf %parallel_loop3A_426, %parallel_loop3A_430 : vector<16xf32>
      %parallel_loop3A_432 = arith.index_cast %parallel_loop3A_126 : i32 to index
      %parallel_loop3A_433 = arith.constant 384 : index
      %parallel_loop3A_434 = tpu.vector_load %arg16[%parallel_loop3A_432, %parallel_loop3A_433] {strides = array<i32>} : memref<32x768xf32, #tpu.memory_space<vmem>>, vector<16xf32>,
      tpu.vector_store %arg16[%parallel_loop3A_432, %parallel_loop3A_433], %parallel_loop3A_431 {strides = array<i32>} : memref<32x768xf32, #tpu.memory_space<vmem>>, vector<16xf32>,
      %parallel_loop3A_435 = arith.index_cast %parallel_loop3A_126 : i32 to index
      %parallel_loop3A_436 = arith.constant 400 : index
      %parallel_loop3A_437 = tpu.vector_load %arg16[%parallel_loop3A_435, %parallel_loop3A_436] {strides = array<i32>} : memref<32x768xf32, #tpu.memory_space<vmem>>, vector<16xf32>,
      %parallel_loop3A_438 = arith.mulf %parallel_loop3A_437, %parallel_loop3A_130 : vector<16xf32>
      %parallel_loop3A_439 = arith.index_cast %parallel_loop3A_126 : i32 to index
      %parallel_loop3A_440 = arith.constant 400 : index
      %parallel_loop3A_441 = tpu.vector_load %arg17[%parallel_loop3A_439, %parallel_loop3A_440] {strides = array<i32>} : memref<32x768xf32, #tpu.memory_space<vmem>>, vector<16xf32>,
      %parallel_loop3A_442 = arith.mulf %parallel_loop3A_441, %parallel_loop3A_134 : vector<16xf32>
      %parallel_loop3A_443 = arith.addf %parallel_loop3A_438, %parallel_loop3A_442 : vector<16xf32>
      %parallel_loop3A_444 = arith.index_cast %parallel_loop3A_126 : i32 to index
      %parallel_loop3A_445 = arith.constant 400 : index
      %parallel_loop3A_446 = tpu.vector_load %arg16[%parallel_loop3A_444, %parallel_loop3A_445] {strides = array<i32>} : memref<32x768xf32, #tpu.memory_space<vmem>>, vector<16xf32>,
      tpu.vector_store %arg16[%parallel_loop3A_444, %parallel_loop3A_445], %parallel_loop3A_443 {strides = array<i32>} : memref<32x768xf32, #tpu.memory_space<vmem>>, vector<16xf32>,
      %parallel_loop3A_447 = arith.index_cast %parallel_loop3A_126 : i32 to index
      %parallel_loop3A_448 = arith.constant 416 : index
      %parallel_loop3A_449 = tpu.vector_load %arg16[%parallel_loop3A_447, %parallel_loop3A_448] {strides = array<i32>} : memref<32x768xf32, #tpu.memory_space<vmem>>, vector<16xf32>,
      %parallel_loop3A_450 = arith.mulf %parallel_loop3A_449, %parallel_loop3A_130 : vector<16xf32>
      %parallel_loop3A_451 = arith.index_cast %parallel_loop3A_126 : i32 to index
      %parallel_loop3A_452 = arith.constant 416 : index
      %parallel_loop3A_453 = tpu.vector_load %arg17[%parallel_loop3A_451, %parallel_loop3A_452] {strides = array<i32>} : memref<32x768xf32, #tpu.memory_space<vmem>>, vector<16xf32>,
      %parallel_loop3A_454 = arith.mulf %parallel_loop3A_453, %parallel_loop3A_134 : vector<16xf32>
      %parallel_loop3A_455 = arith.addf %parallel_loop3A_450, %parallel_loop3A_454 : vector<16xf32>
      %parallel_loop3A_456 = arith.index_cast %parallel_loop3A_126 : i32 to index
      %parallel_loop3A_457 = arith.constant 416 : index
      %parallel_loop3A_458 = tpu.vector_load %arg16[%parallel_loop3A_456, %parallel_loop3A_457] {strides = array<i32>} : memref<32x768xf32, #tpu.memory_space<vmem>>, vector<16xf32>,
      tpu.vector_store %arg16[%parallel_loop3A_456, %parallel_loop3A_457], %parallel_loop3A_455 {strides = array<i32>} : memref<32x768xf32, #tpu.memory_space<vmem>>, vector<16xf32>,
      %parallel_loop3A_459 = arith.index_cast %parallel_loop3A_126 : i32 to index
      %parallel_loop3A_460 = arith.constant 432 : index
      %parallel_loop3A_461 = tpu.vector_load %arg16[%parallel_loop3A_459, %parallel_loop3A_460] {strides = array<i32>} : memref<32x768xf32, #tpu.memory_space<vmem>>, vector<16xf32>,
      %parallel_loop3A_462 = arith.mulf %parallel_loop3A_461, %parallel_loop3A_130 : vector<16xf32>
      %parallel_loop3A_463 = arith.index_cast %parallel_loop3A_126 : i32 to index
      %parallel_loop3A_464 = arith.constant 432 : index
      %parallel_loop3A_465 = tpu.vector_load %arg17[%parallel_loop3A_463, %parallel_loop3A_464] {strides = array<i32>} : memref<32x768xf32, #tpu.memory_space<vmem>>, vector<16xf32>,
      %parallel_loop3A_466 = arith.mulf %parallel_loop3A_465, %parallel_loop3A_134 : vector<16xf32>
      %parallel_loop3A_467 = arith.addf %parallel_loop3A_462, %parallel_loop3A_466 : vector<16xf32>
      %parallel_loop3A_468 = arith.index_cast %parallel_loop3A_126 : i32 to index
      %parallel_loop3A_469 = arith.constant 432 : index
      %parallel_loop3A_470 = tpu.vector_load %arg16[%parallel_loop3A_468, %parallel_loop3A_469] {strides = array<i32>} : memref<32x768xf32, #tpu.memory_space<vmem>>, vector<16xf32>,
      tpu.vector_store %arg16[%parallel_loop3A_468, %parallel_loop3A_469], %parallel_loop3A_467 {strides = array<i32>} : memref<32x768xf32, #tpu.memory_space<vmem>>, vector<16xf32>,
      %parallel_loop3A_471 = arith.index_cast %parallel_loop3A_126 : i32 to index
      %parallel_loop3A_472 = arith.constant 448 : index
      %parallel_loop3A_473 = tpu.vector_load %arg16[%parallel_loop3A_471, %parallel_loop3A_472] {strides = array<i32>} : memref<32x768xf32, #tpu.memory_space<vmem>>, vector<16xf32>,
      %parallel_loop3A_474 = arith.mulf %parallel_loop3A_473, %parallel_loop3A_130 : vector<16xf32>
      %parallel_loop3A_475 = arith.index_cast %parallel_loop3A_126 : i32 to index
      %parallel_loop3A_476 = arith.constant 448 : index
      %parallel_loop3A_477 = tpu.vector_load %arg17[%parallel_loop3A_475, %parallel_loop3A_476] {strides = array<i32>} : memref<32x768xf32, #tpu.memory_space<vmem>>, vector<16xf32>,
      %parallel_loop3A_478 = arith.mulf %parallel_loop3A_477, %parallel_loop3A_134 : vector<16xf32>
      %parallel_loop3A_479 = arith.addf %parallel_loop3A_474, %parallel_loop3A_478 : vector<16xf32>
      %parallel_loop3A_480 = arith.index_cast %parallel_loop3A_126 : i32 to index
      %parallel_loop3A_481 = arith.constant 448 : index
      %parallel_loop3A_482 = tpu.vector_load %arg16[%parallel_loop3A_480, %parallel_loop3A_481] {strides = array<i32>} : memref<32x768xf32, #tpu.memory_space<vmem>>, vector<16xf32>,
      tpu.vector_store %arg16[%parallel_loop3A_480, %parallel_loop3A_481], %parallel_loop3A_479 {strides = array<i32>} : memref<32x768xf32, #tpu.memory_space<vmem>>, vector<16xf32>,
      %parallel_loop3A_483 = arith.index_cast %parallel_loop3A_126 : i32 to index
      %parallel_loop3A_484 = arith.constant 464 : index
      %parallel_loop3A_485 = tpu.vector_load %arg16[%parallel_loop3A_483, %parallel_loop3A_484] {strides = array<i32>} : memref<32x768xf32, #tpu.memory_space<vmem>>, vector<16xf32>,
      %parallel_loop3A_486 = arith.mulf %parallel_loop3A_485, %parallel_loop3A_130 : vector<16xf32>
      %parallel_loop3A_487 = arith.index_cast %parallel_loop3A_126 : i32 to index
      %parallel_loop3A_488 = arith.constant 464 : index
      %parallel_loop3A_489 = tpu.vector_load %arg17[%parallel_loop3A_487, %parallel_loop3A_488] {strides = array<i32>} : memref<32x768xf32, #tpu.memory_space<vmem>>, vector<16xf32>,
      %parallel_loop3A_490 = arith.mulf %parallel_loop3A_489, %parallel_loop3A_134 : vector<16xf32>
      %parallel_loop3A_491 = arith.addf %parallel_loop3A_486, %parallel_loop3A_490 : vector<16xf32>
      %parallel_loop3A_492 = arith.index_cast %parallel_loop3A_126 : i32 to index
      %parallel_loop3A_493 = arith.constant 464 : index
      %parallel_loop3A_494 = tpu.vector_load %arg16[%parallel_loop3A_492, %parallel_loop3A_493] {strides = array<i32>} : memref<32x768xf32, #tpu.memory_space<vmem>>, vector<16xf32>,
      tpu.vector_store %arg16[%parallel_loop3A_492, %parallel_loop3A_493], %parallel_loop3A_491 {strides = array<i32>} : memref<32x768xf32, #tpu.memory_space<vmem>>, vector<16xf32>,
      %parallel_loop3A_495 = arith.index_cast %parallel_loop3A_126 : i32 to index
      %parallel_loop3A_496 = arith.constant 480 : index
      %parallel_loop3A_497 = tpu.vector_load %arg16[%parallel_loop3A_495, %parallel_loop3A_496] {strides = array<i32>} : memref<32x768xf32, #tpu.memory_space<vmem>>, vector<16xf32>,
      %parallel_loop3A_498 = arith.mulf %parallel_loop3A_497, %parallel_loop3A_130 : vector<16xf32>
      %parallel_loop3A_499 = arith.index_cast %parallel_loop3A_126 : i32 to index
      %parallel_loop3A_500 = arith.constant 480 : index
      %parallel_loop3A_501 = tpu.vector_load %arg17[%parallel_loop3A_499, %parallel_loop3A_500] {strides = array<i32>} : memref<32x768xf32, #tpu.memory_space<vmem>>, vector<16xf32>,
      %parallel_loop3A_502 = arith.mulf %parallel_loop3A_501, %parallel_loop3A_134 : vector<16xf32>
      %parallel_loop3A_503 = arith.addf %parallel_loop3A_498, %parallel_loop3A_502 : vector<16xf32>
      %parallel_loop3A_504 = arith.index_cast %parallel_loop3A_126 : i32 to index
      %parallel_loop3A_505 = arith.constant 480 : index
      %parallel_loop3A_506 = tpu.vector_load %arg16[%parallel_loop3A_504, %parallel_loop3A_505] {strides = array<i32>} : memref<32x768xf32, #tpu.memory_space<vmem>>, vector<16xf32>,
      tpu.vector_store %arg16[%parallel_loop3A_504, %parallel_loop3A_505], %parallel_loop3A_503 {strides = array<i32>} : memref<32x768xf32, #tpu.memory_space<vmem>>, vector<16xf32>,
      %parallel_loop3A_507 = arith.index_cast %parallel_loop3A_126 : i32 to index
      %parallel_loop3A_508 = arith.constant 496 : index
      %parallel_loop3A_509 = tpu.vector_load %arg16[%parallel_loop3A_507, %parallel_loop3A_508] {strides = array<i32>} : memref<32x768xf32, #tpu.memory_space<vmem>>, vector<16xf32>,
      %parallel_loop3A_510 = arith.mulf %parallel_loop3A_509, %parallel_loop3A_130 : vector<16xf32>
      %parallel_loop3A_511 = arith.index_cast %parallel_loop3A_126 : i32 to index
      %parallel_loop3A_512 = arith.constant 496 : index
      %parallel_loop3A_513 = tpu.vector_load %arg17[%parallel_loop3A_511, %parallel_loop3A_512] {strides = array<i32>} : memref<32x768xf32, #tpu.memory_space<vmem>>, vector<16xf32>,
      %parallel_loop3A_514 = arith.mulf %parallel_loop3A_513, %parallel_loop3A_134 : vector<16xf32>
      %parallel_loop3A_515 = arith.addf %parallel_loop3A_510, %parallel_loop3A_514 : vector<16xf32>
      %parallel_loop3A_516 = arith.index_cast %parallel_loop3A_126 : i32 to index
      %parallel_loop3A_517 = arith.constant 496 : index
      %parallel_loop3A_518 = tpu.vector_load %arg16[%parallel_loop3A_516, %parallel_loop3A_517] {strides = array<i32>} : memref<32x768xf32, #tpu.memory_space<vmem>>, vector<16xf32>,
      tpu.vector_store %arg16[%parallel_loop3A_516, %parallel_loop3A_517], %parallel_loop3A_515 {strides = array<i32>} : memref<32x768xf32, #tpu.memory_space<vmem>>, vector<16xf32>,
      %parallel_loop3A_519 = arith.index_cast %parallel_loop3A_126 : i32 to index
      %parallel_loop3A_520 = arith.constant 512 : index
      %parallel_loop3A_521 = tpu.vector_load %arg16[%parallel_loop3A_519, %parallel_loop3A_520] {strides = array<i32>} : memref<32x768xf32, #tpu.memory_space<vmem>>, vector<16xf32>,
      %parallel_loop3A_522 = arith.mulf %parallel_loop3A_521, %parallel_loop3A_130 : vector<16xf32>
      %parallel_loop3A_523 = arith.index_cast %parallel_loop3A_126 : i32 to index
      %parallel_loop3A_524 = arith.constant 512 : index
      %parallel_loop3A_525 = tpu.vector_load %arg17[%parallel_loop3A_523, %parallel_loop3A_524] {strides = array<i32>} : memref<32x768xf32, #tpu.memory_space<vmem>>, vector<16xf32>,
      %parallel_loop3A_526 = arith.mulf %parallel_loop3A_525, %parallel_loop3A_134 : vector<16xf32>
      %parallel_loop3A_527 = arith.addf %parallel_loop3A_522, %parallel_loop3A_526 : vector<16xf32>
      %parallel_loop3A_528 = arith.index_cast %parallel_loop3A_126 : i32 to index
      %parallel_loop3A_529 = arith.constant 512 : index
      %parallel_loop3A_530 = tpu.vector_load %arg16[%parallel_loop3A_528, %parallel_loop3A_529] {strides = array<i32>} : memref<32x768xf32, #tpu.memory_space<vmem>>, vector<16xf32>,
      tpu.vector_store %arg16[%parallel_loop3A_528, %parallel_loop3A_529], %parallel_loop3A_527 {strides = array<i32>} : memref<32x768xf32, #tpu.memory_space<vmem>>, vector<16xf32>,
      %parallel_loop3A_531 = arith.index_cast %parallel_loop3A_126 : i32 to index
      %parallel_loop3A_532 = arith.constant 528 : index
      %parallel_loop3A_533 = tpu.vector_load %arg16[%parallel_loop3A_531, %parallel_loop3A_532] {strides = array<i32>} : memref<32x768xf32, #tpu.memory_space<vmem>>, vector<16xf32>,
      %parallel_loop3A_534 = arith.mulf %parallel_loop3A_533, %parallel_loop3A_130 : vector<16xf32>
      %parallel_loop3A_535 = arith.index_cast %parallel_loop3A_126 : i32 to index
      %parallel_loop3A_536 = arith.constant 528 : index
      %parallel_loop3A_537 = tpu.vector_load %arg17[%parallel_loop3A_535, %parallel_loop3A_536] {strides = array<i32>} : memref<32x768xf32, #tpu.memory_space<vmem>>, vector<16xf32>,
      %parallel_loop3A_538 = arith.mulf %parallel_loop3A_537, %parallel_loop3A_134 : vector<16xf32>
      %parallel_loop3A_539 = arith.addf %parallel_loop3A_534, %parallel_loop3A_538 : vector<16xf32>
      %parallel_loop3A_540 = arith.index_cast %parallel_loop3A_126 : i32 to index
      %parallel_loop3A_541 = arith.constant 528 : index
      %parallel_loop3A_542 = tpu.vector_load %arg16[%parallel_loop3A_540, %parallel_loop3A_541] {strides = array<i32>} : memref<32x768xf32, #tpu.memory_space<vmem>>, vector<16xf32>,
      tpu.vector_store %arg16[%parallel_loop3A_540, %parallel_loop3A_541], %parallel_loop3A_539 {strides = array<i32>} : memref<32x768xf32, #tpu.memory_space<vmem>>, vector<16xf32>,
      %parallel_loop3A_543 = arith.index_cast %parallel_loop3A_126 : i32 to index
      %parallel_loop3A_544 = arith.constant 544 : index
      %parallel_loop3A_545 = tpu.vector_load %arg16[%parallel_loop3A_543, %parallel_loop3A_544] {strides = array<i32>} : memref<32x768xf32, #tpu.memory_space<vmem>>, vector<16xf32>,
      %parallel_loop3A_546 = arith.mulf %parallel_loop3A_545, %parallel_loop3A_130 : vector<16xf32>
      %parallel_loop3A_547 = arith.index_cast %parallel_loop3A_126 : i32 to index
      %parallel_loop3A_548 = arith.constant 544 : index
      %parallel_loop3A_549 = tpu.vector_load %arg17[%parallel_loop3A_547, %parallel_loop3A_548] {strides = array<i32>} : memref<32x768xf32, #tpu.memory_space<vmem>>, vector<16xf32>,
      %parallel_loop3A_550 = arith.mulf %parallel_loop3A_549, %parallel_loop3A_134 : vector<16xf32>
      %parallel_loop3A_551 = arith.addf %parallel_loop3A_546, %parallel_loop3A_550 : vector<16xf32>
      %parallel_loop3A_552 = arith.index_cast %parallel_loop3A_126 : i32 to index
      %parallel_loop3A_553 = arith.constant 544 : index
      %parallel_loop3A_554 = tpu.vector_load %arg16[%parallel_loop3A_552, %parallel_loop3A_553] {strides = array<i32>} : memref<32x768xf32, #tpu.memory_space<vmem>>, vector<16xf32>,
      tpu.vector_store %arg16[%parallel_loop3A_552, %parallel_loop3A_553], %parallel_loop3A_551 {strides = array<i32>} : memref<32x768xf32, #tpu.memory_space<vmem>>, vector<16xf32>,
      %parallel_loop3A_555 = arith.index_cast %parallel_loop3A_126 : i32 to index
      %parallel_loop3A_556 = arith.constant 560 : index
      %parallel_loop3A_557 = tpu.vector_load %arg16[%parallel_loop3A_555, %parallel_loop3A_556] {strides = array<i32>} : memref<32x768xf32, #tpu.memory_space<vmem>>, vector<16xf32>,
      %parallel_loop3A_558 = arith.mulf %parallel_loop3A_557, %parallel_loop3A_130 : vector<16xf32>
      %parallel_loop3A_559 = arith.index_cast %parallel_loop3A_126 : i32 to index
      %parallel_loop3A_560 = arith.constant 560 : index
      %parallel_loop3A_561 = tpu.vector_load %arg17[%parallel_loop3A_559, %parallel_loop3A_560] {strides = array<i32>} : memref<32x768xf32, #tpu.memory_space<vmem>>, vector<16xf32>,
      %parallel_loop3A_562 = arith.mulf %parallel_loop3A_561, %parallel_loop3A_134 : vector<16xf32>
      %parallel_loop3A_563 = arith.addf %parallel_loop3A_558, %parallel_loop3A_562 : vector<16xf32>
      %parallel_loop3A_564 = arith.index_cast %parallel_loop3A_126 : i32 to index
      %parallel_loop3A_565 = arith.constant 560 : index
      %parallel_loop3A_566 = tpu.vector_load %arg16[%parallel_loop3A_564, %parallel_loop3A_565] {strides = array<i32>} : memref<32x768xf32, #tpu.memory_space<vmem>>, vector<16xf32>,
      tpu.vector_store %arg16[%parallel_loop3A_564, %parallel_loop3A_565], %parallel_loop3A_563 {strides = array<i32>} : memref<32x768xf32, #tpu.memory_space<vmem>>, vector<16xf32>,
      %parallel_loop3A_567 = arith.index_cast %parallel_loop3A_126 : i32 to index
      %parallel_loop3A_568 = arith.constant 576 : index
      %parallel_loop3A_569 = tpu.vector_load %arg16[%parallel_loop3A_567, %parallel_loop3A_568] {strides = array<i32>} : memref<32x768xf32, #tpu.memory_space<vmem>>, vector<16xf32>,
      %parallel_loop3A_570 = arith.mulf %parallel_loop3A_569, %parallel_loop3A_130 : vector<16xf32>
      %parallel_loop3A_571 = arith.index_cast %parallel_loop3A_126 : i32 to index
      %parallel_loop3A_572 = arith.constant 576 : index
      %parallel_loop3A_573 = tpu.vector_load %arg17[%parallel_loop3A_571, %parallel_loop3A_572] {strides = array<i32>} : memref<32x768xf32, #tpu.memory_space<vmem>>, vector<16xf32>,
      %parallel_loop3A_574 = arith.mulf %parallel_loop3A_573, %parallel_loop3A_134 : vector<16xf32>
      %parallel_loop3A_575 = arith.addf %parallel_loop3A_570, %parallel_loop3A_574 : vector<16xf32>
      %parallel_loop3A_576 = arith.index_cast %parallel_loop3A_126 : i32 to index
      %parallel_loop3A_577 = arith.constant 576 : index
      %parallel_loop3A_578 = tpu.vector_load %arg16[%parallel_loop3A_576, %parallel_loop3A_577] {strides = array<i32>} : memref<32x768xf32, #tpu.memory_space<vmem>>, vector<16xf32>,
      tpu.vector_store %arg16[%parallel_loop3A_576, %parallel_loop3A_577], %parallel_loop3A_575 {strides = array<i32>} : memref<32x768xf32, #tpu.memory_space<vmem>>, vector<16xf32>,
      %parallel_loop3A_579 = arith.index_cast %parallel_loop3A_126 : i32 to index
      %parallel_loop3A_580 = arith.constant 592 : index
      %parallel_loop3A_581 = tpu.vector_load %arg16[%parallel_loop3A_579, %parallel_loop3A_580] {strides = array<i32>} : memref<32x768xf32, #tpu.memory_space<vmem>>, vector<16xf32>,
      %parallel_loop3A_582 = arith.mulf %parallel_loop3A_581, %parallel_loop3A_130 : vector<16xf32>
      %parallel_loop3A_583 = arith.index_cast %parallel_loop3A_126 : i32 to index
      %parallel_loop3A_584 = arith.constant 592 : index
      %parallel_loop3A_585 = tpu.vector_load %arg17[%parallel_loop3A_583, %parallel_loop3A_584] {strides = array<i32>} : memref<32x768xf32, #tpu.memory_space<vmem>>, vector<16xf32>,
      %parallel_loop3A_586 = arith.mulf %parallel_loop3A_585, %parallel_loop3A_134 : vector<16xf32>
      %parallel_loop3A_587 = arith.addf %parallel_loop3A_582, %parallel_loop3A_586 : vector<16xf32>
      %parallel_loop3A_588 = arith.index_cast %parallel_loop3A_126 : i32 to index
      %parallel_loop3A_589 = arith.constant 592 : index
      %parallel_loop3A_590 = tpu.vector_load %arg16[%parallel_loop3A_588, %parallel_loop3A_589] {strides = array<i32>} : memref<32x768xf32, #tpu.memory_space<vmem>>, vector<16xf32>,
      tpu.vector_store %arg16[%parallel_loop3A_588, %parallel_loop3A_589], %parallel_loop3A_587 {strides = array<i32>} : memref<32x768xf32, #tpu.memory_space<vmem>>, vector<16xf32>,
      %parallel_loop3A_591 = arith.index_cast %parallel_loop3A_126 : i32 to index
      %parallel_loop3A_592 = arith.constant 608 : index
      %parallel_loop3A_593 = tpu.vector_load %arg16[%parallel_loop3A_591, %parallel_loop3A_592] {strides = array<i32>} : memref<32x768xf32, #tpu.memory_space<vmem>>, vector<16xf32>,
      %parallel_loop3A_594 = arith.mulf %parallel_loop3A_593, %parallel_loop3A_130 : vector<16xf32>
      %parallel_loop3A_595 = arith.index_cast %parallel_loop3A_126 : i32 to index
      %parallel_loop3A_596 = arith.constant 608 : index
      %parallel_loop3A_597 = tpu.vector_load %arg17[%parallel_loop3A_595, %parallel_loop3A_596] {strides = array<i32>} : memref<32x768xf32, #tpu.memory_space<vmem>>, vector<16xf32>,
      %parallel_loop3A_598 = arith.mulf %parallel_loop3A_597, %parallel_loop3A_134 : vector<16xf32>
      %parallel_loop3A_599 = arith.addf %parallel_loop3A_594, %parallel_loop3A_598 : vector<16xf32>
      %parallel_loop3A_600 = arith.index_cast %parallel_loop3A_126 : i32 to index
      %parallel_loop3A_601 = arith.constant 608 : index
      %parallel_loop3A_602 = tpu.vector_load %arg16[%parallel_loop3A_600, %parallel_loop3A_601] {strides = array<i32>} : memref<32x768xf32, #tpu.memory_space<vmem>>, vector<16xf32>,
      tpu.vector_store %arg16[%parallel_loop3A_600, %parallel_loop3A_601], %parallel_loop3A_599 {strides = array<i32>} : memref<32x768xf32, #tpu.memory_space<vmem>>, vector<16xf32>,
      %parallel_loop3A_603 = arith.index_cast %parallel_loop3A_126 : i32 to index
      %parallel_loop3A_604 = arith.constant 624 : index
      %parallel_loop3A_605 = tpu.vector_load %arg16[%parallel_loop3A_603, %parallel_loop3A_604] {strides = array<i32>} : memref<32x768xf32, #tpu.memory_space<vmem>>, vector<16xf32>,
      %parallel_loop3A_606 = arith.mulf %parallel_loop3A_605, %parallel_loop3A_130 : vector<16xf32>
      %parallel_loop3A_607 = arith.index_cast %parallel_loop3A_126 : i32 to index
      %parallel_loop3A_608 = arith.constant 624 : index
      %parallel_loop3A_609 = tpu.vector_load %arg17[%parallel_loop3A_607, %parallel_loop3A_608] {strides = array<i32>} : memref<32x768xf32, #tpu.memory_space<vmem>>, vector<16xf32>,
      %parallel_loop3A_610 = arith.mulf %parallel_loop3A_609, %parallel_loop3A_134 : vector<16xf32>
      %parallel_loop3A_611 = arith.addf %parallel_loop3A_606, %parallel_loop3A_610 : vector<16xf32>
      %parallel_loop3A_612 = arith.index_cast %parallel_loop3A_126 : i32 to index
      %parallel_loop3A_613 = arith.constant 624 : index
      %parallel_loop3A_614 = tpu.vector_load %arg16[%parallel_loop3A_612, %parallel_loop3A_613] {strides = array<i32>} : memref<32x768xf32, #tpu.memory_space<vmem>>, vector<16xf32>,
      tpu.vector_store %arg16[%parallel_loop3A_612, %parallel_loop3A_613], %parallel_loop3A_611 {strides = array<i32>} : memref<32x768xf32, #tpu.memory_space<vmem>>, vector<16xf32>,
      %parallel_loop3A_615 = arith.index_cast %parallel_loop3A_126 : i32 to index
      %parallel_loop3A_616 = arith.constant 640 : index
      %parallel_loop3A_617 = tpu.vector_load %arg16[%parallel_loop3A_615, %parallel_loop3A_616] {strides = array<i32>} : memref<32x768xf32, #tpu.memory_space<vmem>>, vector<16xf32>,
      %parallel_loop3A_618 = arith.mulf %parallel_loop3A_617, %parallel_loop3A_130 : vector<16xf32>
      %parallel_loop3A_619 = arith.index_cast %parallel_loop3A_126 : i32 to index
      %parallel_loop3A_620 = arith.constant 640 : index
      %parallel_loop3A_621 = tpu.vector_load %arg17[%parallel_loop3A_619, %parallel_loop3A_620] {strides = array<i32>} : memref<32x768xf32, #tpu.memory_space<vmem>>, vector<16xf32>,
      %parallel_loop3A_622 = arith.mulf %parallel_loop3A_621, %parallel_loop3A_134 : vector<16xf32>
      %parallel_loop3A_623 = arith.addf %parallel_loop3A_618, %parallel_loop3A_622 : vector<16xf32>
      %parallel_loop3A_624 = arith.index_cast %parallel_loop3A_126 : i32 to index
      %parallel_loop3A_625 = arith.constant 640 : index
      %parallel_loop3A_626 = tpu.vector_load %arg16[%parallel_loop3A_624, %parallel_loop3A_625] {strides = array<i32>} : memref<32x768xf32, #tpu.memory_space<vmem>>, vector<16xf32>,
      tpu.vector_store %arg16[%parallel_loop3A_624, %parallel_loop3A_625], %parallel_loop3A_623 {strides = array<i32>} : memref<32x768xf32, #tpu.memory_space<vmem>>, vector<16xf32>,
      %parallel_loop3A_627 = arith.index_cast %parallel_loop3A_126 : i32 to index
      %parallel_loop3A_628 = arith.constant 656 : index
      %parallel_loop3A_629 = tpu.vector_load %arg16[%parallel_loop3A_627, %parallel_loop3A_628] {strides = array<i32>} : memref<32x768xf32, #tpu.memory_space<vmem>>, vector<16xf32>,
      %parallel_loop3A_630 = arith.mulf %parallel_loop3A_629, %parallel_loop3A_130 : vector<16xf32>
      %parallel_loop3A_631 = arith.index_cast %parallel_loop3A_126 : i32 to index
      %parallel_loop3A_632 = arith.constant 656 : index
      %parallel_loop3A_633 = tpu.vector_load %arg17[%parallel_loop3A_631, %parallel_loop3A_632] {strides = array<i32>} : memref<32x768xf32, #tpu.memory_space<vmem>>, vector<16xf32>,
      %parallel_loop3A_634 = arith.mulf %parallel_loop3A_633, %parallel_loop3A_134 : vector<16xf32>
      %parallel_loop3A_635 = arith.addf %parallel_loop3A_630, %parallel_loop3A_634 : vector<16xf32>
      %parallel_loop3A_636 = arith.index_cast %parallel_loop3A_126 : i32 to index
      %parallel_loop3A_637 = arith.constant 656 : index
      %parallel_loop3A_638 = tpu.vector_load %arg16[%parallel_loop3A_636, %parallel_loop3A_637] {strides = array<i32>} : memref<32x768xf32, #tpu.memory_space<vmem>>, vector<16xf32>,
      tpu.vector_store %arg16[%parallel_loop3A_636, %parallel_loop3A_637], %parallel_loop3A_635 {strides = array<i32>} : memref<32x768xf32, #tpu.memory_space<vmem>>, vector<16xf32>,
      %parallel_loop3A_639 = arith.index_cast %parallel_loop3A_126 : i32 to index
      %parallel_loop3A_640 = arith.constant 672 : index
      %parallel_loop3A_641 = tpu.vector_load %arg16[%parallel_loop3A_639, %parallel_loop3A_640] {strides = array<i32>} : memref<32x768xf32, #tpu.memory_space<vmem>>, vector<16xf32>,
      %parallel_loop3A_642 = arith.mulf %parallel_loop3A_641, %parallel_loop3A_130 : vector<16xf32>
      %parallel_loop3A_643 = arith.index_cast %parallel_loop3A_126 : i32 to index
      %parallel_loop3A_644 = arith.constant 672 : index
      %parallel_loop3A_645 = tpu.vector_load %arg17[%parallel_loop3A_643, %parallel_loop3A_644] {strides = array<i32>} : memref<32x768xf32, #tpu.memory_space<vmem>>, vector<16xf32>,
      %parallel_loop3A_646 = arith.mulf %parallel_loop3A_645, %parallel_loop3A_134 : vector<16xf32>
      %parallel_loop3A_647 = arith.addf %parallel_loop3A_642, %parallel_loop3A_646 : vector<16xf32>
      %parallel_loop3A_648 = arith.index_cast %parallel_loop3A_126 : i32 to index
      %parallel_loop3A_649 = arith.constant 672 : index
      %parallel_loop3A_650 = tpu.vector_load %arg16[%parallel_loop3A_648, %parallel_loop3A_649] {strides = array<i32>} : memref<32x768xf32, #tpu.memory_space<vmem>>, vector<16xf32>,
      tpu.vector_store %arg16[%parallel_loop3A_648, %parallel_loop3A_649], %parallel_loop3A_647 {strides = array<i32>} : memref<32x768xf32, #tpu.memory_space<vmem>>, vector<16xf32>,
      %parallel_loop3A_651 = arith.index_cast %parallel_loop3A_126 : i32 to index
      %parallel_loop3A_652 = arith.constant 688 : index
      %parallel_loop3A_653 = tpu.vector_load %arg16[%parallel_loop3A_651, %parallel_loop3A_652] {strides = array<i32>} : memref<32x768xf32, #tpu.memory_space<vmem>>, vector<16xf32>,
      %parallel_loop3A_654 = arith.mulf %parallel_loop3A_653, %parallel_loop3A_130 : vector<16xf32>
      %parallel_loop3A_655 = arith.index_cast %parallel_loop3A_126 : i32 to index
      %parallel_loop3A_656 = arith.constant 688 : index
      %parallel_loop3A_657 = tpu.vector_load %arg17[%parallel_loop3A_655, %parallel_loop3A_656] {strides = array<i32>} : memref<32x768xf32, #tpu.memory_space<vmem>>, vector<16xf32>,
      %parallel_loop3A_658 = arith.mulf %parallel_loop3A_657, %parallel_loop3A_134 : vector<16xf32>
      %parallel_loop3A_659 = arith.addf %parallel_loop3A_654, %parallel_loop3A_658 : vector<16xf32>
      %parallel_loop3A_660 = arith.index_cast %parallel_loop3A_126 : i32 to index
      %parallel_loop3A_661 = arith.constant 688 : index
      %parallel_loop3A_662 = tpu.vector_load %arg16[%parallel_loop3A_660, %parallel_loop3A_661] {strides = array<i32>} : memref<32x768xf32, #tpu.memory_space<vmem>>, vector<16xf32>,
      tpu.vector_store %arg16[%parallel_loop3A_660, %parallel_loop3A_661], %parallel_loop3A_659 {strides = array<i32>} : memref<32x768xf32, #tpu.memory_space<vmem>>, vector<16xf32>,
      %parallel_loop3A_663 = arith.index_cast %parallel_loop3A_126 : i32 to index
      %parallel_loop3A_664 = arith.constant 704 : index
      %parallel_loop3A_665 = tpu.vector_load %arg16[%parallel_loop3A_663, %parallel_loop3A_664] {strides = array<i32>} : memref<32x768xf32, #tpu.memory_space<vmem>>, vector<16xf32>,
      %parallel_loop3A_666 = arith.mulf %parallel_loop3A_665, %parallel_loop3A_130 : vector<16xf32>
      %parallel_loop3A_667 = arith.index_cast %parallel_loop3A_126 : i32 to index
      %parallel_loop3A_668 = arith.constant 704 : index
      %parallel_loop3A_669 = tpu.vector_load %arg17[%parallel_loop3A_667, %parallel_loop3A_668] {strides = array<i32>} : memref<32x768xf32, #tpu.memory_space<vmem>>, vector<16xf32>,
      %parallel_loop3A_670 = arith.mulf %parallel_loop3A_669, %parallel_loop3A_134 : vector<16xf32>
      %parallel_loop3A_671 = arith.addf %parallel_loop3A_666, %parallel_loop3A_670 : vector<16xf32>
      %parallel_loop3A_672 = arith.index_cast %parallel_loop3A_126 : i32 to index
      %parallel_loop3A_673 = arith.constant 704 : index
      %parallel_loop3A_674 = tpu.vector_load %arg16[%parallel_loop3A_672, %parallel_loop3A_673] {strides = array<i32>} : memref<32x768xf32, #tpu.memory_space<vmem>>, vector<16xf32>,
      tpu.vector_store %arg16[%parallel_loop3A_672, %parallel_loop3A_673], %parallel_loop3A_671 {strides = array<i32>} : memref<32x768xf32, #tpu.memory_space<vmem>>, vector<16xf32>,
      %parallel_loop3A_675 = arith.index_cast %parallel_loop3A_126 : i32 to index
      %parallel_loop3A_676 = arith.constant 720 : index
      %parallel_loop3A_677 = tpu.vector_load %arg16[%parallel_loop3A_675, %parallel_loop3A_676] {strides = array<i32>} : memref<32x768xf32, #tpu.memory_space<vmem>>, vector<16xf32>,
      %parallel_loop3A_678 = arith.mulf %parallel_loop3A_677, %parallel_loop3A_130 : vector<16xf32>
      %parallel_loop3A_679 = arith.index_cast %parallel_loop3A_126 : i32 to index
      %parallel_loop3A_680 = arith.constant 720 : index
      %parallel_loop3A_681 = tpu.vector_load %arg17[%parallel_loop3A_679, %parallel_loop3A_680] {strides = array<i32>} : memref<32x768xf32, #tpu.memory_space<vmem>>, vector<16xf32>,
      %parallel_loop3A_682 = arith.mulf %parallel_loop3A_681, %parallel_loop3A_134 : vector<16xf32>
      %parallel_loop3A_683 = arith.addf %parallel_loop3A_678, %parallel_loop3A_682 : vector<16xf32>
      %parallel_loop3A_684 = arith.index_cast %parallel_loop3A_126 : i32 to index
      %parallel_loop3A_685 = arith.constant 720 : index
      %parallel_loop3A_686 = tpu.vector_load %arg16[%parallel_loop3A_684, %parallel_loop3A_685] {strides = array<i32>} : memref<32x768xf32, #tpu.memory_space<vmem>>, vector<16xf32>,
      tpu.vector_store %arg16[%parallel_loop3A_684, %parallel_loop3A_685], %parallel_loop3A_683 {strides = array<i32>} : memref<32x768xf32, #tpu.memory_space<vmem>>, vector<16xf32>,
      %parallel_loop3A_687 = arith.index_cast %parallel_loop3A_126 : i32 to index
      %parallel_loop3A_688 = arith.constant 736 : index
      %parallel_loop3A_689 = tpu.vector_load %arg16[%parallel_loop3A_687, %parallel_loop3A_688] {strides = array<i32>} : memref<32x768xf32, #tpu.memory_space<vmem>>, vector<16xf32>,
      %parallel_loop3A_690 = arith.mulf %parallel_loop3A_689, %parallel_loop3A_130 : vector<16xf32>
      %parallel_loop3A_691 = arith.index_cast %parallel_loop3A_126 : i32 to index
      %parallel_loop3A_692 = arith.constant 736 : index
      %parallel_loop3A_693 = tpu.vector_load %arg17[%parallel_loop3A_691, %parallel_loop3A_692] {strides = array<i32>} : memref<32x768xf32, #tpu.memory_space<vmem>>, vector<16xf32>,
      %parallel_loop3A_694 = arith.mulf %parallel_loop3A_693, %parallel_loop3A_134 : vector<16xf32>
      %parallel_loop3A_695 = arith.addf %parallel_loop3A_690, %parallel_loop3A_694 : vector<16xf32>
      %parallel_loop3A_696 = arith.index_cast %parallel_loop3A_126 : i32 to index
      %parallel_loop3A_697 = arith.constant 736 : index
      %parallel_loop3A_698 = tpu.vector_load %arg16[%parallel_loop3A_696, %parallel_loop3A_697] {strides = array<i32>} : memref<32x768xf32, #tpu.memory_space<vmem>>, vector<16xf32>,
      tpu.vector_store %arg16[%parallel_loop3A_696, %parallel_loop3A_697], %parallel_loop3A_695 {strides = array<i32>} : memref<32x768xf32, #tpu.memory_space<vmem>>, vector<16xf32>,
      %parallel_loop3A_699 = arith.index_cast %parallel_loop3A_126 : i32 to index
      %parallel_loop3A_700 = arith.constant 752 : index
      %parallel_loop3A_701 = tpu.vector_load %arg16[%parallel_loop3A_699, %parallel_loop3A_700] {strides = array<i32>} : memref<32x768xf32, #tpu.memory_space<vmem>>, vector<16xf32>,
      %parallel_loop3A_702 = arith.mulf %parallel_loop3A_701, %parallel_loop3A_130 : vector<16xf32>
      %parallel_loop3A_703 = arith.index_cast %parallel_loop3A_126 : i32 to index
      %parallel_loop3A_704 = arith.constant 752 : index
      %parallel_loop3A_705 = tpu.vector_load %arg17[%parallel_loop3A_703, %parallel_loop3A_704] {strides = array<i32>} : memref<32x768xf32, #tpu.memory_space<vmem>>, vector<16xf32>,
      %parallel_loop3A_706 = arith.mulf %parallel_loop3A_705, %parallel_loop3A_134 : vector<16xf32>
      %parallel_loop3A_707 = arith.addf %parallel_loop3A_702, %parallel_loop3A_706 : vector<16xf32>
      %parallel_loop3A_708 = arith.index_cast %parallel_loop3A_126 : i32 to index
      %parallel_loop3A_709 = arith.constant 752 : index
      %parallel_loop3A_710 = tpu.vector_load %arg16[%parallel_loop3A_708, %parallel_loop3A_709] {strides = array<i32>} : memref<32x768xf32, #tpu.memory_space<vmem>>, vector<16xf32>,
      tpu.vector_store %arg16[%parallel_loop3A_708, %parallel_loop3A_709], %parallel_loop3A_707 {strides = array<i32>} : memref<32x768xf32, #tpu.memory_space<vmem>>, vector<16xf32>,
    } {sc.loop_unroll_factor = 2 : i64, sc.parallel_access}
    %add3A_120 = arith.constant 32 : i32
    %add3A_121 = arith.addi %mul3A_2, %add3A_120 : i32
    "tpu.region"() ({
      %run_scoped3A = tpu.sem_alloc : memref<!tpu.dma_semaphore, #tpu.memory_space<semaphore_mem>>
      %dma_start3A_126 = arith.constant 0 : i32
      %dma_start3A_127 = tpu.memref_slice %arg5[%add3A_121, %dma_start3A_126] : memref<2048x768xf32, #tpu.memory_space<hbm>> -> memref<32x768xf32, #tpu.memory_space<hbm>>
      %dma_start3A_128 = arith.constant 0 : i32
      %dma_start3A_129 = tpu.memref_slice %arg5[%add3A_121, %dma_start3A_128] : memref<2048x768xf32, #tpu.memory_space<hbm>> -> memref<32x768xf32, #tpu.memory_space<hbm>>
      tpu.enqueue_dma source(%arg16 : memref<32x768xf32, #tpu.memory_space<vmem>>) target(%dma_start3A_129 : memref<32x768xf32, #tpu.memory_space<hbm>>) target_semaphore(%run_scoped3A : memref<!tpu.dma_semaphore, #tpu.memory_space<semaphore_mem>>)
      %dma_wait3A_130 = arith.constant 0 : i32
      %dma_wait3A_131 = tpu.memref_slice %arg5[%add3A_121, %dma_wait3A_130] : memref<2048x768xf32, #tpu.memory_space<hbm>> -> memref<32x768xf32, #tpu.memory_space<hbm>>
      %dma_wait3A_132 = arith.constant 0 : i32
      %dma_wait3A_133 = tpu.memref_slice %arg5[%add3A_121, %dma_wait3A_132] : memref<2048x768xf32, #tpu.memory_space<hbm>> -> memref<32x768xf32, #tpu.memory_space<hbm>>
      tpu.wait_dma2 semaphore(%run_scoped3A : memref<!tpu.dma_semaphore, #tpu.memory_space<semaphore_mem>>) src(%arg16 : memref<32x768xf32, #tpu.memory_space<vmem>>) dst(%dma_wait3A_133 : memref<32x768xf32, #tpu.memory_space<hbm>>)
      tpu.yield
    }) : () -> ()
    %dma_wait3A_122 = arith.constant 0 : i32
    %dma_wait3A_123 = tpu.memref_slice %arg5[%mul3A_2, %dma_wait3A_122] : memref<2048x768xf32, #tpu.memory_space<hbm>> -> memref<32x768xf32, #tpu.memory_space<hbm>>
    %dma_wait3A_124 = arith.constant 0 : i32
    %dma_wait3A_125 = tpu.memref_slice %arg5[%mul3A_2, %dma_wait3A_124] : memref<2048x768xf32, #tpu.memory_space<hbm>> -> memref<32x768xf32, #tpu.memory_space<hbm>>
    tpu.wait_dma2 semaphore(%arg22 : memref<!tpu.dma_semaphore, #tpu.memory_space<semaphore_mem>>) src(%arg14 : memref<32x768xf32, #tpu.memory_space<vmem>>) dst(%dma_wait3A_125 : memref<32x768xf32, #tpu.memory_space<hbm>>)
    return
  }
}

module attributes {stable_mosaic.version = 14 : i64} {
  func.func @_expert_body(%arg0: i32, %arg1: memref<80x768xf32, #tpu.memory_space<vmem>>, %arg2: memref<1x1536x768xf32, #tpu.memory_space<vmem>>, %arg3: memref<1x1536x768xf32, #tpu.memory_space<vmem>>, %arg4: memref<1x768x1536xf32, #tpu.memory_space<vmem>>, %arg5: memref<1x80x768xf32, #tpu.memory_space<vmem>>) attributes {dimension_semantics = [#tpu.dimension_semantics<arbitrary>], iteration_bounds = array<i64: 64>, scalar_prefetch = 0 : i64, scratch_operands = 0 : i64, tpu.core_type = #tpu.core_type<tc>, window_params = [{transform_indices = @transform_0, window_bounds = array<i64: 80, 768>}, {transform_indices = @transform_1, window_bounds = array<i64: 1, 1536, 768>}, {transform_indices = @transform_2, window_bounds = array<i64: 1, 1536, 768>}, {transform_indices = @transform_3, window_bounds = array<i64: 1, 768, 1536>}, {transform_indices = @transform_4, window_bounds = array<i64: 1, 80, 768>}]} {
    %get3A = arith.constant 0 : index
    %get3A_0 = arith.constant 0 : index
    %get3A_1 = vector.load %arg1[%get3A, %get3A_0] : memref<80x768xf32, #tpu.memory_space<vmem>>, vector<80x768xf32>
    %abs3A = math.absf %get3A_1 : vector<80x768xf32>
    %lt3A = arith.constant 1.000000e+30 : f32
    %lt3A_2 = vector.broadcast %lt3A : f32 to vector<80x768xf32>
    %lt3A_3 = arith.cmpf olt, %abs3A, %lt3A_2 : vector<80x768xf32>
    %jit3A = arith.constant 0.000000e+00 : f32
    %broadcast_in_dim3A = vector.broadcast %jit3A : f32 to vector<80x768xf32>
    %select_n3A = arith.select %lt3A_3, %get3A_1, %broadcast_in_dim3A : vector<80x768xi1>, vector<80x768xf32>
    %convert_element_type3A = arith.truncf %select_n3A : vector<80x768xf32> to vector<80x768xbf16>
    %get3A_4 = arith.constant 0 : index
    %get3A_5 = arith.constant 0 : index
    %get3A_6 = arith.constant 0 : index
    %get3A_7 = vector.load %arg2[%get3A_4, %get3A_5, %get3A_6] : memref<1x1536x768xf32, #tpu.memory_space<vmem>>, vector<1x1536x768xf32>
    %get3A_8 = vector.shape_cast %get3A_7 : vector<1x1536x768xf32> to vector<1536x768xf32>
    %convert_element_type3A_9 = arith.truncf %get3A_8 : vector<1536x768xf32> to vector<1536x768xbf16>
    %dot_general3A = arith.constant dense<0.000000e+00> : vector<80x1536xf32>
    %dot_general3A_10 = tpu.matmul %convert_element_type3A, %convert_element_type3A_9, %dot_general3A {dimension_numbers = #tpu.dot_dimension_numbers<[1], [1], [0], [0], [0, 0, 1, 0], [], []>, transpose_lhs_hint = false} : vector<80x768xbf16>, vector<1536x768xbf16>, vector<80x1536xf32> -> vector<80x1536xf32>
    %get3A_11 = arith.constant 0 : index
    %get3A_12 = arith.constant 0 : index
    %get3A_13 = arith.constant 0 : index
    %get3A_14 = vector.load %arg3[%get3A_11, %get3A_12, %get3A_13] : memref<1x1536x768xf32, #tpu.memory_space<vmem>>, vector<1x1536x768xf32>
    %get3A_15 = vector.shape_cast %get3A_14 : vector<1x1536x768xf32> to vector<1536x768xf32>
    %convert_element_type3A_16 = arith.truncf %get3A_15 : vector<1536x768xf32> to vector<1536x768xbf16>
    %dot_general3A_17 = arith.constant dense<0.000000e+00> : vector<80x1536xf32>
    %dot_general3A_18 = tpu.matmul %convert_element_type3A, %convert_element_type3A_16, %dot_general3A_17 {dimension_numbers = #tpu.dot_dimension_numbers<[1], [1], [0], [0], [0, 0, 1, 0], [], []>, transpose_lhs_hint = false} : vector<80x768xbf16>, vector<1536x768xbf16>, vector<80x1536xf32> -> vector<80x1536xf32>
    %logistic3A = arith.negf %dot_general3A_10 : vector<80x1536xf32>
    %logistic3A_19 = math.exp %logistic3A : vector<80x1536xf32>
    %logistic3A_20 = arith.constant 1.000000e+00 : f32
    %logistic3A_21 = vector.broadcast %logistic3A_20 : f32 to vector<80x1536xf32>
    %logistic3A_22 = arith.addf %logistic3A_21, %logistic3A_19 : vector<80x1536xf32>
    %logistic3A_23 = arith.divf %logistic3A_21, %logistic3A_22 : vector<80x1536xf32>
    %mul3A = arith.mulf %dot_general3A_10, %logistic3A_23 : vector<80x1536xf32>
    %mul3A_24 = arith.mulf %mul3A, %dot_general3A_18 : vector<80x1536xf32>
    %convert_element_type3A_25 = arith.truncf %mul3A_24 : vector<80x1536xf32> to vector<80x1536xbf16>
    %get3A_26 = arith.constant 0 : index
    %get3A_27 = arith.constant 0 : index
    %get3A_28 = arith.constant 0 : index
    %get3A_29 = vector.load %arg4[%get3A_26, %get3A_27, %get3A_28] : memref<1x768x1536xf32, #tpu.memory_space<vmem>>, vector<1x768x1536xf32>
    %get3A_30 = vector.shape_cast %get3A_29 : vector<1x768x1536xf32> to vector<768x1536xf32>
    %convert_element_type3A_31 = arith.truncf %get3A_30 : vector<768x1536xf32> to vector<768x1536xbf16>
    %dot_general3A_32 = arith.constant dense<0.000000e+00> : vector<80x768xf32>
    %dot_general3A_33 = tpu.matmul %convert_element_type3A_25, %convert_element_type3A_31, %dot_general3A_32 {dimension_numbers = #tpu.dot_dimension_numbers<[1], [1], [0], [0], [0, 0, 1, 0], [], []>, transpose_lhs_hint = false} : vector<80x1536xbf16>, vector<768x1536xbf16>, vector<80x768xf32> -> vector<80x768xf32>
    %swap3A = arith.constant 0 : index
    %swap3A_34 = arith.constant 0 : index
    %swap3A_35 = arith.constant 0 : index
    %swap3A_36 = vector.load %arg5[%swap3A, %swap3A_34, %swap3A_35] : memref<1x80x768xf32, #tpu.memory_space<vmem>>, vector<1x80x768xf32>
    %swap3A_37 = vector.shape_cast %swap3A_36 : vector<1x80x768xf32> to vector<80x768xf32>
    %swap3A_38 = vector.shape_cast %dot_general3A_33 : vector<80x768xf32> to vector<1x80x768xf32>
    tpu.vector_store %arg5[%swap3A, %swap3A_34, %swap3A_35], %swap3A_38 {strides = array<i32>} : memref<1x80x768xf32, #tpu.memory_space<vmem>>, vector<1x80x768xf32>,
    return
  }
  func.func @transform_0(%arg0: i32) -> (i32, i32) {
    %c0_i32 = arith.constant 0 : i32
    %c0_i32_0 = arith.constant 0 : i32
    return %arg0, %c0_i32 : i32, i32
  }
  func.func @transform_1(%arg0: i32) -> (i32, i32, i32) {
    %c0_i32 = arith.constant 0 : i32
    %c0_i32_0 = arith.constant 0 : i32
    %c0_i32_1 = arith.constant 0 : i32
    return %arg0, %c0_i32, %c0_i32_0 : i32, i32, i32
  }
  func.func @transform_2(%arg0: i32) -> (i32, i32, i32) {
    %c0_i32 = arith.constant 0 : i32
    %c0_i32_0 = arith.constant 0 : i32
    %c0_i32_1 = arith.constant 0 : i32
    return %arg0, %c0_i32, %c0_i32_0 : i32, i32, i32
  }
  func.func @transform_3(%arg0: i32) -> (i32, i32, i32) {
    %c0_i32 = arith.constant 0 : i32
    %c0_i32_0 = arith.constant 0 : i32
    %c0_i32_1 = arith.constant 0 : i32
    return %arg0, %c0_i32, %c0_i32_0 : i32, i32, i32
  }
  func.func @transform_4(%arg0: i32) -> (i32, i32, i32) {
    %c0_i32 = arith.constant 0 : i32
    %c0_i32_0 = arith.constant 0 : i32
    %c0_i32_1 = arith.constant 0 : i32
    return %arg0, %c0_i32, %c0_i32_0 : i32, i32, i32
  }
}

module attributes {stable_mosaic.version = 14 : i64} {
  func.func @_router_body(%arg0: memref<2048x768xf32, #tpu.memory_space<vmem>>, %arg1: memref<64x768xf32, #tpu.memory_space<vmem>>, %arg2: memref<2048x2xi32, #tpu.memory_space<vmem>>, %arg3: memref<2048x2xi32, #tpu.memory_space<vmem>>, %arg4: memref<2048x2xf32, #tpu.memory_space<vmem>>) attributes {dimension_semantics = [], scalar_prefetch = 0 : i64, scratch_operands = 0 : i64, tpu.core_type = #tpu.core_type<tc>} {
    %get3A = arith.constant 0 : index
    %get3A_0 = arith.constant 0 : index
    %get3A_1 = vector.load %arg0[%get3A, %get3A_0] : memref<2048x768xf32, #tpu.memory_space<vmem>>, vector<2048x768xf32>
    %get3A_2 = arith.constant 0 : index
    %get3A_3 = arith.constant 0 : index
    %get3A_4 = vector.load %arg1[%get3A_2, %get3A_3] : memref<64x768xf32, #tpu.memory_space<vmem>>, vector<64x768xf32>
    %dot_general3A = arith.constant dense<0.000000e+00> : vector<2048x64xf32>
    %dot_general3A_5 = tpu.matmul %get3A_1, %get3A_4, %dot_general3A {dimension_numbers = #tpu.dot_dimension_numbers<[1], [1], [0], [0], [0, 0, 1, 0], [], []>, transpose_lhs_hint = false} : vector<2048x768xf32>, vector<64x768xf32>, vector<2048x64xf32> -> vector<2048x64xf32>
    %reduce_max3A = arith.constant dense<0xFF800000> : vector<2048xf32>
    %reduce_max3A_6 = vector.multi_reduction <maximumf>, %dot_general3A_5, %reduce_max3A [1] : vector<2048x64xf32> to vector<2048xf32>
    %broadcast_in_dim3A = vector.shape_cast %reduce_max3A_6 : vector<2048xf32> to vector<2048x1xf32>
    %sub3A = vector.broadcast %broadcast_in_dim3A : vector<2048x1xf32> to vector<2048x64xf32>
    %sub3A_7 = arith.subf %dot_general3A_5, %sub3A : vector<2048x64xf32>
    %exp3A = math.exp %sub3A_7 : vector<2048x64xf32>
    %reduce_sum3A = arith.constant dense<0.000000e+00> : vector<2048xf32>
    %reduce_sum3A_8 = vector.multi_reduction <add>, %exp3A, %reduce_sum3A [1] : vector<2048x64xf32> to vector<2048xf32>
    %broadcast_in_dim3A_9 = vector.shape_cast %reduce_sum3A_8 : vector<2048xf32> to vector<2048x1xf32>
    %div3A = vector.broadcast %broadcast_in_dim3A_9 : vector<2048x1xf32> to vector<2048x64xf32>
    %div3A_10 = arith.divf %exp3A, %div3A : vector<2048x64xf32>
    %iota3A = tpu.iota {dimensions = array<i32: 1>} : vector<2048x64xi32>
    %reduce_max3A_11 = arith.constant dense<0xFF800000> : vector<2048xf32>
    %reduce_max3A_12 = vector.multi_reduction <maximumf>, %div3A_10, %reduce_max3A_11 [1] : vector<2048x64xf32> to vector<2048xf32>
    %broadcast_in_dim3A_13 = vector.shape_cast %reduce_max3A_12 : vector<2048xf32> to vector<2048x1xf32>
    %eq3A = vector.broadcast %broadcast_in_dim3A_13 : vector<2048x1xf32> to vector<2048x64xf32>
    %eq3A_14 = arith.cmpf oeq, %div3A_10, %eq3A : vector<2048x64xf32>
    %jit3A = arith.constant 64 : i32
    %broadcast_in_dim3A_15 = vector.broadcast %jit3A : i32 to vector<2048x64xi32>
    %select_n3A = arith.select %eq3A_14, %iota3A, %broadcast_in_dim3A_15 : vector<2048x64xi1>, vector<2048x64xi32>
    %reduce_min3A = arith.constant dense<2147483647> : vector<2048xi32>
    %reduce_min3A_16 = vector.multi_reduction <minsi>, %select_n3A, %reduce_min3A [1] : vector<2048x64xi32> to vector<2048xi32>
    %broadcast_in_dim3A_17 = vector.shape_cast %reduce_min3A_16 : vector<2048xi32> to vector<2048x1xi32>
    %eq3A_18 = vector.broadcast %broadcast_in_dim3A_17 : vector<2048x1xi32> to vector<2048x64xi32>
    %eq3A_19 = arith.cmpi eq, %iota3A, %eq3A_18 : vector<2048x64xi32>
    %jit3A_20 = arith.constant -1.000000e+00 : f32
    %broadcast_in_dim3A_21 = vector.broadcast %jit3A_20 : f32 to vector<2048x64xf32>
    %select_n3A_22 = arith.select %eq3A_19, %broadcast_in_dim3A_21, %div3A_10 : vector<2048x64xi1>, vector<2048x64xf32>
    %reduce_max3A_23 = arith.constant dense<0xFF800000> : vector<2048xf32>
    %reduce_max3A_24 = vector.multi_reduction <maximumf>, %select_n3A_22, %reduce_max3A_23 [1] : vector<2048x64xf32> to vector<2048xf32>
    %broadcast_in_dim3A_25 = vector.shape_cast %reduce_max3A_24 : vector<2048xf32> to vector<2048x1xf32>
    %eq3A_26 = vector.broadcast %broadcast_in_dim3A_25 : vector<2048x1xf32> to vector<2048x64xf32>
    %eq3A_27 = arith.cmpf oeq, %select_n3A_22, %eq3A_26 : vector<2048x64xf32>
    %jit3A_28 = arith.constant 64 : i32
    %broadcast_in_dim3A_29 = vector.broadcast %jit3A_28 : i32 to vector<2048x64xi32>
    %select_n3A_30 = arith.select %eq3A_27, %iota3A, %broadcast_in_dim3A_29 : vector<2048x64xi1>, vector<2048x64xi32>
    %reduce_min3A_31 = arith.constant dense<2147483647> : vector<2048xi32>
    %reduce_min3A_32 = vector.multi_reduction <minsi>, %select_n3A_30, %reduce_min3A_31 [1] : vector<2048x64xi32> to vector<2048xi32>
    %broadcast_in_dim3A_33 = vector.shape_cast %reduce_min3A_32 : vector<2048xi32> to vector<2048x1xi32>
    %eq3A_34 = vector.broadcast %broadcast_in_dim3A_17 : vector<2048x1xi32> to vector<2048x64xi32>
    %eq3A_35 = arith.cmpi eq, %iota3A, %eq3A_34 : vector<2048x64xi32>
    %convert_element_type3A = arith.extui %eq3A_35 : vector<2048x64xi1> to vector<2048x64xi32>
    %convert_element_type3A_36 = arith.sitofp %convert_element_type3A : vector<2048x64xi32> to vector<2048x64xf32>
    %eq3A_37 = vector.broadcast %broadcast_in_dim3A_33 : vector<2048x1xi32> to vector<2048x64xi32>
    %eq3A_38 = arith.cmpi eq, %iota3A, %eq3A_37 : vector<2048x64xi32>
    %convert_element_type3A_39 = arith.extui %eq3A_38 : vector<2048x64xi1> to vector<2048x64xi32>
    %convert_element_type3A_40 = arith.sitofp %convert_element_type3A_39 : vector<2048x64xi32> to vector<2048x64xf32>
    %add3A = arith.addf %convert_element_type3A_36, %convert_element_type3A_40 : vector<2048x64xf32>
    %iota3A_41 = tpu.iota {dimensions = array<i32: 0>} : vector<128x128xi32>
    %iota3A_42 = tpu.iota {dimensions = array<i32: 1>} : vector<128x128xi32>
    %ge3A = arith.cmpi sge, %iota3A_41, %iota3A_42 : vector<128x128xi32>
    %convert_element_type3A_43 = arith.extui %ge3A : vector<128x128xi1> to vector<128x128xi32>
    %convert_element_type3A_44 = arith.sitofp %convert_element_type3A_43 : vector<128x128xi32> to vector<128x128xf32>
    %broadcast_in_dim3A_45 = arith.constant 0.000000e+00 : f32
    %broadcast_in_dim3A_46 = vector.broadcast %broadcast_in_dim3A_45 : f32 to vector<1x64xf32>
    %slice3A = vector.extract_strided_slice %add3A {offsets = [0, 0], sizes = [128, 64], strides = [1, 1]} : vector<2048x64xf32> to vector<128x64xf32>
    %dot_general3A_47 = arith.constant dense<0.000000e+00> : vector<128x64xf32>
    %dot_general3A_48 = tpu.matmul %convert_element_type3A_44, %slice3A, %dot_general3A_47 {dimension_numbers = #tpu.dot_dimension_numbers<[1], [0], [0], [1], [0, 0, 1, 1], [], []>, transpose_lhs_hint = false} : vector<128x128xf32>, vector<128x64xf32>, vector<128x64xf32> -> vector<128x64xf32>
    %add3A_49 = vector.broadcast %broadcast_in_dim3A_46 : vector<1x64xf32> to vector<128x64xf32>
    %add3A_50 = arith.addf %dot_general3A_48, %add3A_49 : vector<128x64xf32>
    %slice3A_51 = vector.extract_strided_slice %dot_general3A_48 {offsets = [127, 0], sizes = [1, 64], strides = [1, 1]} : vector<128x64xf32> to vector<1x64xf32>
    %add3A_52 = arith.addf %broadcast_in_dim3A_46, %slice3A_51 : vector<1x64xf32>
    %slice3A_53 = vector.extract_strided_slice %add3A {offsets = [128, 0], sizes = [128, 64], strides = [1, 1]} : vector<2048x64xf32> to vector<128x64xf32>
    %dot_general3A_54 = arith.constant dense<0.000000e+00> : vector<128x64xf32>
    %dot_general3A_55 = tpu.matmul %convert_element_type3A_44, %slice3A_53, %dot_general3A_54 {dimension_numbers = #tpu.dot_dimension_numbers<[1], [0], [0], [1], [0, 0, 1, 1], [], []>, transpose_lhs_hint = false} : vector<128x128xf32>, vector<128x64xf32>, vector<128x64xf32> -> vector<128x64xf32>
    %add3A_56 = vector.broadcast %add3A_52 : vector<1x64xf32> to vector<128x64xf32>
    %add3A_57 = arith.addf %dot_general3A_55, %add3A_56 : vector<128x64xf32>
    %slice3A_58 = vector.extract_strided_slice %dot_general3A_55 {offsets = [127, 0], sizes = [1, 64], strides = [1, 1]} : vector<128x64xf32> to vector<1x64xf32>
    %add3A_59 = arith.addf %add3A_52, %slice3A_58 : vector<1x64xf32>
    %slice3A_60 = vector.extract_strided_slice %add3A {offsets = [256, 0], sizes = [128, 64], strides = [1, 1]} : vector<2048x64xf32> to vector<128x64xf32>
    %dot_general3A_61 = arith.constant dense<0.000000e+00> : vector<128x64xf32>
    %dot_general3A_62 = tpu.matmul %convert_element_type3A_44, %slice3A_60, %dot_general3A_61 {dimension_numbers = #tpu.dot_dimension_numbers<[1], [0], [0], [1], [0, 0, 1, 1], [], []>, transpose_lhs_hint = false} : vector<128x128xf32>, vector<128x64xf32>, vector<128x64xf32> -> vector<128x64xf32>
    %add3A_63 = vector.broadcast %add3A_59 : vector<1x64xf32> to vector<128x64xf32>
    %add3A_64 = arith.addf %dot_general3A_62, %add3A_63 : vector<128x64xf32>
    %slice3A_65 = vector.extract_strided_slice %dot_general3A_62 {offsets = [127, 0], sizes = [1, 64], strides = [1, 1]} : vector<128x64xf32> to vector<1x64xf32>
    %add3A_66 = arith.addf %add3A_59, %slice3A_65 : vector<1x64xf32>
    %slice3A_67 = vector.extract_strided_slice %add3A {offsets = [384, 0], sizes = [128, 64], strides = [1, 1]} : vector<2048x64xf32> to vector<128x64xf32>
    %dot_general3A_68 = arith.constant dense<0.000000e+00> : vector<128x64xf32>
    %dot_general3A_69 = tpu.matmul %convert_element_type3A_44, %slice3A_67, %dot_general3A_68 {dimension_numbers = #tpu.dot_dimension_numbers<[1], [0], [0], [1], [0, 0, 1, 1], [], []>, transpose_lhs_hint = false} : vector<128x128xf32>, vector<128x64xf32>, vector<128x64xf32> -> vector<128x64xf32>
    %add3A_70 = vector.broadcast %add3A_66 : vector<1x64xf32> to vector<128x64xf32>
    %add3A_71 = arith.addf %dot_general3A_69, %add3A_70 : vector<128x64xf32>
    %slice3A_72 = vector.extract_strided_slice %dot_general3A_69 {offsets = [127, 0], sizes = [1, 64], strides = [1, 1]} : vector<128x64xf32> to vector<1x64xf32>
    %add3A_73 = arith.addf %add3A_66, %slice3A_72 : vector<1x64xf32>
    %slice3A_74 = vector.extract_strided_slice %add3A {offsets = [512, 0], sizes = [128, 64], strides = [1, 1]} : vector<2048x64xf32> to vector<128x64xf32>
    %dot_general3A_75 = arith.constant dense<0.000000e+00> : vector<128x64xf32>
    %dot_general3A_76 = tpu.matmul %convert_element_type3A_44, %slice3A_74, %dot_general3A_75 {dimension_numbers = #tpu.dot_dimension_numbers<[1], [0], [0], [1], [0, 0, 1, 1], [], []>, transpose_lhs_hint = false} : vector<128x128xf32>, vector<128x64xf32>, vector<128x64xf32> -> vector<128x64xf32>
    %add3A_77 = vector.broadcast %add3A_73 : vector<1x64xf32> to vector<128x64xf32>
    %add3A_78 = arith.addf %dot_general3A_76, %add3A_77 : vector<128x64xf32>
    %slice3A_79 = vector.extract_strided_slice %dot_general3A_76 {offsets = [127, 0], sizes = [1, 64], strides = [1, 1]} : vector<128x64xf32> to vector<1x64xf32>
    %add3A_80 = arith.addf %add3A_73, %slice3A_79 : vector<1x64xf32>
    %slice3A_81 = vector.extract_strided_slice %add3A {offsets = [640, 0], sizes = [128, 64], strides = [1, 1]} : vector<2048x64xf32> to vector<128x64xf32>
    %dot_general3A_82 = arith.constant dense<0.000000e+00> : vector<128x64xf32>
    %dot_general3A_83 = tpu.matmul %convert_element_type3A_44, %slice3A_81, %dot_general3A_82 {dimension_numbers = #tpu.dot_dimension_numbers<[1], [0], [0], [1], [0, 0, 1, 1], [], []>, transpose_lhs_hint = false} : vector<128x128xf32>, vector<128x64xf32>, vector<128x64xf32> -> vector<128x64xf32>
    %add3A_84 = vector.broadcast %add3A_80 : vector<1x64xf32> to vector<128x64xf32>
    %add3A_85 = arith.addf %dot_general3A_83, %add3A_84 : vector<128x64xf32>
    %slice3A_86 = vector.extract_strided_slice %dot_general3A_83 {offsets = [127, 0], sizes = [1, 64], strides = [1, 1]} : vector<128x64xf32> to vector<1x64xf32>
    %add3A_87 = arith.addf %add3A_80, %slice3A_86 : vector<1x64xf32>
    %slice3A_88 = vector.extract_strided_slice %add3A {offsets = [768, 0], sizes = [128, 64], strides = [1, 1]} : vector<2048x64xf32> to vector<128x64xf32>
    %dot_general3A_89 = arith.constant dense<0.000000e+00> : vector<128x64xf32>
    %dot_general3A_90 = tpu.matmul %convert_element_type3A_44, %slice3A_88, %dot_general3A_89 {dimension_numbers = #tpu.dot_dimension_numbers<[1], [0], [0], [1], [0, 0, 1, 1], [], []>, transpose_lhs_hint = false} : vector<128x128xf32>, vector<128x64xf32>, vector<128x64xf32> -> vector<128x64xf32>
    %add3A_91 = vector.broadcast %add3A_87 : vector<1x64xf32> to vector<128x64xf32>
    %add3A_92 = arith.addf %dot_general3A_90, %add3A_91 : vector<128x64xf32>
    %slice3A_93 = vector.extract_strided_slice %dot_general3A_90 {offsets = [127, 0], sizes = [1, 64], strides = [1, 1]} : vector<128x64xf32> to vector<1x64xf32>
    %add3A_94 = arith.addf %add3A_87, %slice3A_93 : vector<1x64xf32>
    %slice3A_95 = vector.extract_strided_slice %add3A {offsets = [896, 0], sizes = [128, 64], strides = [1, 1]} : vector<2048x64xf32> to vector<128x64xf32>
    %dot_general3A_96 = arith.constant dense<0.000000e+00> : vector<128x64xf32>
    %dot_general3A_97 = tpu.matmul %convert_element_type3A_44, %slice3A_95, %dot_general3A_96 {dimension_numbers = #tpu.dot_dimension_numbers<[1], [0], [0], [1], [0, 0, 1, 1], [], []>, transpose_lhs_hint = false} : vector<128x128xf32>, vector<128x64xf32>, vector<128x64xf32> -> vector<128x64xf32>
    %add3A_98 = vector.broadcast %add3A_94 : vector<1x64xf32> to vector<128x64xf32>
    %add3A_99 = arith.addf %dot_general3A_97, %add3A_98 : vector<128x64xf32>
    %slice3A_100 = vector.extract_strided_slice %dot_general3A_97 {offsets = [127, 0], sizes = [1, 64], strides = [1, 1]} : vector<128x64xf32> to vector<1x64xf32>
    %add3A_101 = arith.addf %add3A_94, %slice3A_100 : vector<1x64xf32>
    %slice3A_102 = vector.extract_strided_slice %add3A {offsets = [1024, 0], sizes = [128, 64], strides = [1, 1]} : vector<2048x64xf32> to vector<128x64xf32>
    %dot_general3A_103 = arith.constant dense<0.000000e+00> : vector<128x64xf32>
    %dot_general3A_104 = tpu.matmul %convert_element_type3A_44, %slice3A_102, %dot_general3A_103 {dimension_numbers = #tpu.dot_dimension_numbers<[1], [0], [0], [1], [0, 0, 1, 1], [], []>, transpose_lhs_hint = false} : vector<128x128xf32>, vector<128x64xf32>, vector<128x64xf32> -> vector<128x64xf32>
    %add3A_105 = vector.broadcast %add3A_101 : vector<1x64xf32> to vector<128x64xf32>
    %add3A_106 = arith.addf %dot_general3A_104, %add3A_105 : vector<128x64xf32>
    %slice3A_107 = vector.extract_strided_slice %dot_general3A_104 {offsets = [127, 0], sizes = [1, 64], strides = [1, 1]} : vector<128x64xf32> to vector<1x64xf32>
    %add3A_108 = arith.addf %add3A_101, %slice3A_107 : vector<1x64xf32>
    %slice3A_109 = vector.extract_strided_slice %add3A {offsets = [1152, 0], sizes = [128, 64], strides = [1, 1]} : vector<2048x64xf32> to vector<128x64xf32>
    %dot_general3A_110 = arith.constant dense<0.000000e+00> : vector<128x64xf32>
    %dot_general3A_111 = tpu.matmul %convert_element_type3A_44, %slice3A_109, %dot_general3A_110 {dimension_numbers = #tpu.dot_dimension_numbers<[1], [0], [0], [1], [0, 0, 1, 1], [], []>, transpose_lhs_hint = false} : vector<128x128xf32>, vector<128x64xf32>, vector<128x64xf32> -> vector<128x64xf32>
    %add3A_112 = vector.broadcast %add3A_108 : vector<1x64xf32> to vector<128x64xf32>
    %add3A_113 = arith.addf %dot_general3A_111, %add3A_112 : vector<128x64xf32>
    %slice3A_114 = vector.extract_strided_slice %dot_general3A_111 {offsets = [127, 0], sizes = [1, 64], strides = [1, 1]} : vector<128x64xf32> to vector<1x64xf32>
    %add3A_115 = arith.addf %add3A_108, %slice3A_114 : vector<1x64xf32>
    %slice3A_116 = vector.extract_strided_slice %add3A {offsets = [1280, 0], sizes = [128, 64], strides = [1, 1]} : vector<2048x64xf32> to vector<128x64xf32>
    %dot_general3A_117 = arith.constant dense<0.000000e+00> : vector<128x64xf32>
    %dot_general3A_118 = tpu.matmul %convert_element_type3A_44, %slice3A_116, %dot_general3A_117 {dimension_numbers = #tpu.dot_dimension_numbers<[1], [0], [0], [1], [0, 0, 1, 1], [], []>, transpose_lhs_hint = false} : vector<128x128xf32>, vector<128x64xf32>, vector<128x64xf32> -> vector<128x64xf32>
    %add3A_119 = vector.broadcast %add3A_115 : vector<1x64xf32> to vector<128x64xf32>
    %add3A_120 = arith.addf %dot_general3A_118, %add3A_119 : vector<128x64xf32>
    %slice3A_121 = vector.extract_strided_slice %dot_general3A_118 {offsets = [127, 0], sizes = [1, 64], strides = [1, 1]} : vector<128x64xf32> to vector<1x64xf32>
    %add3A_122 = arith.addf %add3A_115, %slice3A_121 : vector<1x64xf32>
    %slice3A_123 = vector.extract_strided_slice %add3A {offsets = [1408, 0], sizes = [128, 64], strides = [1, 1]} : vector<2048x64xf32> to vector<128x64xf32>
    %dot_general3A_124 = arith.constant dense<0.000000e+00> : vector<128x64xf32>
    %dot_general3A_125 = tpu.matmul %convert_element_type3A_44, %slice3A_123, %dot_general3A_124 {dimension_numbers = #tpu.dot_dimension_numbers<[1], [0], [0], [1], [0, 0, 1, 1], [], []>, transpose_lhs_hint = false} : vector<128x128xf32>, vector<128x64xf32>, vector<128x64xf32> -> vector<128x64xf32>
    %add3A_126 = vector.broadcast %add3A_122 : vector<1x64xf32> to vector<128x64xf32>
    %add3A_127 = arith.addf %dot_general3A_125, %add3A_126 : vector<128x64xf32>
    %slice3A_128 = vector.extract_strided_slice %dot_general3A_125 {offsets = [127, 0], sizes = [1, 64], strides = [1, 1]} : vector<128x64xf32> to vector<1x64xf32>
    %add3A_129 = arith.addf %add3A_122, %slice3A_128 : vector<1x64xf32>
    %slice3A_130 = vector.extract_strided_slice %add3A {offsets = [1536, 0], sizes = [128, 64], strides = [1, 1]} : vector<2048x64xf32> to vector<128x64xf32>
    %dot_general3A_131 = arith.constant dense<0.000000e+00> : vector<128x64xf32>
    %dot_general3A_132 = tpu.matmul %convert_element_type3A_44, %slice3A_130, %dot_general3A_131 {dimension_numbers = #tpu.dot_dimension_numbers<[1], [0], [0], [1], [0, 0, 1, 1], [], []>, transpose_lhs_hint = false} : vector<128x128xf32>, vector<128x64xf32>, vector<128x64xf32> -> vector<128x64xf32>
    %add3A_133 = vector.broadcast %add3A_129 : vector<1x64xf32> to vector<128x64xf32>
    %add3A_134 = arith.addf %dot_general3A_132, %add3A_133 : vector<128x64xf32>
    %slice3A_135 = vector.extract_strided_slice %dot_general3A_132 {offsets = [127, 0], sizes = [1, 64], strides = [1, 1]} : vector<128x64xf32> to vector<1x64xf32>
    %add3A_136 = arith.addf %add3A_129, %slice3A_135 : vector<1x64xf32>
    %slice3A_137 = vector.extract_strided_slice %add3A {offsets = [1664, 0], sizes = [128, 64], strides = [1, 1]} : vector<2048x64xf32> to vector<128x64xf32>
    %dot_general3A_138 = arith.constant dense<0.000000e+00> : vector<128x64xf32>
    %dot_general3A_139 = tpu.matmul %convert_element_type3A_44, %slice3A_137, %dot_general3A_138 {dimension_numbers = #tpu.dot_dimension_numbers<[1], [0], [0], [1], [0, 0, 1, 1], [], []>, transpose_lhs_hint = false} : vector<128x128xf32>, vector<128x64xf32>, vector<128x64xf32> -> vector<128x64xf32>
    %add3A_140 = vector.broadcast %add3A_136 : vector<1x64xf32> to vector<128x64xf32>
    %add3A_141 = arith.addf %dot_general3A_139, %add3A_140 : vector<128x64xf32>
    %slice3A_142 = vector.extract_strided_slice %dot_general3A_139 {offsets = [127, 0], sizes = [1, 64], strides = [1, 1]} : vector<128x64xf32> to vector<1x64xf32>
    %add3A_143 = arith.addf %add3A_136, %slice3A_142 : vector<1x64xf32>
    %slice3A_144 = vector.extract_strided_slice %add3A {offsets = [1792, 0], sizes = [128, 64], strides = [1, 1]} : vector<2048x64xf32> to vector<128x64xf32>
    %dot_general3A_145 = arith.constant dense<0.000000e+00> : vector<128x64xf32>
    %dot_general3A_146 = tpu.matmul %convert_element_type3A_44, %slice3A_144, %dot_general3A_145 {dimension_numbers = #tpu.dot_dimension_numbers<[1], [0], [0], [1], [0, 0, 1, 1], [], []>, transpose_lhs_hint = false} : vector<128x128xf32>, vector<128x64xf32>, vector<128x64xf32> -> vector<128x64xf32>
    %add3A_147 = vector.broadcast %add3A_143 : vector<1x64xf32> to vector<128x64xf32>
    %add3A_148 = arith.addf %dot_general3A_146, %add3A_147 : vector<128x64xf32>
    %slice3A_149 = vector.extract_strided_slice %dot_general3A_146 {offsets = [127, 0], sizes = [1, 64], strides = [1, 1]} : vector<128x64xf32> to vector<1x64xf32>
    %add3A_150 = arith.addf %add3A_143, %slice3A_149 : vector<1x64xf32>
    %slice3A_151 = vector.extract_strided_slice %add3A {offsets = [1920, 0], sizes = [128, 64], strides = [1, 1]} : vector<2048x64xf32> to vector<128x64xf32>
    %dot_general3A_152 = arith.constant dense<0.000000e+00> : vector<128x64xf32>
    %dot_general3A_153 = tpu.matmul %convert_element_type3A_44, %slice3A_151, %dot_general3A_152 {dimension_numbers = #tpu.dot_dimension_numbers<[1], [0], [0], [1], [0, 0, 1, 1], [], []>, transpose_lhs_hint = false} : vector<128x128xf32>, vector<128x64xf32>, vector<128x64xf32> -> vector<128x64xf32>
    %add3A_154 = vector.broadcast %add3A_150 : vector<1x64xf32> to vector<128x64xf32>
    %add3A_155 = arith.addf %dot_general3A_153, %add3A_154 : vector<128x64xf32>
    %concatenate3A = tpu.concatenate %add3A_50, %add3A_57, %add3A_64, %add3A_71, %add3A_78, %add3A_85, %add3A_92, %add3A_99, %add3A_106, %add3A_113, %add3A_120, %add3A_127, %add3A_134, %add3A_141, %add3A_148, %add3A_155 in 0 : vector<128x64xf32>, vector<128x64xf32>, vector<128x64xf32>, vector<128x64xf32>, vector<128x64xf32>, vector<128x64xf32>, vector<128x64xf32>, vector<128x64xf32>, vector<128x64xf32>, vector<128x64xf32>, vector<128x64xf32>, vector<128x64xf32>, vector<128x64xf32>, vector<128x64xf32>, vector<128x64xf32>, vector<128x64xf32> -> vector<2048x64xf32>
    %mul3A = arith.mulf %convert_element_type3A_36, %concatenate3A : vector<2048x64xf32>
    %reduce_sum3A_156 = arith.constant dense<0.000000e+00> : vector<2048xf32>
    %reduce_sum3A_157 = vector.multi_reduction <add>, %mul3A, %reduce_sum3A_156 [1] : vector<2048x64xf32> to vector<2048xf32>
    %broadcast_in_dim3A_158 = vector.shape_cast %reduce_sum3A_157 : vector<2048xf32> to vector<2048x1xf32>
    %convert_element_type3A_159 = arith.fptosi %broadcast_in_dim3A_158 : vector<2048x1xf32> to vector<2048x1xi32>
    %sub3A_160 = arith.constant 1 : i32
    %sub3A_161 = vector.broadcast %sub3A_160 : i32 to vector<2048x1xi32>
    %sub3A_162 = arith.subi %convert_element_type3A_159, %sub3A_161 : vector<2048x1xi32>
    %mul3A_163 = arith.mulf %convert_element_type3A_40, %concatenate3A : vector<2048x64xf32>
    %reduce_sum3A_164 = arith.constant dense<0.000000e+00> : vector<2048xf32>
    %reduce_sum3A_165 = vector.multi_reduction <add>, %mul3A_163, %reduce_sum3A_164 [1] : vector<2048x64xf32> to vector<2048xf32>
    %broadcast_in_dim3A_166 = vector.shape_cast %reduce_sum3A_165 : vector<2048xf32> to vector<2048x1xf32>
    %convert_element_type3A_167 = arith.fptosi %broadcast_in_dim3A_166 : vector<2048x1xf32> to vector<2048x1xi32>
    %sub3A_168 = arith.constant 1 : i32
    %sub3A_169 = vector.broadcast %sub3A_168 : i32 to vector<2048x1xi32>
    %sub3A_170 = arith.subi %convert_element_type3A_167, %sub3A_169 : vector<2048x1xi32>
    %lt3A = arith.constant 80 : i32
    %lt3A_171 = vector.broadcast %lt3A : i32 to vector<2048x1xi32>
    %lt3A_172 = arith.cmpi slt, %sub3A_162, %lt3A_171 : vector<2048x1xi32>
    %lt3A_173 = arith.constant 80 : i32
    %lt3A_174 = vector.broadcast %lt3A_173 : i32 to vector<2048x1xi32>
    %lt3A_175 = arith.cmpi slt, %sub3A_170, %lt3A_174 : vector<2048x1xi32>
    %mul3A_176 = arith.constant 80 : i32
    %mul3A_177 = vector.broadcast %mul3A_176 : i32 to vector<2048x1xi32>
    %mul3A_178 = arith.muli %broadcast_in_dim3A_17, %mul3A_177 : vector<2048x1xi32>
    %add3A_179 = arith.addi %mul3A_178, %sub3A_162 : vector<2048x1xi32>
    %mul3A_180 = arith.constant 80 : i32
    %mul3A_181 = vector.broadcast %mul3A_180 : i32 to vector<2048x1xi32>
    %mul3A_182 = arith.muli %broadcast_in_dim3A_33, %mul3A_181 : vector<2048x1xi32>
    %add3A_183 = arith.addi %mul3A_182, %sub3A_170 : vector<2048x1xi32>
    %iota3A_184 = tpu.iota {dimensions = array<i32: 0>} : vector<2048x1xi32>
    %mul3A_185 = arith.constant 2 : i32
    %mul3A_186 = vector.broadcast %mul3A_185 : i32 to vector<2048x1xi32>
    %mul3A_187 = arith.muli %mul3A_186, %iota3A_184 : vector<2048x1xi32>
    %and3A = arith.constant 15 : i32
    %and3A_188 = vector.broadcast %and3A : i32 to vector<2048x1xi32>
    %and3A_189 = arith.andi %mul3A_187, %and3A_188 : vector<2048x1xi32>
    %add3A_190 = arith.constant 5120 : i32
    %add3A_191 = vector.broadcast %add3A_190 : i32 to vector<2048x1xi32>
    %add3A_192 = arith.addi %add3A_191, %and3A_189 : vector<2048x1xi32>
    %select_n3A_193 = arith.select %lt3A_172, %add3A_179, %add3A_192 : vector<2048x1xi1>, vector<2048x1xi32>
    %mul3A_194 = arith.constant 2 : i32
    %mul3A_195 = vector.broadcast %mul3A_194 : i32 to vector<2048x1xi32>
    %mul3A_196 = arith.muli %mul3A_195, %iota3A_184 : vector<2048x1xi32>
    %add3A_197 = arith.constant 1 : i32
    %add3A_198 = vector.broadcast %add3A_197 : i32 to vector<2048x1xi32>
    %add3A_199 = arith.addi %mul3A_196, %add3A_198 : vector<2048x1xi32>
    %and3A_200 = arith.constant 15 : i32
    %and3A_201 = vector.broadcast %and3A_200 : i32 to vector<2048x1xi32>
    %and3A_202 = arith.andi %add3A_199, %and3A_201 : vector<2048x1xi32>
    %add3A_203 = arith.constant 5120 : i32
    %add3A_204 = vector.broadcast %add3A_203 : i32 to vector<2048x1xi32>
    %add3A_205 = arith.addi %add3A_204, %and3A_202 : vector<2048x1xi32>
    %select_n3A_206 = arith.select %lt3A_175, %add3A_183, %add3A_205 : vector<2048x1xi1>, vector<2048x1xi32>
    %add3A_207 = arith.addf %broadcast_in_dim3A_13, %broadcast_in_dim3A_25 : vector<2048x1xf32>
    %div3A_208 = arith.divf %broadcast_in_dim3A_13, %add3A_207 : vector<2048x1xf32>
    %jit3A_209 = arith.constant 0.000000e+00 : f32
    %broadcast_in_dim3A_210 = vector.broadcast %jit3A_209 : f32 to vector<2048x1xf32>
    %select_n3A_211 = arith.select %lt3A_172, %div3A_208, %broadcast_in_dim3A_210 : vector<2048x1xi1>, vector<2048x1xf32>
    %div3A_212 = arith.divf %broadcast_in_dim3A_25, %add3A_207 : vector<2048x1xf32>
    %jit3A_213 = arith.constant 0.000000e+00 : f32
    %broadcast_in_dim3A_214 = vector.broadcast %jit3A_213 : f32 to vector<2048x1xf32>
    %select_n3A_215 = arith.select %lt3A_175, %div3A_212, %broadcast_in_dim3A_214 : vector<2048x1xi1>, vector<2048x1xf32>
    %concatenate3A_216 = tpu.concatenate %select_n3A_193, %select_n3A_206 in 1 : vector<2048x1xi32>, vector<2048x1xi32> -> vector<2048x2xi32>
    %swap3A = arith.constant 0 : index
    %swap3A_217 = arith.constant 0 : index
    %swap3A_218 = vector.load %arg2[%swap3A, %swap3A_217] : memref<2048x2xi32, #tpu.memory_space<vmem>>, vector<2048x2xi32>
    tpu.vector_store %arg2[%swap3A, %swap3A_217], %concatenate3A_216 {strides = array<i32>} : memref<2048x2xi32, #tpu.memory_space<vmem>>, vector<2048x2xi32>,
    %jit3A_219 = arith.constant 0 : i32
    %broadcast_in_dim3A_220 = vector.broadcast %jit3A_219 : i32 to vector<2048x1xi32>
    %select_n3A_221 = arith.select %lt3A_172, %add3A_179, %broadcast_in_dim3A_220 : vector<2048x1xi1>, vector<2048x1xi32>
    %jit3A_222 = arith.constant 0 : i32
    %broadcast_in_dim3A_223 = vector.broadcast %jit3A_222 : i32 to vector<2048x1xi32>
    %select_n3A_224 = arith.select %lt3A_175, %add3A_183, %broadcast_in_dim3A_223 : vector<2048x1xi1>, vector<2048x1xi32>
    %concatenate3A_225 = tpu.concatenate %select_n3A_221, %select_n3A_224 in 1 : vector<2048x1xi32>, vector<2048x1xi32> -> vector<2048x2xi32>
    %swap3A_226 = arith.constant 0 : index
    %swap3A_227 = arith.constant 0 : index
    %swap3A_228 = vector.load %arg3[%swap3A_226, %swap3A_227] : memref<2048x2xi32, #tpu.memory_space<vmem>>, vector<2048x2xi32>
    tpu.vector_store %arg3[%swap3A_226, %swap3A_227], %concatenate3A_225 {strides = array<i32>} : memref<2048x2xi32, #tpu.memory_space<vmem>>, vector<2048x2xi32>,
    %concatenate3A_229 = tpu.concatenate %select_n3A_211, %select_n3A_215 in 1 : vector<2048x1xf32>, vector<2048x1xf32> -> vector<2048x2xf32>
    %swap3A_230 = arith.constant 0 : index
    %swap3A_231 = arith.constant 0 : index
    %swap3A_232 = vector.load %arg4[%swap3A_230, %swap3A_231] : memref<2048x2xf32, #tpu.memory_space<vmem>>, vector<2048x2xf32>
    tpu.vector_store %arg4[%swap3A_230, %swap3A_231], %concatenate3A_229 {strides = array<i32>} : memref<2048x2xf32, #tpu.memory_space<vmem>>, vector<2048x2xf32>,
    return
  }
}

</mosaic_0001>

<sc_bundles>
// kernel: kernel.6.cloned.1.call-start
scs
__scs_entry_jumppad:
0x0: {  	(pc) =	sbr.rel $0x88, $3  }
0x1: {  	(tag) =	ssettag $0x0;
	lr =	simm.s32 $0x1  }
0x2: {  	[smem:$0x3F9C] =	sst lr;
	_ =	strace $0xD0000000  }
0x3: {  	_ = 	snop  }
0x4: {  	_ = 	snop  }
0x5: {  	_ = 	snop  }
0x6: {  	_ = 	snop  }
0x7: {  	_ = 	snop  }
__scs_overlays_trampoline_lowered:
0x8: {  	[smem:$0x3FAB] =	sst s0  }
0x9: {  	[smem:$0x3FAC] =	sst s1  }
0xa: {  	[smem:$0x3FAD] =	sst s2  }
0xb: {  	[smem:$0x3FAE] =	sst s3  }
0xc: {  	[smem:$0x3FAF] =	sst s4  }
0xd: {  	[smem:$0x3FB0] =	sst s5  }
0xe: {  	[smem:$0x3FB1] =	sst s6  }
0xf: {  	[smem:$0x3FB2] =	sst s7  }
0x10: {  	[smem:$0x3FB3] =	sst s8  }
0x11: {  	[smem:$0x3FB4] =	sst s9;
	s0 =	simm.s32 @!p0 $0x0  }
0x12: {  	s1 =	sld [smem:$0x3F9A];
	s0 =	simm.s32 @p0 $0x1  }
0x13: {  	[smem:$0x3FB5] =	sst s0;
	s0 =	simm.s32 @!p1 $0x0  }
0x14: {  	s2 =	sld [smem:$0x3F99];
	s0 =	simm.s32 @p1 $0x1  }
0x15: {  	[smem:$0x3FB6] =	sst s0;
	s0 =	simm.s32 @!p2 $0x0  }
0x16: {  	s3 =	sld [smem:$0x3FDB];
	s0 =	simm.s32 @p2 $0x1  }
0x17: {  	s4 =	simm.s32 $0x1BF5;
	[smem:$0x3FB8] =	sst s0  }
0x18: {  	s0 =	sld [smem:$0x3F9B];
	_ =	swait.ge [sflag:s4], $0x0  }
0x19: {  	s7 =	sld [smem:$0x3F9C]  }
0x1a: {  	s8 =	sadd.s32 $0xFFFFE003, lr  }
0x1b: {  	s9 =	sadd.s32 $0xFFFFFEF7, lr;
	s5 =	simm.s32 $0xFFFFFFFF;
	p2 =	slt.u32 s8, $0xFFFFF086  }
0x1c: {  	p1 =	slt.u32 s9, $0xF7A;
	s5 =	simm.s32 @!p2 $0x0  }
0x1d: {  	s5 =	simm.s32 @p1 $0x1;
	p0 =	seq.s32 s7, s2  }
0x1e: {  	s7 =	smul.u32 @!p0 $0xF7A, s2;
	p2 =	seq.s32 @!p0 s5, $0x0  }
0x1f: {  	s9 =	smul.u32 $0xF7A, s1;
	s8 =	simm.s32 @!p0 $0x1BF5;
	p2 =	por !p2, p0  }
0x20: {  	[sflag:s8] =	ssyncset.s32 @!p0 $0xFFFFF086;
	s6 =	sadd.s32 @!p0 s3, s7;
	s7 =	simm.s32 @!p0 $0x108  }
0x21: {  	s3 =	sadd.s32 s3, s9;
	s6 =	sadd.s32 @!p0 $0x88, s6;
	s7 =	simm.s32 @p2 $0x1082  }
0x22: {  	[simem:s7], [sflag:s8] =	dma.local @!p0 [hbm:s6], $0xF7A  }
0x23: {  	s9 =	sor.u32 $0xD0000000, s2;
	s6 =	simm.s32 $0x108;
	_ =	swait.ge @!p0 [sflag:s8], $0x0  }
0x24: {  	s3 =	sadd.s32 $0x88, s3;
	s6 =	simm.s32 @!p1 $0x1082;
	[sflag:s4] =	ssyncset.s32 $0xFFFFF086  }
0x25: {  	[simem:s6], [sflag:s4] =	dma.local [hbm:s3], $0xF7A  }
0x26: {  	[smem:$0x3F9C] =	sst s1;
	(tag) =	ssettag s2;
	_ =	strace s9  }
0x27: {  	s1 =	sld [smem:$0x3FAC]  }
0x28: {  	s2 =	sld [smem:$0x3FAD]  }
0x29: {  	s4 =	sld [smem:$0x3FAF]  }
0x2a: {  	p0 =	seq.s32 s5, $0x0;
	s5 =	sld [smem:$0x3FB0]  }
0x2b: {  	s6 =	sld [smem:$0x3FB1]  }
0x2c: {  	s7 =	sld [smem:$0x3FB2]  }
0x2d: {  	s3 =	simm.s32 $0x108;
	s8 =	sld [smem:$0x3FB3]  }
0x2e: {  	s3 =	simm.s32 @!p0 $0x1082;
	s9 =	sld [smem:$0x3FB4]  }
0x2f: {  	lr =	sadd.s32 s0, s3;
	s0 =	sld [smem:$0x3FAB]  }
0x30: {  	s3 =	sld [smem:$0x3FAE]  }
0x31: {  	[smem:$0x3FB7] =	sst s10  }
0x32: {  	s10 =	sld [smem:$0x3FB5];
	_ =	sdelay $0x3  }
0x33: {  	p0 =	seq.s32 s10, $0x1;
	s10 =	sld [smem:$0x3FB7];
	_ =	sdelay $0x3  }
0x34: {  	[smem:$0x3FB7] =	sst s10  }
0x35: {  	s10 =	sld [smem:$0x3FB6];
	_ =	sdelay $0x3  }
0x36: {  	p1 =	seq.s32 s10, $0x1;
	s10 =	sld [smem:$0x3FB7];
	_ =	sdelay $0x3  }
0x37: {  	[smem:$0x3FB7] =	sst s10  }
0x38: {  	s10 =	sld [smem:$0x3FB8]  }
0x39: {  	_ = 	snop;
	(pc) =	sbr.ind lr, $3  }
0x3a: {  	_ = 	snop  }
0x3b: {  	_ = 	snop  }
0x3c: {  	p2 =	seq.s32 s10, $0x1;
	s10 =	sld [smem:$0x3FB7]  }
0x3d: {  	_ =	shalt  }
0x3e: {  	_ =	shalt  }
0x3f: {  	_ =	shalt  }
0x40: {  	_ =	shalt  }
0x41: {  	_ =	shalt  }
0x42: {  	_ =	shalt  }
0x43: {  	_ =	shalt  }
0x44: {  	_ =	shalt  }
0x45: {  	_ =	shalt  }
0x46: {  	_ =	shalt  }
0x47: {  	_ =	shalt  }
0x48: {  	_ =	shalt  }
0x49: {  	_ =	shalt  }
0x4a: {  	_ =	shalt  }
0x4b: {  	_ =	shalt  }
0x4c: {  	_ =	shalt  }
0x4d: {  	_ =	shalt  }
0x4e: {  	_ =	shalt  }
0x4f: {  	_ =	shalt  }
0x50: {  	_ =	shalt  }
0x51: {  	_ =	shalt  }
0x52: {  	_ =	shalt  }
0x53: {  	_ =	shalt  }
0x54: {  	_ =	shalt  }
0x55: {  	_ =	shalt  }
0x56: {  	_ =	shalt  }
0x57: {  	_ =	shalt  }
0x58: {  	_ =	shalt  }
0x59: {  	_ =	shalt  }
0x5a: {  	_ =	shalt  }
0x5b: {  	_ =	shalt  }
0x5c: {  	_ =	shalt  }
0x5d: {  	_ =	shalt  }
0x5e: {  	_ =	shalt  }
0x5f: {  	_ =	shalt  }
0x60: {  	_ =	shalt  }
0x61: {  	_ =	shalt  }
0x62: {  	_ =	shalt  }
0x63: {  	_ =	shalt  }
0x64: {  	_ =	shalt  }
0x65: {  	_ =	shalt  }
0x66: {  	_ =	shalt  }
0x67: {  	_ =	shalt  }
0x68: {  	_ =	shalt  }
0x69: {  	_ =	shalt  }
0x6a: {  	_ =	shalt  }
0x6b: {  	_ =	shalt  }
0x6c: {  	_ =	shalt  }
0x6d: {  	_ =	shalt  }
0x6e: {  	_ =	shalt  }
0x6f: {  	_ =	shalt  }
0x70: {  	_ =	shalt  }
0x71: {  	_ =	shalt  }
0x72: {  	_ =	shalt  }
0x73: {  	_ =	shalt  }
0x74: {  	_ =	shalt  }
0x75: {  	_ =	shalt  }
0x76: {  	_ =	shalt  }
0x77: {  	_ =	shalt  }
0x78: {  	_ =	shalt  }
0x79: {  	_ =	shalt  }
0x7a: {  	_ =	shalt  }
0x7b: {  	_ =	shalt  }
0x7c: {  	_ =	shalt  }
0x7d: {  	_ =	shalt  }
0x7e: {  	_ =	shalt  }
0x7f: {  	_ =	shalt  }
0x80: {  	_ =	shalt  }
0x81: {  	_ =	shalt  }
0x82: {  	_ =	shalt  }
0x83: {  	_ =	shalt  }
0x84: {  	_ =	shalt  }
0x85: {  	_ =	shalt  }
0x86: {  	_ =	shalt  }
0x87: {  	_ =	shalt  }
.Lfunc_end0:
.L_simem_size_0:
called_computation_lowered:
.L_overlay_start_0:
0x88: {  	s2 =	sld [smem:$0x3FD9]  }
0x89: {  	s3 =	sld [smem:$0x3FFE];
	_ =	sdelay $0x1  }
0x8a: {  	s1 =	srdreg.scid  }
0x8b: {  	s0 =	sand.u32 $0x1, s1  }
0x8c: {  	s17 =	sshll.u32 s0, $0xA;
	s2 =	sadd.s32 s3, s2  }
0x8d: {  	s2 =	sadd.s32 s2, s17  }
0x8e: {  	[smem:$0x3FC3] =	sst s2  }
0x8f: {  	_ = 	snop  }
0x90: {  	s2 =	sld [smem:$0x3FC9]  }
0x91: {  	s18 =	sld [smem:$0x3FD0];
	(tm) =	ssettm $0x1  }
0x92: {  	s4 =	sld [smem:$0x3FFB];
	_ =	sdelay $0x3  }
0x93: {  	_ =	strace s4  }
0x94: {  	s4 =	sld [smem:$0x3FFC];
	_ =	sdelay $0x3  }
0x95: {  	_ =	strace s4  }
0x96: {  	s4 =	sld [smem:$0x3FFD];
	_ =	sdelay $0x3  }
0x97: {  	_ =	strace s4  }
0x98: {  	_ =	strace $0x8FFFFFFF  }
0x99: {  	s19 =	sld [smem:$0x3FDB];
	_ =	sdelay $0x1  }
0x9a: {  	s5 =	simm.s32 $_scs_section_size  }
0x9b: {  	s6 =	simm.s32 $_size__tile_overlayer_lowered;
	s7 =	simm.s32 $_tile_overlayer_lowered  }
0x9c: {  	s22 =	simm.s32 $0x1BFF;
	s21 =	sshll.u32 s7, $0x1;
	s4 =	sadd.s32 s5, s19  }
0x9d: {  	s8 =	simm.s32 $0x0;
	s20 =	sshll.u32 s6, $0x1;
	s6 =	sadd.s32 s21, s4  }
0x9e: {  	[timem:s8], [sflag:s22] =	dma.local [hbm:s6], s20  }
0x9f: {  	_ =	swait.ge [sflag:s22], s20  }
0xa0: {  	s5 =	ssub.s32 $0x0, s20;
	[sflag:s22] =	ssyncset.done $0x0  }
0xa1: {  	[sflag:s22] =	ssyncadd.s32 s5;
	_ =	sdelay $0x1  }
0xa2: {  	s23 =	simm.s32 $0x1B8B  }
0xa3: {  	_ =	swait.ge [sflag:s23], $0x1  }
0xa4: {  	[sflag:s23] =	ssyncset.done $0x0  }
0xa5: {  	s25 =	simm.s32 $0x1B8E;
	s24 =	sld [smem:$0x3FFE];
	[sflag:s23] =	ssyncadd.s32 $0xFFFFFFFF  }
0xa6: {  	s26 =	simm.s32 $execute0_lowered;
	[smem:$0x3FD2] =	sst s25  }
0xa7: {  	s6 =	sshll.u32 s26, $0x1;
	_ =	strace $0x80000046;
	[dreg:$0x1] =	wrdreg $0xFFFFFFFF  }
0xa8: {  	s28 =	simm.s32 $_size_execute0_lowered;
	s4 =	sadd.s32 s4, s6;
	[dreg:$0x0] =	wrdreg $0x0  }
0xa9: {  	s6 =	sshll.u32 s28, $0x1;
	[dreg:$0x2] =	wrdreg s4  }
0xaa: {  	[dreg:$0x3] =	wrdreg s6  }
0xab: {  	[dreg:$0x4] =	wrdreg $0xC0  }
0xac: {  	_ =	task [dreg:s8], $0x5FFFF  }
0xad: {  	[dreg:$0x1] =	wrdreg $0xFFFFFFFF  }
0xae: {  	[dreg:$0x0] =	wrdreg $0x60  }
0xaf: {  	[dreg:$0x2] =	wrdreg s18  }
0xb0: {  	[dreg:$0x3] =	wrdreg s2  }
0xb1: {  	[dreg:$0x4] =	wrdreg s24  }
0xb2: {  	[dreg:$0x5] =	wrdreg $0x9  }
0xb3: {  	_ =	task.clear_ibuf [dreg:s8], $0x6FFFF;
	_ =	strace $0x90000046  }
0xb4: {  	s29 =	simm.s32 $0x9;
	_ =	strace $0x80000048  }
0xb5: {  	_ =	swait.ge [sflag:s29], $0x1  }
0xb6: {  	[sflag:s29] =	ssyncadd.s32 $0xFFFFFFFF  }
0xb7: {  	_ =	strace $0x90000048  }
0xb8: {  	_ =	sfence  }
0xb9: {  	s30 =	sld [smem:$0x0];
	_ =	sdelay $0x2  }
0xba: {  	s31 =	sshll.u32 s1, $0xD;
	s1 =	sshrl.u32 s1, $0x2  }
0xbb: {  	s3 =	sand.u32 $0x4000, s31;
	s1 =	sadd.s32 s1, s30  }
0xbc: {  	s0 =	sor.u32 s3, s0;
	s1 =	sshll.u32 s1, $0x11  }
0xbd: {  	s0 =	sor.u32 s1, s0  }
0xbe: {  	s0 =	sadd.s32 $0x8F2B, s0  }
0xbf: {  	[sflag:s0] =	ssyncadd.remote.s32 $0x1  }
0xc0: {  	_ =	sfence.sel $0xFFFF  }
0xc1: {  	[dreg:$0x0] =	wrdreg $0xFFFFFFFF;
	(pc) =	sbr.abs _section_cstart, $3  }
0xc2: {  	[dreg:$0x1] =	wrdreg $0xFFFFFFFF  }
0xc3: {  	_ =	task.clear_ibuf [dreg:s8], $0x2FFFF;
	_ =	strace $0x9FFFFFFF  }
0xc4: {  	(tm) =	ssettm $0x7FFFFFFF  }
0xc5: {  	_ =	shalt  }
tec
execute0_lowered:
.L_overlay_start_1:
0x0: {  	(tag) =	ssettag $0x1  }
0x1: {  	s1 =	rddreg [dreg:$0x0]  }
0x2: {  	s0 =	srdreg.scid;
	s3 =	rddreg [dreg:$0x1]  }
0x3: {  	s4 =	stileid.u32;
	s5 =	rddreg [dreg:$0x2]  }
0x4: {  	s7 =	simm.s32 $0x3;
	s9 =	simm.s32 $0x2;
	s11 =	simm.s32 $0x3100  }
0x5: {  	s12 =	simm.s32 $0x3900;
	s13 =	simm.s32 $0x4100;
	s14 =	simm.s32 $0x4900  }
0x6: {  	s15 =	simm.s32 $0x5100;
	s16 =	simm.s32 $0x5900;
	s17 =	simm.s32 $0x6100  }
0x7: {  	s18 =	simm.s32 $0x6900;
	s19 =	simm.s32 $0x7100;
	s20 =	simm.s32 $0x7900  }
0x8: {  	s21 =	simm.s32 $0x8100;
	s22 =	simm.s32 $0x8900;
	s23 =	simm.s32 $0x9100  }
0x9: {  	s24 =	simm.s32 $0x9900;
	s28 =	simm.s32 $0xB100;
	s29 =	simm.s32 $0xB900  }
0xa: {  	s30 =	simm.s32 $0xC100;
	s31 =	simm.s32 $0xC900;
	s0 =	sand.u32 $0x1, s0  }
0xb: {  	s8 =	simm.s32 $0xD900;
	s4 =	sshll.u32 s4, $0x6;
	s2 =	sshll.u32 s0, $0xA  }
0xc: {  	s0 =	ssub.s32 $0x2, s0;
	s4 =	sor.u32 s4, s2;
	s2 =	simm.s32 $0x0  }
0xd: {  	v10 =	vlaneseq.u32;
	s25 =	sshrl.u32 s0, $0x1;
	s6 =	sshrl.u32 s4, $0x3;
	[smem:$0x7FF] =	sst s2  }
0xe: {  	v0 =	vmul.u32 $0x80, v10;
	s4 =	sshll.u32 s4, $0x4;
	s0 =	ssub.s32 s0, s25;
	s25 =	simm.s32 $0xA100  }
0xf: {  	vm0 =	vmmov $0xffff;
	v9 =	vshrl.u32 v10, $0x3;
	v8 =	vand.u32 $0x7, v10;
	s6 =	smul.u32 $0x300, s6;
	_ =	strace $0x80000047;
	s1 =	sadd.s32 s1, s4  }
0x10: {  	v10 =	vor.u32 $0x8, v10;
	v9 =	vmul.u32 $0x8, v9;
	v1 =	vor.u32 $0x1, v0;
	s4 =	sadd.s32 $0x11700, s5;
	[dreg:$0x4] =	wrdreg s1;
	s1 =	simm.s32 $0xD100  }
0x11: {  	v2 =	vor.u32 $0x800, v0;
	v3 =	vor.u32 $0x801, v0;
	v4 =	vor.u32 $0x1000, v0;
	s26 =	sadd.s32 s3, s6;
	s3 =	sadd.s32 $0x11600, s5;
	s5 =	sadd.s32 $0x11800, s5  }
0x12: {  	v5 =	vor.u32 $0x1001, v0;
	v6 =	vor.u32 $0x1800, v0;
	v7 =	vor.u32 $0x1801, v0;
	s6 =	smax.u32 s0, $0x1;
	[dreg:$0x5] =	wrdreg s26;
	s26 =	simm.s32 $0xA900  }
.LBB2_1:
0x13: {  	s10 =	rddreg [dreg:$0x4]  }
0x14: {  	[tilespmem:s2], [sflag:$0x3] =	stream.linear.gather [hbm4b:s10+s2], $0x2000, $0x38;
	[tilespmem:$0xE100] =	vst v63  }
0x15: {  	_ =	swait.ge [sflag:s7], $0x2000  }
0x16: {  	[sflag:s7] =	ssyncset.done $0x0  }
0x17: {  	[sflag:s7] =	ssyncadd.s32 $0xFFFFE000  }
0x18: {  	v11 =	vld.idx.msk [tilespmem:v0+s2+$0x0], $0xffff;
	_ =	sdelay $0x4  }
0x19: {  	[tilespmem:$0x2000] =	vst v11  }
0x1a: {  	v11 =	vld.idx.msk [tilespmem:v1+s2+$0x0], $0xffff;
	_ =	sdelay $0x4  }
0x1b: {  	[tilespmem:$0x2080] =	vst v11  }
0x1c: {  	v11 =	vld.idx.msk [tilespmem:v2+s2+$0x0], $0xffff;
	_ =	sdelay $0x4  }
0x1d: {  	[tilespmem:$0x2010] =	vst v11  }
0x1e: {  	v11 =	vld.idx.msk [tilespmem:v3+s2+$0x0], $0xffff;
	_ =	sdelay $0x4  }
0x1f: {  	[tilespmem:$0x2090] =	vst v11  }
0x20: {  	v11 =	vld.idx.msk [tilespmem:v4+s2+$0x0], $0xffff;
	_ =	sdelay $0x4  }
0x21: {  	[tilespmem:$0x2020] =	vst v11  }
0x22: {  	v11 =	vld.idx.msk [tilespmem:v5+s2+$0x0], $0xffff;
	_ =	sdelay $0x4  }
0x23: {  	[tilespmem:$0x20A0] =	vst v11  }
0x24: {  	v11 =	vld.idx.msk [tilespmem:v6+s2+$0x0], $0xffff;
	_ =	sdelay $0x4  }
0x25: {  	[tilespmem:$0x2030] =	vst v11  }
0x26: {  	v11 =	vld.idx.msk [tilespmem:v7+s2+$0x0], $0xffff;
	_ =	sdelay $0x4  }
0x27: {  	s0 =	simm.s32 $0x2100;
	s10 =	rddreg [dreg:$0x5];
	[tilespmem:$0x20B0] =	vst v11  }
0x28: {  	[tilespmem:s0], [sflag:$0x3] =	stream.linear.gather [hbm4b:s10+s2], $0xC000, $0x38;
	[tilespmem:$0xE100] =	vst v63  }
0x29: {  	_ =	swait.ge [sflag:s7], $0xC000  }
0x2a: {  	[sflag:s7] =	ssyncset.done $0x0  }
0x2b: {  	[sflag:s7] =	ssyncadd.s32 $0xFFFF4000  }
0x2c: {  	v11 =	vld [tilespmem:$0x2000];
	_ =	sdelay $0x4  }
0x2d: {  	v12 =	vshrl.u32 v11, $0x3  }
0x2e: {  	v12 =	vmul.u32 $0x30, v12  }
0x2f: {  	v11 =	vand.u32 $0x7, v11  }
0x30: {  	v11 =	vor.u32 v11, v12  }
0x31: {  	v12 =	vperm.xlane v11, v8;
	_ =	sdelay $0x1  }
0x32: {  	v12 =	vadd.s32 v9, v12;
	_ =	sdelay $0x3  }
0x33: {  	v11 =	vperm.xlane v11, v10  }
0x34: {  	[hbm4b:s3+s2] =	stream.indirect_vreg.scatter [tilespmem:s0], [sflag:$0x1], $0x80, v12, vm0, $0xb8;
	[tilespmem:$0xE100] =	vst v63  }
0x35: {  	s10 =	simm.s32 $0x2900;
	v11 =	vadd.s32 v9, v11  }
0x36: {  	[hbm4b:s4+s2] =	stream.indirect_vreg.scatter [tilespmem:s10], [sflag:$0x1], $0x80, v12, vm0, $0xb8;
	[tilespmem:$0xE100] =	vst v63  }
0x37: {  	_ = 	snop  }
0x38: {  	[hbm4b:s5+s2] =	stream.indirect_vreg.scatter [tilespmem:s11], [sflag:$0x1], $0x80, v12, vm0, $0xb8;
	[tilespmem:$0xE100] =	vst v63  }
0x39: {  	_ = 	snop  }
0x3a: {  	[hbm4b:s3+s2] =	stream.indirect_vreg.scatter [tilespmem:s12], [sflag:$0x1], $0x80, v11, vm0, $0xb8;
	[tilespmem:$0xE100] =	vst v63  }
0x3b: {  	_ = 	snop  }
0x3c: {  	[hbm4b:s4+s2] =	stream.indirect_vreg.scatter [tilespmem:s13], [sflag:$0x1], $0x80, v11, vm0, $0xb8;
	[tilespmem:$0xE100] =	vst v63  }
0x3d: {  	_ = 	snop  }
0x3e: {  	[hbm4b:s5+s2] =	stream.indirect_vreg.scatter [tilespmem:s14], [sflag:$0x1], $0x80, v11, vm0, $0xb8;
	[tilespmem:$0xE100] =	vst v63  }
0x3f: {  	v11 =	vld [tilespmem:$0x2010];
	_ =	sdelay $0x4  }
0x40: {  	v57 =	vshrl.u32 v11, $0x3  }
0x41: {  	v12 =	vmul.u32 $0x30, v57  }
0x42: {  	v11 =	vand.u32 $0x7, v11  }
0x43: {  	v11 =	vor.u32 v11, v12  }
0x44: {  	v12 =	vperm.xlane v11, v8;
	_ =	sdelay $0x1  }
0x45: {  	v12 =	vadd.s32 v9, v12;
	_ =	sdelay $0x3  }
0x46: {  	v11 =	vperm.xlane v11, v10  }
0x47: {  	[hbm4b:s3+s2] =	stream.indirect_vreg.scatter [tilespmem:s15], [sflag:$0x1], $0x80, v12, vm0, $0xb8;
	[tilespmem:$0xE100] =	vst v63  }
0x48: {  	v11 =	vadd.s32 v9, v11  }
0x49: {  	[hbm4b:s4+s2] =	stream.indirect_vreg.scatter [tilespmem:s16], [sflag:$0x1], $0x80, v12, vm0, $0xb8;
	[tilespmem:$0xE100] =	vst v63  }
0x4a: {  	_ = 	snop  }
0x4b: {  	[hbm4b:s5+s2] =	stream.indirect_vreg.scatter [tilespmem:s17], [sflag:$0x1], $0x80, v12, vm0, $0xb8;
	[tilespmem:$0xE100] =	vst v63  }
0x4c: {  	_ = 	snop  }
0x4d: {  	[hbm4b:s3+s2] =	stream.indirect_vreg.scatter [tilespmem:s18], [sflag:$0x1], $0x80, v11, vm0, $0xb8;
	[tilespmem:$0xE100] =	vst v63  }
0x4e: {  	_ = 	snop  }
0x4f: {  	[hbm4b:s4+s2] =	stream.indirect_vreg.scatter [tilespmem:s19], [sflag:$0x1], $0x80, v11, vm0, $0xb8;
	[tilespmem:$0xE100] =	vst v63  }
0x50: {  	_ = 	snop  }
0x51: {  	[hbm4b:s5+s2] =	stream.indirect_vreg.scatter [tilespmem:s20], [sflag:$0x1], $0x80, v11, vm0, $0xb8;
	[tilespmem:$0xE100] =	vst v63  }
0x52: {  	v11 =	vld [tilespmem:$0x2020];
	_ =	sdelay $0x4  }
0x53: {  	v58 =	vshrl.u32 v11, $0x3  }
0x54: {  	v12 =	vmul.u32 $0x30, v58  }
0x55: {  	v11 =	vand.u32 $0x7, v11  }
0x56: {  	v11 =	vor.u32 v11, v12  }
0x57: {  	v12 =	vperm.xlane v11, v8;
	_ =	sdelay $0x1  }
0x58: {  	v12 =	vadd.s32 v9, v12;
	_ =	sdelay $0x3  }
0x59: {  	v11 =	vperm.xlane v11, v10  }
0x5a: {  	[hbm4b:s3+s2] =	stream.indirect_vreg.scatter [tilespmem:s21], [sflag:$0x1], $0x80, v12, vm0, $0xb8;
	[tilespmem:$0xE100] =	vst v63  }
0x5b: {  	v11 =	vadd.s32 v9, v11  }
0x5c: {  	[hbm4b:s4+s2] =	stream.indirect_vreg.scatter [tilespmem:s22], [sflag:$0x1], $0x80, v12, vm0, $0xb8;
	[tilespmem:$0xE100] =	vst v63  }
0x5d: {  	_ = 	snop  }
0x5e: {  	[hbm4b:s5+s2] =	stream.indirect_vreg.scatter [tilespmem:s23], [sflag:$0x1], $0x80, v12, vm0, $0xb8;
	[tilespmem:$0xE100] =	vst v63  }
0x5f: {  	_ = 	snop  }
0x60: {  	[hbm4b:s3+s2] =	stream.indirect_vreg.scatter [tilespmem:s24], [sflag:$0x1], $0x80, v11, vm0, $0xb8;
	[tilespmem:$0xE100] =	vst v63  }
0x61: {  	_ = 	snop  }
0x62: {  	[hbm4b:s4+s2] =	stream.indirect_vreg.scatter [tilespmem:s25], [sflag:$0x1], $0x80, v11, vm0, $0xb8;
	[tilespmem:$0xE100] =	vst v63  }
0x63: {  	_ = 	snop  }
0x64: {  	[hbm4b:s5+s2] =	stream.indirect_vreg.scatter [tilespmem:s26], [sflag:$0x1], $0x80, v11, vm0, $0xb8;
	[tilespmem:$0xE100] =	vst v63  }
0x65: {  	v11 =	vld [tilespmem:$0x2030];
	_ =	sdelay $0x4  }
0x66: {  	v59 =	vshrl.u32 v11, $0x3  }
0x67: {  	v12 =	vmul.u32 $0x30, v59  }
0x68: {  	v11 =	vand.u32 $0x7, v11  }
0x69: {  	v11 =	vor.u32 v11, v12  }
0x6a: {  	v12 =	vperm.xlane v11, v8;
	_ =	sdelay $0x1  }
0x6b: {  	v12 =	vadd.s32 v9, v12;
	_ =	sdelay $0x3  }
0x6c: {  	v11 =	vperm.xlane v11, v10  }
0x6d: {  	[hbm4b:s3+s2] =	stream.indirect_vreg.scatter [tilespmem:s28], [sflag:$0x1], $0x80, v12, vm0, $0xb8;
	[tilespmem:$0xE100] =	vst v63  }
0x6e: {  	v11 =	vadd.s32 v9, v11  }
0x6f: {  	[hbm4b:s4+s2] =	stream.indirect_vreg.scatter [tilespmem:s29], [sflag:$0x1], $0x80, v12, vm0, $0xb8;
	[tilespmem:$0xE100] =	vst v63  }
0x70: {  	_ = 	snop  }
0x71: {  	[hbm4b:s5+s2] =	stream.indirect_vreg.scatter [tilespmem:s30], [sflag:$0x1], $0x80, v12, vm0, $0xb8;
	[tilespmem:$0xE100] =	vst v63  }
0x72: {  	_ = 	snop  }
0x73: {  	[hbm4b:s3+s2] =	stream.indirect_vreg.scatter [tilespmem:s31], [sflag:$0x1], $0x80, v11, vm0, $0xb8;
	[tilespmem:$0xE100] =	vst v63  }
0x74: {  	_ = 	snop  }
0x75: {  	[hbm4b:s4+s2] =	stream.indirect_vreg.scatter [tilespmem:s1], [sflag:$0x1], $0x80, v11, vm0, $0xb8;
	[tilespmem:$0xE100] =	vst v63  }
0x76: {  	_ = 	snop  }
0x77: {  	[hbm4b:s5+s2] =	stream.indirect_vreg.scatter [tilespmem:s8], [sflag:$0x1], $0x80, v11, vm0, $0xb8;
	[tilespmem:$0xE100] =	vst v63  }
0x78: {  	v11 =	vld [tilespmem:$0x2080];
	_ =	sdelay $0x4  }
0x79: {  	v60 =	vshrl.u32 v11, $0x3  }
0x7a: {  	v12 =	vmul.u32 $0x30, v60  }
0x7b: {  	v11 =	vand.u32 $0x7, v11  }
0x7c: {  	v11 =	vor.u32 v11, v12  }
0x7d: {  	v12 =	vperm.xlane v11, v8;
	_ =	sdelay $0x1  }
0x7e: {  	v12 =	vadd.s32 v9, v12;
	_ =	sdelay $0x3  }
0x7f: {  	v11 =	vperm.xlane v11, v10  }
0x80: {  	[hbm4b:s3+s2] =	stream.indirect_vreg.scatter [tilespmem:s0], [sflag:$0x2], $0x80, v12, vm0, $0xb8;
	[tilespmem:$0xE100] =	vst v63  }
0x81: {  	v11 =	vadd.s32 v9, v11  }
0x82: {  	[hbm4b:s4+s2] =	stream.indirect_vreg.scatter [tilespmem:s10], [sflag:$0x2], $0x80, v12, vm0, $0xb8;
	[tilespmem:$0xE100] =	vst v63  }
0x83: {  	_ = 	snop  }
0x84: {  	[hbm4b:s5+s2] =	stream.indirect_vreg.scatter [tilespmem:s11], [sflag:$0x2], $0x80, v12, vm0, $0xb8;
	[tilespmem:$0xE100] =	vst v63  }
0x85: {  	_ = 	snop  }
0x86: {  	[hbm4b:s3+s2] =	stream.indirect_vreg.scatter [tilespmem:s12], [sflag:$0x2], $0x80, v11, vm0, $0xb8;
	[tilespmem:$0xE100] =	vst v63  }
0x87: {  	_ = 	snop  }
0x88: {  	[hbm4b:s4+s2] =	stream.indirect_vreg.scatter [tilespmem:s13], [sflag:$0x2], $0x80, v11, vm0, $0xb8;
	[tilespmem:$0xE100] =	vst v63  }
0x89: {  	_ = 	snop  }
0x8a: {  	[hbm4b:s5+s2] =	stream.indirect_vreg.scatter [tilespmem:s14], [sflag:$0x2], $0x80, v11, vm0, $0xb8;
	[tilespmem:$0xE100] =	vst v63  }
0x8b: {  	v11 =	vld [tilespmem:$0x2090];
	_ =	sdelay $0x4  }
0x8c: {  	v61 =	vshrl.u32 v11, $0x3  }
0x8d: {  	v12 =	vmul.u32 $0x30, v61  }
0x8e: {  	v11 =	vand.u32 $0x7, v11  }
0x8f: {  	v11 =	vor.u32 v11, v12  }
0x90: {  	v12 =	vperm.xlane v11, v8;
	_ =	sdelay $0x1  }
0x91: {  	v12 =	vadd.s32 v9, v12;
	_ =	sdelay $0x3  }
0x92: {  	v11 =	vperm.xlane v11, v10  }
0x93: {  	[hbm4b:s3+s2] =	stream.indirect_vreg.scatter [tilespmem:s15], [sflag:$0x2], $0x80, v12, vm0, $0xb8;
	[tilespmem:$0xE100] =	vst v63  }
0x94: {  	v11 =	vadd.s32 v9, v11  }
0x95: {  	[hbm4b:s4+s2] =	stream.indirect_vreg.scatter [tilespmem:s16], [sflag:$0x2], $0x80, v12, vm0, $0xb8;
	[tilespmem:$0xE100] =	vst v63  }
0x96: {  	_ = 	snop  }
0x97: {  	[hbm4b:s5+s2] =	stream.indirect_vreg.scatter [tilespmem:s17], [sflag:$0x2], $0x80, v12, vm0, $0xb8;
	[tilespmem:$0xE100] =	vst v63  }
0x98: {  	_ = 	snop  }
0x99: {  	[hbm4b:s3+s2] =	stream.indirect_vreg.scatter [tilespmem:s18], [sflag:$0x2], $0x80, v11, vm0, $0xb8;
	[tilespmem:$0xE100] =	vst v63  }
0x9a: {  	_ = 	snop  }
0x9b: {  	[hbm4b:s4+s2] =	stream.indirect_vreg.scatter [tilespmem:s19], [sflag:$0x2], $0x80, v11, vm0, $0xb8;
	[tilespmem:$0xE100] =	vst v63  }
0x9c: {  	_ = 	snop  }
0x9d: {  	[hbm4b:s5+s2] =	stream.indirect_vreg.scatter [tilespmem:s20], [sflag:$0x2], $0x80, v11, vm0, $0xb8;
	[tilespmem:$0xE100] =	vst v63  }
0x9e: {  	v11 =	vld [tilespmem:$0x20A0];
	_ =	sdelay $0x4  }
0x9f: {  	v62 =	vshrl.u32 v11, $0x3  }
0xa0: {  	v12 =	vmul.u32 $0x30, v62  }
0xa1: {  	v11 =	vand.u32 $0x7, v11  }
0xa2: {  	v11 =	vor.u32 v11, v12  }
0xa3: {  	v12 =	vperm.xlane v11, v8;
	_ =	sdelay $0x1  }
0xa4: {  	v12 =	vadd.s32 v9, v12;
	_ =	sdelay $0x3  }
0xa5: {  	v11 =	vperm.xlane v11, v10  }
0xa6: {  	[hbm4b:s3+s2] =	stream.indirect_vreg.scatter [tilespmem:s21], [sflag:$0x2], $0x80, v12, vm0, $0xb8;
	[tilespmem:$0xE100] =	vst v63  }
0xa7: {  	v11 =	vadd.s32 v9, v11  }
0xa8: {  	[hbm4b:s4+s2] =	stream.indirect_vreg.scatter [tilespmem:s22], [sflag:$0x2], $0x80, v12, vm0, $0xb8;
	[tilespmem:$0xE100] =	vst v63  }
0xa9: {  	_ = 	snop  }
0xaa: {  	[hbm4b:s5+s2] =	stream.indirect_vreg.scatter [tilespmem:s23], [sflag:$0x2], $0x80, v12, vm0, $0xb8;
	[tilespmem:$0xE100] =	vst v63  }
0xab: {  	_ = 	snop  }
0xac: {  	[hbm4b:s3+s2] =	stream.indirect_vreg.scatter [tilespmem:s24], [sflag:$0x2], $0x80, v11, vm0, $0xb8;
	[tilespmem:$0xE100] =	vst v63  }
0xad: {  	_ = 	snop  }
0xae: {  	[hbm4b:s4+s2] =	stream.indirect_vreg.scatter [tilespmem:s25], [sflag:$0x2], $0x80, v11, vm0, $0xb8;
	[tilespmem:$0xE100] =	vst v63  }
0xaf: {  	_ = 	snop  }
0xb0: {  	[hbm4b:s5+s2] =	stream.indirect_vreg.scatter [tilespmem:s26], [sflag:$0x2], $0x80, v11, vm0, $0xb8;
	[tilespmem:$0xE100] =	vst v63  }
0xb1: {  	v11 =	vld [tilespmem:$0x20B0];
	_ =	sdelay $0x4  }
0xb2: {  	v63 =	vshrl.u32 v11, $0x3  }
0xb3: {  	v12 =	vmul.u32 $0x30, v63  }
0xb4: {  	v11 =	vand.u32 $0x7, v11  }
0xb5: {  	v11 =	vor.u32 v11, v12  }
0xb6: {  	v12 =	vperm.xlane v11, v8;
	_ =	sdelay $0x1  }
0xb7: {  	v12 =	vadd.s32 v9, v12;
	_ =	sdelay $0x3  }
0xb8: {  	v11 =	vperm.xlane v11, v10  }
0xb9: {  	[hbm4b:s3+s2] =	stream.indirect_vreg.scatter [tilespmem:s28], [sflag:$0x2], $0x80, v12, vm0, $0xb8;
	[tilespmem:$0xE100] =	vst v63  }
0xba: {  	v11 =	vadd.s32 v9, v11  }
0xbb: {  	[hbm4b:s4+s2] =	stream.indirect_vreg.scatter [tilespmem:s29], [sflag:$0x2], $0x80, v12, vm0, $0xb8;
	[tilespmem:$0xE100] =	vst v63  }
0xbc: {  	_ = 	snop  }
0xbd: {  	[hbm4b:s5+s2] =	stream.indirect_vreg.scatter [tilespmem:s30], [sflag:$0x2], $0x80, v12, vm0, $0xb8;
	[tilespmem:$0xE100] =	vst v63  }
0xbe: {  	_ = 	snop  }
0xbf: {  	[hbm4b:s3+s2] =	stream.indirect_vreg.scatter [tilespmem:s31], [sflag:$0x2], $0x80, v11, vm0, $0xb8;
	[tilespmem:$0xE100] =	vst v63  }
0xc0: {  	_ = 	snop  }
0xc1: {  	[hbm4b:s4+s2] =	stream.indirect_vreg.scatter [tilespmem:s1], [sflag:$0x2], $0x80, v11, vm0, $0xb8;
	[tilespmem:$0xE100] =	vst v63  }
0xc2: {  	s10 =	simm.s32 $0x1  }
0xc3: {  	[hbm4b:s5+s2] =	stream.indirect_vreg.scatter [tilespmem:s8], [sflag:$0x2], $0x80, v11, vm0, $0xb8;
	[tilespmem:$0xE100] =	vst v63  }
0xc4: {  	p0 =	sne.s32 s6, $0x1;
	_ =	swait.ge [sflag:s10], $0xC000  }
.Ltmp0:
0xc5: {  	[sflag:s10] =	ssyncset.done $0x0;
	(pc) =	sbr.rel @p0 .LBB2_1-.Ltmp0, $4  }
0xc6: {  	[sflag:s10] =	ssyncadd.s32 $0xFFFF4000  }
0xc7: {  	_ =	swait.ge [sflag:s9], $0xC000  }
0xc8: {  	[sflag:s9] =	ssyncset.done $0x0  }
0xc9: {  	s6 =	sadd.s32 $0xFFFFFFFF, s6;
	[sflag:s9] =	ssyncadd.s32 $0xFFFF4000  }
0xca: {  	_ =	sfence.sel $0x180000  }
0xcb: {  	[bflag:$0x0] =	sbarrier.arrive $0xFFFF  }
0xcc: {  	_ =	strace $0x90000047  }
0xcd: {  	s0 =	stileid.u32;
	[bflag:$0x2] =	sbarrier.arrive $0xFFFF  }
0xce: {  	p0 =	sne.s32 s0, $0x0;
	s0 =	rddreg [dreg:$0x3]  }
0xcf: {  	s0 =	sadd.s32 @!p0 $0x100000, s0  }
0xd0: {  	[sflag:s0] =	ssyncadd.tile.s32 @!p0 $0x1;
	_ =	shalt  }
.Lfunc_end2:
_tile_overlayer_lowered:
.L_overlay_start_2:
0xd1: {  	(tag) =	ssettag $0x2  }
0xd2: {  	s0 =	rddreg [dreg:$0x0];
	s2 =	stileid.u32  }
0xd3: {  	s1 =	rddreg [dreg:$0x1];
	p0 =	sne.s32 s2, $0x0  }
0xd4: {  	s3 =	rddreg [dreg:$0x2];
	[bflag:$0x3] =	sbarrier.arrive $0xFFFF;
	s2 =	simm.s32 @!p0 $0x1C03  }
0xd5: {  	[timem:s3], [sflag:s2] =	dma.local @!p0 [hbm:s0], s1  }
0xd6: {  	s0 =	simm.s32 @!p0 $0x3  }
0xd7: {  	_ =	swait.ge @!p0 [sflag:s0], s1  }
0xd8: {  	s1 =	ssub.s32 @!p0 $0x0, s1;
	[sflag:s0] =	ssyncset.done @!p0 $0x0  }
0xd9: {  	[sflag:s0] =	ssyncadd.s32 @!p0 s1  }
0xda: {  	[bflag:$0x3] =	sbarrier.arrive $0xFFFF  }
0xdb: {  	_ =	shalt  }

// kernel: kernel.9.cloned.1.call-start
scs
__scs_entry_jumppad:
0x0: {  	(pc) =	sbr.rel $0x88, $3  }
0x1: {  	(tag) =	ssettag $0x0;
	lr =	simm.s32 $0x1  }
0x2: {  	[smem:$0x3F9C] =	sst lr;
	_ =	strace $0xD0000000  }
0x3: {  	_ = 	snop  }
0x4: {  	_ = 	snop  }
0x5: {  	_ = 	snop  }
0x6: {  	_ = 	snop  }
0x7: {  	_ = 	snop  }
__scs_overlays_trampoline_lowered:
0x8: {  	[smem:$0x3FAB] =	sst s0  }
0x9: {  	[smem:$0x3FAC] =	sst s1  }
0xa: {  	[smem:$0x3FAD] =	sst s2  }
0xb: {  	[smem:$0x3FAE] =	sst s3  }
0xc: {  	[smem:$0x3FAF] =	sst s4  }
0xd: {  	[smem:$0x3FB0] =	sst s5  }
0xe: {  	[smem:$0x3FB1] =	sst s6  }
0xf: {  	[smem:$0x3FB2] =	sst s7  }
0x10: {  	[smem:$0x3FB3] =	sst s8  }
0x11: {  	[smem:$0x3FB4] =	sst s9;
	s0 =	simm.s32 @!p0 $0x0  }
0x12: {  	s1 =	sld [smem:$0x3F9A];
	s0 =	simm.s32 @p0 $0x1  }
0x13: {  	[smem:$0x3FB5] =	sst s0;
	s0 =	simm.s32 @!p1 $0x0  }
0x14: {  	s2 =	sld [smem:$0x3F99];
	s0 =	simm.s32 @p1 $0x1  }
0x15: {  	[smem:$0x3FB6] =	sst s0;
	s0 =	simm.s32 @!p2 $0x0  }
0x16: {  	s3 =	sld [smem:$0x3FDB];
	s0 =	simm.s32 @p2 $0x1  }
0x17: {  	s4 =	simm.s32 $0x1BF5;
	[smem:$0x3FB8] =	sst s0  }
0x18: {  	s0 =	sld [smem:$0x3F9B];
	_ =	swait.ge [sflag:s4], $0x0  }
0x19: {  	s7 =	sld [smem:$0x3F9C]  }
0x1a: {  	s8 =	sadd.s32 $0xFFFFE003, lr  }
0x1b: {  	s9 =	sadd.s32 $0xFFFFFEF7, lr;
	s5 =	simm.s32 $0xFFFFFFFF;
	p2 =	slt.u32 s8, $0xFFFFF086  }
0x1c: {  	p1 =	slt.u32 s9, $0xF7A;
	s5 =	simm.s32 @!p2 $0x0  }
0x1d: {  	s5 =	simm.s32 @p1 $0x1;
	p0 =	seq.s32 s7, s2  }
0x1e: {  	s7 =	smul.u32 @!p0 $0xF7A, s2;
	p2 =	seq.s32 @!p0 s5, $0x0  }
0x1f: {  	s9 =	smul.u32 $0xF7A, s1;
	s8 =	simm.s32 @!p0 $0x1BF5;
	p2 =	por !p2, p0  }
0x20: {  	[sflag:s8] =	ssyncset.s32 @!p0 $0xFFFFF086;
	s6 =	sadd.s32 @!p0 s3, s7;
	s7 =	simm.s32 @!p0 $0x108  }
0x21: {  	s3 =	sadd.s32 s3, s9;
	s6 =	sadd.s32 @!p0 $0x88, s6;
	s7 =	simm.s32 @p2 $0x1082  }
0x22: {  	[simem:s7], [sflag:s8] =	dma.local @!p0 [hbm:s6], $0xF7A  }
0x23: {  	s9 =	sor.u32 $0xD0000000, s2;
	s6 =	simm.s32 $0x108;
	_ =	swait.ge @!p0 [sflag:s8], $0x0  }
0x24: {  	s3 =	sadd.s32 $0x88, s3;
	s6 =	simm.s32 @!p1 $0x1082;
	[sflag:s4] =	ssyncset.s32 $0xFFFFF086  }
0x25: {  	[simem:s6], [sflag:s4] =	dma.local [hbm:s3], $0xF7A  }
0x26: {  	[smem:$0x3F9C] =	sst s1;
	(tag) =	ssettag s2;
	_ =	strace s9  }
0x27: {  	s1 =	sld [smem:$0x3FAC]  }
0x28: {  	s2 =	sld [smem:$0x3FAD]  }
0x29: {  	s4 =	sld [smem:$0x3FAF]  }
0x2a: {  	p0 =	seq.s32 s5, $0x0;
	s5 =	sld [smem:$0x3FB0]  }
0x2b: {  	s6 =	sld [smem:$0x3FB1]  }
0x2c: {  	s7 =	sld [smem:$0x3FB2]  }
0x2d: {  	s3 =	simm.s32 $0x108;
	s8 =	sld [smem:$0x3FB3]  }
0x2e: {  	s3 =	simm.s32 @!p0 $0x1082;
	s9 =	sld [smem:$0x3FB4]  }
0x2f: {  	lr =	sadd.s32 s0, s3;
	s0 =	sld [smem:$0x3FAB]  }
0x30: {  	s3 =	sld [smem:$0x3FAE]  }
0x31: {  	[smem:$0x3FB7] =	sst s10  }
0x32: {  	s10 =	sld [smem:$0x3FB5];
	_ =	sdelay $0x3  }
0x33: {  	p0 =	seq.s32 s10, $0x1;
	s10 =	sld [smem:$0x3FB7];
	_ =	sdelay $0x3  }
0x34: {  	[smem:$0x3FB7] =	sst s10  }
0x35: {  	s10 =	sld [smem:$0x3FB6];
	_ =	sdelay $0x3  }
0x36: {  	p1 =	seq.s32 s10, $0x1;
	s10 =	sld [smem:$0x3FB7];
	_ =	sdelay $0x3  }
0x37: {  	[smem:$0x3FB7] =	sst s10  }
0x38: {  	s10 =	sld [smem:$0x3FB8]  }
0x39: {  	_ = 	snop;
	(pc) =	sbr.ind lr, $3  }
0x3a: {  	_ = 	snop  }
0x3b: {  	_ = 	snop  }
0x3c: {  	p2 =	seq.s32 s10, $0x1;
	s10 =	sld [smem:$0x3FB7]  }
0x3d: {  	_ =	shalt  }
0x3e: {  	_ =	shalt  }
0x3f: {  	_ =	shalt  }
0x40: {  	_ =	shalt  }
0x41: {  	_ =	shalt  }
0x42: {  	_ =	shalt  }
0x43: {  	_ =	shalt  }
0x44: {  	_ =	shalt  }
0x45: {  	_ =	shalt  }
0x46: {  	_ =	shalt  }
0x47: {  	_ =	shalt  }
0x48: {  	_ =	shalt  }
0x49: {  	_ =	shalt  }
0x4a: {  	_ =	shalt  }
0x4b: {  	_ =	shalt  }
0x4c: {  	_ =	shalt  }
0x4d: {  	_ =	shalt  }
0x4e: {  	_ =	shalt  }
0x4f: {  	_ =	shalt  }
0x50: {  	_ =	shalt  }
0x51: {  	_ =	shalt  }
0x52: {  	_ =	shalt  }
0x53: {  	_ =	shalt  }
0x54: {  	_ =	shalt  }
0x55: {  	_ =	shalt  }
0x56: {  	_ =	shalt  }
0x57: {  	_ =	shalt  }
0x58: {  	_ =	shalt  }
0x59: {  	_ =	shalt  }
0x5a: {  	_ =	shalt  }
0x5b: {  	_ =	shalt  }
0x5c: {  	_ =	shalt  }
0x5d: {  	_ =	shalt  }
0x5e: {  	_ =	shalt  }
0x5f: {  	_ =	shalt  }
0x60: {  	_ =	shalt  }
0x61: {  	_ =	shalt  }
0x62: {  	_ =	shalt  }
0x63: {  	_ =	shalt  }
0x64: {  	_ =	shalt  }
0x65: {  	_ =	shalt  }
0x66: {  	_ =	shalt  }
0x67: {  	_ =	shalt  }
0x68: {  	_ =	shalt  }
0x69: {  	_ =	shalt  }
0x6a: {  	_ =	shalt  }
0x6b: {  	_ =	shalt  }
0x6c: {  	_ =	shalt  }
0x6d: {  	_ =	shalt  }
0x6e: {  	_ =	shalt  }
0x6f: {  	_ =	shalt  }
0x70: {  	_ =	shalt  }
0x71: {  	_ =	shalt  }
0x72: {  	_ =	shalt  }
0x73: {  	_ =	shalt  }
0x74: {  	_ =	shalt  }
0x75: {  	_ =	shalt  }
0x76: {  	_ =	shalt  }
0x77: {  	_ =	shalt  }
0x78: {  	_ =	shalt  }
0x79: {  	_ =	shalt  }
0x7a: {  	_ =	shalt  }
0x7b: {  	_ =	shalt  }
0x7c: {  	_ =	shalt  }
0x7d: {  	_ =	shalt  }
0x7e: {  	_ =	shalt  }
0x7f: {  	_ =	shalt  }
0x80: {  	_ =	shalt  }
0x81: {  	_ =	shalt  }
0x82: {  	_ =	shalt  }
0x83: {  	_ =	shalt  }
0x84: {  	_ =	shalt  }
0x85: {  	_ =	shalt  }
0x86: {  	_ =	shalt  }
0x87: {  	_ =	shalt  }
.Lfunc_end0:
.L_simem_size_0:
called_computation.1_lowered:
.L_overlay_start_0:
0x88: {  	s2 =	sld [smem:$0x3FD9]  }
0x89: {  	s3 =	sld [smem:$0x3FFE];
	_ =	sdelay $0x1  }
0x8a: {  	s1 =	srdreg.scid  }
0x8b: {  	s0 =	sand.u32 $0x1, s1  }
0x8c: {  	s17 =	sshll.u32 s0, $0xA;
	s2 =	sadd.s32 s3, s2  }
0x8d: {  	s2 =	sadd.s32 s2, s17  }
0x8e: {  	[smem:$0x3FC3] =	sst s2  }
0x8f: {  	_ = 	snop  }
0x90: {  	s2 =	sld [smem:$0x3FD0];
	(tm) =	ssettm $0x1  }
0x91: {  	s18 =	sld [smem:$0x3FFB];
	_ =	sdelay $0x3  }
0x92: {  	_ =	strace s18  }
0x93: {  	s3 =	sld [smem:$0x3FFC];
	_ =	sdelay $0x3  }
0x94: {  	_ =	strace s3  }
0x95: {  	s3 =	sld [smem:$0x3FFD];
	_ =	sdelay $0x3  }
0x96: {  	_ =	strace s3  }
0x97: {  	_ =	strace $0x8FFFFFFF  }
0x98: {  	s19 =	sld [smem:$0x3FDB];
	_ =	sdelay $0x1  }
0x99: {  	s4 =	simm.s32 $_scs_section_size  }
0x9a: {  	s5 =	simm.s32 $_size__tile_overlayer_lowered;
	s6 =	simm.s32 $_tile_overlayer_lowered  }
0x9b: {  	s22 =	simm.s32 $0x1BFF;
	s21 =	sshll.u32 s6, $0x1;
	s3 =	sadd.s32 s4, s19  }
0x9c: {  	s7 =	simm.s32 $0x0;
	s20 =	sshll.u32 s5, $0x1;
	s5 =	sadd.s32 s21, s3  }
0x9d: {  	[timem:s7], [sflag:s22] =	dma.local [hbm:s5], s20  }
0x9e: {  	_ =	swait.ge [sflag:s22], s20  }
0x9f: {  	s4 =	ssub.s32 $0x0, s20;
	[sflag:s22] =	ssyncset.done $0x0  }
0xa0: {  	[sflag:s22] =	ssyncadd.s32 s4;
	_ =	sdelay $0x1  }
0xa1: {  	s23 =	simm.s32 $0x1B8B  }
0xa2: {  	_ =	swait.ge [sflag:s23], $0x1  }
0xa3: {  	[sflag:s23] =	ssyncset.done $0x0  }
0xa4: {  	s25 =	simm.s32 $0x1B8E;
	s24 =	sld [smem:$0x3FFE];
	[sflag:s23] =	ssyncadd.s32 $0xFFFFFFFF  }
0xa5: {  	s26 =	simm.s32 $execute0_lowered;
	[smem:$0x3FD2] =	sst s25  }
0xa6: {  	s5 =	sshll.u32 s26, $0x1;
	_ =	strace $0x80000049;
	[dreg:$0x1] =	wrdreg $0xFFFFFFFF  }
0xa7: {  	s28 =	simm.s32 $_size_execute0_lowered;
	s3 =	sadd.s32 s3, s5;
	[dreg:$0x0] =	wrdreg $0x0  }
0xa8: {  	s5 =	sshll.u32 s28, $0x1;
	[dreg:$0x2] =	wrdreg s3  }
0xa9: {  	[dreg:$0x3] =	wrdreg s5  }
0xaa: {  	[dreg:$0x4] =	wrdreg $0xC0  }
0xab: {  	_ =	task [dreg:s7], $0x5FFFF  }
0xac: {  	[dreg:$0x1] =	wrdreg $0xFFFFFFFF  }
0xad: {  	[dreg:$0x0] =	wrdreg $0x60  }
0xae: {  	[dreg:$0x2] =	wrdreg s24  }
0xaf: {  	[dreg:$0x3] =	wrdreg s2  }
0xb0: {  	[dreg:$0x4] =	wrdreg $0x9  }
0xb1: {  	_ =	task.clear_ibuf [dreg:s7], $0x5FFFF;
	_ =	strace $0x90000049  }
0xb2: {  	s29 =	simm.s32 $0x9;
	_ =	strace $0x8000004B  }
0xb3: {  	_ =	swait.ge [sflag:s29], $0x1  }
0xb4: {  	[sflag:s29] =	ssyncadd.s32 $0xFFFFFFFF  }
0xb5: {  	_ =	strace $0x9000004B  }
0xb6: {  	_ =	sfence  }
0xb7: {  	s30 =	sld [smem:$0x0];
	_ =	sdelay $0x2  }
0xb8: {  	s31 =	sshll.u32 s1, $0xD;
	s1 =	sshrl.u32 s1, $0x2  }
0xb9: {  	s3 =	sand.u32 $0x4000, s31;
	s1 =	sadd.s32 s1, s30  }
0xba: {  	s0 =	sor.u32 s3, s0;
	s1 =	sshll.u32 s1, $0x11  }
0xbb: {  	s0 =	sor.u32 s1, s0  }
0xbc: {  	s0 =	sadd.s32 $0x8F2B, s0  }
0xbd: {  	[sflag:s0] =	ssyncadd.remote.s32 $0x1  }
0xbe: {  	_ =	sfence.sel $0xFFFF  }
0xbf: {  	[dreg:$0x0] =	wrdreg $0xFFFFFFFF;
	(pc) =	sbr.abs _section_cstart, $3  }
0xc0: {  	[dreg:$0x1] =	wrdreg $0xFFFFFFFF  }
0xc1: {  	_ =	task.clear_ibuf [dreg:s7], $0x2FFFF;
	_ =	strace $0x9FFFFFFF  }
0xc2: {  	(tm) =	ssettm $0x7FFFFFFF  }
0xc3: {  	_ =	shalt  }
tec
execute0_lowered:
.L_overlay_start_1:
0x0: {  	(tag) =	ssettag $0x1  }
0x1: {  	s0 =	rddreg [dreg:$0x0]  }
0x2: {  	s1 =	rddreg [dreg:$0x1];
	s2 =	srdreg.scid  }
0x3: {  	s5 =	stileid.u32;
	s11 =	simm.s32 $0x6;
	s12 =	simm.s32 $0x2000  }
0x4: {  	s22 =	simm.s32 $0x4300;
	s24 =	simm.s32 $0x1;
	s28 =	simm.s32 $0x4280  }
0x5: {  	s29 =	simm.s32 $0x3;
	s30 =	simm.s32 $0x4;
	s31 =	simm.s32 $0x5  }
0x6: {  	s3 =	sand.u32 $0x1, s2;
	s2 =	simm.s32 $0x0;
	s5 =	sshll.u32 s5, $0x6  }
0x7: {  	s4 =	sshll.u32 s3, $0xA;
	[smem:$0x7FF] =	sst s2;
	s6 =	ssub.s32 $0x2, s3  }
0x8: {  	s3 =	sadd.s32 $0x11600, s0;
	s4 =	sor.u32 s5, s4;
	_ =	strace $0x8000004A  }
0x9: {  	s7 =	sshrl.u32 s6, $0x1;
	s5 =	sshll.u32 s4, $0x4;
	s4 =	sshrl.u32 s4, $0x3  }
0xa: {  	v10 =	vlaneseq.u32;
	s10 =	ssub.s32 s6, s7;
	s6 =	sadd.s32 $0x11700, s0;
	s8 =	smul.u32 $0x1800, s4  }
0xb: {  	v0 =	vmul.u32 $0x80, v10;
	s7 =	sadd.s32 $0x11800, s0;
	s5 =	sadd.s32 s5, s0;
	s4 =	smul.u32 $0x300, s4  }
0xc: {  	vm0 =	vmmov $0xffff;
	v9 =	vshrl.u32 v10, $0x3;
	v8 =	vand.u32 $0x7, v10;
	s10 =	smax.u32 s10, $0x1;
	s0 =	simm.s32 $0x0;
	s25 =	sadd.s32 $0x1600, s5  }
0xd: {  	v10 =	vor.u32 $0x8, v10;
	v9 =	vmul.u32 $0x8, v9;
	v1 =	vor.u32 $0x1, v0;
	s5 =	sadd.s32 $0x9600, s5;
	[dreg:$0x3] =	wrdreg s25;
	s9 =	sshrl.u32 s8, $0x3  }
0xe: {  	v2 =	vor.u32 $0x800, v0;
	v3 =	vor.u32 $0x801, v0;
	v4 =	vor.u32 $0x1000, v0;
	s8 =	sadd.s32 s1, s4;
	s4 =	simm.s32 $0x10300;
	s26 =	sadd.s32 s1, s9  }
0xf: {  	v5 =	vor.u32 $0x1001, v0;
	v6 =	vor.u32 $0x1800, v0;
	v7 =	vor.u32 $0x1801, v0;
	s25 =	simm.s32 $0x2;
	s9 =	sadd.s32 $0xC00, s26;
	s26 =	simm.s32 $0x4200  }
.LBB2_1:
0x10: {  	s1 =	rddreg [dreg:$0x3]  }
0x11: {  	[tilespmem:s2], [sflag:$0x6] =	stream.linear.gather [hbm4b:s1+s2], $0x2000, $0x38;
	[tilespmem:$0x1C300] =	vst v63  }
0x12: {  	_ =	swait.ge [sflag:s11], $0x2000  }
0x13: {  	[sflag:s11] =	ssyncset.done $0x0  }
0x14: {  	[sflag:s11] =	ssyncadd.s32 $0xFFFFE000  }
0x15: {  	[tilespmem:s12], [sflag:$0x6] =	stream.linear.gather [hbm4b:s5+s2], $0x2000, $0x38;
	[tilespmem:$0x1C300] =	vst v63  }
0x16: {  	_ =	swait.ge [sflag:s11], $0x2000  }
0x17: {  	[sflag:s11] =	ssyncset.done $0x0  }
0x18: {  	[sflag:s11] =	ssyncadd.s32 $0xFFFFE000  }
0x19: {  	v11 =	vld.idx.msk [tilespmem:v0+s2+$0x0], $0xffff;
	_ =	sdelay $0x4  }
0x1a: {  	[tilespmem:$0x4000] =	vst v11  }
0x1b: {  	v11 =	vld.idx.msk [tilespmem:v1+s2+$0x0], $0xffff;
	_ =	sdelay $0x4  }
0x1c: {  	[tilespmem:$0x4080] =	vst v11  }
0x1d: {  	v11 =	vld.idx.msk [tilespmem:v0+s12+$0x0], $0xffff;
	_ =	sdelay $0x4  }
0x1e: {  	[tilespmem:$0x4200] =	vst v11  }
0x1f: {  	v11 =	vld.idx.msk [tilespmem:v1+s12+$0x0], $0xffff;
	_ =	sdelay $0x4  }
0x20: {  	[tilespmem:$0x4280] =	vst v11  }
0x21: {  	v11 =	vld.idx.msk [tilespmem:v2+s2+$0x0], $0xffff;
	_ =	sdelay $0x4  }
0x22: {  	[tilespmem:$0x4010] =	vst v11  }
0x23: {  	v11 =	vld.idx.msk [tilespmem:v3+s2+$0x0], $0xffff;
	_ =	sdelay $0x4  }
0x24: {  	[tilespmem:$0x4090] =	vst v11  }
0x25: {  	v11 =	vld.idx.msk [tilespmem:v2+s12+$0x0], $0xffff;
	_ =	sdelay $0x4  }
0x26: {  	[tilespmem:$0x4210] =	vst v11  }
0x27: {  	v11 =	vld.idx.msk [tilespmem:v3+s12+$0x0], $0xffff;
	_ =	sdelay $0x4  }
0x28: {  	[tilespmem:$0x4290] =	vst v11  }
0x29: {  	v11 =	vld.idx.msk [tilespmem:v4+s2+$0x0], $0xffff;
	_ =	sdelay $0x4  }
0x2a: {  	[tilespmem:$0x4100] =	vst v11  }
0x2b: {  	v11 =	vld.idx.msk [tilespmem:v5+s2+$0x0], $0xffff;
	_ =	sdelay $0x4  }
0x2c: {  	[tilespmem:$0x4180] =	vst v11  }
0x2d: {  	v11 =	vld.idx.msk [tilespmem:v4+s12+$0x0], $0xffff;
	_ =	sdelay $0x4  }
0x2e: {  	[tilespmem:$0x4220] =	vst v11  }
0x2f: {  	v11 =	vld.idx.msk [tilespmem:v5+s12+$0x0], $0xffff;
	_ =	sdelay $0x4  }
0x30: {  	[tilespmem:$0x42A0] =	vst v11  }
0x31: {  	v11 =	vld.idx.msk [tilespmem:v6+s2+$0x0], $0xffff;
	_ =	sdelay $0x4  }
0x32: {  	[tilespmem:$0x4110] =	vst v11  }
0x33: {  	v11 =	vld.idx.msk [tilespmem:v7+s2+$0x0], $0xffff;
	_ =	sdelay $0x1  }
0x34: {  	v12 =	vld [tilespmem:$0x4000];
	_ =	sdelay $0x2  }
0x35: {  	[tilespmem:$0x4190] =	vst v11  }
0x36: {  	v11 =	vld.idx.msk [tilespmem:v6+s12+$0x0], $0xffff  }
0x37: {  	v13 =	vshrl.u32 v12, $0x3  }
0x38: {  	v13 =	vmul.u32 $0x30, v13  }
0x39: {  	v12 =	vand.u32 $0x7, v12  }
0x3a: {  	v12 =	vor.u32 v12, v13  }
0x3b: {  	[tilespmem:$0x4230] =	vst v11;
	v11 =	vperm.xlane v12, v8  }
0x3c: {  	v13 =	vld.idx.msk [tilespmem:v7+s12+$0x0], $0xffff  }
0x3d: {  	v11 =	vadd.s32 v9, v11;
	_ =	sdelay $0x3  }
0x3e: {  	v12 =	vperm.xlane v12, v10;
	[tilespmem:$0x42B0] =	vst v13  }
0x3f: {  	[tilespmem:s22], [sflag:$0x1] =	stream.indirect_vreg.gather [hbm4b:s3+s2], $0x80, v11, vm0, $0xb8;
	[tilespmem:$0x1C300] =	vst v63  }
0x40: {  	s17 =	simm.s32 $0x4B00;
	v12 =	vadd.s32 v9, v12  }
0x41: {  	[tilespmem:s17], [sflag:$0x1] =	stream.indirect_vreg.gather [hbm4b:s6+s2], $0x80, v11, vm0, $0xb8;
	[tilespmem:$0x1C300] =	vst v63  }
0x42: {  	s18 =	simm.s32 $0x5300  }
0x43: {  	[tilespmem:s18], [sflag:$0x1] =	stream.indirect_vreg.gather [hbm4b:s7+s2], $0x80, v11, vm0, $0xb8;
	[tilespmem:$0x1C300] =	vst v63  }
0x44: {  	s19 =	simm.s32 $0x5B00  }
0x45: {  	[tilespmem:s19], [sflag:$0x1] =	stream.indirect_vreg.gather [hbm4b:s3+s2], $0x80, v12, vm0, $0xb8;
	[tilespmem:$0x1C300] =	vst v63  }
0x46: {  	s20 =	simm.s32 $0x6300  }
0x47: {  	[tilespmem:s20], [sflag:$0x1] =	stream.indirect_vreg.gather [hbm4b:s6+s2], $0x80, v12, vm0, $0xb8;
	[tilespmem:$0x1C300] =	vst v63  }
0x48: {  	s21 =	simm.s32 $0x6B00  }
0x49: {  	[tilespmem:s21], [sflag:$0x1] =	stream.indirect_vreg.gather [hbm4b:s7+s2], $0x80, v12, vm0, $0xb8;
	[tilespmem:$0x1C300] =	vst v63  }
0x4a: {  	v11 =	vld [tilespmem:$0x4010];
	_ =	sdelay $0x4  }
0x4b: {  	v12 =	vshrl.u32 v11, $0x3  }
0x4c: {  	v12 =	vmul.u32 $0x30, v12  }
0x4d: {  	v11 =	vand.u32 $0x7, v11  }
0x4e: {  	v11 =	vor.u32 v11, v12  }
0x4f: {  	v12 =	vperm.xlane v11, v8;
	_ =	sdelay $0x1  }
0x50: {  	v12 =	vadd.s32 v9, v12;
	_ =	sdelay $0x3  }
0x51: {  	s22 =	simm.s32 $0x7300;
	v11 =	vperm.xlane v11, v10  }
0x52: {  	[tilespmem:s22], [sflag:$0x1] =	stream.indirect_vreg.gather [hbm4b:s3+s2], $0x80, v12, vm0, $0xb8;
	[tilespmem:$0x1C300] =	vst v63  }
0x53: {  	s23 =	simm.s32 $0x7B00;
	v11 =	vadd.s32 v9, v11  }
0x54: {  	[tilespmem:s23], [sflag:$0x1] =	stream.indirect_vreg.gather [hbm4b:s6+s2], $0x80, v12, vm0, $0xb8;
	[tilespmem:$0x1C300] =	vst v63  }
0x55: {  	s13 =	simm.s32 $0x8300  }
0x56: {  	[tilespmem:s13], [sflag:$0x1] =	stream.indirect_vreg.gather [hbm4b:s7+s2], $0x80, v12, vm0, $0xb8;
	[tilespmem:$0x1C300] =	vst v63  }
0x57: {  	s14 =	simm.s32 $0x8B00  }
0x58: {  	[tilespmem:s14], [sflag:$0x1] =	stream.indirect_vreg.gather [hbm4b:s3+s2], $0x80, v11, vm0, $0xb8;
	[tilespmem:$0x1C300] =	vst v63  }
0x59: {  	s15 =	simm.s32 $0x9300  }
0x5a: {  	[tilespmem:s15], [sflag:$0x1] =	stream.indirect_vreg.gather [hbm4b:s6+s2], $0x80, v11, vm0, $0xb8;
	[tilespmem:$0x1C300] =	vst v63  }
0x5b: {  	s16 =	simm.s32 $0x9B00  }
0x5c: {  	[tilespmem:s16], [sflag:$0x1] =	stream.indirect_vreg.gather [hbm4b:s7+s2], $0x80, v11, vm0, $0xb8;
	[tilespmem:$0x1C300] =	vst v63  }
0x5d: {  	v11 =	vld [tilespmem:$0x4080];
	_ =	sdelay $0x4  }
0x5e: {  	v12 =	vshrl.u32 v11, $0x3  }
0x5f: {  	v12 =	vmul.u32 $0x30, v12  }
0x60: {  	v11 =	vand.u32 $0x7, v11  }
0x61: {  	v11 =	vor.u32 v11, v12  }
0x62: {  	v12 =	vperm.xlane v11, v8;
	_ =	sdelay $0x1  }
0x63: {  	v12 =	vadd.s32 v9, v12;
	_ =	sdelay $0x3  }
0x64: {  	s17 =	simm.s32 $0xA300;
	v11 =	vperm.xlane v11, v10  }
0x65: {  	[tilespmem:s17], [sflag:$0x2] =	stream.indirect_vreg.gather [hbm4b:s3+s2], $0x80, v12, vm0, $0xb8;
	[tilespmem:$0x1C300] =	vst v63  }
0x66: {  	s18 =	simm.s32 $0xAB00;
	v11 =	vadd.s32 v9, v11  }
0x67: {  	[tilespmem:s18], [sflag:$0x2] =	stream.indirect_vreg.gather [hbm4b:s6+s2], $0x80, v12, vm0, $0xb8;
	[tilespmem:$0x1C300] =	vst v63  }
0x68: {  	s19 =	simm.s32 $0xB300  }
0x69: {  	[tilespmem:s19], [sflag:$0x2] =	stream.indirect_vreg.gather [hbm4b:s7+s2], $0x80, v12, vm0, $0xb8;
	[tilespmem:$0x1C300] =	vst v63  }
0x6a: {  	s20 =	simm.s32 $0xBB00  }
0x6b: {  	[tilespmem:s20], [sflag:$0x2] =	stream.indirect_vreg.gather [hbm4b:s3+s2], $0x80, v11, vm0, $0xb8;
	[tilespmem:$0x1C300] =	vst v63  }
0x6c: {  	s21 =	simm.s32 $0xC300  }
0x6d: {  	[tilespmem:s21], [sflag:$0x2] =	stream.indirect_vreg.gather [hbm4b:s6+s2], $0x80, v11, vm0, $0xb8;
	[tilespmem:$0x1C300] =	vst v63  }
0x6e: {  	s22 =	simm.s32 $0xCB00  }
0x6f: {  	[tilespmem:s22], [sflag:$0x2] =	stream.indirect_vreg.gather [hbm4b:s7+s2], $0x80, v11, vm0, $0xb8;
	[tilespmem:$0x1C300] =	vst v63  }
0x70: {  	v11 =	vld [tilespmem:$0x4090];
	_ =	sdelay $0x4  }
0x71: {  	v12 =	vshrl.u32 v11, $0x3  }
0x72: {  	v12 =	vmul.u32 $0x30, v12  }
0x73: {  	v11 =	vand.u32 $0x7, v11  }
0x74: {  	v11 =	vor.u32 v11, v12  }
0x75: {  	v12 =	vperm.xlane v11, v8;
	_ =	sdelay $0x1  }
0x76: {  	v12 =	vadd.s32 v9, v12;
	_ =	sdelay $0x3  }
0x77: {  	s23 =	simm.s32 $0xD300;
	v11 =	vperm.xlane v11, v10  }
0x78: {  	[tilespmem:s23], [sflag:$0x2] =	stream.indirect_vreg.gather [hbm4b:s3+s2], $0x80, v12, vm0, $0xb8;
	[tilespmem:$0x1C300] =	vst v63  }
0x79: {  	s13 =	simm.s32 $0xDB00;
	v11 =	vadd.s32 v9, v11  }
0x7a: {  	[tilespmem:s13], [sflag:$0x2] =	stream.indirect_vreg.gather [hbm4b:s6+s2], $0x80, v12, vm0, $0xb8;
	[tilespmem:$0x1C300] =	vst v63  }
0x7b: {  	s14 =	simm.s32 $0xE300  }
0x7c: {  	[tilespmem:s14], [sflag:$0x2] =	stream.indirect_vreg.gather [hbm4b:s7+s2], $0x80, v12, vm0, $0xb8;
	[tilespmem:$0x1C300] =	vst v63  }
0x7d: {  	s15 =	simm.s32 $0xEB00  }
0x7e: {  	[tilespmem:s15], [sflag:$0x2] =	stream.indirect_vreg.gather [hbm4b:s3+s2], $0x80, v11, vm0, $0xb8;
	[tilespmem:$0x1C300] =	vst v63  }
0x7f: {  	s16 =	simm.s32 $0xF300  }
0x80: {  	[tilespmem:s16], [sflag:$0x2] =	stream.indirect_vreg.gather [hbm4b:s6+s2], $0x80, v11, vm0, $0xb8;
	[tilespmem:$0x1C300] =	vst v63  }
0x81: {  	s17 =	simm.s32 $0xFB00  }
0x82: {  	[tilespmem:s17], [sflag:$0x2] =	stream.indirect_vreg.gather [hbm4b:s7+s2], $0x80, v11, vm0, $0xb8;
	[tilespmem:$0x1C300] =	vst v63  }
0x83: {  	v11 =	vld [tilespmem:$0x4100];
	_ =	sdelay $0x4  }
0x84: {  	v12 =	vshrl.u32 v11, $0x3  }
0x85: {  	v12 =	vmul.u32 $0x30, v12  }
0x86: {  	v11 =	vand.u32 $0x7, v11  }
0x87: {  	v11 =	vor.u32 v11, v12  }
0x88: {  	v12 =	vperm.xlane v11, v8;
	_ =	sdelay $0x1  }
0x89: {  	v12 =	vadd.s32 v9, v12;
	_ =	sdelay $0x3  }
0x8a: {  	v11 =	vperm.xlane v11, v10  }
0x8b: {  	[tilespmem:s4], [sflag:$0x3] =	stream.indirect_vreg.gather [hbm4b:s3+s2], $0x80, v12, vm0, $0xb8;
	[tilespmem:$0x1C300] =	vst v63  }
0x8c: {  	s18 =	simm.s32 $0x10B00;
	v11 =	vadd.s32 v9, v11  }
0x8d: {  	[tilespmem:s18], [sflag:$0x3] =	stream.indirect_vreg.gather [hbm4b:s6+s2], $0x80, v12, vm0, $0xb8;
	[tilespmem:$0x1C300] =	vst v63  }
0x8e: {  	s19 =	simm.s32 $0x11300  }
0x8f: {  	[tilespmem:s19], [sflag:$0x3] =	stream.indirect_vreg.gather [hbm4b:s7+s2], $0x80, v12, vm0, $0xb8;
	[tilespmem:$0x1C300] =	vst v63  }
0x90: {  	s20 =	simm.s32 $0x11B00  }
0x91: {  	[tilespmem:s20], [sflag:$0x3] =	stream.indirect_vreg.gather [hbm4b:s3+s2], $0x80, v11, vm0, $0xb8;
	[tilespmem:$0x1C300] =	vst v63  }
0x92: {  	s21 =	simm.s32 $0x12300  }
0x93: {  	[tilespmem:s21], [sflag:$0x3] =	stream.indirect_vreg.gather [hbm4b:s6+s2], $0x80, v11, vm0, $0xb8;
	[tilespmem:$0x1C300] =	vst v63  }
0x94: {  	s22 =	simm.s32 $0x12B00  }
0x95: {  	[tilespmem:s22], [sflag:$0x3] =	stream.indirect_vreg.gather [hbm4b:s7+s2], $0x80, v11, vm0, $0xb8;
	[tilespmem:$0x1C300] =	vst v63  }
0x96: {  	v11 =	vld [tilespmem:$0x4110];
	_ =	sdelay $0x4  }
0x97: {  	v12 =	vshrl.u32 v11, $0x3  }
0x98: {  	v12 =	vmul.u32 $0x30, v12  }
0x99: {  	v11 =	vand.u32 $0x7, v11  }
0x9a: {  	v11 =	vor.u32 v11, v12  }
0x9b: {  	v12 =	vperm.xlane v11, v8;
	_ =	sdelay $0x1  }
0x9c: {  	v12 =	vadd.s32 v9, v12;
	_ =	sdelay $0x3  }
0x9d: {  	s23 =	simm.s32 $0x13300;
	v11 =	vperm.xlane v11, v10  }
0x9e: {  	[tilespmem:s23], [sflag:$0x3] =	stream.indirect_vreg.gather [hbm4b:s3+s2], $0x80, v12, vm0, $0xb8;
	[tilespmem:$0x1C300] =	vst v63  }
0x9f: {  	s4 =	simm.s32 $0x13B00;
	v11 =	vadd.s32 v9, v11  }
0xa0: {  	[tilespmem:s4], [sflag:$0x3] =	stream.indirect_vreg.gather [hbm4b:s6+s2], $0x80, v12, vm0, $0xb8;
	[tilespmem:$0x1C300] =	vst v63  }
0xa1: {  	s13 =	simm.s32 $0x14300  }
0xa2: {  	[tilespmem:s13], [sflag:$0x3] =	stream.indirect_vreg.gather [hbm4b:s7+s2], $0x80, v12, vm0, $0xb8;
	[tilespmem:$0x1C300] =	vst v63  }
0xa3: {  	s14 =	simm.s32 $0x14B00  }
0xa4: {  	[tilespmem:s14], [sflag:$0x3] =	stream.indirect_vreg.gather [hbm4b:s3+s2], $0x80, v11, vm0, $0xb8;
	[tilespmem:$0x1C300] =	vst v63  }
0xa5: {  	s15 =	simm.s32 $0x15300  }
0xa6: {  	[tilespmem:s15], [sflag:$0x3] =	stream.indirect_vreg.gather [hbm4b:s6+s2], $0x80, v11, vm0, $0xb8;
	[tilespmem:$0x1C300] =	vst v63  }
0xa7: {  	s16 =	simm.s32 $0x15B00  }
0xa8: {  	[tilespmem:s16], [sflag:$0x3] =	stream.indirect_vreg.gather [hbm4b:s7+s2], $0x80, v11, vm0, $0xb8;
	[tilespmem:$0x1C300] =	vst v63  }
0xa9: {  	v11 =	vld [tilespmem:$0x4180];
	_ =	sdelay $0x4  }
0xaa: {  	v12 =	vshrl.u32 v11, $0x3  }
0xab: {  	v12 =	vmul.u32 $0x30, v12  }
0xac: {  	v11 =	vand.u32 $0x7, v11  }
0xad: {  	v11 =	vor.u32 v11, v12  }
0xae: {  	v12 =	vperm.xlane v11, v8;
	_ =	sdelay $0x1  }
0xaf: {  	v12 =	vadd.s32 v9, v12;
	_ =	sdelay $0x3  }
0xb0: {  	s17 =	simm.s32 $0x16300;
	v11 =	vperm.xlane v11, v10  }
0xb1: {  	[tilespmem:s17], [sflag:$0x4] =	stream.indirect_vreg.gather [hbm4b:s3+s2], $0x80, v12, vm0, $0xb8;
	[tilespmem:$0x1C300] =	vst v63  }
0xb2: {  	s18 =	simm.s32 $0x16B00;
	v11 =	vadd.s32 v9, v11  }
0xb3: {  	[tilespmem:s18], [sflag:$0x4] =	stream.indirect_vreg.gather [hbm4b:s6+s2], $0x80, v12, vm0, $0xb8;
	[tilespmem:$0x1C300] =	vst v63  }
0xb4: {  	s19 =	simm.s32 $0x17300  }
0xb5: {  	[tilespmem:s19], [sflag:$0x4] =	stream.indirect_vreg.gather [hbm4b:s7+s2], $0x80, v12, vm0, $0xb8;
	[tilespmem:$0x1C300] =	vst v63  }
0xb6: {  	s20 =	simm.s32 $0x17B00  }
0xb7: {  	[tilespmem:s20], [sflag:$0x4] =	stream.indirect_vreg.gather [hbm4b:s3+s2], $0x80, v11, vm0, $0xb8;
	[tilespmem:$0x1C300] =	vst v63  }
0xb8: {  	s21 =	simm.s32 $0x18300  }
0xb9: {  	[tilespmem:s21], [sflag:$0x4] =	stream.indirect_vreg.gather [hbm4b:s6+s2], $0x80, v11, vm0, $0xb8;
	[tilespmem:$0x1C300] =	vst v63  }
0xba: {  	s22 =	simm.s32 $0x18B00  }
0xbb: {  	[tilespmem:s22], [sflag:$0x4] =	stream.indirect_vreg.gather [hbm4b:s7+s2], $0x80, v11, vm0, $0xb8;
	[tilespmem:$0x1C300] =	vst v63  }
0xbc: {  	v11 =	vld [tilespmem:$0x4190];
	_ =	sdelay $0x4  }
0xbd: {  	v12 =	vshrl.u32 v11, $0x3  }
0xbe: {  	v12 =	vmul.u32 $0x30, v12  }
0xbf: {  	v11 =	vand.u32 $0x7, v11  }
0xc0: {  	v11 =	vor.u32 v11, v12  }
0xc1: {  	v12 =	vperm.xlane v11, v8;
	_ =	sdelay $0x1  }
0xc2: {  	v12 =	vadd.s32 v9, v12;
	_ =	sdelay $0x3  }
0xc3: {  	s23 =	simm.s32 $0x19300;
	v11 =	vperm.xlane v11, v10  }
0xc4: {  	[tilespmem:s23], [sflag:$0x4] =	stream.indirect_vreg.gather [hbm4b:s3+s2], $0x80, v12, vm0, $0xb8;
	[tilespmem:$0x1C300] =	vst v63  }
0xc5: {  	s4 =	simm.s32 $0x19B00;
	v11 =	vadd.s32 v9, v11  }
0xc6: {  	[tilespmem:s4], [sflag:$0x4] =	stream.indirect_vreg.gather [hbm4b:s6+s2], $0x80, v12, vm0, $0xb8;
	[tilespmem:$0x1C300] =	vst v63  }
0xc7: {  	s13 =	simm.s32 $0x1A300  }
0xc8: {  	[tilespmem:s13], [sflag:$0x4] =	stream.indirect_vreg.gather [hbm4b:s7+s2], $0x80, v12, vm0, $0xb8;
	[tilespmem:$0x1C300] =	vst v63  }
0xc9: {  	s14 =	simm.s32 $0x1AB00  }
0xca: {  	[tilespmem:s14], [sflag:$0x4] =	stream.indirect_vreg.gather [hbm4b:s3+s2], $0x80, v11, vm0, $0xb8;
	[tilespmem:$0x1C300] =	vst v63  }
0xcb: {  	s15 =	simm.s32 $0x1B300  }
0xcc: {  	[tilespmem:s15], [sflag:$0x4] =	stream.indirect_vreg.gather [hbm4b:s6+s2], $0x80, v11, vm0, $0xb8;
	[tilespmem:$0x1C300] =	vst v63  }
0xcd: {  	s16 =	simm.s32 $0x1BB00  }
0xce: {  	[tilespmem:s16], [sflag:$0x4] =	stream.indirect_vreg.gather [hbm4b:s7+s2], $0x80, v11, vm0, $0xb8;
	[tilespmem:$0x1C300] =	vst v63  }
0xcf: {  	s17 =	simm.s32 $0x1;
	_ =	swait.ge [sflag:s24], $0x6000  }
0xd0: {  	v12 =	vmov s17;
	[sflag:s24] =	ssyncset.done $0x0  }
0xd1: {  	[sflag:s24] =	ssyncadd.s32 $0xFFFFA000  }
0xd2: {  	_ =	swait.ge [sflag:s25], $0x6000  }
0xd3: {  	s18 =	simm.s32 $0x0;
	[sflag:s25] =	ssyncset.done $0x0  }
0xd4: {  	s19 =	simm.s32 $0x0;
	s15 =	smul.u32 $0x1800, s18;
	[sflag:s25] =	ssyncadd.s32 $0xFFFFA000  }
0xd5: {  	s14 =	sand.u32 $0x300, s19;
	v11 =	vld.idx.msk [tilespmem:v12+s26+$0x0], $0xffff  }
0xd6: {  	s16 =	sor.u32 s14, s15;
	v12 =	vld.idx.msk [tilespmem:v12+s28+$0x0], $0xffff  }
0xd7: {  	v13 =	vld [tilespmem:s16+$0x4300]  }
0xd8: {  	v14 =	vld [tilespmem:s16+$0xA300]  }
0xd9: {  	v15 =	vld [tilespmem:s16+$0x4310]  }
0xda: {  	v16 =	vld [tilespmem:s16+$0xA310]  }
0xdb: {  	v19 =	vld [tilespmem:s16+$0x4320]  }
0xdc: {  	v20 =	vld [tilespmem:s16+$0xA320]  }
0xdd: {  	v21 =	vld [tilespmem:s16+$0x4330]  }
0xde: {  	v22 =	vld [tilespmem:s16+$0xA330]  }
0xdf: {  	v17 =	vmov s2;
	v23 =	vld [tilespmem:s16+$0x4340]  }
0xe0: {  	v17 =	vand.u32 $0xFFFFFFFE, v17;
	v24 =	vld [tilespmem:s16+$0xA340]  }
0xe1: {  	v18 =	vbroadcast v17, $0x0;
	v25 =	vld [tilespmem:s16+$0x4350]  }
0xe2: {  	v26 =	vld [tilespmem:s16+$0xA350]  }
0xe3: {  	v27 =	vld [tilespmem:s16+$0x4360]  }
0xe4: {  	v28 =	vld [tilespmem:s16+$0xA360]  }
0xe5: {  	v29 =	vld [tilespmem:s16+$0x4370]  }
0xe6: {  	v30 =	vld [tilespmem:s16+$0xA370]  }
0xe7: {  	v17 =	vld.idx.msk [tilespmem:v18+s26+$0x0], $0xffff  }
0xe8: {  	v18 =	vld.idx.msk [tilespmem:v18+s28+$0x0], $0xffff  }
0xe9: {  	v31 =	vld [tilespmem:s16+$0x4700]  }
0xea: {  	v32 =	vld [tilespmem:s16+$0xA700]  }
0xeb: {  	v33 =	vld [tilespmem:s16+$0x4710]  }
0xec: {  	v34 =	vld [tilespmem:s16+$0xA710]  }
0xed: {  	v35 =	vld [tilespmem:s16+$0x4720]  }
0xee: {  	v36 =	vld [tilespmem:s16+$0xA720]  }
0xef: {  	s20 =	simm.s32 $0x80;
	v37 =	vld [tilespmem:s16+$0x4730]  }
0xf0: {  	s1 =	sand.u32 $0x380, s20;
	v41 =	vld [tilespmem:s16+$0x4770]  }
0xf1: {  	s13 =	sor.u32 s15, s1;
	v42 =	vld [tilespmem:s16+$0xA770];
	v13 =	vmul.f32 v13, v17;
	v14 =	vmul.f32 v14, v18  }
0xf2: {  	v61 =	vld [tilespmem:s13+$0xA700];
	v15 =	vmul.f32 v15, v17;
	v16 =	vmul.f32 v16, v18  }
0xf3: {  	v13 =	vadd.f32 v14, v13;
	v14 =	vmul.f32 v19, v17;
	v19 =	vmul.f32 v20, v18;
	v20 =	vld [tilespmem:s16+$0xA730]  }
0xf4: {  	v15 =	vadd.f32 v16, v15;
	v16 =	vmul.f32 v21, v17;
	v21 =	vmul.f32 v22, v18;
	v22 =	vld [tilespmem:s16+$0x4740]  }
0xf5: {  	[tilespmem:s16+$0x4300] =	vst v13;
	v13 =	vadd.f32 v19, v14;
	v14 =	vmul.f32 v23, v17;
	v19 =	vmul.f32 v24, v18;
	v23 =	vld [tilespmem:s16+$0xA740]  }
0xf6: {  	[tilespmem:s16+$0x4310] =	vst v15;
	v15 =	vadd.f32 v21, v16;
	v16 =	vmul.f32 v25, v17;
	v21 =	vmul.f32 v26, v18;
	v24 =	vld [tilespmem:s16+$0x4750]  }
0xf7: {  	v25 =	vld [tilespmem:s16+$0xA750];
	[tilespmem:s16+$0x4320] =	vst v13;
	v13 =	vadd.f32 v19, v14;
	v14 =	vmul.f32 v27, v17;
	v19 =	vmul.f32 v28, v18  }
0xf8: {  	v26 =	vld [tilespmem:s16+$0x4760];
	[tilespmem:s16+$0x4330] =	vst v15;
	v15 =	vadd.f32 v21, v16;
	v16 =	vmul.f32 v29, v17;
	v21 =	vmul.f32 v30, v18  }
0xf9: {  	v27 =	vld [tilespmem:s16+$0xA760];
	[tilespmem:s16+$0x4340] =	vst v13;
	v13 =	vadd.f32 v19, v14;
	v14 =	vmul.f32 v31, v17;
	v19 =	vmul.f32 v32, v18  }
0xfa: {  	v28 =	vld [tilespmem:s13+$0xA330];
	[tilespmem:s16+$0x4350] =	vst v15;
	v15 =	vadd.f32 v21, v16;
	v16 =	vmul.f32 v33, v17;
	v21 =	vmul.f32 v34, v18  }
0xfb: {  	v29 =	vld [tilespmem:s13+$0x4340];
	[tilespmem:s16+$0x4360] =	vst v13;
	v13 =	vadd.f32 v19, v14;
	v14 =	vmul.f32 v35, v17;
	v19 =	vmul.f32 v36, v18  }
0xfc: {  	v30 =	vld [tilespmem:s13+$0xA340];
	v20 =	vmul.f32 v20, v18;
	[tilespmem:s16+$0x4370] =	vst v15;
	v15 =	vadd.f32 v21, v16;
	v16 =	vmul.f32 v37, v17  }
0xfd: {  	v31 =	vld [tilespmem:s13+$0x4350];
	v21 =	vmul.f32 v23, v18;
	[tilespmem:s16+$0x4700] =	vst v13;
	v14 =	vadd.f32 v19, v14;
	v19 =	vmul.f32 v22, v17  }
0xfe: {  	v36 =	vld [tilespmem:s13+$0x4330];
	[tilespmem:s16+$0x4710] =	vst v15;
	v15 =	vadd.f32 v20, v16;
	v16 =	vmul.f32 v24, v17;
	v20 =	vmul.f32 v25, v18  }
0xff: {  	v37 =	vld [tilespmem:s13+$0x4700];
	v22 =	vmul.f32 v27, v18;
	[tilespmem:s16+$0x4720] =	vst v14;
	v19 =	vadd.f32 v21, v19;
	v21 =	vmul.f32 v26, v17  }
0x100: {  	v23 =	vmul.f32 v41, v17;
	v13 =	vld [tilespmem:s13+$0x4300];
	v24 =	vmul.f32 v42, v18;
	[tilespmem:s16+$0x4730] =	vst v15;
	v20 =	vadd.f32 v20, v16  }
0x101: {  	v14 =	vld [tilespmem:s13+$0xA300];
	[tilespmem:s16+$0x4740] =	vst v19;
	v21 =	vadd.f32 v22, v21  }
0x102: {  	v15 =	vld [tilespmem:s13+$0x4310];
	[tilespmem:s16+$0x4750] =	vst v20;
	v22 =	vadd.f32 v24, v23  }
0x103: {  	s19 =	sadd.s32 $0x800, s15;
	v16 =	vld [tilespmem:s13+$0xA310];
	[tilespmem:s16+$0x4760] =	vst v21  }
0x104: {  	s21 =	sor.u32 s14, s19;
	v19 =	vld [tilespmem:s13+$0x4320];
	[tilespmem:s16+$0x4770] =	vst v22  }
0x105: {  	v21 =	vld [tilespmem:s21+$0x4300]  }
0x106: {  	v22 =	vld [tilespmem:s21+$0xA300]  }
0x107: {  	v23 =	vld [tilespmem:s21+$0x4310]  }
0x108: {  	v24 =	vld [tilespmem:s21+$0xA310]  }
0x109: {  	v25 =	vld [tilespmem:s21+$0x4320]  }
0x10a: {  	v26 =	vld [tilespmem:s21+$0xA320]  }
0x10b: {  	v27 =	vld [tilespmem:s21+$0x4330]  }
0x10c: {  	v43 =	vld [tilespmem:s21+$0xA330]  }
0x10d: {  	v44 =	vld [tilespmem:s21+$0x4340]  }
0x10e: {  	v45 =	vld [tilespmem:s21+$0xA340]  }
0x10f: {  	v46 =	vld [tilespmem:s21+$0x4350]  }
0x110: {  	v47 =	vld [tilespmem:s21+$0xA350]  }
0x111: {  	v48 =	vld [tilespmem:s21+$0x4360];
	v21 =	vmul.f32 v21, v17;
	v22 =	vmul.f32 v22, v18  }
0x112: {  	v49 =	vld [tilespmem:s21+$0xA360];
	v23 =	vmul.f32 v23, v17;
	v24 =	vmul.f32 v24, v18  }
0x113: {  	v50 =	vld [tilespmem:s21+$0x4370];
	v21 =	vadd.f32 v22, v21;
	v22 =	vmul.f32 v25, v17;
	v25 =	vmul.f32 v26, v18  }
0x114: {  	v26 =	vld [tilespmem:s21+$0xA370];
	v23 =	vadd.f32 v24, v23;
	v24 =	vmul.f32 v27, v17;
	v27 =	vmul.f32 v43, v18  }
0x115: {  	v20 =	vld [tilespmem:s13+$0xA320];
	[tilespmem:s21+$0x4300] =	vst v21;
	v21 =	vadd.f32 v25, v22;
	v22 =	vmul.f32 v44, v17;
	v25 =	vmul.f32 v45, v18  }
0x116: {  	[tilespmem:s21+$0x4310] =	vst v23;
	v23 =	vadd.f32 v27, v24;
	v24 =	vmul.f32 v46, v17;
	v27 =	vmul.f32 v47, v18;
	v45 =	vld [tilespmem:s13+$0xA370]  }
0x117: {  	v46 =	vld [tilespmem:s13+$0x4710];
	[tilespmem:s21+$0x4320] =	vst v21;
	v21 =	vadd.f32 v25, v22  }
0x118: {  	v22 =	vmul.f32 v48, v17;
	v25 =	vmul.f32 v49, v18;
	[tilespmem:s21+$0x4330] =	vst v23;
	v23 =	vadd.f32 v27, v24;
	v27 =	vld [tilespmem:s13+$0xA350]  }
0x119: {  	v24 =	vmul.f32 v50, v17;
	v48 =	vld [tilespmem:s13+$0xA710];
	v26 =	vmul.f32 v26, v18  }
0x11a: {  	v50 =	vld [tilespmem:s13+$0x4720];
	[tilespmem:s21+$0x4340] =	vst v21;
	v21 =	vadd.f32 v25, v22  }
0x11b: {  	v22 =	vld [tilespmem:s13+$0x4360];
	[tilespmem:s21+$0x4350] =	vst v23;
	v23 =	vadd.f32 v26, v24  }
0x11c: {  	s22 =	sadd.s32 $0xC00, s15;
	v24 =	vld [tilespmem:s13+$0xA360];
	[tilespmem:s21+$0x4360] =	vst v21  }
0x11d: {  	s20 =	sor.u32 s14, s22;
	v21 =	vld [tilespmem:s13+$0x4370];
	[tilespmem:s21+$0x4370] =	vst v23  }
0x11e: {  	v23 =	vld [tilespmem:s20+$0x4300]  }
0x11f: {  	v25 =	vld [tilespmem:s20+$0xA300]  }
0x120: {  	v26 =	vld [tilespmem:s20+$0x4310]  }
0x121: {  	v51 =	vld [tilespmem:s20+$0xA310]  }
0x122: {  	v52 =	vld [tilespmem:s20+$0x4320]  }
0x123: {  	v53 =	vld [tilespmem:s20+$0xA320]  }
0x124: {  	v13 =	vmul.f32 v13, v11;
	v14 =	vmul.f32 v14, v12;
	v54 =	vld [tilespmem:s20+$0x4330]  }
0x125: {  	v15 =	vmul.f32 v15, v11;
	v16 =	vmul.f32 v16, v12;
	v55 =	vld [tilespmem:s20+$0xA330]  }
0x126: {  	v13 =	vadd.f32 v14, v13;
	v14 =	vmul.f32 v19, v11;
	v19 =	vmul.f32 v20, v12;
	v38 =	vld [tilespmem:s20+$0x4340]  }
0x127: {  	v28 =	vmul.f32 v28, v12;
	v15 =	vadd.f32 v16, v15;
	v16 =	vmul.f32 v36, v11;
	v39 =	vld [tilespmem:s20+$0xA340]  }
0x128: {  	[tilespmem:s13+$0x4300] =	vst v13;
	v13 =	vadd.f32 v19, v14;
	v14 =	vmul.f32 v29, v11;
	v19 =	vmul.f32 v30, v12;
	v40 =	vld [tilespmem:s20+$0x4350]  }
0x129: {  	[tilespmem:s13+$0x4310] =	vst v15;
	v15 =	vadd.f32 v28, v16;
	v16 =	vmul.f32 v31, v11;
	v27 =	vmul.f32 v27, v12;
	v41 =	vld [tilespmem:s20+$0xA350]  }
0x12a: {  	[tilespmem:s13+$0x4320] =	vst v13;
	v13 =	vadd.f32 v19, v14;
	v42 =	vld [tilespmem:s20+$0x4360];
	v14 =	vmul.f32 v22, v11;
	v19 =	vmul.f32 v24, v12  }
0x12b: {  	v43 =	vld [tilespmem:s20+$0xA360];
	v23 =	vmul.f32 v23, v17;
	v25 =	vmul.f32 v25, v18  }
0x12c: {  	[tilespmem:s13+$0x4330] =	vst v15;
	v44 =	vld [tilespmem:s20+$0x4370];
	v15 =	vadd.f32 v27, v16;
	v26 =	vmul.f32 v26, v17;
	v32 =	vmul.f32 v51, v18  }
0x12d: {  	v57 =	vld [tilespmem:s20+$0xA370];
	v56 =	vmul.f32 v53, v18;
	v23 =	vadd.f32 v25, v23;
	v25 =	vmul.f32 v52, v17  }
0x12e: {  	v22 =	vld [tilespmem:s13+$0x4750];
	v58 =	vmul.f32 v54, v17;
	v59 =	vmul.f32 v55, v18;
	v26 =	vadd.f32 v32, v26  }
0x12f: {  	v27 =	vld [tilespmem:s13+$0x4760];
	v60 =	vmul.f32 v39, v18;
	[tilespmem:s20+$0x4300] =	vst v23;
	v23 =	vadd.f32 v56, v25;
	v25 =	vmul.f32 v38, v17  }
0x130: {  	v24 =	vld [tilespmem:s13+$0xA750];
	v62 =	vmul.f32 v40, v17;
	v63 =	vmul.f32 v41, v18;
	[tilespmem:s20+$0x4310] =	vst v26;
	v26 =	vadd.f32 v59, v58  }
0x131: {  	v47 =	vmul.f32 v43, v18;
	v51 =	vld [tilespmem:s13+$0x4730];
	[tilespmem:s20+$0x4320] =	vst v23;
	v23 =	vadd.f32 v60, v25;
	v25 =	vmul.f32 v42, v17  }
0x132: {  	v49 =	vmul.f32 v44, v17;
	v34 =	vmul.f32 v57, v18;
	v58 =	vld [tilespmem:s13+$0x4740];
	[tilespmem:s20+$0x4330] =	vst v26;
	v26 =	vadd.f32 v63, v62  }
0x133: {  	v59 =	vld [tilespmem:s13+$0xA740];
	[tilespmem:s20+$0x4340] =	vst v23;
	v23 =	vadd.f32 v47, v25  }
0x134: {  	v60 =	vld [tilespmem:s13+$0xA760];
	[tilespmem:s20+$0x4350] =	vst v26;
	v26 =	vadd.f32 v34, v49  }
0x135: {  	s17 =	sadd.s32 $0x1000, s15;
	v25 =	vld [tilespmem:s13+$0xA720];
	[tilespmem:s20+$0x4360] =	vst v23  }
0x136: {  	s18 =	sor.u32 s14, s17;
	v23 =	vld [tilespmem:s13+$0xA730];
	[tilespmem:s20+$0x4370] =	vst v26  }
0x137: {  	v26 =	vld [tilespmem:s18+$0x4300]  }
0x138: {  	v52 =	vld [tilespmem:s18+$0xA300]  }
0x139: {  	v53 =	vld [tilespmem:s18+$0x4310]  }
0x13a: {  	v54 =	vld [tilespmem:s18+$0xA310]  }
0x13b: {  	v55 =	vld [tilespmem:s18+$0x4320]  }
0x13c: {  	v16 =	vmul.f32 v21, v11;
	v21 =	vmul.f32 v45, v12;
	v56 =	vld [tilespmem:s18+$0xA320]  }
0x13d: {  	[tilespmem:s13+$0x4340] =	vst v13;
	v13 =	vadd.f32 v19, v14;
	v14 =	vmul.f32 v37, v11;
	v19 =	vmul.f32 v61, v12;
	v20 =	vld [tilespmem:s18+$0x4330]  }
0x13e: {  	[tilespmem:s13+$0x4350] =	vst v15;
	v15 =	vadd.f32 v21, v16;
	v16 =	vmul.f32 v46, v11;
	v21 =	vmul.f32 v48, v12;
	v57 =	vld [tilespmem:s18+$0x4340]  }
0x13f: {  	[tilespmem:s13+$0x4360] =	vst v13;
	v13 =	vadd.f32 v19, v14;
	v14 =	vmul.f32 v50, v11;
	v19 =	vmul.f32 v25, v12;
	v25 =	vld [tilespmem:s13+$0x4770]  }
0x140: {  	[tilespmem:s13+$0x4370] =	vst v15;
	v15 =	vadd.f32 v21, v16;
	v16 =	vmul.f32 v51, v11;
	v21 =	vmul.f32 v23, v12;
	v23 =	vld [tilespmem:s13+$0xA770]  }
0x141: {  	[tilespmem:s13+$0x4700] =	vst v13;
	v28 =	vmul.f32 v59, v12;
	v13 =	vadd.f32 v19, v14;
	v14 =	vld [tilespmem:s18+$0xA340];
	v19 =	vmul.f32 v58, v11  }
0x142: {  	[tilespmem:s13+$0x4710] =	vst v15;
	v15 =	vadd.f32 v21, v16;
	v16 =	vld [tilespmem:s18+$0x4350]  }
0x143: {  	v21 =	vmul.f32 v22, v11;
	v22 =	vmul.f32 v24, v12;
	[tilespmem:s13+$0x4720] =	vst v13;
	v13 =	vld [tilespmem:s18+$0xA350];
	v19 =	vadd.f32 v28, v19  }
0x144: {  	v24 =	vmul.f32 v27, v11;
	v27 =	vmul.f32 v60, v12;
	[tilespmem:s13+$0x4730] =	vst v15;
	v15 =	vld [tilespmem:s18+$0x4360]  }
0x145: {  	v21 =	vadd.f32 v22, v21;
	v22 =	vld [tilespmem:s18+$0xA360];
	[tilespmem:s13+$0x4740] =	vst v19;
	v19 =	vmul.f32 v25, v11;
	v23 =	vmul.f32 v23, v12  }
0x146: {  	v24 =	vadd.f32 v27, v24;
	v25 =	vld [tilespmem:s18+$0x4370]  }
0x147: {  	[tilespmem:s13+$0x4750] =	vst v21;
	v21 =	vld [tilespmem:s18+$0xA370];
	v19 =	vadd.f32 v23, v19  }
0x148: {  	s23 =	sor.u32 s1, s19;
	[tilespmem:s13+$0x4760] =	vst v24;
	v24 =	vld [tilespmem:s18+$0xA330]  }
0x149: {  	v23 =	vld [tilespmem:s23+$0x4330];
	[tilespmem:s13+$0x4770] =	vst v19  }
0x14a: {  	v19 =	vld [tilespmem:s23+$0x4300]  }
0x14b: {  	v27 =	vld [tilespmem:s23+$0xA300]  }
0x14c: {  	v61 =	vld [tilespmem:s23+$0x4310]  }
0x14d: {  	v26 =	vmul.f32 v26, v17;
	v62 =	vmul.f32 v52, v18;
	v63 =	vld [tilespmem:s23+$0xA310]  }
0x14e: {  	v39 =	vmul.f32 v53, v17;
	v40 =	vmul.f32 v54, v18;
	v41 =	vld [tilespmem:s23+$0x4320]  }
0x14f: {  	v42 =	vmul.f32 v55, v17;
	v44 =	vmul.f32 v56, v18;
	v26 =	vadd.f32 v62, v26;
	v45 =	vld [tilespmem:s23+$0xA320]  }
0x150: {  	v46 =	vmul.f32 v57, v17;
	v31 =	vadd.f32 v40, v39;
	v14 =	vmul.f32 v14, v18;
	v47 =	vld [tilespmem:s23+$0xA330]  }
0x151: {  	[tilespmem:s18+$0x4300] =	vst v26;
	v26 =	vadd.f32 v44, v42;
	v16 =	vmul.f32 v16, v17;
	v13 =	vmul.f32 v13, v18;
	v48 =	vld [tilespmem:s23+$0x4340]  }
0x152: {  	[tilespmem:s18+$0x4310] =	vst v31;
	v14 =	vadd.f32 v14, v46;
	v15 =	vmul.f32 v15, v17;
	v22 =	vmul.f32 v22, v18;
	v49 =	vld [tilespmem:s23+$0xA340]  }
0x153: {  	[tilespmem:s18+$0x4320] =	vst v26;
	v13 =	vadd.f32 v13, v16;
	v16 =	vmul.f32 v25, v17;
	v25 =	vld [tilespmem:s23+$0x4350];
	v21 =	vmul.f32 v21, v18  }
0x154: {  	v20 =	vmul.f32 v20, v17;
	[tilespmem:s18+$0x4340] =	vst v14;
	v26 =	vld [tilespmem:s23+$0x4370];
	v24 =	vmul.f32 v24, v18;
	v14 =	vadd.f32 v22, v15  }
0x155: {  	v15 =	vld [tilespmem:s23+$0xA350];
	[tilespmem:s18+$0x4350] =	vst v13;
	v13 =	vadd.f32 v21, v16  }
0x156: {  	v21 =	vld [tilespmem:s23+$0x4360];
	v20 =	vadd.f32 v24, v20;
	[tilespmem:s18+$0x4360] =	vst v14;
	v16 =	vmul.f32 v19, v11  }
0x157: {  	s15 =	sadd.s32 $0x1400, s15;
	v24 =	vld [tilespmem:s23+$0xA360];
	v19 =	vmul.f32 v27, v12;
	v14 =	vmul.f32 v61, v11;
	[tilespmem:s18+$0x4370] =	vst v13  }
0x158: {  	s13 =	sor.u32 s14, s15;
	v22 =	vmul.f32 v63, v12;
	[tilespmem:s18+$0x4330] =	vst v20;
	v20 =	vmul.f32 v23, v11;
	v23 =	vld [tilespmem:s23+$0xA370]  }
0x159: {  	v28 =	vld [tilespmem:s13+$0x4320];
	v13 =	vadd.f32 v19, v16;
	v16 =	vmul.f32 v41, v11;
	v19 =	vmul.f32 v45, v12  }
0x15a: {  	v30 =	vld [tilespmem:s13+$0xA320];
	v14 =	vadd.f32 v22, v14;
	v22 =	vmul.f32 v47, v12  }
0x15b: {  	v29 =	vld [tilespmem:s13+$0x4330];
	[tilespmem:s23+$0x4300] =	vst v13;
	v13 =	vadd.f32 v19, v16;
	v16 =	vmul.f32 v48, v11;
	v19 =	vmul.f32 v49, v12  }
0x15c: {  	v15 =	vmul.f32 v15, v12;
	v31 =	vld [tilespmem:s13+$0xA330];
	[tilespmem:s23+$0x4310] =	vst v14;
	v14 =	vadd.f32 v22, v20;
	v20 =	vmul.f32 v25, v11  }
0x15d: {  	v32 =	vld [tilespmem:s13+$0x4340];
	[tilespmem:s23+$0x4320] =	vst v13;
	v13 =	vadd.f32 v19, v16;
	v16 =	vmul.f32 v21, v11;
	v19 =	vmul.f32 v24, v12  }
0x15e: {  	v34 =	vld [tilespmem:s13+$0xA340];
	[tilespmem:s23+$0x4330] =	vst v14;
	v14 =	vadd.f32 v15, v20  }
0x15f: {  	v33 =	vld [tilespmem:s13+$0x4350];
	[tilespmem:s23+$0x4340] =	vst v13;
	v13 =	vmul.f32 v26, v11;
	v15 =	vadd.f32 v19, v16;
	v16 =	vmul.f32 v23, v12  }
0x160: {  	v35 =	vld [tilespmem:s13+$0xA350]  }
0x161: {  	v20 =	vld [tilespmem:s13+$0xA370];
	[tilespmem:s23+$0x4350] =	vst v14;
	v13 =	vadd.f32 v16, v13  }
0x162: {  	s18 =	sor.u32 s1, s22;
	v19 =	vld [tilespmem:s13+$0x4370];
	[tilespmem:s23+$0x4360] =	vst v15  }
0x163: {  	v14 =	vld [tilespmem:s18+$0x4330];
	[tilespmem:s23+$0x4370] =	vst v13  }
0x164: {  	v13 =	vld [tilespmem:s18+$0x4300]  }
0x165: {  	v15 =	vld [tilespmem:s18+$0xA300]  }
0x166: {  	v16 =	vld [tilespmem:s18+$0x4310]  }
0x167: {  	v21 =	vld [tilespmem:s18+$0xA310]  }
0x168: {  	v22 =	vld [tilespmem:s18+$0x4320]  }
0x169: {  	v23 =	vld [tilespmem:s18+$0xA320]  }
0x16a: {  	v24 =	vld [tilespmem:s18+$0xA330]  }
0x16b: {  	v25 =	vld [tilespmem:s18+$0x4340]  }
0x16c: {  	v26 =	vld [tilespmem:s18+$0xA340]  }
0x16d: {  	v27 =	vld [tilespmem:s18+$0x4350]  }
0x16e: {  	s21 =	simm.s32 $0x0;
	v50 =	vld [tilespmem:s18+$0xA350]  }
0x16f: {  	s16 =	smul.u32 $0x1800, s21;
	s22 =	simm.s32 $0x100;
	v51 =	vld [tilespmem:s18+$0x4360]  }
0x170: {  	s19 =	sor.u32 s1, s17;
	s17 =	sand.u32 $0x300, s22;
	v52 =	vld [tilespmem:s18+$0xA360]  }
0x171: {  	s23 =	sor.u32 s17, s16;
	v53 =	vld [tilespmem:s18+$0xA370]  }
0x172: {  	v39 =	vld [tilespmem:s23+$0xA300]  }
0x173: {  	v40 =	vld [tilespmem:s23+$0x4310]  }
0x174: {  	v41 =	vld [tilespmem:s23+$0xA310]  }
0x175: {  	v62 =	vld [tilespmem:s23+$0x4320]  }
0x176: {  	v63 =	vld [tilespmem:s23+$0xA320];
	v13 =	vmul.f32 v13, v11;
	v15 =	vmul.f32 v15, v12  }
0x177: {  	v46 =	vld [tilespmem:s23+$0x4340];
	v16 =	vmul.f32 v16, v11;
	v21 =	vmul.f32 v21, v12  }
0x178: {  	v47 =	vld [tilespmem:s23+$0xA340];
	v13 =	vadd.f32 v15, v13;
	v15 =	vmul.f32 v22, v11;
	v22 =	vmul.f32 v23, v12  }
0x179: {  	v14 =	vmul.f32 v14, v11;
	v23 =	vld [tilespmem:s18+$0x4370];
	v16 =	vadd.f32 v21, v16;
	v21 =	vmul.f32 v24, v12  }
0x17a: {  	v48 =	vld [tilespmem:s23+$0x4350];
	[tilespmem:s18+$0x4300] =	vst v13;
	v13 =	vadd.f32 v22, v15;
	v15 =	vmul.f32 v25, v11;
	v22 =	vmul.f32 v26, v12  }
0x17b: {  	v49 =	vld [tilespmem:s23+$0xA350];
	[tilespmem:s18+$0x4310] =	vst v16;
	v14 =	vadd.f32 v21, v14  }
0x17c: {  	v24 =	vld [tilespmem:s13+$0x4300];
	v16 =	vmul.f32 v27, v11;
	v21 =	vmul.f32 v50, v12;
	[tilespmem:s18+$0x4320] =	vst v13;
	v13 =	vadd.f32 v22, v15  }
0x17d: {  	v25 =	vld [tilespmem:s13+$0xA300];
	v15 =	vmul.f32 v51, v11;
	v22 =	vmul.f32 v52, v12;
	[tilespmem:s18+$0x4330] =	vst v14  }
0x17e: {  	v26 =	vld [tilespmem:s13+$0x4310];
	v14 =	vadd.f32 v21, v16;
	v16 =	vmul.f32 v53, v12;
	[tilespmem:s18+$0x4340] =	vst v13;
	v13 =	vmul.f32 v23, v11  }
0x17f: {  	v27 =	vld [tilespmem:s13+$0xA310];
	v15 =	vadd.f32 v22, v15  }
0x180: {  	v50 =	vld [tilespmem:s23+$0x4360];
	[tilespmem:s18+$0x4350] =	vst v14;
	v13 =	vadd.f32 v16, v13  }
0x181: {  	v51 =	vld [tilespmem:s23+$0xA360];
	[tilespmem:s18+$0x4360] =	vst v15  }
0x182: {  	v14 =	vld [tilespmem:s19+$0x4330];
	[tilespmem:s18+$0x4370] =	vst v13  }
0x183: {  	v13 =	vld [tilespmem:s19+$0x4300]  }
0x184: {  	v15 =	vld [tilespmem:s19+$0xA300]  }
0x185: {  	v52 =	vld [tilespmem:s23+$0x4370]  }
0x186: {  	v54 =	vld [tilespmem:s19+$0xA330]  }
0x187: {  	v55 =	vld [tilespmem:s19+$0x4340]  }
0x188: {  	v56 =	vld [tilespmem:s19+$0xA340]  }
0x189: {  	v59 =	vld [tilespmem:s19+$0x4360];
	v13 =	vmul.f32 v13, v11;
	v15 =	vmul.f32 v15, v12  }
0x18a: {  	v60 =	vld [tilespmem:s19+$0xA360]  }
0x18b: {  	v16 =	vld [tilespmem:s19+$0x4310];
	v14 =	vmul.f32 v14, v11;
	v13 =	vadd.f32 v15, v13;
	v15 =	vmul.f32 v54, v12  }
0x18c: {  	v21 =	vld [tilespmem:s19+$0xA310]  }
0x18d: {  	v22 =	vld [tilespmem:s19+$0x4320];
	[tilespmem:s19+$0x4300] =	vst v13;
	v13 =	vmul.f32 v55, v11;
	v14 =	vadd.f32 v15, v14;
	v15 =	vmul.f32 v56, v12  }
0x18e: {  	v23 =	vld [tilespmem:s19+$0xA320]  }
0x18f: {  	v53 =	vld [tilespmem:s23+$0xA370];
	v61 =	vmul.f32 v60, v12;
	v13 =	vadd.f32 v15, v13;
	v15 =	vmul.f32 v59, v11  }
0x190: {  	v57 =	vld [tilespmem:s19+$0x4350]  }
0x191: {  	v58 =	vld [tilespmem:s19+$0xA350];
	v15 =	vadd.f32 v61, v15  }
0x192: {  	s21 =	simm.s32 $0x2;
	v36 =	vld [tilespmem:s19+$0x4370];
	v16 =	vmul.f32 v16, v11;
	v21 =	vmul.f32 v21, v12  }
0x193: {  	v37 =	vld [tilespmem:s19+$0xA370];
	v22 =	vmul.f32 v22, v11;
	v23 =	vmul.f32 v23, v12;
	[tilespmem:s19+$0x4360] =	vst v15;
	v15 =	vmov s21  }
0x194: {  	v60 =	vld [tilespmem:s23+$0x4330];
	v16 =	vadd.f32 v21, v16;
	v15 =	vand.u32 $0xFFFFFFFE, v15  }
0x195: {  	v22 =	vadd.f32 v23, v22;
	v21 =	vld [tilespmem:s13+$0x4360];
	v15 =	vbroadcast v15, $0x0  }
0x196: {  	v23 =	vmul.f32 v58, v12;
	v54 =	vld [tilespmem:s23+$0x4700];
	[tilespmem:s19+$0x4310] =	vst v16;
	v16 =	vmul.f32 v57, v11  }
0x197: {  	v58 =	vld [tilespmem:s23+$0x4720];
	[tilespmem:s19+$0x4320] =	vst v22  }
0x198: {  	v22 =	vld [tilespmem:s13+$0xA360];
	[tilespmem:s19+$0x4330] =	vst v14;
	v14 =	vadd.f32 v23, v16  }
0x199: {  	v55 =	vld [tilespmem:s23+$0xA700]  }
0x19a: {  	[tilespmem:s19+$0x4350] =	vst v14;
	v14 =	vld [tilespmem:s23+$0x4300]  }
0x19b: {  	s20 =	simm.s32 $0x3;
	v16 =	vld.idx.msk [tilespmem:v15+s26+$0x0], $0xffff  }
0x19c: {  	v38 =	vmov s20;
	v15 =	vld.idx.msk [tilespmem:v15+s28+$0x0], $0xffff  }
0x19d: {  	v56 =	vld [tilespmem:s23+$0x4710]  }
0x19e: {  	v61 =	vld [tilespmem:s23+$0xA330]  }
0x19f: {  	v57 =	vld [tilespmem:s23+$0xA710]  }
0x1a0: {  	v59 =	vld [tilespmem:s23+$0xA720];
	v14 =	vmul.f32 v14, v16  }
0x1a1: {  	s1 =	sor.u32 s1, s15;
	[tilespmem:s19+$0x4340] =	vst v13;
	v13 =	vld.idx.msk [tilespmem:v38+s26+$0x0], $0xffff;
	v39 =	vmul.f32 v39, v15;
	v40 =	vmul.f32 v40, v16  }
0x1a2: {  	v23 =	vld [tilespmem:s1+$0x4330];
	v41 =	vmul.f32 v41, v15;
	v44 =	vmul.f32 v60, v16  }
0x1a3: {  	v45 =	vmul.f32 v61, v15;
	v61 =	vmul.f32 v49, v15;
	v49 =	vld [tilespmem:s23+$0xA760]  }
0x1a4: {  	v42 =	vmul.f32 v62, v16;
	v43 =	vmul.f32 v63, v15;
	v14 =	vadd.f32 v39, v14;
	v39 =	vld [tilespmem:s23+$0x4730]  }
0x1a5: {  	v60 =	vmul.f32 v48, v16;
	v40 =	vadd.f32 v41, v40;
	v41 =	vld [tilespmem:s23+$0xA730];
	v63 =	vadd.f32 v45, v44  }
0x1a6: {  	v62 =	vmul.f32 v47, v15;
	v44 =	vld [tilespmem:s23+$0xA740];
	[tilespmem:s23+$0x4300] =	vst v14;
	v14 =	vadd.f32 v43, v42  }
0x1a7: {  	v42 =	vld [tilespmem:s23+$0x4740];
	v43 =	vmul.f32 v46, v16;
	v46 =	vmul.f32 v50, v16;
	[tilespmem:s23+$0x4330] =	vst v63;
	v63 =	vadd.f32 v61, v60  }
0x1a8: {  	v45 =	vld [tilespmem:s23+$0xA750];
	v60 =	vmul.f32 v52, v16;
	v61 =	vmul.f32 v53, v15;
	[tilespmem:s23+$0x4320] =	vst v14  }
0x1a9: {  	v52 =	vld [tilespmem:s23+$0x4770];
	v14 =	vadd.f32 v62, v43;
	v62 =	vmul.f32 v51, v15;
	[tilespmem:s23+$0x4350] =	vst v63;
	v63 =	vmul.f32 v55, v15  }
0x1aa: {  	s15 =	simm.s32 $0x180;
	[tilespmem:s23+$0x4310] =	vst v40;
	v43 =	vld [tilespmem:s23+$0x4750];
	v47 =	vadd.f32 v61, v60;
	v60 =	vmul.f32 v56, v16;
	v61 =	vmul.f32 v57, v15  }
0x1ab: {  	s14 =	sand.u32 $0x380, s15;
	v56 =	vld [tilespmem:s23+$0xA770];
	v57 =	vmul.f32 v39, v16;
	[tilespmem:s23+$0x4340] =	vst v14;
	v14 =	vadd.f32 v62, v46;
	v62 =	vmul.f32 v54, v16  }
0x1ac: {  	s20 =	sor.u32 s16, s14;
	v44 =	vmul.f32 v44, v15;
	v46 =	vld [tilespmem:s23+$0x4760];
	[tilespmem:s23+$0x4370] =	vst v47;
	v50 =	vadd.f32 v61, v60;
	v42 =	vmul.f32 v42, v16  }
0x1ad: {  	v48 =	vld [tilespmem:s20+$0x4320];
	[tilespmem:s23+$0x4360] =	vst v14;
	v40 =	vadd.f32 v63, v62;
	v62 =	vmul.f32 v58, v16;
	v63 =	vmul.f32 v59, v15  }
0x1ae: {  	v53 =	vld [tilespmem:s20+$0x4330];
	v45 =	vmul.f32 v45, v15;
	v58 =	vmul.f32 v41, v15;
	[tilespmem:s23+$0x4710] =	vst v50;
	v60 =	vadd.f32 v44, v42  }
0x1af: {  	v14 =	vld.idx.msk [tilespmem:v38+s28+$0x0], $0xffff;
	v43 =	vmul.f32 v43, v16;
	[tilespmem:s23+$0x4700] =	vst v40;
	v59 =	vadd.f32 v63, v62  }
0x1b0: {  	v39 =	vld [tilespmem:s20+$0xA300];
	v47 =	vmul.f32 v56, v15;
	v38 =	vadd.f32 v58, v57;
	v63 =	vmul.f32 v52, v16;
	[tilespmem:s23+$0x4740] =	vst v60  }
0x1b1: {  	v54 =	vld [tilespmem:s20+$0xA330];
	v62 =	vmul.f32 v49, v15;
	v61 =	vmul.f32 v46, v16;
	v43 =	vadd.f32 v45, v43;
	[tilespmem:s23+$0x4720] =	vst v59  }
0x1b2: {  	v41 =	vld [tilespmem:s20+$0x4300];
	[tilespmem:s23+$0x4730] =	vst v38;
	v52 =	vadd.f32 v47, v63  }
0x1b3: {  	v42 =	vld [tilespmem:s20+$0x4310];
	v51 =	vadd.f32 v62, v61;
	[tilespmem:s23+$0x4750] =	vst v43  }
0x1b4: {  	s21 =	sadd.s32 $0x800, s16;
	v44 =	vld [tilespmem:s20+$0xA320];
	[tilespmem:s23+$0x4770] =	vst v52  }
0x1b5: {  	s22 =	sor.u32 s17, s21;
	v38 =	vld [tilespmem:s20+$0xA310];
	[tilespmem:s23+$0x4760] =	vst v51  }
0x1b6: {  	v43 =	vld [tilespmem:s22+$0x4300]  }
0x1b7: {  	v20 =	vmul.f32 v20, v18;
	v19 =	vmul.f32 v19, v17;
	v55 =	vld [tilespmem:s22+$0xA300]  }
0x1b8: {  	v24 =	vmul.f32 v24, v17;
	v25 =	vmul.f32 v25, v18;
	v47 =	vld [tilespmem:s22+$0x4310]  }
0x1b9: {  	v19 =	vadd.f32 v20, v19;
	v20 =	vmul.f32 v26, v17;
	v26 =	vmul.f32 v27, v18;
	v27 =	vld [tilespmem:s22+$0xA310]  }
0x1ba: {  	v24 =	vadd.f32 v25, v24;
	v25 =	vmul.f32 v28, v17;
	v56 =	vmul.f32 v30, v18;
	v57 =	vld [tilespmem:s22+$0x4320]  }
0x1bb: {  	[tilespmem:s13+$0x4370] =	vst v19;
	v19 =	vadd.f32 v26, v20;
	v20 =	vmul.f32 v29, v17;
	v26 =	vmul.f32 v31, v18;
	v58 =	vld [tilespmem:s22+$0xA320]  }
0x1bc: {  	[tilespmem:s13+$0x4300] =	vst v24;
	v24 =	vadd.f32 v56, v25;
	v25 =	vmul.f32 v32, v17;
	v59 =	vmul.f32 v34, v18;
	v60 =	vld [tilespmem:s22+$0x4330]  }
0x1bd: {  	[tilespmem:s13+$0x4310] =	vst v19;
	v19 =	vadd.f32 v26, v20;
	v20 =	vmul.f32 v33, v17;
	v26 =	vmul.f32 v35, v18;
	v61 =	vld [tilespmem:s22+$0xA330]  }
0x1be: {  	[tilespmem:s13+$0x4320] =	vst v24;
	v62 =	vmul.f32 v37, v12;
	v24 =	vadd.f32 v59, v25;
	v25 =	vmul.f32 v36, v11;
	v63 =	vld [tilespmem:s22+$0x4340]  }
0x1bf: {  	[tilespmem:s13+$0x4330] =	vst v19;
	v19 =	vadd.f32 v26, v20;
	v20 =	vmul.f32 v41, v13;
	v26 =	vmul.f32 v39, v14;
	v49 =	vld [tilespmem:s22+$0xA340]  }
0x1c0: {  	[tilespmem:s13+$0x4340] =	vst v24;
	v24 =	vadd.f32 v62, v25;
	v25 =	vmul.f32 v42, v13;
	v51 =	vld [tilespmem:s22+$0x4350];
	v50 =	vmul.f32 v38, v14  }
0x1c1: {  	[tilespmem:s13+$0x4350] =	vst v19;
	v19 =	vadd.f32 v26, v20;
	v20 =	vmul.f32 v48, v13;
	v26 =	vmul.f32 v44, v14;
	v52 =	vld [tilespmem:s22+$0xA350]  }
0x1c2: {  	v56 =	vld [tilespmem:s22+$0x4370];
	[tilespmem:s19+$0x4370] =	vst v24;
	v24 =	vadd.f32 v50, v25;
	v25 =	vmul.f32 v53, v13;
	v53 =	vmul.f32 v54, v14  }
0x1c3: {  	[tilespmem:s20+$0x4300] =	vst v19;
	v19 =	vadd.f32 v26, v20;
	v54 =	vld [tilespmem:s22+$0x4360];
	v20 =	vmul.f32 v43, v16;
	v26 =	vmul.f32 v55, v15  }
0x1c4: {  	v55 =	vld [tilespmem:s22+$0xA360];
	[tilespmem:s20+$0x4310] =	vst v24;
	v24 =	vadd.f32 v53, v25;
	v25 =	vmul.f32 v47, v16;
	v27 =	vmul.f32 v27, v15  }
0x1c5: {  	[tilespmem:s20+$0x4320] =	vst v19;
	v19 =	vadd.f32 v26, v20;
	v20 =	vmul.f32 v57, v16;
	v26 =	vmul.f32 v58, v15;
	v57 =	vld [tilespmem:s22+$0xA370]  }
0x1c6: {  	v59 =	vld [tilespmem:s20+$0x4340];
	[tilespmem:s20+$0x4330] =	vst v24;
	v24 =	vadd.f32 v27, v25;
	v25 =	vmul.f32 v60, v16;
	v27 =	vmul.f32 v61, v15  }
0x1c7: {  	v58 =	vld [tilespmem:s1+$0x4300];
	[tilespmem:s22+$0x4300] =	vst v19;
	v19 =	vadd.f32 v26, v20;
	v20 =	vmul.f32 v63, v16;
	v26 =	vmul.f32 v49, v15  }
0x1c8: {  	v60 =	vld [tilespmem:s20+$0xA340];
	[tilespmem:s22+$0x4310] =	vst v24;
	v24 =	vadd.f32 v27, v25;
	v25 =	vmul.f32 v51, v16;
	v27 =	vmul.f32 v52, v15  }
0x1c9: {  	v61 =	vld [tilespmem:s20+$0x4350];
	v62 =	vmul.f32 v55, v15;
	[tilespmem:s22+$0x4320] =	vst v19;
	v19 =	vadd.f32 v26, v20;
	v26 =	vmul.f32 v54, v16  }
0x1ca: {  	v63 =	vld [tilespmem:s20+$0xA350];
	[tilespmem:s22+$0x4330] =	vst v24;
	v24 =	vadd.f32 v27, v25;
	v25 =	vmul.f32 v56, v16;
	v27 =	vmul.f32 v57, v15  }
0x1cb: {  	v17 =	vmul.f32 v21, v17;
	v18 =	vmul.f32 v22, v18;
	v20 =	vld [tilespmem:s20+$0x4360];
	[tilespmem:s22+$0x4340] =	vst v19;
	v19 =	vadd.f32 v62, v26  }
0x1cc: {  	v21 =	vld [tilespmem:s20+$0xA360];
	[tilespmem:s22+$0x4350] =	vst v24;
	v24 =	vadd.f32 v27, v25  }
0x1cd: {  	v22 =	vld [tilespmem:s20+$0x4370];
	s23 =	sadd.s32 $0xC00, s16;
	v26 =	vmul.f32 v59, v13;
	v25 =	vadd.f32 v18, v17;
	v27 =	vmul.f32 v60, v14;
	[tilespmem:s22+$0x4360] =	vst v19  }
0x1ce: {  	s18 =	sor.u32 s17, s23;
	v17 =	vmul.f32 v23, v11;
	v18 =	vmul.f32 v58, v11;
	v23 =	vld [tilespmem:s20+$0xA370];
	[tilespmem:s22+$0x4370] =	vst v24  }
0x1cf: {  	s19 =	simm.s32 $0x4;
	[tilespmem:s13+$0x4360] =	vst v25;
	s22 =	sor.u32 s14, s21;
	v24 =	vmul.f32 v61, v13;
	s21 =	sor.u32 s14, s23;
	v25 =	vadd.f32 v27, v26;
	v26 =	vmul.f32 v63, v14;
	v19 =	vld [tilespmem:s18+$0x4300]  }
.LBB2_2:
0x1d0: {  	p0 =	slt.u32 s19, $0x1E;
	v27 =	vld [tilespmem:s18+$0xA300];
	v20 =	vmul.f32 v20, v13  }
0x1d1: {  	v28 =	vld [tilespmem:s18+$0x4310];
	[tilespmem:s20+$0x4340] =	vst v25;
	v24 =	vadd.f32 v26, v24;
	v21 =	vmul.f32 v21, v14  }
0x1d2: {  	v25 =	vld [tilespmem:s18+$0xA310];
	v22 =	vmul.f32 v22, v13  }
0x1d3: {  	v26 =	vld [tilespmem:s18+$0x4320];
	[tilespmem:s20+$0x4350] =	vst v24;
	v20 =	vadd.f32 v21, v20;
	v21 =	vmul.f32 v23, v14  }
0x1d4: {  	v23 =	vld [tilespmem:s18+$0xA320]  }
0x1d5: {  	v24 =	vld [tilespmem:s18+$0x4330];
	[tilespmem:s20+$0x4360] =	vst v20;
	v20 =	vadd.f32 v21, v22  }
0x1d6: {  	v21 =	vld [tilespmem:s18+$0xA330]  }
0x1d7: {  	v22 =	vld [tilespmem:s18+$0x4340];
	[tilespmem:s20+$0x4370] =	vst v20  }
0x1d8: {  	v20 =	vld [tilespmem:s18+$0xA340]  }
0x1d9: {  	v29 =	vld [tilespmem:s18+$0x4350]  }
0x1da: {  	v30 =	vld [tilespmem:s18+$0xA350]  }
0x1db: {  	v31 =	vld [tilespmem:s18+$0x4360]  }
0x1dc: {  	v19 =	vmul.f32 v19, v16;
	v27 =	vmul.f32 v27, v15;
	v32 =	vld [tilespmem:s18+$0xA360]  }
0x1dd: {  	v28 =	vmul.f32 v28, v16;
	v25 =	vmul.f32 v25, v15;
	v33 =	vld [tilespmem:s18+$0x4370]  }
0x1de: {  	v19 =	vadd.f32 v27, v19;
	v26 =	vmul.f32 v26, v16;
	v23 =	vmul.f32 v23, v15;
	v27 =	vld [tilespmem:s18+$0xA370]  }
0x1df: {  	v25 =	vadd.f32 v25, v28;
	v24 =	vmul.f32 v24, v16;
	v21 =	vmul.f32 v21, v15;
	v28 =	vld [tilespmem:s20+$0x4700]  }
0x1e0: {  	v22 =	vmul.f32 v22, v16;
	v20 =	vmul.f32 v20, v15;
	[tilespmem:s18+$0x4300] =	vst v19;
	v19 =	vadd.f32 v23, v26;
	v23 =	vld [tilespmem:s20+$0xA700]  }
0x1e1: {  	v21 =	vadd.f32 v21, v24;
	v24 =	vmul.f32 v29, v16;
	[tilespmem:s18+$0x4310] =	vst v25;
	v25 =	vmul.f32 v30, v15;
	v26 =	vld [tilespmem:s20+$0x4710]  }
0x1e2: {  	[tilespmem:s18+$0x4320] =	vst v19;
	v19 =	vadd.f32 v20, v22;
	v20 =	vmul.f32 v31, v16;
	v22 =	vmul.f32 v32, v15;
	v29 =	vld [tilespmem:s20+$0xA710]  }
0x1e3: {  	[tilespmem:s18+$0x4330] =	vst v21;
	v21 =	vadd.f32 v25, v24;
	v24 =	vmul.f32 v33, v16;
	v25 =	vmul.f32 v27, v15;
	v27 =	vld [tilespmem:s20+$0x4720]  }
0x1e4: {  	[tilespmem:s18+$0x4340] =	vst v19;
	v19 =	vadd.f32 v22, v20;
	v20 =	vmul.f32 v28, v13;
	v22 =	vld [tilespmem:s20+$0xA720]  }
0x1e5: {  	s13 =	sadd.s32 $0x1000, s16;
	[tilespmem:s18+$0x4350] =	vst v21;
	v21 =	vadd.f32 v25, v24;
	v23 =	vmul.f32 v23, v14;
	v24 =	vld [tilespmem:s20+$0x4730]  }
0x1e6: {  	s4 =	sor.u32 s17, s13;
	s23 =	sor.u32 s14, s13;
	[tilespmem:s18+$0x4360] =	vst v19;
	v19 =	vmul.f32 v26, v13;
	v25 =	vld [tilespmem:s20+$0xA730]  }
0x1e7: {  	[tilespmem:s18+$0x4370] =	vst v21;
	v21 =	vld [tilespmem:s4+$0x4300];
	v20 =	vadd.f32 v23, v20;
	v23 =	vmul.f32 v29, v14  }
0x1e8: {  	v26 =	vld [tilespmem:s4+$0xA300];
	v27 =	vmul.f32 v27, v13  }
0x1e9: {  	v28 =	vld [tilespmem:s4+$0x4310];
	[tilespmem:s20+$0x4700] =	vst v20;
	v19 =	vadd.f32 v23, v19;
	v20 =	vmul.f32 v22, v14  }
0x1ea: {  	v22 =	vld [tilespmem:s4+$0xA310];
	v23 =	vmul.f32 v24, v13  }
0x1eb: {  	v24 =	vld [tilespmem:s4+$0x4320];
	[tilespmem:s20+$0x4710] =	vst v19;
	v19 =	vadd.f32 v20, v27;
	v20 =	vmul.f32 v25, v14  }
0x1ec: {  	v25 =	vld [tilespmem:s4+$0xA320]  }
0x1ed: {  	v27 =	vld [tilespmem:s4+$0x4330];
	[tilespmem:s20+$0x4720] =	vst v19;
	v19 =	vadd.f32 v20, v23  }
0x1ee: {  	v20 =	vld [tilespmem:s4+$0x4340]  }
0x1ef: {  	v23 =	vld [tilespmem:s4+$0xA340];
	[tilespmem:s20+$0x4730] =	vst v19  }
0x1f0: {  	v19 =	vld [tilespmem:s4+$0x4350]  }
0x1f1: {  	v29 =	vld [tilespmem:s4+$0xA350]  }
0x1f2: {  	v30 =	vld [tilespmem:s4+$0x4360]  }
0x1f3: {  	v31 =	vld [tilespmem:s4+$0xA360]  }
0x1f4: {  	v21 =	vmul.f32 v21, v16;
	v26 =	vmul.f32 v26, v15;
	v32 =	vld [tilespmem:s4+$0x4370]  }
0x1f5: {  	v28 =	vmul.f32 v28, v16;
	v22 =	vmul.f32 v22, v15;
	v33 =	vld [tilespmem:s4+$0xA370]  }
0x1f6: {  	v21 =	vadd.f32 v26, v21;
	v24 =	vmul.f32 v24, v16;
	v25 =	vmul.f32 v25, v15;
	v26 =	vld [tilespmem:s4+$0xA330]  }
0x1f7: {  	v22 =	vadd.f32 v22, v28;
	v20 =	vmul.f32 v20, v16;
	v23 =	vmul.f32 v23, v15;
	v28 =	vld [tilespmem:s20+$0x4740]  }
0x1f8: {  	v19 =	vmul.f32 v19, v16;
	[tilespmem:s4+$0x4300] =	vst v21;
	v21 =	vadd.f32 v25, v24;
	v24 =	vmul.f32 v29, v15;
	v25 =	vld [tilespmem:s20+$0xA740]  }
0x1f9: {  	v20 =	vadd.f32 v23, v20;
	v23 =	vmul.f32 v31, v15;
	[tilespmem:s4+$0x4310] =	vst v22;
	v22 =	vmul.f32 v30, v16;
	v29 =	vld [tilespmem:s20+$0x4750]  }
0x1fa: {  	[tilespmem:s4+$0x4320] =	vst v21;
	v19 =	vadd.f32 v24, v19;
	v21 =	vmul.f32 v32, v16;
	v24 =	vmul.f32 v33, v15;
	v30 =	vld [tilespmem:s20+$0xA750]  }
0x1fb: {  	v27 =	vmul.f32 v27, v16;
	v26 =	vmul.f32 v26, v15;
	[tilespmem:s4+$0x4340] =	vst v20;
	v20 =	vadd.f32 v23, v22;
	v22 =	vld [tilespmem:s20+$0x4760]  }
0x1fc: {  	[tilespmem:s4+$0x4350] =	vst v19;
	v19 =	vadd.f32 v24, v21;
	v21 =	vmul.f32 v28, v13;
	v23 =	vld [tilespmem:s20+$0xA760]  }
0x1fd: {  	s13 =	sadd.s32 $0x1400, s16;
	v24 =	vadd.f32 v26, v27;
	[tilespmem:s4+$0x4360] =	vst v20;
	v20 =	vmul.f32 v25, v14;
	v25 =	vld [tilespmem:s20+$0x4770]  }
0x1fe: {  	s16 =	sor.u32 s17, s13;
	s13 =	sor.u32 s14, s13;
	[tilespmem:s4+$0x4370] =	vst v19;
	v19 =	vmul.f32 v29, v13;
	v26 =	vld [tilespmem:s20+$0xA770]  }
0x1ff: {  	[tilespmem:s4+$0x4330] =	vst v24;
	v24 =	vld [tilespmem:s16+$0x4370];
	v20 =	vadd.f32 v20, v21;
	v21 =	vmul.f32 v30, v14  }
0x200: {  	v27 =	vld [tilespmem:s16+$0xA370];
	v22 =	vmul.f32 v22, v13  }
0x201: {  	v28 =	vld [tilespmem:s16+$0x4300];
	[tilespmem:s20+$0x4740] =	vst v20;
	v19 =	vadd.f32 v21, v19;
	v20 =	vmul.f32 v23, v14  }
0x202: {  	v21 =	vld [tilespmem:s16+$0xA300];
	v23 =	vmul.f32 v25, v13  }
0x203: {  	v25 =	vld [tilespmem:s16+$0x4310];
	[tilespmem:s20+$0x4750] =	vst v19;
	v19 =	vadd.f32 v20, v22;
	v20 =	vmul.f32 v26, v14  }
0x204: {  	v22 =	vld [tilespmem:s16+$0xA310]  }
0x205: {  	v24 =	vmul.f32 v24, v16;
	v26 =	vld [tilespmem:s16+$0x4320];
	v27 =	vmul.f32 v27, v15;
	[tilespmem:s20+$0x4760] =	vst v19;
	v19 =	vadd.f32 v20, v23  }
0x206: {  	v20 =	vmul.f32 v28, v16;
	v23 =	vld [tilespmem:s22+$0x4330]  }
0x207: {  	v21 =	vmul.f32 v21, v15;
	v28 =	vld [tilespmem:s16+$0xA320];
	v24 =	vadd.f32 v27, v24;
	[tilespmem:s20+$0x4770] =	vst v19  }
0x208: {  	v19 =	vmul.f32 v25, v16;
	v25 =	vld [tilespmem:s22+$0x4300]  }
0x209: {  	v20 =	vadd.f32 v21, v20;
	v21 =	vmul.f32 v22, v15;
	[tilespmem:s16+$0x4370] =	vst v24;
	v22 =	vld [tilespmem:s22+$0xA300]  }
0x20a: {  	v24 =	vmul.f32 v26, v16;
	v26 =	vld [tilespmem:s22+$0x4310]  }
0x20b: {  	[tilespmem:s16+$0x4300] =	vst v20;
	v19 =	vadd.f32 v21, v19;
	v20 =	vld [tilespmem:s22+$0xA310];
	v21 =	vmul.f32 v23, v13  }
0x20c: {  	v23 =	vmul.f32 v28, v15;
	v27 =	vld [tilespmem:s22+$0x4320]  }
0x20d: {  	[tilespmem:s16+$0x4310] =	vst v19;
	v19 =	vmul.f32 v25, v13;
	v25 =	vld [tilespmem:s22+$0xA320]  }
0x20e: {  	v23 =	vadd.f32 v23, v24;
	v22 =	vmul.f32 v22, v14;
	v24 =	vld [tilespmem:s22+$0xA330]  }
0x20f: {  	v26 =	vmul.f32 v26, v13;
	v28 =	vld [tilespmem:s22+$0x4340]  }
0x210: {  	[tilespmem:s16+$0x4320] =	vst v23;
	v19 =	vadd.f32 v22, v19;
	v20 =	vmul.f32 v20, v14;
	v22 =	vld [tilespmem:s22+$0xA340]  }
0x211: {  	v23 =	vmul.f32 v27, v13;
	v27 =	vld [tilespmem:s22+$0x4350]  }
0x212: {  	[tilespmem:s22+$0x4300] =	vst v19;
	v19 =	vadd.f32 v20, v26;
	v20 =	vmul.f32 v25, v14;
	v25 =	vld [tilespmem:s22+$0xA350]  }
0x213: {  	v24 =	vmul.f32 v24, v14;
	v26 =	vld [tilespmem:s22+$0x4360]  }
0x214: {  	[tilespmem:s22+$0x4310] =	vst v19;
	v19 =	vadd.f32 v20, v23;
	v20 =	vmul.f32 v28, v13;
	v23 =	vld [tilespmem:s22+$0xA360]  }
0x215: {  	v21 =	vadd.f32 v24, v21;
	v22 =	vmul.f32 v22, v14;
	v24 =	vld [tilespmem:s22+$0x4370]  }
0x216: {  	[tilespmem:s22+$0x4320] =	vst v19;
	v19 =	vmul.f32 v27, v13;
	v27 =	vld [tilespmem:s22+$0xA370]  }
0x217: {  	v28 =	vld [tilespmem:s16+$0x4330];
	[tilespmem:s22+$0x4330] =	vst v21;
	v20 =	vadd.f32 v22, v20;
	v21 =	vmul.f32 v25, v14  }
0x218: {  	v22 =	vld [tilespmem:s16+$0xA330];
	v25 =	vmul.f32 v26, v13  }
0x219: {  	v26 =	vld [tilespmem:s16+$0x4340];
	[tilespmem:s22+$0x4340] =	vst v20;
	v19 =	vadd.f32 v21, v19;
	v20 =	vmul.f32 v23, v14  }
0x21a: {  	v21 =	vld [tilespmem:s16+$0xA340];
	v23 =	vmul.f32 v24, v13  }
0x21b: {  	v24 =	vld [tilespmem:s16+$0x4350];
	[tilespmem:s22+$0x4350] =	vst v19;
	v19 =	vadd.f32 v20, v25;
	v20 =	vmul.f32 v27, v14  }
0x21c: {  	v25 =	vmul.f32 v28, v16;
	v27 =	vld [tilespmem:s16+$0xA350]  }
0x21d: {  	v22 =	vmul.f32 v22, v15;
	v28 =	vld [tilespmem:s16+$0x4360];
	[tilespmem:s22+$0x4360] =	vst v19;
	v19 =	vadd.f32 v20, v23  }
0x21e: {  	v20 =	vmul.f32 v26, v16;
	v23 =	vld [tilespmem:s21+$0x4330]  }
0x21f: {  	v22 =	vadd.f32 v22, v25;
	v21 =	vmul.f32 v21, v15;
	v25 =	vld [tilespmem:s16+$0xA360];
	[tilespmem:s22+$0x4370] =	vst v19  }
0x220: {  	v19 =	vmul.f32 v24, v16;
	v24 =	vld [tilespmem:s21+$0x4300]  }
0x221: {  	[tilespmem:s16+$0x4330] =	vst v22;
	v20 =	vadd.f32 v21, v20;
	v21 =	vmul.f32 v27, v15;
	v22 =	vld [tilespmem:s21+$0xA300]  }
0x222: {  	v16 =	vmul.f32 v28, v16;
	v26 =	vld [tilespmem:s21+$0x4310]  }
0x223: {  	[tilespmem:s16+$0x4340] =	vst v20;
	v19 =	vadd.f32 v21, v19;
	v20 =	vld [tilespmem:s21+$0xA310];
	v21 =	vmul.f32 v23, v13  }
0x224: {  	v15 =	vmul.f32 v25, v15;
	v23 =	vld [tilespmem:s21+$0x4320]  }
0x225: {  	[tilespmem:s16+$0x4350] =	vst v19;
	v19 =	vmul.f32 v24, v13;
	v24 =	vld [tilespmem:s21+$0xA320]  }
0x226: {  	v15 =	vadd.f32 v15, v16;
	v16 =	vmul.f32 v22, v14;
	v22 =	vld [tilespmem:s21+$0xA330]  }
0x227: {  	v25 =	vmul.f32 v26, v13;
	v26 =	vld [tilespmem:s21+$0x4340]  }
0x228: {  	[tilespmem:s16+$0x4360] =	vst v15;
	v15 =	vadd.f32 v16, v19;
	v16 =	vmul.f32 v20, v14;
	v19 =	vld [tilespmem:s21+$0xA340]  }
0x229: {  	v20 =	vmul.f32 v23, v13;
	v23 =	vld [tilespmem:s21+$0x4350]  }
0x22a: {  	[tilespmem:s21+$0x4300] =	vst v15;
	v15 =	vadd.f32 v16, v25;
	v16 =	vmul.f32 v24, v14;
	v24 =	vld [tilespmem:s21+$0xA350]  }
0x22b: {  	v22 =	vmul.f32 v22, v14;
	v25 =	vld [tilespmem:s21+$0x4360]  }
0x22c: {  	[tilespmem:s21+$0x4310] =	vst v15;
	v15 =	vadd.f32 v16, v20;
	v16 =	vmul.f32 v26, v13;
	v20 =	vld [tilespmem:s21+$0xA360]  }
0x22d: {  	v21 =	vadd.f32 v22, v21;
	v19 =	vmul.f32 v19, v14;
	v22 =	vld [tilespmem:s21+$0x4370]  }
0x22e: {  	[tilespmem:s21+$0x4320] =	vst v15;
	v15 =	vmul.f32 v23, v13;
	v23 =	vld [tilespmem:s21+$0xA370]  }
0x22f: {  	[tilespmem:s21+$0x4330] =	vst v21;
	v16 =	vadd.f32 v19, v16;
	v19 =	vmul.f32 v24, v14;
	v21 =	vld [tilespmem:s1+$0xA300]  }
0x230: {  	v24 =	vmul.f32 v25, v13;
	v25 =	vld [tilespmem:s1+$0x4310]  }
0x231: {  	[tilespmem:s21+$0x4340] =	vst v16;
	v15 =	vadd.f32 v19, v15;
	v16 =	vmul.f32 v20, v14;
	v19 =	vld [tilespmem:s1+$0xA310]  }
0x232: {  	v20 =	vmul.f32 v22, v13;
	v22 =	vld [tilespmem:s1+$0x4320]  }
0x233: {  	[tilespmem:s21+$0x4350] =	vst v15;
	v15 =	vadd.f32 v16, v24;
	v16 =	vmul.f32 v23, v14;
	v23 =	vld [tilespmem:s1+$0xA320]  }
0x234: {  	v21 =	vmul.f32 v21, v12;
	v24 =	vld [tilespmem:s1+$0xA330]  }
0x235: {  	[tilespmem:s21+$0x4360] =	vst v15;
	v15 =	vadd.f32 v16, v20;
	v16 =	vmul.f32 v25, v11;
	v20 =	vld [tilespmem:s1+$0x4340]  }
0x236: {  	v25 =	vld [tilespmem:s23+$0x4330];
	v18 =	vadd.f32 v21, v18;
	v19 =	vmul.f32 v19, v12  }
0x237: {  	[tilespmem:s21+$0x4370] =	vst v15;
	v15 =	vmul.f32 v22, v11;
	v21 =	vld [tilespmem:s1+$0xA340]  }
0x238: {  	v22 =	vld [tilespmem:s23+$0x4300];
	[tilespmem:s1+$0x4300] =	vst v18;
	v16 =	vadd.f32 v19, v16;
	v18 =	vmul.f32 v23, v12  }
0x239: {  	v19 =	vld [tilespmem:s23+$0xA300];
	v23 =	vmul.f32 v24, v12  }
0x23a: {  	v24 =	vld [tilespmem:s23+$0x4310];
	[tilespmem:s1+$0x4310] =	vst v16;
	v15 =	vadd.f32 v18, v15;
	v16 =	vmul.f32 v20, v11  }
0x23b: {  	v18 =	vld [tilespmem:s23+$0xA310];
	v20 =	vmul.f32 v25, v13;
	v17 =	vadd.f32 v23, v17  }
0x23c: {  	v23 =	vld [tilespmem:s23+$0x4320];
	[tilespmem:s1+$0x4320] =	vst v15;
	v15 =	vmul.f32 v21, v12  }
0x23d: {  	v21 =	vmul.f32 v22, v13;
	v22 =	vld [tilespmem:s23+$0xA320];
	[tilespmem:s1+$0x4330] =	vst v17  }
0x23e: {  	v17 =	vmul.f32 v19, v14;
	v19 =	vld [tilespmem:s23+$0xA330];
	v15 =	vadd.f32 v15, v16  }
0x23f: {  	v16 =	vmul.f32 v24, v13;
	v24 =	vld [tilespmem:s23+$0x4340]  }
0x240: {  	v17 =	vadd.f32 v17, v21;
	v18 =	vmul.f32 v18, v14;
	v21 =	vld [tilespmem:s23+$0xA340];
	[tilespmem:s1+$0x4340] =	vst v15  }
0x241: {  	v15 =	vmul.f32 v23, v13;
	v23 =	vld [tilespmem:s23+$0x4350]  }
0x242: {  	[tilespmem:s23+$0x4300] =	vst v17;
	v16 =	vadd.f32 v18, v16;
	v17 =	vmul.f32 v22, v14;
	v18 =	vld [tilespmem:s23+$0xA350]  }
0x243: {  	v19 =	vmul.f32 v19, v14;
	v22 =	vld [tilespmem:s23+$0x4360]  }
0x244: {  	[tilespmem:s23+$0x4310] =	vst v16;
	v15 =	vadd.f32 v17, v15;
	v16 =	vmul.f32 v24, v13;
	v17 =	vld [tilespmem:s23+$0xA360]  }
0x245: {  	v19 =	vadd.f32 v19, v20;
	v20 =	vmul.f32 v21, v14;
	v21 =	vld [tilespmem:s23+$0x4370]  }
0x246: {  	[tilespmem:s23+$0x4320] =	vst v15;
	v15 =	vmul.f32 v23, v13;
	v23 =	vld [tilespmem:s23+$0xA370]  }
0x247: {  	s4 =	sadd.s32 $0x1, s19;
	[tilespmem:s23+$0x4330] =	vst v19;
	v16 =	vadd.f32 v20, v16;
	v18 =	vmul.f32 v18, v14;
	v19 =	vld [tilespmem:s1+$0x4350]  }
0x248: {  	v20 =	vmov s4;
	v22 =	vmul.f32 v22, v13;
	v24 =	vld [tilespmem:s1+$0xA350]  }
0x249: {  	[tilespmem:s23+$0x4340] =	vst v16;
	v15 =	vadd.f32 v18, v15;
	v16 =	vmul.f32 v17, v14;
	v17 =	vld [tilespmem:s1+$0x4360]  }
0x24a: {  	v18 =	vmul.f32 v21, v13;
	v21 =	vld [tilespmem:s1+$0xA360]  }
0x24b: {  	[tilespmem:s23+$0x4350] =	vst v15;
	v15 =	vadd.f32 v16, v22;
	v16 =	vmul.f32 v23, v14;
	v22 =	vld [tilespmem:s1+$0x4370]  }
0x24c: {  	v19 =	vmul.f32 v19, v11;
	v23 =	vld [tilespmem:s1+$0xA370]  }
0x24d: {  	s15 =	sadd.s32 $0x100, s15;
	s4 =	sshrl.u32 s19, $0x3;
	v25 =	vld.idx.msk [tilespmem:v20+s26+$0x0], $0xffff;
	[tilespmem:s23+$0x4360] =	vst v15;
	v15 =	vadd.f32 v16, v18;
	v16 =	vmul.f32 v24, v12  }
0x24e: {  	s14 =	sand.u32 $0x380, s15;
	s16 =	smul.u32 $0x1800, s4;
	s4 =	sadd.s32 $0xFFFFFF80, s15;
	v18 =	vld [tilespmem:s13+$0x4330];
	v17 =	vmul.f32 v17, v11  }
0x24f: {  	s17 =	sand.u32 $0x300, s4;
	v20 =	vld.idx.msk [tilespmem:v20+s28+$0x0], $0xffff;
	[tilespmem:s23+$0x4370] =	vst v15;
	v15 =	vadd.f32 v16, v19;
	v16 =	vmul.f32 v21, v12  }
0x250: {  	s18 =	sor.u32 s17, s16;
	s20 =	sor.u32 s16, s14;
	v19 =	vld [tilespmem:s13+$0x4300];
	v21 =	vmul.f32 v22, v11;
	v11 =	vmov v13  }
0x251: {  	v22 =	vld [tilespmem:s18+$0x4300];
	[tilespmem:s1+$0x4350] =	vst v15;
	v16 =	vadd.f32 v16, v17;
	v15 =	vmul.f32 v23, v12;
	v12 =	vmov v14  }
0x252: {  	v23 =	vld [tilespmem:s18+$0xA300]  }
0x253: {  	v13 =	vmov v25;
	v24 =	vld [tilespmem:s18+$0x4310];
	v17 =	vmul.f32 v18, v11;
	[tilespmem:s1+$0x4360] =	vst v16;
	v15 =	vadd.f32 v15, v21  }
0x254: {  	v21 =	vld [tilespmem:s18+$0xA310]  }
0x255: {  	v14 =	vmov v20;
	v25 =	vld [tilespmem:s18+$0x4320];
	v18 =	vmul.f32 v19, v11;
	[tilespmem:s1+$0x4370] =	vst v15;
	s1 =	smov.u32 s13  }
0x256: {  	v19 =	vld [tilespmem:s18+$0xA320]  }
0x257: {  	v20 =	vld [tilespmem:s18+$0x4330]  }
0x258: {  	v26 =	vld [tilespmem:s18+$0xA330]  }
0x259: {  	v15 =	vmov s19;
	v27 =	vld [tilespmem:s18+$0x4340]  }
0x25a: {  	v15 =	vand.u32 $0xFFFFFFFE, v15;
	v28 =	vld [tilespmem:s18+$0xA340]  }
0x25b: {  	v15 =	vbroadcast v15, $0x0;
	v29 =	vld [tilespmem:s18+$0x4350]  }
0x25c: {  	v30 =	vld [tilespmem:s18+$0xA350]  }
0x25d: {  	v31 =	vld [tilespmem:s18+$0x4360]  }
0x25e: {  	v32 =	vld [tilespmem:s18+$0xA360]  }
0x25f: {  	v33 =	vld [tilespmem:s18+$0x4370]  }
0x260: {  	v34 =	vld [tilespmem:s18+$0xA370]  }
0x261: {  	v16 =	vld.idx.msk [tilespmem:v15+s26+$0x0], $0xffff  }
0x262: {  	v15 =	vld.idx.msk [tilespmem:v15+s28+$0x0], $0xffff  }
0x263: {  	v35 =	vld [tilespmem:s18+$0x4700]  }
0x264: {  	v36 =	vld [tilespmem:s18+$0xA700]  }
0x265: {  	v37 =	vld [tilespmem:s18+$0x4710]  }
0x266: {  	v38 =	vld [tilespmem:s18+$0xA710]  }
0x267: {  	v39 =	vld [tilespmem:s18+$0x4720]  }
0x268: {  	v22 =	vmul.f32 v22, v16;
	v23 =	vmul.f32 v23, v15;
	v40 =	vld [tilespmem:s18+$0xA720]  }
0x269: {  	v24 =	vmul.f32 v24, v16;
	v21 =	vmul.f32 v21, v15;
	v41 =	vld [tilespmem:s18+$0x4730]  }
0x26a: {  	v19 =	vmul.f32 v19, v15;
	v22 =	vadd.f32 v23, v22;
	v23 =	vmul.f32 v25, v16;
	v25 =	vld [tilespmem:s18+$0xA730]  }
0x26b: {  	v20 =	vmul.f32 v20, v16;
	v21 =	vadd.f32 v21, v24;
	v24 =	vmul.f32 v26, v15;
	v26 =	vld [tilespmem:s18+$0x4740]  }
0x26c: {  	v19 =	vadd.f32 v19, v23;
	v23 =	vmul.f32 v28, v15;
	[tilespmem:s18+$0x4300] =	vst v22;
	v22 =	vmul.f32 v27, v16;
	v27 =	vld [tilespmem:s18+$0xA740]  }
0x26d: {  	v20 =	vadd.f32 v24, v20;
	v24 =	vmul.f32 v30, v15;
	[tilespmem:s18+$0x4310] =	vst v21;
	v21 =	vmul.f32 v29, v16;
	v28 =	vld [tilespmem:s18+$0x4750]  }
0x26e: {  	[tilespmem:s18+$0x4320] =	vst v19;
	v19 =	vadd.f32 v23, v22;
	v22 =	vmul.f32 v31, v16;
	v23 =	vmul.f32 v32, v15;
	v29 =	vld [tilespmem:s18+$0xA750]  }
0x26f: {  	[tilespmem:s18+$0x4330] =	vst v20;
	v20 =	vadd.f32 v24, v21;
	v21 =	vmul.f32 v33, v16;
	v24 =	vmul.f32 v34, v15;
	v30 =	vld [tilespmem:s18+$0x4760]  }
0x270: {  	[tilespmem:s18+$0x4340] =	vst v19;
	v19 =	vadd.f32 v23, v22;
	v22 =	vmul.f32 v35, v16;
	v23 =	vmul.f32 v36, v15;
	v31 =	vld [tilespmem:s18+$0xA760]  }
0x271: {  	[tilespmem:s18+$0x4350] =	vst v20;
	v20 =	vadd.f32 v24, v21;
	v21 =	vmul.f32 v37, v16;
	v24 =	vmul.f32 v38, v15;
	v32 =	vld [tilespmem:s18+$0x4770]  }
0x272: {  	[tilespmem:s18+$0x4360] =	vst v19;
	v19 =	vadd.f32 v23, v22;
	v22 =	vmul.f32 v39, v16;
	v23 =	vmul.f32 v40, v15;
	v33 =	vld [tilespmem:s18+$0xA770]  }
0x273: {  	[tilespmem:s18+$0x4370] =	vst v20;
	v20 =	vadd.f32 v24, v21;
	v21 =	vmul.f32 v41, v16;
	v24 =	vmul.f32 v25, v15;
	v25 =	vld [tilespmem:s20+$0x4300]  }
0x274: {  	[tilespmem:s18+$0x4700] =	vst v19;
	v19 =	vadd.f32 v23, v22;
	v22 =	vmul.f32 v26, v16;
	v23 =	vmul.f32 v27, v15;
	v26 =	vld [tilespmem:s20+$0xA300]  }
0x275: {  	[tilespmem:s18+$0x4710] =	vst v20;
	v20 =	vadd.f32 v24, v21;
	v21 =	vmul.f32 v28, v16;
	v24 =	vmul.f32 v29, v15;
	v27 =	vld [tilespmem:s20+$0x4310]  }
0x276: {  	[tilespmem:s18+$0x4720] =	vst v19;
	v19 =	vadd.f32 v23, v22;
	v22 =	vmul.f32 v30, v16;
	v23 =	vmul.f32 v31, v15;
	v28 =	vld [tilespmem:s20+$0xA310]  }
0x277: {  	[tilespmem:s18+$0x4730] =	vst v20;
	v20 =	vadd.f32 v24, v21;
	v21 =	vmul.f32 v32, v16;
	v24 =	vmul.f32 v33, v15;
	v29 =	vld [tilespmem:s20+$0x4320]  }
0x278: {  	[tilespmem:s18+$0x4740] =	vst v19;
	v19 =	vadd.f32 v23, v22;
	v22 =	vmul.f32 v25, v13;
	v23 =	vld [tilespmem:s20+$0xA320]  }
0x279: {  	s4 =	sadd.s32 $0x800, s16;
	[tilespmem:s18+$0x4750] =	vst v20;
	v20 =	vadd.f32 v24, v21;
	v21 =	vmul.f32 v26, v14;
	v24 =	vld [tilespmem:s20+$0x4330]  }
0x27a: {  	s22 =	sor.u32 s14, s4;
	s13 =	sor.u32 s17, s4;
	[tilespmem:s18+$0x4760] =	vst v19;
	v19 =	vmul.f32 v27, v13;
	v25 =	vld [tilespmem:s20+$0xA330]  }
0x27b: {  	[tilespmem:s18+$0x4770] =	vst v20;
	v20 =	vld [tilespmem:s13+$0x4300];
	v21 =	vadd.f32 v21, v22;
	v22 =	vmul.f32 v28, v14  }
0x27c: {  	v26 =	vld [tilespmem:s13+$0xA300];
	v27 =	vmul.f32 v29, v13  }
0x27d: {  	v28 =	vld [tilespmem:s13+$0x4310];
	[tilespmem:s20+$0x4300] =	vst v21;
	v19 =	vadd.f32 v22, v19;
	v21 =	vmul.f32 v23, v14  }
0x27e: {  	v22 =	vld [tilespmem:s13+$0xA310];
	v23 =	vmul.f32 v24, v13  }
0x27f: {  	v24 =	vld [tilespmem:s13+$0x4320];
	[tilespmem:s20+$0x4310] =	vst v19;
	v19 =	vadd.f32 v21, v27;
	v21 =	vmul.f32 v25, v14  }
0x280: {  	v25 =	vld [tilespmem:s13+$0xA320]  }
0x281: {  	v27 =	vld [tilespmem:s13+$0x4330];
	[tilespmem:s20+$0x4320] =	vst v19;
	v19 =	vadd.f32 v21, v23  }
0x282: {  	v21 =	vld [tilespmem:s13+$0xA330]  }
0x283: {  	v23 =	vld [tilespmem:s13+$0x4340];
	[tilespmem:s20+$0x4330] =	vst v19  }
0x284: {  	v19 =	vld [tilespmem:s13+$0xA340]  }
0x285: {  	v29 =	vld [tilespmem:s13+$0x4350]  }
0x286: {  	v30 =	vld [tilespmem:s13+$0xA350]  }
0x287: {  	v31 =	vld [tilespmem:s13+$0x4360]  }
0x288: {  	v20 =	vmul.f32 v20, v16;
	v26 =	vmul.f32 v26, v15;
	v32 =	vld [tilespmem:s13+$0xA360]  }
0x289: {  	v28 =	vmul.f32 v28, v16;
	v22 =	vmul.f32 v22, v15;
	v33 =	vld [tilespmem:s13+$0x4370]  }
0x28a: {  	v20 =	vadd.f32 v26, v20;
	v24 =	vmul.f32 v24, v16;
	v25 =	vmul.f32 v25, v15;
	v26 =	vld [tilespmem:s13+$0xA370]  }
0x28b: {  	v22 =	vadd.f32 v22, v28;
	v27 =	vmul.f32 v27, v16;
	v21 =	vmul.f32 v21, v15;
	v28 =	vld [tilespmem:s20+$0x4340]  }
0x28c: {  	v23 =	vmul.f32 v23, v16;
	v19 =	vmul.f32 v19, v15;
	[tilespmem:s13+$0x4300] =	vst v20;
	v20 =	vadd.f32 v25, v24;
	v24 =	vld [tilespmem:s20+$0xA340]  }
0x28d: {  	v21 =	vadd.f32 v21, v27;
	v25 =	vmul.f32 v30, v15;
	[tilespmem:s13+$0x4310] =	vst v22;
	v22 =	vmul.f32 v29, v16;
	v27 =	vld [tilespmem:s20+$0x4350]  }
0x28e: {  	v19 =	vadd.f32 v19, v23;
	v23 =	vmul.f32 v31, v16;
	v29 =	vmul.f32 v32, v15;
	[tilespmem:s13+$0x4320] =	vst v20;
	v30 =	vld [tilespmem:s20+$0xA350]  }
.Ltmp0:
0x28f: {  	[tilespmem:s13+$0x4330] =	vst v21;
	v22 =	vadd.f32 v25, v22;
	v25 =	vmul.f32 v33, v16;
	v26 =	vmul.f32 v26, v15;
	v20 =	vld [tilespmem:s20+$0x4360];
	(pc) =	sbr.rel @p0 .LBB2_2-.Ltmp0, $4  }
0x290: {  	[tilespmem:s13+$0x4340] =	vst v19;
	v19 =	vadd.f32 v29, v23;
	v28 =	vmul.f32 v28, v13;
	v21 =	vld [tilespmem:s20+$0xA360]  }
0x291: {  	s4 =	sadd.s32 $0xC00, s16;
	[tilespmem:s13+$0x4350] =	vst v22;
	v25 =	vadd.f32 v26, v25;
	v26 =	vmul.f32 v24, v14;
	v22 =	vld [tilespmem:s20+$0x4370]  }
0x292: {  	s21 =	sor.u32 s14, s4;
	s18 =	sor.u32 s17, s4;
	[tilespmem:s13+$0x4360] =	vst v19;
	v24 =	vmul.f32 v27, v13;
	v23 =	vld [tilespmem:s20+$0xA370]  }
0x293: {  	s19 =	sadd.s32 $0x2, s19;
	[tilespmem:s13+$0x4370] =	vst v25;
	v19 =	vld [tilespmem:s18+$0x4300];
	v25 =	vadd.f32 v26, v28;
	v26 =	vmul.f32 v30, v14  }
0x294: {  	v27 =	vld [tilespmem:s18+$0xA300]  }
0x295: {  	v28 =	vld [tilespmem:s18+$0x4310]  }
0x296: {  	v29 =	vld [tilespmem:s18+$0xA310]  }
0x297: {  	v30 =	vld [tilespmem:s18+$0x4320]  }
0x298: {  	v31 =	vld [tilespmem:s18+$0xA320]  }
0x299: {  	v32 =	vld [tilespmem:s18+$0x4330]  }
0x29a: {  	v33 =	vld [tilespmem:s18+$0xA330]  }
0x29b: {  	v34 =	vld [tilespmem:s18+$0x4340]  }
0x29c: {  	v35 =	vld [tilespmem:s18+$0xA340]  }
0x29d: {  	v36 =	vld [tilespmem:s18+$0x4350]  }
0x29e: {  	v37 =	vld [tilespmem:s18+$0xA350]  }
0x29f: {  	v38 =	vld [tilespmem:s18+$0x4360]  }
0x2a0: {  	v40 =	vld [tilespmem:s18+$0xA360]  }
0x2a1: {  	v43 =	vld [tilespmem:s18+$0x4370]  }
0x2a2: {  	v46 =	vld [tilespmem:s18+$0xA370]  }
0x2a3: {  	v49 =	vld [tilespmem:s20+$0x4700]  }
0x2a4: {  	v20 =	vmul.f32 v20, v13;
	v53 =	vld [tilespmem:s20+$0xA700]  }
0x2a5: {  	v56 =	vld [tilespmem:s20+$0x4710];
	v21 =	vmul.f32 v21, v14;
	v19 =	vmul.f32 v19, v16  }
0x2a6: {  	v59 =	vld [tilespmem:s20+$0xA710];
	v39 =	vmul.f32 v27, v15;
	v41 =	vmul.f32 v28, v16  }
0x2a7: {  	v63 =	vld [tilespmem:s20+$0x4720];
	v24 =	vadd.f32 v26, v24;
	v42 =	vmul.f32 v29, v15;
	v44 =	vmul.f32 v30, v16  }
0x2a8: {  	v20 =	vadd.f32 v21, v20;
	v45 =	vmul.f32 v31, v15;
	v48 =	vmul.f32 v33, v15;
	v33 =	vld [tilespmem:s20+$0xA720]  }
0x2a9: {  	v47 =	vmul.f32 v32, v16;
	v52 =	vmul.f32 v35, v15;
	v35 =	vld [tilespmem:s20+$0x4730];
	v19 =	vadd.f32 v39, v19  }
0x2aa: {  	[tilespmem:s20+$0x4360] =	vst v20;
	v51 =	vmul.f32 v34, v16;
	v55 =	vmul.f32 v36, v16;
	v36 =	vld [tilespmem:s20+$0xA730];
	v20 =	vadd.f32 v42, v41  }
0x2ab: {  	v26 =	vmul.f32 v37, v15;
	v62 =	vmul.f32 v46, v15;
	v46 =	vld [tilespmem:s20+$0x4740];
	v50 =	vadd.f32 v45, v44;
	[tilespmem:s18+$0x4300] =	vst v19  }
0x2ac: {  	v21 =	vmul.f32 v38, v16;
	v37 =	vmul.f32 v49, v13;
	v49 =	vld [tilespmem:s20+$0xA750];
	v54 =	vadd.f32 v48, v47;
	[tilespmem:s18+$0x4310] =	vst v20  }
0x2ad: {  	v58 =	vmul.f32 v40, v15;
	v38 =	vmul.f32 v53, v14;
	v53 =	vld [tilespmem:s20+$0xA770];
	v57 =	vadd.f32 v52, v51;
	[tilespmem:s18+$0x4320] =	vst v50  }
0x2ae: {  	v61 =	vmul.f32 v43, v16;
	v60 =	vadd.f32 v26, v55;
	v47 =	vld [tilespmem:s20+$0xA740];
	[tilespmem:s18+$0x4330] =	vst v54  }
0x2af: {  	v32 =	vadd.f32 v58, v21;
	v48 =	vld [tilespmem:s20+$0x4750];
	[tilespmem:s18+$0x4340] =	vst v57  }
0x2b0: {  	v34 =	vadd.f32 v62, v61;
	v51 =	vld [tilespmem:s20+$0xA760];
	[tilespmem:s18+$0x4350] =	vst v60  }
0x2b1: {  	s15 =	sadd.s32 $0x1000, s16;
	v52 =	vld [tilespmem:s20+$0x4770];
	[tilespmem:s18+$0x4360] =	vst v32  }
0x2b2: {  	s4 =	sor.u32 s17, s15;
	[tilespmem:s18+$0x4370] =	vst v34;
	v50 =	vld [tilespmem:s20+$0x4760]  }
0x2b3: {  	[tilespmem:s20+$0x4340] =	vst v25;
	v25 =	vld [tilespmem:s4+$0x4300]  }
0x2b4: {  	v28 =	vld [tilespmem:s4+$0xA300]  }
0x2b5: {  	v22 =	vmul.f32 v22, v13;
	v23 =	vmul.f32 v23, v14;
	v41 =	vld [tilespmem:s4+$0x4310]  }
0x2b6: {  	v42 =	vld [tilespmem:s4+$0xA310]  }
0x2b7: {  	v22 =	vadd.f32 v23, v22;
	v43 =	vld [tilespmem:s4+$0x4320]  }
0x2b8: {  	v44 =	vld [tilespmem:s4+$0xA320]  }
0x2b9: {  	[tilespmem:s20+$0x4370] =	vst v22;
	v22 =	vmul.f32 v35, v13;
	v19 =	vmul.f32 v36, v14;
	v45 =	vld [tilespmem:s4+$0x4340]  }
0x2ba: {  	v23 =	vmul.f32 v59, v14;
	v39 =	vmul.f32 v56, v13;
	v20 =	vadd.f32 v38, v37;
	v54 =	vld [tilespmem:s4+$0xA340]  }
0x2bb: {  	[tilespmem:s20+$0x4350] =	vst v24;
	v40 =	vmul.f32 v63, v13;
	v21 =	vmul.f32 v33, v14;
	v55 =	vld [tilespmem:s4+$0x4350];
	v19 =	vadd.f32 v19, v22  }
0x2bc: {  	v23 =	vadd.f32 v23, v39;
	v30 =	vmul.f32 v49, v14;
	v37 =	vld [tilespmem:s4+$0xA350];
	[tilespmem:s20+$0x4700] =	vst v20;
	v29 =	vmul.f32 v48, v13  }
0x2bd: {  	v58 =	vld [tilespmem:s4+$0x4360];
	v21 =	vadd.f32 v21, v40;
	v24 =	vmul.f32 v47, v14;
	[tilespmem:s20+$0x4730] =	vst v19;
	v19 =	vmul.f32 v46, v13  }
0x2be: {  	v59 =	vld [tilespmem:s4+$0xA360];
	[tilespmem:s20+$0x4710] =	vst v23;
	v57 =	vmul.f32 v51, v14;
	v56 =	vmul.f32 v50, v13;
	v29 =	vadd.f32 v30, v29  }
0x2bf: {  	v61 =	vmul.f32 v53, v14;
	v62 =	vld [tilespmem:s4+$0x4370];
	v60 =	vmul.f32 v52, v13;
	[tilespmem:s20+$0x4720] =	vst v21;
	v19 =	vadd.f32 v24, v19  }
0x2c0: {  	v63 =	vld [tilespmem:s4+$0xA370];
	v24 =	vadd.f32 v57, v56;
	[tilespmem:s20+$0x4750] =	vst v29  }
0x2c1: {  	v39 =	vld [tilespmem:s4+$0xA330];
	[tilespmem:s20+$0x4740] =	vst v19;
	v19 =	vadd.f32 v61, v60  }
0x2c2: {  	v22 =	vld [tilespmem:s4+$0x4330];
	[tilespmem:s20+$0x4760] =	vst v24  }
0x2c3: {  	v38 =	vmul.f32 v28, v15;
	v28 =	vld [tilespmem:s22+$0x4330];
	[tilespmem:s20+$0x4770] =	vst v19  }
0x2c4: {  	v26 =	vmul.f32 v41, v16;
	v41 =	vld [tilespmem:s22+$0x4300]  }
0x2c5: {  	v23 =	vmul.f32 v44, v15;
	v44 =	vld [tilespmem:s22+$0xA300]  }
0x2c6: {  	v34 =	vmul.f32 v25, v16;
	v48 =	vld [tilespmem:s22+$0x4310]  }
0x2c7: {  	v27 =	vmul.f32 v42, v15;
	v51 =	vld [tilespmem:s22+$0xA310]  }
0x2c8: {  	v20 =	vmul.f32 v43, v16;
	v46 =	vmul.f32 v55, v16;
	v40 =	vadd.f32 v38, v34;
	v55 =	vld [tilespmem:s22+$0x4320]  }
0x2c9: {  	v21 =	vmul.f32 v45, v16;
	v43 =	vmul.f32 v54, v15;
	v42 =	vadd.f32 v27, v26;
	v57 =	vld [tilespmem:s22+$0xA320]  }
0x2ca: {  	v47 =	vmul.f32 v37, v15;
	v49 =	vmul.f32 v58, v16;
	v45 =	vadd.f32 v23, v20;
	[tilespmem:s4+$0x4300] =	vst v40;
	v61 =	vld [tilespmem:s22+$0xA330]  }
0x2cb: {  	v50 =	vmul.f32 v59, v15;
	v53 =	vmul.f32 v62, v16;
	v21 =	vadd.f32 v43, v21;
	[tilespmem:s4+$0x4310] =	vst v42;
	v62 =	vld [tilespmem:s22+$0x4340]  }
0x2cc: {  	v54 =	vmul.f32 v63, v15;
	v52 =	vadd.f32 v47, v46;
	[tilespmem:s4+$0x4320] =	vst v45;
	v63 =	vld [tilespmem:s22+$0xA340]  }
0x2cd: {  	v31 =	vmul.f32 v39, v15;
	v22 =	vmul.f32 v22, v16;
	v56 =	vadd.f32 v50, v49;
	[tilespmem:s4+$0x4340] =	vst v21;
	v36 =	vld [tilespmem:s22+$0x4350]  }
0x2ce: {  	v58 =	vadd.f32 v54, v53;
	[tilespmem:s4+$0x4350] =	vst v52;
	v37 =	vld [tilespmem:s22+$0xA350]  }
0x2cf: {  	v22 =	vadd.f32 v31, v22;
	[tilespmem:s4+$0x4360] =	vst v56;
	v39 =	vld [tilespmem:s22+$0x4360]  }
0x2d0: {  	[tilespmem:s4+$0x4370] =	vst v58;
	s20 =	sadd.s32 $0x1400, s16;
	v40 =	vld [tilespmem:s22+$0xA360]  }
0x2d1: {  	s13 =	sor.u32 s17, s20;
	[tilespmem:s4+$0x4330] =	vst v22;
	v42 =	vld [tilespmem:s22+$0xA370]  }
0x2d2: {  	v19 =	vld [tilespmem:s13+$0x4370];
	v28 =	vmul.f32 v28, v13  }
0x2d3: {  	v23 =	vld [tilespmem:s13+$0x4310];
	v59 =	vmul.f32 v41, v13;
	v60 =	vmul.f32 v44, v14  }
0x2d4: {  	v34 =	vmul.f32 v48, v13;
	v35 =	vmul.f32 v51, v14;
	v41 =	vld [tilespmem:s22+$0x4370]  }
0x2d5: {  	v38 =	vmul.f32 v55, v13;
	v24 =	vmul.f32 v61, v14;
	v61 =	vld [tilespmem:s1+$0xA310]  }
0x2d6: {  	v25 =	vmul.f32 v57, v14;
	v43 =	vmul.f32 v63, v14;
	v63 =	vld [tilespmem:s1+$0x4320]  }
0x2d7: {  	v26 =	vmul.f32 v62, v13;
	v27 =	vmul.f32 v36, v13;
	v28 =	vadd.f32 v24, v28;
	v24 =	vld [tilespmem:s13+$0xA310]  }
0x2d8: {  	v30 =	vmul.f32 v37, v14;
	v20 =	vadd.f32 v60, v59;
	v22 =	vadd.f32 v25, v38;
	v25 =	vld [tilespmem:s13+$0x4320]  }
0x2d9: {  	v21 =	vadd.f32 v35, v34;
	v33 =	vadd.f32 v43, v26;
	v26 =	vld [tilespmem:s13+$0xA320]  }
0x2da: {  	v45 =	vadd.f32 v30, v27;
	v27 =	vld [tilespmem:s13+$0x4330];
	[tilespmem:s22+$0x4300] =	vst v20  }
0x2db: {  	v43 =	vld [tilespmem:s1+$0xA300];
	[tilespmem:s22+$0x4310] =	vst v21  }
0x2dc: {  	v29 =	vmul.f32 v39, v13;
	v44 =	vmul.f32 v40, v14;
	v59 =	vld [tilespmem:s1+$0x4310];
	[tilespmem:s22+$0x4320] =	vst v22  }
0x2dd: {  	v47 =	vmul.f32 v42, v14;
	v20 =	vld [tilespmem:s13+$0xA370];
	[tilespmem:s22+$0x4330] =	vst v28;
	v46 =	vmul.f32 v41, v13  }
0x2de: {  	v29 =	vadd.f32 v44, v29;
	v21 =	vld [tilespmem:s13+$0x4300];
	[tilespmem:s22+$0x4340] =	vst v33  }
0x2df: {  	v22 =	vld [tilespmem:s13+$0xA300];
	[tilespmem:s22+$0x4350] =	vst v45;
	v30 =	vadd.f32 v47, v46  }
0x2e0: {  	v28 =	vld [tilespmem:s13+$0xA330];
	[tilespmem:s22+$0x4360] =	vst v29  }
0x2e1: {  	v33 =	vld [tilespmem:s21+$0x4330];
	[tilespmem:s22+$0x4370] =	vst v30  }
0x2e2: {  	v30 =	vld [tilespmem:s21+$0x4300]  }
0x2e3: {  	v48 =	vld [tilespmem:s21+$0xA300]  }
0x2e4: {  	v49 =	vld [tilespmem:s21+$0x4310]  }
0x2e5: {  	v50 =	vld [tilespmem:s21+$0xA310]  }
0x2e6: {  	v51 =	vld [tilespmem:s21+$0x4320]  }
0x2e7: {  	v52 =	vld [tilespmem:s21+$0xA320]  }
0x2e8: {  	v53 =	vld [tilespmem:s21+$0xA330]  }
0x2e9: {  	v38 =	vld [tilespmem:s21+$0x4340]  }
0x2ea: {  	v39 =	vld [tilespmem:s21+$0xA340]  }
0x2eb: {  	v40 =	vld [tilespmem:s21+$0x4350]  }
0x2ec: {  	v54 =	vld [tilespmem:s21+$0xA350]  }
0x2ed: {  	v41 =	vld [tilespmem:s21+$0x4360]  }
0x2ee: {  	v55 =	vld [tilespmem:s21+$0xA360];
	v30 =	vmul.f32 v30, v13;
	v31 =	vmul.f32 v48, v14  }
0x2ef: {  	v42 =	vld [tilespmem:s21+$0x4370];
	v32 =	vmul.f32 v49, v13;
	v34 =	vmul.f32 v50, v14  }
0x2f0: {  	v57 =	vld [tilespmem:s21+$0xA370];
	v35 =	vmul.f32 v51, v13;
	v36 =	vmul.f32 v52, v14;
	v31 =	vadd.f32 v31, v30  }
0x2f1: {  	v29 =	vld [tilespmem:s13+$0x4340];
	v33 =	vmul.f32 v33, v13;
	v56 =	vmul.f32 v53, v14;
	v32 =	vadd.f32 v34, v32  }
0x2f2: {  	v38 =	vmul.f32 v38, v13;
	v39 =	vmul.f32 v39, v14;
	v52 =	vld [tilespmem:s1+$0xA320];
	v35 =	vadd.f32 v36, v35;
	[tilespmem:s21+$0x4300] =	vst v31  }
0x2f3: {  	v58 =	vmul.f32 v40, v13;
	v53 =	vld [tilespmem:s1+$0xA330];
	v33 =	vadd.f32 v56, v33;
	v34 =	vmul.f32 v54, v14;
	[tilespmem:s21+$0x4310] =	vst v32  }
0x2f4: {  	v60 =	vmul.f32 v41, v13;
	v30 =	vld [tilespmem:s13+$0xA340];
	v38 =	vadd.f32 v39, v38;
	v36 =	vmul.f32 v55, v14;
	[tilespmem:s21+$0x4320] =	vst v35  }
0x2f5: {  	v51 =	vmul.f32 v42, v13;
	v37 =	vmul.f32 v57, v14;
	v54 =	vld [tilespmem:s1+$0x4340];
	[tilespmem:s21+$0x4330] =	vst v33;
	v62 =	vadd.f32 v34, v58  }
0x2f6: {  	v55 =	vld [tilespmem:s1+$0xA340];
	[tilespmem:s21+$0x4340] =	vst v38;
	v36 =	vadd.f32 v36, v60  }
0x2f7: {  	v31 =	vld [tilespmem:s13+$0x4350];
	v35 =	vadd.f32 v37, v51;
	[tilespmem:s21+$0x4350] =	vst v62  }
0x2f8: {  	s15 =	sor.u32 s14, s15;
	v32 =	vld [tilespmem:s13+$0xA350];
	[tilespmem:s21+$0x4360] =	vst v36  }
0x2f9: {  	v37 =	vld [tilespmem:s15+$0x4330];
	[tilespmem:s21+$0x4370] =	vst v35  }
0x2fa: {  	v56 =	vld [tilespmem:s15+$0x4300]  }
0x2fb: {  	v57 =	vld [tilespmem:s15+$0xA300]  }
0x2fc: {  	v44 =	vld [tilespmem:s15+$0x4310]  }
0x2fd: {  	v45 =	vld [tilespmem:s15+$0xA310]  }
0x2fe: {  	v46 =	vld [tilespmem:s15+$0x4320]  }
0x2ff: {  	v47 =	vld [tilespmem:s15+$0xA320]  }
0x300: {  	v43 =	vmul.f32 v43, v12;
	v48 =	vld [tilespmem:s15+$0xA330]  }
0x301: {  	v40 =	vmul.f32 v59, v11;
	v41 =	vmul.f32 v61, v12;
	v49 =	vld [tilespmem:s15+$0x4340]  }
0x302: {  	v18 =	vadd.f32 v43, v18;
	v43 =	vld [tilespmem:s15+$0xA340]  }
0x303: {  	v40 =	vadd.f32 v41, v40;
	v34 =	vmul.f32 v63, v11;
	v38 =	vmul.f32 v52, v12;
	v41 =	vld [tilespmem:s15+$0x4350]  }
0x304: {  	v33 =	vmul.f32 v53, v12;
	v39 =	vld [tilespmem:s15+$0x4360]  }
0x305: {  	[tilespmem:s1+$0x4300] =	vst v18;
	v58 =	vadd.f32 v38, v34;
	v59 =	vmul.f32 v54, v11;
	v35 =	vmul.f32 v55, v12;
	v51 =	vld [tilespmem:s15+$0xA360]  }
0x306: {  	[tilespmem:s1+$0x4310] =	vst v40;
	v17 =	vadd.f32 v33, v17;
	v36 =	vld [tilespmem:s15+$0xA350];
	v60 =	vmul.f32 v56, v13;
	v61 =	vmul.f32 v57, v14  }
0x307: {  	v55 =	vld [tilespmem:s15+$0x4370];
	[tilespmem:s1+$0x4320] =	vst v58;
	v62 =	vadd.f32 v35, v59;
	v63 =	vmul.f32 v44, v13;
	v50 =	vmul.f32 v45, v14  }
0x308: {  	[tilespmem:s1+$0x4330] =	vst v17;
	v58 =	vld [tilespmem:s15+$0xA370];
	v53 =	vmul.f32 v46, v13;
	v54 =	vmul.f32 v47, v14;
	v52 =	vadd.f32 v61, v60  }
0x309: {  	v33 =	vld [tilespmem:s13+$0x4360];
	[tilespmem:s1+$0x4340] =	vst v62;
	v56 =	vmul.f32 v37, v13;
	v57 =	vmul.f32 v48, v14;
	v34 =	vadd.f32 v50, v63  }
0x30a: {  	v38 =	vld [tilespmem:s1+$0x4350];
	v39 =	vmul.f32 v39, v13;
	v40 =	vmul.f32 v51, v14;
	v59 =	vadd.f32 v54, v53;
	[tilespmem:s15+$0x4300] =	vst v52  }
0x30b: {  	v17 =	vld [tilespmem:s1+$0x4360];
	v43 =	vmul.f32 v43, v14;
	v60 =	vmul.f32 v49, v13;
	v18 =	vadd.f32 v57, v56;
	[tilespmem:s15+$0x4310] =	vst v34  }
0x30c: {  	v36 =	vmul.f32 v36, v14;
	v61 =	vmul.f32 v41, v13;
	v39 =	vadd.f32 v40, v39;
	v40 =	vld [tilespmem:s1+$0xA360];
	[tilespmem:s15+$0x4320] =	vst v59  }
0x30d: {  	v37 =	vmul.f32 v58, v14;
	v63 =	vmul.f32 v55, v13;
	v34 =	vld [tilespmem:s13+$0xA360];
	v62 =	vadd.f32 v43, v60;
	[tilespmem:s15+$0x4330] =	vst v18  }
0x30e: {  	v18 =	vld [tilespmem:s1+$0xA350];
	v35 =	vadd.f32 v36, v61;
	[tilespmem:s15+$0x4360] =	vst v39  }
0x30f: {  	v36 =	vadd.f32 v37, v63;
	v39 =	vld [tilespmem:s1+$0xA370];
	[tilespmem:s15+$0x4340] =	vst v62  }
0x310: {  	s23 =	sor.u32 s14, s20;
	[tilespmem:s15+$0x4350] =	vst v35;
	v35 =	vld [tilespmem:s1+$0x4370]  }
0x311: {  	v37 =	vld [tilespmem:s23+$0x4330];
	[tilespmem:s15+$0x4370] =	vst v36  }
0x312: {  	v36 =	vld [tilespmem:s23+$0x4300]  }
0x313: {  	v19 =	vmul.f32 v19, v16;
	v20 =	vmul.f32 v20, v15;
	v41 =	vld [tilespmem:s23+$0xA300]  }
0x314: {  	v21 =	vmul.f32 v21, v16;
	v22 =	vmul.f32 v22, v15;
	v42 =	vld [tilespmem:s23+$0x4310]  }
0x315: {  	v19 =	vadd.f32 v20, v19;
	v46 =	vmul.f32 v25, v16;
	v47 =	vmul.f32 v26, v15;
	v45 =	vld [tilespmem:s23+$0xA310]  }
0x316: {  	v21 =	vadd.f32 v22, v21;
	v49 =	vmul.f32 v27, v16;
	v50 =	vmul.f32 v28, v15;
	v26 =	vld [tilespmem:s23+$0x4320]  }
0x317: {  	[tilespmem:s13+$0x4370] =	vst v19;
	v53 =	vmul.f32 v29, v16;
	v54 =	vmul.f32 v30, v15;
	v52 =	vadd.f32 v47, v46;
	v51 =	vld [tilespmem:s23+$0xA320]  }
0x318: {  	[tilespmem:s13+$0x4300] =	vst v21;
	v58 =	vmul.f32 v32, v15;
	v57 =	vmul.f32 v31, v16;
	v56 =	vadd.f32 v50, v49;
	v55 =	vld [tilespmem:s23+$0xA330]  }
0x319: {  	v44 =	vmul.f32 v24, v15;
	v43 =	vmul.f32 v23, v16;
	v60 =	vadd.f32 v54, v53;
	[tilespmem:s13+$0x4320] =	vst v52;
	v59 =	vld [tilespmem:s23+$0x4340]  }
0x31a: {  	v61 =	vmul.f32 v33, v16;
	v25 =	vadd.f32 v58, v57;
	[tilespmem:s13+$0x4330] =	vst v56;
	v63 =	vld [tilespmem:s23+$0xA340];
	v62 =	vmul.f32 v34, v15  }
0x31b: {  	v30 =	vmul.f32 v38, v11;
	v48 =	vadd.f32 v44, v43;
	[tilespmem:s13+$0x4340] =	vst v60;
	v31 =	vld [tilespmem:s23+$0x4350];
	v18 =	vmul.f32 v18, v12  }
0x31c: {  	v32 =	vmul.f32 v17, v11;
	[tilespmem:s13+$0x4350] =	vst v25;
	v33 =	vmul.f32 v40, v12;
	v38 =	vld [tilespmem:s23+$0x4360];
	v15 =	vadd.f32 v62, v61  }
0x31d: {  	[tilespmem:s13+$0x4310] =	vst v48;
	v43 =	vld [tilespmem:s23+$0xA360];
	v18 =	vadd.f32 v18, v30;
	v11 =	vmul.f32 v35, v11;
	v35 =	vmul.f32 v39, v12  }
0x31e: {  	v34 =	vld [tilespmem:s23+$0xA350];
	v39 =	vadd.f32 v33, v32;
	[tilespmem:s13+$0x4360] =	vst v15;
	v40 =	vmul.f32 v36, v13;
	v41 =	vmul.f32 v41, v14  }
0x31f: {  	v46 =	vld [tilespmem:s23+$0x4370];
	[tilespmem:s1+$0x4350] =	vst v18;
	v11 =	vadd.f32 v35, v11;
	v44 =	vmul.f32 v42, v13;
	v45 =	vmul.f32 v45, v14  }
0x320: {  	v50 =	vld [tilespmem:s23+$0xA370];
	[tilespmem:s1+$0x4360] =	vst v39;
	v48 =	vmul.f32 v26, v13;
	v49 =	vmul.f32 v51, v14;
	v47 =	vadd.f32 v41, v40  }
0x321: {  	v51 =	vmul.f32 v37, v13;
	v52 =	vmul.f32 v55, v14;
	[tilespmem:s1+$0x4370] =	vst v11;
	v11 =	vadd.f32 v45, v44  }
0x322: {  	v54 =	vmul.f32 v59, v13;
	v55 =	vmul.f32 v63, v14;
	v53 =	vadd.f32 v49, v48;
	[tilespmem:s23+$0x4300] =	vst v47  }
0x323: {  	v56 =	vmul.f32 v31, v13;
	v57 =	vmul.f32 v34, v14;
	[tilespmem:s23+$0x4310] =	vst v11;
	v11 =	vadd.f32 v52, v51  }
0x324: {  	v59 =	vmul.f32 v38, v13;
	v60 =	vmul.f32 v43, v14;
	v58 =	vadd.f32 v55, v54;
	[tilespmem:s23+$0x4320] =	vst v53  }
0x325: {  	v61 =	vmul.f32 v46, v13;
	v62 =	vmul.f32 v50, v14;
	[tilespmem:s23+$0x4330] =	vst v11;
	v11 =	vadd.f32 v57, v56  }
0x326: {  	v63 =	vadd.f32 v60, v59;
	[tilespmem:s23+$0x4340] =	vst v58  }
0x327: {  	[tilespmem:s23+$0x4350] =	vst v11;
	v11 =	vadd.f32 v62, v61  }
0x328: {  	[tilespmem:s23+$0x4360] =	vst v63  }
0x329: {  	s22 =	simm.s32 $0x4300;
	s1 =	simm.s32 $0x0;
	[tilespmem:s23+$0x4370] =	vst v11  }
0x32a: {  	[hbm4b:s8+s1] =	stream.linear.scatter [tilespmem:s22], [sflag:$0x5], $0x6000, $0x38;
	[tilespmem:$0x1C300] =	vst v63  }
0x32b: {  	_ =	swait.ge [sflag:s29], $0x6000  }
0x32c: {  	[sflag:s29] =	ssyncset.done $0x0  }
0x32d: {  	[sflag:s29] =	ssyncadd.s32 $0xFFFFA000  }
0x32e: {  	_ =	swait.ge [sflag:s30], $0x6000  }
0x32f: {  	[sflag:s30] =	ssyncset.done $0x0  }
0x330: {  	s13 =	simm.s32 $0xFFFFFFFE;
	[sflag:s30] =	ssyncadd.s32 $0xFFFFA000  }
.LBB2_4:
0x331: {  	s14 =	sadd.s32 $0x2, s13  }
0x332: {  	s19 =	sshrl.u32 s14, $0x3  }
0x333: {  	s16 =	smul.u32 $0x1800, s19  }
0x334: {  	s4 =	sadd.s32 $0x22, s13;
	s15 =	sand.u32 $0x300, s1  }
0x335: {  	v11 =	vmov s4;
	s4 =	sor.u32 s15, s16  }
0x336: {  	v13 =	vld [tilespmem:s4+$0x10300]  }
0x337: {  	v14 =	vld [tilespmem:s4+$0x16300]  }
0x338: {  	v15 =	vld [tilespmem:s4+$0x10310]  }
0x339: {  	v16 =	vld [tilespmem:s4+$0x16310]  }
0x33a: {  	v17 =	vld [tilespmem:s4+$0x10320]  }
0x33b: {  	v18 =	vld [tilespmem:s4+$0x16320]  }
0x33c: {  	v19 =	vld [tilespmem:s4+$0x10330]  }
0x33d: {  	v20 =	vld [tilespmem:s4+$0x16330]  }
0x33e: {  	v21 =	vld [tilespmem:s4+$0x10340]  }
0x33f: {  	v11 =	vand.u32 $0xFFFFFFFE, v11;
	v22 =	vld [tilespmem:s4+$0x16340]  }
0x340: {  	v12 =	vbroadcast v11, $0x0;
	v23 =	vld [tilespmem:s4+$0x10350]  }
0x341: {  	v24 =	vld [tilespmem:s4+$0x16350]  }
0x342: {  	v25 =	vld [tilespmem:s4+$0x10360]  }
0x343: {  	v26 =	vld [tilespmem:s4+$0x16360]  }
0x344: {  	v27 =	vld [tilespmem:s4+$0x10370]  }
0x345: {  	v28 =	vld [tilespmem:s4+$0x16370]  }
0x346: {  	v11 =	vld.idx.msk [tilespmem:v12+s26+$0x0], $0xffff  }
0x347: {  	v12 =	vld.idx.msk [tilespmem:v12+s28+$0x0], $0xffff  }
0x348: {  	v29 =	vld [tilespmem:s4+$0x10700]  }
0x349: {  	v30 =	vld [tilespmem:s4+$0x16700]  }
0x34a: {  	v31 =	vld [tilespmem:s4+$0x10710]  }
0x34b: {  	v32 =	vld [tilespmem:s4+$0x16710]  }
0x34c: {  	v33 =	vld [tilespmem:s4+$0x10720];
	v13 =	vmul.f32 v13, v11;
	v14 =	vmul.f32 v14, v12  }
0x34d: {  	v34 =	vld [tilespmem:s4+$0x16720];
	v15 =	vmul.f32 v15, v11;
	v16 =	vmul.f32 v16, v12  }
0x34e: {  	v35 =	vld [tilespmem:s4+$0x10730];
	v62 =	vmul.f32 v17, v11;
	v63 =	vmul.f32 v18, v12  }
0x34f: {  	v36 =	vld [tilespmem:s4+$0x16730];
	v37 =	vmul.f32 v19, v11;
	v38 =	vmul.f32 v20, v12;
	v13 =	vadd.f32 v14, v13  }
0x350: {  	v39 =	vld [tilespmem:s4+$0x10740];
	v41 =	vmul.f32 v21, v11;
	v42 =	vmul.f32 v22, v12;
	v15 =	vadd.f32 v16, v15  }
0x351: {  	v43 =	vld [tilespmem:s4+$0x16740];
	v45 =	vmul.f32 v23, v11;
	v46 =	vmul.f32 v24, v12;
	v40 =	vadd.f32 v63, v62;
	[tilespmem:s4+$0x10300] =	vst v13  }
0x352: {  	v47 =	vld [tilespmem:s4+$0x10750];
	v49 =	vmul.f32 v25, v11;
	v50 =	vmul.f32 v26, v12;
	v44 =	vadd.f32 v38, v37;
	[tilespmem:s4+$0x10310] =	vst v15  }
0x353: {  	v51 =	vld [tilespmem:s4+$0x16750];
	v53 =	vmul.f32 v27, v11;
	v54 =	vmul.f32 v28, v12;
	v48 =	vadd.f32 v42, v41;
	[tilespmem:s4+$0x10320] =	vst v40  }
0x354: {  	v55 =	vld [tilespmem:s4+$0x10760];
	v57 =	vmul.f32 v29, v11;
	v58 =	vmul.f32 v30, v12;
	v52 =	vadd.f32 v46, v45;
	[tilespmem:s4+$0x10330] =	vst v44  }
0x355: {  	v59 =	vld [tilespmem:s4+$0x16760];
	v61 =	vmul.f32 v31, v11;
	v31 =	vmul.f32 v33, v11;
	v56 =	vadd.f32 v50, v49;
	[tilespmem:s4+$0x10340] =	vst v48  }
0x356: {  	v33 =	vld [tilespmem:s4+$0x16770];
	v35 =	vmul.f32 v35, v11;
	v18 =	vmul.f32 v36, v12;
	v60 =	vadd.f32 v54, v53;
	[tilespmem:s4+$0x10350] =	vst v52  }
0x357: {  	v62 =	vmul.f32 v32, v12;
	v63 =	vld [tilespmem:s4+$0x10770];
	v30 =	vadd.f32 v58, v57;
	[tilespmem:s4+$0x10360] =	vst v56  }
0x358: {  	v32 =	vmul.f32 v34, v12;
	v37 =	vmul.f32 v39, v11;
	v39 =	vadd.f32 v18, v35;
	[tilespmem:s4+$0x10370] =	vst v60  }
0x359: {  	v38 =	vmul.f32 v43, v12;
	v34 =	vadd.f32 v62, v61;
	[tilespmem:s4+$0x10700] =	vst v30  }
0x35a: {  	v41 =	vmul.f32 v51, v12;
	v36 =	vadd.f32 v32, v31;
	v40 =	vmul.f32 v47, v11;
	[tilespmem:s4+$0x10730] =	vst v39  }
0x35b: {  	s19 =	sadd.s32 $0x800, s16;
	v43 =	vmul.f32 v55, v11;
	v42 =	vadd.f32 v38, v37;
	v44 =	vmul.f32 v59, v12;
	[tilespmem:s4+$0x10710] =	vst v34  }
0x35c: {  	s18 =	sor.u32 s15, s19;
	v47 =	vmul.f32 v33, v12;
	[tilespmem:s4+$0x10720] =	vst v36;
	v45 =	vadd.f32 v41, v40;
	v46 =	vmul.f32 v63, v11  }
0x35d: {  	[tilespmem:s4+$0x10740] =	vst v42;
	v48 =	vadd.f32 v44, v43;
	v50 =	vld [tilespmem:s18+$0x10300]  }
0x35e: {  	v51 =	vld [tilespmem:s18+$0x10310];
	[tilespmem:s4+$0x10750] =	vst v45;
	v49 =	vadd.f32 v47, v46  }
0x35f: {  	[tilespmem:s4+$0x10760] =	vst v48;
	v53 =	vld [tilespmem:s18+$0x10320]  }
0x360: {  	v55 =	vld [tilespmem:s18+$0x10330];
	[tilespmem:s4+$0x10770] =	vst v49  }
0x361: {  	v14 =	vld [tilespmem:s18+$0x16300]  }
0x362: {  	v52 =	vld [tilespmem:s18+$0x16310]  }
0x363: {  	v54 =	vld [tilespmem:s18+$0x16320]  }
0x364: {  	v56 =	vld [tilespmem:s18+$0x16330]  }
0x365: {  	v57 =	vld [tilespmem:s18+$0x10340]  }
0x366: {  	v58 =	vld [tilespmem:s18+$0x16340]  }
0x367: {  	v59 =	vld [tilespmem:s18+$0x10350]  }
0x368: {  	v60 =	vld [tilespmem:s18+$0x16350]  }
0x369: {  	v61 =	vld [tilespmem:s18+$0x10360]  }
0x36a: {  	v62 =	vld [tilespmem:s18+$0x16360]  }
0x36b: {  	s21 =	sadd.s32 $0x23, s13;
	s13 =	sor.u32 $0x80, s15;
	v63 =	vld [tilespmem:s18+$0x10370]  }
0x36c: {  	v30 =	vld [tilespmem:s18+$0x16370];
	v16 =	vmul.f32 v52, v12;
	v52 =	vmov s21;
	s21 =	sor.u32 s16, s13  }
0x36d: {  	v34 =	vmul.f32 v57, v11;
	v57 =	vld [tilespmem:s21+$0x10300]  }
0x36e: {  	v20 =	vld [tilespmem:s21+$0x16370]  }
0x36f: {  	v22 =	vld [tilespmem:s21+$0x10700]  }
0x370: {  	v23 =	vld [tilespmem:s21+$0x16700]  }
0x371: {  	v13 =	vmul.f32 v50, v11;
	v24 =	vld [tilespmem:s21+$0x10710]  }
0x372: {  	v15 =	vmul.f32 v51, v11;
	v28 =	vmul.f32 v53, v11;
	v25 =	vld [tilespmem:s21+$0x16710]  }
0x373: {  	v31 =	vmul.f32 v55, v11;
	v14 =	vmul.f32 v14, v12;
	v26 =	vld [tilespmem:s21+$0x10720]  }
0x374: {  	v29 =	vmul.f32 v54, v12;
	v32 =	vmul.f32 v56, v12;
	v27 =	vld [tilespmem:s21+$0x16720]  }
0x375: {  	v35 =	vmul.f32 v58, v12;
	v18 =	vmul.f32 v30, v12;
	v30 =	vld [tilespmem:s21+$0x10740];
	v13 =	vadd.f32 v14, v13  }
0x376: {  	v37 =	vmul.f32 v59, v11;
	v15 =	vadd.f32 v16, v15;
	v36 =	vadd.f32 v32, v31;
	v32 =	vld [tilespmem:s21+$0x16300]  }
0x377: {  	v38 =	vmul.f32 v60, v12;
	v33 =	vadd.f32 v29, v28;
	v39 =	vadd.f32 v35, v34;
	v34 =	vld [tilespmem:s21+$0x16310];
	[tilespmem:s18+$0x10300] =	vst v13  }
0x378: {  	v35 =	vld [tilespmem:s21+$0x10320];
	[tilespmem:s18+$0x10310] =	vst v15  }
0x379: {  	v40 =	vmul.f32 v61, v11;
	v41 =	vmul.f32 v62, v12;
	v42 =	vadd.f32 v38, v37;
	v37 =	vld [tilespmem:s21+$0x10330];
	[tilespmem:s18+$0x10320] =	vst v33  }
0x37a: {  	v43 =	vmul.f32 v63, v11;
	v38 =	vld [tilespmem:s21+$0x16330];
	[tilespmem:s18+$0x10330] =	vst v36  }
0x37b: {  	v44 =	vadd.f32 v41, v40;
	v40 =	vld [tilespmem:s21+$0x16340];
	[tilespmem:s18+$0x10340] =	vst v39  }
0x37c: {  	s17 =	sadd.s32 $0xC00, s16;
	v45 =	vadd.f32 v18, v43;
	v41 =	vld [tilespmem:s21+$0x10350];
	[tilespmem:s18+$0x10350] =	vst v42  }
0x37d: {  	s20 =	sor.u32 s15, s17;
	[tilespmem:s18+$0x10360] =	vst v44;
	v42 =	vld [tilespmem:s21+$0x16350]  }
0x37e: {  	[tilespmem:s18+$0x10370] =	vst v45;
	v46 =	vld [tilespmem:s20+$0x10300]  }
0x37f: {  	v47 =	vld [tilespmem:s20+$0x16300]  }
0x380: {  	v58 =	vld [tilespmem:s20+$0x10310]  }
0x381: {  	v59 =	vld [tilespmem:s20+$0x16310]  }
0x382: {  	v60 =	vld [tilespmem:s20+$0x10320]  }
0x383: {  	v61 =	vld [tilespmem:s20+$0x16320]  }
0x384: {  	v62 =	vld [tilespmem:s20+$0x10330]  }
0x385: {  	v63 =	vld [tilespmem:s20+$0x16330]  }
0x386: {  	v48 =	vld [tilespmem:s20+$0x10340]  }
0x387: {  	v49 =	vld [tilespmem:s20+$0x16340]  }
0x388: {  	v50 =	vld [tilespmem:s20+$0x10350]  }
0x389: {  	v51 =	vld [tilespmem:s20+$0x16350]  }
0x38a: {  	v53 =	vld [tilespmem:s20+$0x10360]  }
0x38b: {  	v54 =	vld [tilespmem:s20+$0x16360]  }
0x38c: {  	v55 =	vld [tilespmem:s20+$0x10370];
	v15 =	vmul.f32 v46, v11;
	v16 =	vmul.f32 v47, v12  }
0x38d: {  	v56 =	vld [tilespmem:s20+$0x16370];
	v17 =	vmul.f32 v58, v11;
	v18 =	vmul.f32 v59, v12  }
0x38e: {  	v13 =	vld.idx.msk [tilespmem:v52+s26+$0x0], $0xffff;
	v58 =	vmul.f32 v60, v11;
	v59 =	vmul.f32 v61, v12;
	v15 =	vadd.f32 v16, v15  }
0x38f: {  	v14 =	vld.idx.msk [tilespmem:v52+s28+$0x0], $0xffff;
	v60 =	vmul.f32 v62, v11;
	v61 =	vmul.f32 v63, v12;
	v17 =	vadd.f32 v18, v17  }
0x390: {  	v43 =	vld [tilespmem:s21+$0x10360];
	v63 =	vmul.f32 v48, v11;
	v46 =	vmul.f32 v49, v12;
	v62 =	vadd.f32 v59, v58;
	[tilespmem:s20+$0x10300] =	vst v15  }
0x391: {  	v33 =	vld [tilespmem:s21+$0x10310];
	v48 =	vmul.f32 v50, v11;
	v49 =	vmul.f32 v51, v12;
	v47 =	vadd.f32 v61, v60;
	[tilespmem:s20+$0x10310] =	vst v17  }
0x392: {  	v36 =	vld [tilespmem:s21+$0x16320];
	v51 =	vmul.f32 v53, v11;
	v52 =	vmul.f32 v54, v12;
	v50 =	vadd.f32 v46, v63;
	[tilespmem:s20+$0x10320] =	vst v62  }
0x393: {  	v28 =	vld [tilespmem:s21+$0x10730];
	v54 =	vmul.f32 v55, v11;
	v55 =	vmul.f32 v56, v12;
	v53 =	vadd.f32 v49, v48;
	[tilespmem:s20+$0x10330] =	vst v47  }
0x394: {  	v39 =	vld [tilespmem:s21+$0x10340];
	v41 =	vmul.f32 v41, v13;
	v42 =	vmul.f32 v42, v14;
	v56 =	vadd.f32 v52, v51;
	[tilespmem:s20+$0x10340] =	vst v50  }
0x395: {  	v44 =	vld [tilespmem:s21+$0x16360];
	v57 =	vmul.f32 v57, v13;
	v58 =	vmul.f32 v32, v14;
	v59 =	vadd.f32 v55, v54;
	[tilespmem:s20+$0x10350] =	vst v53  }
0x396: {  	v45 =	vld [tilespmem:s21+$0x10370];
	v60 =	vmul.f32 v33, v13;
	v61 =	vmul.f32 v34, v14;
	v51 =	vadd.f32 v42, v41;
	[tilespmem:s20+$0x10360] =	vst v56  }
0x397: {  	v29 =	vld [tilespmem:s21+$0x16730];
	v63 =	vmul.f32 v35, v13;
	v33 =	vmul.f32 v36, v14;
	v62 =	vadd.f32 v58, v57;
	[tilespmem:s20+$0x10370] =	vst v59  }
0x398: {  	v31 =	vld [tilespmem:s21+$0x10750];
	v35 =	vmul.f32 v37, v13;
	v36 =	vmul.f32 v38, v14;
	v34 =	vadd.f32 v61, v60;
	[tilespmem:s21+$0x10350] =	vst v51  }
0x399: {  	v38 =	vmul.f32 v39, v13;
	v39 =	vmul.f32 v40, v14;
	v46 =	vld [tilespmem:s21+$0x16750];
	v37 =	vadd.f32 v33, v63;
	[tilespmem:s21+$0x10300] =	vst v62  }
0x39a: {  	v48 =	vmul.f32 v43, v13;
	v49 =	vmul.f32 v44, v14;
	v40 =	vadd.f32 v36, v35;
	v50 =	vld [tilespmem:s21+$0x10760];
	[tilespmem:s21+$0x10310] =	vst v34  }
0x39b: {  	v20 =	vmul.f32 v20, v14;
	v52 =	vmul.f32 v45, v13;
	v47 =	vadd.f32 v39, v38;
	v53 =	vld [tilespmem:s21+$0x16760];
	[tilespmem:s21+$0x10320] =	vst v37  }
0x39c: {  	v55 =	vmul.f32 v22, v13;
	v54 =	vadd.f32 v49, v48;
	v56 =	vmul.f32 v23, v14;
	v57 =	vld [tilespmem:s21+$0x10770];
	[tilespmem:s21+$0x10330] =	vst v40  }
0x39d: {  	s20 =	sadd.s32 $0x1000, s16;
	v58 =	vadd.f32 v20, v52;
	v59 =	vmul.f32 v24, v13;
	v60 =	vmul.f32 v25, v14;
	v61 =	vld [tilespmem:s21+$0x16770];
	[tilespmem:s21+$0x10340] =	vst v47  }
0x39e: {  	v63 =	vmul.f32 v26, v13;
	v35 =	vld [tilespmem:s21+$0x16740];
	s23 =	sor.u32 s15, s20;
	[tilespmem:s21+$0x10360] =	vst v54;
	v62 =	vadd.f32 v56, v55;
	v34 =	vmul.f32 v27, v14  }
0x39f: {  	v38 =	vmul.f32 v29, v14;
	v25 =	vld [tilespmem:s23+$0x10300];
	[tilespmem:s21+$0x10370] =	vst v58;
	v36 =	vadd.f32 v60, v59;
	v37 =	vmul.f32 v28, v13  }
0x3a0: {  	v26 =	vld [tilespmem:s23+$0x16300];
	v40 =	vmul.f32 v31, v13;
	v41 =	vmul.f32 v46, v14;
	[tilespmem:s21+$0x10700] =	vst v62;
	v39 =	vadd.f32 v34, v63  }
0x3a1: {  	v27 =	vld [tilespmem:s23+$0x10310];
	[tilespmem:s21+$0x10710] =	vst v36;
	v42 =	vadd.f32 v38, v37;
	v43 =	vmul.f32 v50, v13;
	v44 =	vmul.f32 v53, v14  }
0x3a2: {  	v21 =	vld [tilespmem:s23+$0x16310];
	v45 =	vadd.f32 v41, v40;
	v46 =	vmul.f32 v57, v13;
	v47 =	vmul.f32 v61, v14;
	[tilespmem:s21+$0x10720] =	vst v39  }
0x3a3: {  	v48 =	vmul.f32 v30, v13;
	v22 =	vld [tilespmem:s23+$0x10320];
	v49 =	vmul.f32 v35, v14;
	[tilespmem:s21+$0x10730] =	vst v42;
	v18 =	vadd.f32 v44, v43  }
0x3a4: {  	v20 =	vld [tilespmem:s23+$0x16320];
	[tilespmem:s21+$0x10750] =	vst v45;
	v50 =	vadd.f32 v47, v46  }
0x3a5: {  	v16 =	vld [tilespmem:s23+$0x10330];
	v17 =	vadd.f32 v49, v48;
	[tilespmem:s21+$0x10760] =	vst v18  }
0x3a6: {  	s19 =	sor.u32 s13, s19;
	v43 =	vld [tilespmem:s23+$0x10340];
	[tilespmem:s21+$0x10770] =	vst v50  }
0x3a7: {  	[tilespmem:s21+$0x10740] =	vst v17;
	v15 =	vld [tilespmem:s19+$0x10300]  }
0x3a8: {  	v17 =	vld [tilespmem:s19+$0x16300]  }
0x3a9: {  	v51 =	vld [tilespmem:s19+$0x10310]  }
0x3aa: {  	v52 =	vld [tilespmem:s19+$0x16310]  }
0x3ab: {  	v53 =	vld [tilespmem:s19+$0x10320]  }
0x3ac: {  	v54 =	vld [tilespmem:s19+$0x16320]  }
0x3ad: {  	v55 =	vld [tilespmem:s19+$0x10330]  }
0x3ae: {  	v56 =	vld [tilespmem:s19+$0x16330]  }
0x3af: {  	v57 =	vld [tilespmem:s19+$0x10340]  }
0x3b0: {  	v58 =	vld [tilespmem:s19+$0x10350]  }
0x3b1: {  	v59 =	vld [tilespmem:s19+$0x16350]  }
0x3b2: {  	v60 =	vld [tilespmem:s19+$0x10360]  }
0x3b3: {  	v61 =	vld [tilespmem:s19+$0x16360]  }
0x3b4: {  	v62 =	vld [tilespmem:s19+$0x10370];
	v15 =	vmul.f32 v15, v13;
	v17 =	vmul.f32 v17, v14  }
0x3b5: {  	v63 =	vld [tilespmem:s19+$0x16370];
	v19 =	vmul.f32 v51, v13;
	v23 =	vmul.f32 v52, v14  }
0x3b6: {  	v42 =	vld [tilespmem:s19+$0x16340];
	v40 =	vmul.f32 v53, v13;
	v41 =	vmul.f32 v54, v14;
	v15 =	vadd.f32 v17, v15  }
0x3b7: {  	v44 =	vld [tilespmem:s23+$0x16340];
	v29 =	vmul.f32 v55, v13;
	v30 =	vmul.f32 v56, v14;
	v19 =	vadd.f32 v23, v19  }
0x3b8: {  	v47 =	vld [tilespmem:s23+$0x10350];
	v45 =	vmul.f32 v58, v13;
	v46 =	vmul.f32 v59, v14;
	v17 =	vadd.f32 v41, v40;
	[tilespmem:s19+$0x10300] =	vst v15  }
0x3b9: {  	v18 =	vld [tilespmem:s23+$0x16330];
	v49 =	vmul.f32 v60, v13;
	v50 =	vmul.f32 v61, v14;
	v48 =	vadd.f32 v30, v29;
	[tilespmem:s19+$0x10310] =	vst v19  }
0x3ba: {  	v51 =	vld [tilespmem:s23+$0x16350];
	v53 =	vmul.f32 v62, v13;
	v54 =	vmul.f32 v63, v14;
	v52 =	vadd.f32 v46, v45;
	[tilespmem:s19+$0x10320] =	vst v17  }
0x3bb: {  	v55 =	vld [tilespmem:s23+$0x10360];
	v56 =	vmul.f32 v57, v13;
	v28 =	vmul.f32 v42, v14;
	v29 =	vadd.f32 v50, v49;
	[tilespmem:s19+$0x10330] =	vst v48  }
0x3bc: {  	v57 =	vld [tilespmem:s23+$0x16360];
	v58 =	vadd.f32 v54, v53;
	[tilespmem:s19+$0x10350] =	vst v52  }
0x3bd: {  	v59 =	vld [tilespmem:s23+$0x10370];
	v19 =	vadd.f32 v28, v56;
	[tilespmem:s19+$0x10360] =	vst v29  }
0x3be: {  	s17 =	sor.u32 s13, s17;
	v60 =	vld [tilespmem:s23+$0x16370];
	[tilespmem:s19+$0x10370] =	vst v58  }
0x3bf: {  	v17 =	vld [tilespmem:s17+$0x10300];
	[tilespmem:s19+$0x10340] =	vst v19  }
0x3c0: {  	v19 =	vld [tilespmem:s17+$0x16300]  }
0x3c1: {  	v29 =	vld [tilespmem:s17+$0x10310]  }
0x3c2: {  	v61 =	vld [tilespmem:s17+$0x16310]  }
0x3c3: {  	v62 =	vld [tilespmem:s17+$0x10320]  }
0x3c4: {  	v25 =	vmul.f32 v25, v11;
	v26 =	vmul.f32 v26, v12;
	v63 =	vld [tilespmem:s17+$0x16320]  }
0x3c5: {  	v27 =	vmul.f32 v27, v11;
	v21 =	vmul.f32 v21, v12;
	v37 =	vld [tilespmem:s17+$0x10330]  }
0x3c6: {  	v22 =	vmul.f32 v22, v11;
	v20 =	vmul.f32 v20, v12;
	v25 =	vadd.f32 v26, v25;
	v40 =	vld [tilespmem:s17+$0x16330]  }
0x3c7: {  	v16 =	vmul.f32 v16, v11;
	v21 =	vadd.f32 v21, v27;
	v18 =	vmul.f32 v18, v12;
	v41 =	vld [tilespmem:s17+$0x10340]  }
0x3c8: {  	v20 =	vadd.f32 v20, v22;
	[tilespmem:s23+$0x10300] =	vst v25;
	v42 =	vmul.f32 v43, v11;
	v15 =	vmul.f32 v44, v12;
	v43 =	vld [tilespmem:s17+$0x10350]  }
0x3c9: {  	[tilespmem:s23+$0x10310] =	vst v21;
	v16 =	vadd.f32 v18, v16;
	v44 =	vmul.f32 v47, v11;
	v45 =	vmul.f32 v51, v12;
	v46 =	vld [tilespmem:s17+$0x16350]  }
0x3ca: {  	[tilespmem:s23+$0x10320] =	vst v20;
	v47 =	vmul.f32 v55, v11;
	v48 =	vmul.f32 v57, v12;
	v15 =	vadd.f32 v15, v42;
	v49 =	vld [tilespmem:s17+$0x10360]  }
0x3cb: {  	[tilespmem:s23+$0x10330] =	vst v16;
	v51 =	vmul.f32 v59, v11;
	v52 =	vmul.f32 v60, v12;
	v50 =	vadd.f32 v45, v44;
	v53 =	vld [tilespmem:s17+$0x16360]  }
0x3cc: {  	v54 =	vadd.f32 v48, v47;
	v55 =	vld [tilespmem:s17+$0x10370];
	[tilespmem:s23+$0x10340] =	vst v15;
	v17 =	vmul.f32 v17, v13;
	v19 =	vmul.f32 v19, v14  }
0x3cd: {  	s21 =	sadd.s32 $0x1400, s16;
	v56 =	vadd.f32 v52, v51;
	v59 =	vld [tilespmem:s17+$0x16370];
	[tilespmem:s23+$0x10350] =	vst v50;
	v57 =	vmul.f32 v29, v13;
	v58 =	vmul.f32 v61, v14  }
0x3ce: {  	s15 =	sor.u32 s15, s21;
	[tilespmem:s23+$0x10360] =	vst v54;
	v61 =	vmul.f32 v62, v13;
	v62 =	vmul.f32 v63, v14;
	v63 =	vld [tilespmem:s17+$0x16340];
	v60 =	vadd.f32 v19, v17  }
0x3cf: {  	v16 =	vld [tilespmem:s15+$0x10300];
	[tilespmem:s23+$0x10370] =	vst v56;
	v32 =	vmul.f32 v37, v13;
	v26 =	vmul.f32 v40, v14;
	v18 =	vadd.f32 v58, v57  }
0x3d0: {  	v23 =	vld [tilespmem:s15+$0x10310];
	v34 =	vmul.f32 v43, v13;
	v35 =	vmul.f32 v46, v14;
	v33 =	vadd.f32 v62, v61;
	[tilespmem:s17+$0x10300] =	vst v60  }
0x3d1: {  	v25 =	vld [tilespmem:s15+$0x16310];
	v37 =	vmul.f32 v49, v13;
	v24 =	vmul.f32 v53, v14;
	v36 =	vadd.f32 v26, v32;
	[tilespmem:s17+$0x10310] =	vst v18  }
0x3d2: {  	v20 =	vld [tilespmem:s15+$0x10320];
	v39 =	vmul.f32 v55, v13;
	v40 =	vmul.f32 v59, v14;
	v38 =	vadd.f32 v35, v34;
	[tilespmem:s17+$0x10320] =	vst v33  }
0x3d3: {  	v29 =	vld [tilespmem:s15+$0x16300];
	v41 =	vmul.f32 v41, v13;
	v21 =	vadd.f32 v24, v37;
	[tilespmem:s17+$0x10330] =	vst v36;
	v42 =	vmul.f32 v63, v14  }
0x3d4: {  	v59 =	vld [tilespmem:s15+$0x10340];
	v43 =	vadd.f32 v40, v39;
	[tilespmem:s17+$0x10350] =	vst v38  }
0x3d5: {  	v24 =	vld [tilespmem:s15+$0x16320];
	[tilespmem:s17+$0x10360] =	vst v21;
	v18 =	vadd.f32 v42, v41  }
0x3d6: {  	s23 =	sor.u32 s13, s20;
	v17 =	vld [tilespmem:s15+$0x10330];
	[tilespmem:s17+$0x10370] =	vst v43  }
0x3d7: {  	v15 =	vld [tilespmem:s23+$0x10300];
	[tilespmem:s17+$0x10340] =	vst v18  }
0x3d8: {  	v18 =	vld [tilespmem:s23+$0x16300]  }
0x3d9: {  	v21 =	vld [tilespmem:s23+$0x10310]  }
0x3da: {  	v44 =	vld [tilespmem:s23+$0x16310]  }
0x3db: {  	v45 =	vld [tilespmem:s23+$0x10320]  }
0x3dc: {  	v46 =	vld [tilespmem:s23+$0x16320]  }
0x3dd: {  	v47 =	vld [tilespmem:s23+$0x10330]  }
0x3de: {  	v48 =	vld [tilespmem:s23+$0x16330]  }
0x3df: {  	v49 =	vld [tilespmem:s23+$0x10340]  }
0x3e0: {  	v50 =	vld [tilespmem:s23+$0x10350]  }
0x3e1: {  	v51 =	vld [tilespmem:s23+$0x16350]  }
0x3e2: {  	v52 =	vld [tilespmem:s23+$0x10360]  }
0x3e3: {  	v53 =	vld [tilespmem:s23+$0x16360]  }
0x3e4: {  	v15 =	vmul.f32 v15, v13;
	v54 =	vld [tilespmem:s23+$0x10370];
	v18 =	vmul.f32 v18, v14  }
0x3e5: {  	v55 =	vld [tilespmem:s23+$0x16370];
	v21 =	vmul.f32 v21, v13;
	v22 =	vmul.f32 v44, v14  }
0x3e6: {  	v58 =	vld [tilespmem:s23+$0x16340];
	v56 =	vmul.f32 v45, v13;
	v57 =	vmul.f32 v46, v14;
	v15 =	vadd.f32 v18, v15  }
0x3e7: {  	v19 =	vld [tilespmem:s15+$0x16330];
	v28 =	vmul.f32 v47, v13;
	v30 =	vmul.f32 v48, v14;
	v21 =	vadd.f32 v22, v21  }
0x3e8: {  	v60 =	vld [tilespmem:s15+$0x16340];
	v61 =	vmul.f32 v50, v13;
	v62 =	vmul.f32 v51, v14;
	v18 =	vadd.f32 v57, v56;
	[tilespmem:s23+$0x10300] =	vst v15  }
0x3e9: {  	v63 =	vld [tilespmem:s15+$0x10350];
	v40 =	vmul.f32 v52, v13;
	v41 =	vmul.f32 v53, v14;
	v39 =	vadd.f32 v30, v28;
	[tilespmem:s23+$0x10310] =	vst v21  }
0x3ea: {  	v42 =	vld [tilespmem:s15+$0x16350];
	v44 =	vmul.f32 v54, v13;
	v45 =	vmul.f32 v55, v14;
	v43 =	vadd.f32 v62, v61;
	[tilespmem:s23+$0x10320] =	vst v18  }
0x3eb: {  	v46 =	vld [tilespmem:s15+$0x10360];
	v47 =	vmul.f32 v49, v13;
	v27 =	vmul.f32 v58, v14;
	v28 =	vadd.f32 v41, v40;
	[tilespmem:s23+$0x10330] =	vst v39  }
0x3ec: {  	v48 =	vld [tilespmem:s15+$0x16360];
	v49 =	vadd.f32 v45, v44;
	[tilespmem:s23+$0x10350] =	vst v43  }
0x3ed: {  	v50 =	vld [tilespmem:s15+$0x10370];
	v21 =	vadd.f32 v27, v47;
	[tilespmem:s23+$0x10360] =	vst v28  }
0x3ee: {  	s4 =	sor.u32 s13, s21;
	v51 =	vld [tilespmem:s15+$0x16370];
	[tilespmem:s23+$0x10370] =	vst v49  }
0x3ef: {  	v18 =	vld [tilespmem:s4+$0x10300];
	[tilespmem:s23+$0x10340] =	vst v21  }
0x3f0: {  	v21 =	vld [tilespmem:s4+$0x16300]  }
0x3f1: {  	v28 =	vld [tilespmem:s4+$0x10310]  }
0x3f2: {  	v52 =	vld [tilespmem:s4+$0x16310]  }
0x3f3: {  	v16 =	vmul.f32 v16, v11;
	v53 =	vld [tilespmem:s4+$0x10320]  }
0x3f4: {  	v23 =	vmul.f32 v23, v11;
	v25 =	vmul.f32 v25, v12;
	v54 =	vld [tilespmem:s4+$0x16320]  }
0x3f5: {  	v20 =	vmul.f32 v20, v11;
	v29 =	vmul.f32 v29, v12;
	v55 =	vld [tilespmem:s4+$0x10330]  }
0x3f6: {  	v23 =	vadd.f32 v25, v23;
	v17 =	vmul.f32 v17, v11;
	v19 =	vmul.f32 v19, v12;
	v56 =	vld [tilespmem:s4+$0x16330]  }
0x3f7: {  	v16 =	vadd.f32 v29, v16;
	v24 =	vmul.f32 v24, v12;
	v61 =	vmul.f32 v63, v11;
	v57 =	vld [tilespmem:s4+$0x10340]  }
0x3f8: {  	[tilespmem:s15+$0x10310] =	vst v23;
	v17 =	vadd.f32 v19, v17;
	v62 =	vmul.f32 v42, v12;
	v15 =	vmul.f32 v60, v12;
	v60 =	vld [tilespmem:s4+$0x16340]  }
0x3f9: {  	v59 =	vmul.f32 v59, v11;
	[tilespmem:s15+$0x10300] =	vst v16;
	v58 =	vadd.f32 v24, v20;
	v63 =	vld [tilespmem:s4+$0x10350]  }
0x3fa: {  	[tilespmem:s15+$0x10330] =	vst v17;
	v38 =	vadd.f32 v62, v61;
	v33 =	vmul.f32 v46, v11;
	v34 =	vmul.f32 v48, v12;
	v35 =	vld [tilespmem:s4+$0x16350]  }
0x3fb: {  	[tilespmem:s15+$0x10320] =	vst v58;
	v11 =	vmul.f32 v50, v11;
	v12 =	vmul.f32 v51, v12;
	v15 =	vadd.f32 v15, v59;
	v39 =	vld [tilespmem:s4+$0x10360]  }
0x3fc: {  	[tilespmem:s15+$0x10350] =	vst v38;
	v40 =	vadd.f32 v34, v33;
	v43 =	vld [tilespmem:s4+$0x16360];
	v41 =	vmul.f32 v18, v13;
	v42 =	vmul.f32 v21, v14  }
0x3fd: {  	v11 =	vadd.f32 v12, v11;
	v46 =	vld [tilespmem:s4+$0x10370];
	[tilespmem:s15+$0x10340] =	vst v15;
	v44 =	vmul.f32 v28, v13;
	v45 =	vmul.f32 v52, v14  }
0x3fe: {  	v50 =	vld [tilespmem:s4+$0x16370];
	[tilespmem:s15+$0x10360] =	vst v40;
	v48 =	vmul.f32 v53, v13;
	v49 =	vmul.f32 v54, v14;
	v47 =	vadd.f32 v42, v41  }
0x3ff: {  	[tilespmem:s15+$0x10370] =	vst v11;
	v51 =	vmul.f32 v55, v13;
	v52 =	vmul.f32 v56, v14;
	v11 =	vadd.f32 v45, v44  }
0x400: {  	v54 =	vmul.f32 v57, v13;
	v55 =	vmul.f32 v60, v14;
	v53 =	vadd.f32 v49, v48;
	[tilespmem:s4+$0x10300] =	vst v47  }
0x401: {  	v56 =	vmul.f32 v63, v13;
	v57 =	vmul.f32 v35, v14;
	[tilespmem:s4+$0x10310] =	vst v11;
	v11 =	vadd.f32 v52, v51  }
0x402: {  	p0 =	slt.u32 s14, $0x1E;
	v59 =	vmul.f32 v39, v13;
	v60 =	vmul.f32 v43, v14;
	v58 =	vadd.f32 v55, v54;
	[tilespmem:s4+$0x10320] =	vst v53  }
.Ltmp1:
0x403: {  	v61 =	vmul.f32 v46, v13;
	v62 =	vmul.f32 v50, v14;
	[tilespmem:s4+$0x10330] =	vst v11;
	v11 =	vadd.f32 v57, v56;
	(pc) =	sbr.rel @p0 .LBB2_4-.Ltmp1, $4  }
0x404: {  	v63 =	vadd.f32 v60, v59;
	[tilespmem:s4+$0x10340] =	vst v58  }
0x405: {  	[tilespmem:s4+$0x10350] =	vst v11;
	v11 =	vadd.f32 v62, v61  }
0x406: {  	[tilespmem:s4+$0x10360] =	vst v63  }
0x407: {  	s1 =	sadd.s32 $0x100, s1;
	s13 =	smov.u32 s14;
	[tilespmem:s4+$0x10370] =	vst v11  }
0x408: {  	s4 =	simm.s32 $0x10300;
	s0 =	sadd.s32 $0x1, s0  }
0x409: {  	[hbm4b:s9+s2] =	stream.linear.scatter [tilespmem:s4], [sflag:$0x6], $0x6000, $0x38;
	[tilespmem:$0x1C300] =	vst v63  }
0x40a: {  	p0 =	sne.s32 s0, s10;
	_ =	swait.ge [sflag:s11], $0x6000  }
.Ltmp2:
0x40b: {  	[sflag:s11] =	ssyncset.done $0x0;
	(pc) =	sbr.rel @p0 .LBB2_1-.Ltmp2, $4  }
0x40c: {  	[sflag:s11] =	ssyncadd.s32 $0xFFFFA000  }
0x40d: {  	_ =	swait.ge [sflag:s31], $0x6000  }
0x40e: {  	[sflag:s31] =	ssyncset.done $0x0  }
0x40f: {  	[sflag:s31] =	ssyncadd.s32 $0xFFFFA000  }
0x410: {  	_ =	sfence.sel $0x180000  }
0x411: {  	[bflag:$0x0] =	sbarrier.arrive $0xFFFF  }
0x412: {  	_ =	strace $0x9000004A  }
0x413: {  	s0 =	stileid.u32;
	[bflag:$0x2] =	sbarrier.arrive $0xFFFF  }
0x414: {  	p0 =	sne.s32 s0, $0x0;
	s0 =	rddreg [dreg:$0x2]  }
0x415: {  	s0 =	sadd.s32 @!p0 $0x100000, s0  }
0x416: {  	[sflag:s0] =	ssyncadd.tile.s32 @!p0 $0x1;
	_ =	shalt  }
.Lfunc_end2:
_tile_overlayer_lowered:
.L_overlay_start_2:
0x417: {  	(tag) =	ssettag $0x2  }
0x418: {  	s0 =	rddreg [dreg:$0x0];
	s2 =	stileid.u32  }
0x419: {  	s1 =	rddreg [dreg:$0x1];
	p0 =	sne.s32 s2, $0x0  }
0x41a: {  	s3 =	rddreg [dreg:$0x2];
	[bflag:$0x3] =	sbarrier.arrive $0xFFFF;
	s2 =	simm.s32 @!p0 $0x1C06  }
0x41b: {  	[timem:s3], [sflag:s2] =	dma.local @!p0 [hbm:s0], s1  }
0x41c: {  	s0 =	simm.s32 @!p0 $0x6  }
0x41d: {  	_ =	swait.ge @!p0 [sflag:s0], s1  }
0x41e: {  	s1 =	ssub.s32 @!p0 $0x0, s1;
	[sflag:s0] =	ssyncset.done @!p0 $0x0  }
0x41f: {  	[sflag:s0] =	ssyncadd.s32 @!p0 s1  }
0x420: {  	[bflag:$0x3] =	sbarrier.arrive $0xFFFF  }
0x421: {  	_ =	shalt  }

</sc_bundles>
